<compile_context>
chip_gen: v7x
topology: tpu7x:2x2x1
jax: 0.10.2.dev20260603
libtpu: 0.0.44.dev20260713+nightly
codegen_flags: <defaults>
</compile_context>

<pallas_src>
import jax
import jax.numpy as jnp
from jax import lax
from jax.experimental import pallas as pl
from jax.experimental.pallas import tpu as pltpu
from jax.experimental.pallas import tpu_sc as plsc

N = 10000
D = 128
E = 320000
NC = 2
NS = 16
NW = NC * NS
EPW = E // NW
RPT = 624
REM = N - NS * RPT
CW = 16
CFLAT = N * CW
CTILE = RPT * CW
HRPT = RPT // 4
KT = 16

_MESH = plsc.VectorSubcoreMesh(core_axis_name="c", subcore_axis_name="s",
                               num_cores=NC, num_subcores=NS)


def _sc_body(with_cnt, K, x_hbm, eidx_hbm, zx_hbm, agg_out, cnt_out,
             idx_v, rows_v, tidx_v, isem, gsem0, gsem1, ssem, csem, acc_sh,
             ones_v, cbuf, wbuf, cnt_sh):
    NCHUNK = (EPW - KT) // K
    cid = lax.axis_index("c")
    sid = lax.axis_index("s")
    wid = sid * NC + cid
    row0 = sid * RPT
    last = sid == NS - 1
    gsem = (gsem0, gsem1)

    pltpu.sync_copy(zx_hbm.at[pl.ds(row0, RPT)], acc_sh.at[pl.ds(row0, RPT)])

    @pl.when(last)
    def _():
        pltpu.sync_copy(zx_hbm.at[pl.ds(NS * RPT, REM)],
                        acc_sh.at[pl.ds(NS * RPT, REM)])

    if with_cnt:
        def fill_ones(i, c):
            ones_v[i] = jnp.ones((CW,), jnp.float32)
            return c

        lax.fori_loop(0, K, fill_ones, 0)

        def fill_zero(i, c):
            cbuf[i] = jnp.zeros((CW,), jnp.float32)
            return c

        lax.fori_loop(0, HRPT, fill_zero, 0)
        for h in range(4):
            pltpu.sync_copy(cbuf, cnt_sh.at[pl.ds(row0 + h * HRPT, HRPT)])

        @pl.when(last)
        def _():
            pltpu.sync_copy(cbuf.at[pl.ds(0, REM)],
                            cnt_sh.at[pl.ds(NS * RPT, REM)])

    plsc.subcore_barrier()
    ebase = wid * EPW

    def idx_slice(c):
        return eidx_hbm.at[:, pl.ds(ebase + c * K, K)]

    def scatter_start(b, r):
        pltpu.async_copy(rows_v.at[b], acc_sh.at[idx_v.at[r, 1]], ssem,
                         add=True)
        if with_cnt:
            pltpu.async_copy(ones_v, cnt_sh.at[idx_v.at[r, 1]], csem,
                             add=True)

    def scatter_wait(b, r):
        pltpu.make_async_copy(rows_v.at[b], acc_sh.at[idx_v.at[r, 1]],
                              ssem).wait()
        if with_cnt:
            pltpu.make_async_copy(ones_v, cnt_sh.at[idx_v.at[r, 1]],
                                  csem).wait()

    def gather_start(b, r):
        pltpu.async_copy(x_hbm.at[idx_v.at[r, 0]], rows_v.at[b], gsem[b])

    def gather_wait(b, r):
        pltpu.make_async_copy(x_hbm.at[idx_v.at[r, 0]], rows_v.at[b],
                              gsem[b]).wait()

    def idx_wait(r):
        pltpu.make_async_copy(idx_slice(0), idx_v.at[r], isem).wait()

    pltpu.sync_copy(idx_slice(0), idx_v.at[0])
    gather_start(0, 0)
    pltpu.async_copy(idx_slice(1), idx_v.at[1], isem)
    idx_wait(1)
    gather_start(1, 1)
    pltpu.async_copy(idx_slice(2), idx_v.at[2], isem)
    gather_wait(0, 0)
    scatter_start(0, 0)
    idx_wait(2)
    scatter_wait(0, 0)
    gather_start(0, 2)
    pltpu.async_copy(idx_slice(3), idx_v.at[3], isem)
    gather_wait(1, 1)
    scatter_start(1, 1)

    def quad(i, carry):
        c = 2 + 4 * i
        for j in range(4):
            cc = c + j
            b = (2 + j) % 2
            r = (2 + j) % 4
            nb = 1 - b
            nr = (r + 1) % 4
            idx_wait(nr)
            scatter_wait(nb, (r + 3) % 4)
            gather_start(nb, nr)
            pltpu.async_copy(idx_slice(cc + 2), idx_v.at[(r + 2) % 4], isem)
            gather_wait(b, r)
            scatter_start(b, r)
        return carry

    lax.fori_loop(0, (NCHUNK - 4) // 4, quad, 0)
    idx_wait(3)
    scatter_wait(1, 1)
    gather_start(1, 3)
    gather_wait(0, 2)
    scatter_start(0, 2)
    scatter_wait(0, 2)
    gather_wait(1, 3)
    scatter_start(1, 3)
    scatter_wait(1, 3)
    pltpu.sync_copy(eidx_hbm.at[:, pl.ds(ebase + NCHUNK * K, KT)], tidx_v)
    pltpu.async_copy(x_hbm.at[tidx_v.at[0]], rows_v.at[0, pl.ds(0, KT)],
                     gsem[0]).wait()
    pltpu.sync_copy(rows_v.at[0, pl.ds(0, KT)], acc_sh.at[tidx_v.at[1]],
                    add=True)
    if with_cnt:
        pltpu.sync_copy(ones_v.at[pl.ds(0, KT)], cnt_sh.at[tidx_v.at[1]],
                        add=True)
    plsc.subcore_barrier()

    pltpu.sync_copy(acc_sh.at[pl.ds(row0, RPT)],
                    agg_out.at[cid, pl.ds(row0, RPT)])

    @pl.when(last)
    def _():
        pltpu.sync_copy(acc_sh.at[pl.ds(NS * RPT, REM)],
                        agg_out.at[cid, pl.ds(NS * RPT, REM)])

    if with_cnt:
        def flat(i, c):
            wbuf[pl.ds(i * CW, CW)] = cbuf[i]
            return c

        for h in range(4):
            pltpu.sync_copy(cnt_sh.at[pl.ds(row0 + h * HRPT, HRPT)], cbuf)
            lax.fori_loop(0, HRPT, flat, 0)
            pltpu.sync_copy(
                wbuf,
                cnt_out.at[cid, pl.ds(sid * CTILE + h * HRPT * CW,
                                      HRPT * CW)])

        @pl.when(last)
        def _():
            pltpu.sync_copy(cnt_sh.at[pl.ds(NS * RPT, REM)],
                            cbuf.at[pl.ds(0, REM)])
            lax.fori_loop(0, REM, flat, 0)
            pltpu.sync_copy(wbuf.at[pl.ds(0, REM * CW)],
                            cnt_out.at[cid, pl.ds(NS * CTILE, REM * CW)])


def _make_sc_agg(with_cnt: bool, K: int):
    out_type = [jax.ShapeDtypeStruct((NC, N, D), jnp.float32)]
    scratch = [
        pltpu.VMEM((4, 2, K), jnp.int32),
        pltpu.VMEM((2, K, D), jnp.float32),
        pltpu.VMEM((2, KT), jnp.int32),
        pltpu.SemaphoreType.DMA,
        pltpu.SemaphoreType.DMA,
        pltpu.SemaphoreType.DMA,
        pltpu.SemaphoreType.DMA,
        pltpu.SemaphoreType.DMA,
        pltpu.VMEM_SHARED((N, D), jnp.float32),
    ]
    if with_cnt:
        out_type.append(jax.ShapeDtypeStruct((NC, CFLAT), jnp.float32))
        scratch += [
            pltpu.VMEM((K, CW), jnp.float32),
            pltpu.VMEM((HRPT, CW), jnp.float32),
            pltpu.VMEM((HRPT * CW,), jnp.float32),
            pltpu.VMEM_SHARED((N, CW), jnp.float32),
        ]

        def body(x_hbm, eidx_hbm, zx_hbm, agg_out, cnt_out,
                 idx_v, rows_v, tidx_v, isem, gsem0, gsem1, ssem, csem,
                 acc_sh, ones_v, cbuf, wbuf, cnt_sh):
            _sc_body(True, K, x_hbm, eidx_hbm, zx_hbm, agg_out, cnt_out,
                     idx_v, rows_v, tidx_v, isem, gsem0, gsem1, ssem, csem,
                     acc_sh, ones_v, cbuf, wbuf, cnt_sh)
    else:
        def body(x_hbm, eidx_hbm, zx_hbm, agg_out,
                 idx_v, rows_v, tidx_v, isem, gsem0, gsem1, ssem, csem,
                 acc_sh):
            _sc_body(False, K, x_hbm, eidx_hbm, zx_hbm, agg_out, None,
                     idx_v, rows_v, tidx_v, isem, gsem0, gsem1, ssem, csem,
                     acc_sh, None, None, None, None)

    return pl.kernel(body, out_type=out_type, mesh=_MESH,
                     scratch_types=scratch,
                     compiler_params=pltpu.CompilerParams(
                         use_tc_tiling_on_sc=False))


_sc_agg_cnt = _make_sc_agg(True, 104)
_sc_agg = _make_sc_agg(False, 96)

BN = 1000


def _tc1_body(agg_ref, cnt_ref, x_ref, wl_ref, bl_ref, wr_ref, o_ref):
    agg = agg_ref[0] + agg_ref[1]
    cnt = cnt_ref[0, :, 0:1] + cnt_ref[1, :, 0:1]
    mean = agg / jnp.maximum(cnt, 1.0)
    h = (jnp.dot(mean, wl_ref[...], preferred_element_type=jnp.float32)
         + bl_ref[...]
         + jnp.dot(x_ref[...], wr_ref[...], preferred_element_type=jnp.float32))
    o_ref[...] = jnp.maximum(h, 0.0)


def _tc2_body(agg_ref, cnt_ref, h_ref, wl_ref, bl_ref, wr_ref,
              wo_ref, bo_ref, o_ref):
    agg = agg_ref[0] + agg_ref[1]
    cnt = cnt_ref[0, :, 0:1] + cnt_ref[1, :, 0:1]
    mean = agg / jnp.maximum(cnt, 1.0)
    h = (jnp.dot(mean, wl_ref[...], preferred_element_type=jnp.float32)
         + bl_ref[...]
         + jnp.dot(h_ref[...], wr_ref[...], preferred_element_type=jnp.float32))
    h = jnp.maximum(h, 0.0)
    o_ref[...] = (jnp.dot(h, wo_ref[...], preferred_element_type=jnp.float32)
                  + bo_ref[...])


def _full_spec(shape):
    return pl.BlockSpec(shape, lambda i: tuple(0 for _ in shape))


_AGG_SPEC = pl.BlockSpec((NC, BN, D), lambda i: (0, i, 0))
_CNT_SPEC = pl.BlockSpec((NC, BN, CW), lambda i: (0, i, 0))
_X_SPEC = pl.BlockSpec((BN, D), lambda i: (i, 0))

_tc1 = pl.pallas_call(
    _tc1_body,
    grid=(N // BN,),
    in_specs=[_AGG_SPEC, _CNT_SPEC, _X_SPEC,
              _full_spec((D, D)), _full_spec((1, D)), _full_spec((D, D))],
    out_specs=_X_SPEC,
    out_shape=jax.ShapeDtypeStruct((N, D), jnp.float32),
)

_tc2 = pl.pallas_call(
    _tc2_body,
    grid=(N // BN,),
    in_specs=[_AGG_SPEC, _CNT_SPEC, _X_SPEC,
              _full_spec((D, D)), _full_spec((1, D)), _full_spec((D, D)),
              _full_spec((D, D)), _full_spec((1, D))],
    out_specs=_X_SPEC,
    out_shape=jax.ShapeDtypeStruct((N, D), jnp.float32),
)


@jax.jit
def kernel(x, edge_index, W_l1, b_l1, W_r1, W_l2, b_l2, W_r2, W_out, b_out):
    eidx = edge_index.astype(jnp.int32)
    zx = jnp.zeros((N, D), jnp.float32)
    agg1, cnt = _sc_agg_cnt(x, eidx, zx)
    cnt = cnt.reshape(NC, N, CW)
    h1 = _tc1(agg1, cnt, x, W_l1, b_l1.reshape(1, D), W_r1)
    agg2 = _sc_agg(h1, eidx, zx)[0]
    return _tc2(agg2, cnt, h1, W_l2, b_l2.reshape(1, D), W_r2,
                W_out, b_out.reshape(1, D))

# --- scband reference (transcript-rebuilt; emitter-appended) ---
"""Pipeline reference for scband-gnn-25804163515003 (READ-ONLY COPY).

The authoritative reference and input builder live on the scoring server;
editing this copy changes nothing except your own understanding.
"""

import jax, jax.numpy as jnp
import numpy as np

N_NODES = 10000
N_EDGES = 320000
D_IN = 128
D_HID = 128
D_OUT = 128


def setup_inputs(seed: int = 0) -> dict:
    key = jax.random.key(seed)
    ks = jax.random.split(key, 12)
    x = jax.random.normal(ks[0], (N_NODES, D_IN), dtype=jnp.float32)
    edge_index = jax.random.randint(ks[1], (2, N_EDGES), 0, N_NODES, dtype=jnp.int64)
    s = 1.0 / np.sqrt(D_IN)
    # SAGEConv layer 1: lin_l (neighbor agg, with bias), lin_r (root, no bias)
    W_l1 = jax.random.uniform(ks[2], (D_IN, D_HID), jnp.float32, -s, s)
    b_l1 = jax.random.uniform(ks[3], (D_HID,), jnp.float32, -s, s)
    W_r1 = jax.random.uniform(ks[4], (D_IN, D_HID), jnp.float32, -s, s)
    s2 = 1.0 / np.sqrt(D_HID)
    # SAGEConv layer 2
    W_l2 = jax.random.uniform(ks[5], (D_HID, D_HID), jnp.float32, -s2, s2)
    b_l2 = jax.random.uniform(ks[6], (D_HID,), jnp.float32, -s2, s2)
    W_r2 = jax.random.uniform(ks[7], (D_HID, D_HID), jnp.float32, -s2, s2)
    # final Linear
    W_out = jax.random.uniform(ks[8], (D_HID, D_OUT), jnp.float32, -s2, s2)
    b_out = jax.random.uniform(ks[9], (D_OUT,), jnp.float32, -s2, s2)
    return {"x": x, "edge_index": edge_index,
            "W_l1": W_l1, "b_l1": b_l1, "W_r1": W_r1,
            "W_l2": W_l2, "b_l2": b_l2, "W_r2": W_r2,
            "W_out": W_out, "b_out": b_out}


def _sage_conv(x, edge_index, W_l, b_l, W_r):
    src = edge_index[0]
    dst = edge_index[1]
    msgs = jnp.take(x, src, axis=0)                       # gather source features
    agg = jax.ops.segment_sum(msgs, dst, num_segments=N_NODES)
    cnt = jax.ops.segment_sum(jnp.ones((msgs.shape[0],), jnp.float32), dst,
                              num_segments=N_NODES)
    mean = agg / jnp.maximum(cnt, 1.0)[:, None]           # mean aggregation
    return mean @ W_l + b_l + x @ W_r


def reference(x, edge_index, W_l1, b_l1, W_r1, W_l2, b_l2, W_r2, W_out, b_out):
    h = jax.nn.relu(_sage_conv(x, edge_index, W_l1, b_l1, W_r1))
    h = jax.nn.relu(_sage_conv(h, edge_index, W_l2, b_l2, W_r2))
    return h @ W_out + b_out

if __name__ == "__main__":
    import jax
    _d = setup_inputs()
    print(jax.jit(kernel)(*tuple(_d.values())))

</pallas_src>

<mosaic_0001>
#map = affine_map<(d0, d1) -> (0, 0)>
#map1 = affine_map<(d0, d1) -> (0, 0, 0)>
module attributes {stable_mosaic.version = 14 : i64} {
  func.func @body(%arg0: i32, %arg1: i32, %arg2: memref<10000x128xf32, #tpu.memory_space<hbm>>, %arg3: memref<2x320000xi32, #tpu.memory_space<hbm>>, %arg4: memref<10000x128xf32, #tpu.memory_space<hbm>>, %arg5: memref<2x10000x128xf32, #tpu.memory_space<hbm>>, %arg6: memref<4x2x96xi32, #tpu.memory_space<vmem>>, %arg7: memref<2x96x128xf32, #tpu.memory_space<vmem>>, %arg8: memref<2x16xi32, #tpu.memory_space<vmem>>, %arg9: memref<!tpu.dma_semaphore, #tpu.memory_space<semaphore_mem>>, %arg10: memref<!tpu.dma_semaphore, #tpu.memory_space<semaphore_mem>>, %arg11: memref<!tpu.dma_semaphore, #tpu.memory_space<semaphore_mem>>, %arg12: memref<!tpu.dma_semaphore, #tpu.memory_space<semaphore_mem>>, %arg13: memref<!tpu.dma_semaphore, #tpu.memory_space<semaphore_mem>>, %arg14: memref<10000x128xf32, #tpu.memory_space<vmem_shared>>) attributes {dimension_semantics = [#tpu.dimension_semantics<core_parallel>, #tpu.dimension_semantics<subcore_parallel>], iteration_bounds = array<i64: 2, 16>, scalar_prefetch = 0 : i64, scratch_operands = 9 : i64, tpu.core_type = #tpu.core_type<sc_vector_subcore>, window_params = [{transform_indices = #map}, {transform_indices = #map}, {transform_indices = #map}, {transform_indices = #map1}]} {
    %mul3A = arith.constant 2 : i32
    %mul3A_0 = arith.muli %arg1, %mul3A : i32
    %add3A = arith.addi %mul3A_0, %arg0 : i32
    %mul3A_1 = arith.constant 624 : i32
    %mul3A_2 = arith.muli %arg1, %mul3A_1 : i32
    %eq3A = arith.constant 15 : i32
    %eq3A_3 = arith.cmpi eq, %arg1, %eq3A : i32
    "tpu.region"() ({
      %run_scoped3A_342 = tpu.sem_alloc : memref<!tpu.dma_semaphore, #tpu.memory_space<semaphore_mem>>
      %dma_start3A_343 = arith.constant 0 : i32
      %dma_start3A_344 = tpu.memref_slice %arg14[%mul3A_2, %dma_start3A_343] : memref<10000x128xf32, #tpu.memory_space<vmem_shared>> -> memref<624x128xf32, #tpu.memory_space<vmem_shared>>
      %dma_start3A_345 = arith.constant 0 : i32
      %dma_start3A_346 = tpu.memref_slice %arg4[%mul3A_2, %dma_start3A_345] : memref<10000x128xf32, #tpu.memory_space<hbm>> -> memref<624x128xf32, #tpu.memory_space<hbm>>
      tpu.enqueue_dma source(%dma_start3A_346 : memref<624x128xf32, #tpu.memory_space<hbm>>) target(%dma_start3A_344 : memref<624x128xf32, #tpu.memory_space<vmem_shared>>) target_semaphore(%run_scoped3A_342 : memref<!tpu.dma_semaphore, #tpu.memory_space<semaphore_mem>>)
      %dma_wait3A_347 = arith.constant 0 : i32
      %dma_wait3A_348 = tpu.memref_slice %arg14[%mul3A_2, %dma_wait3A_347] : memref<10000x128xf32, #tpu.memory_space<vmem_shared>> -> memref<624x128xf32, #tpu.memory_space<vmem_shared>>
      %dma_wait3A_349 = arith.constant 0 : i32
      %dma_wait3A_350 = tpu.memref_slice %arg4[%mul3A_2, %dma_wait3A_349] : memref<10000x128xf32, #tpu.memory_space<hbm>> -> memref<624x128xf32, #tpu.memory_space<hbm>>
      tpu.wait_dma2 semaphore(%run_scoped3A_342 : memref<!tpu.dma_semaphore, #tpu.memory_space<semaphore_mem>>) src(%dma_wait3A_350 : memref<624x128xf32, #tpu.memory_space<hbm>>) dst(%dma_wait3A_348 : memref<624x128xf32, #tpu.memory_space<vmem_shared>>)
      tpu.yield
    }) : () -> ()
    %convert_element_type3A = arith.extui %eq3A_3 : i1 to i32
    %cond3A = arith.constant 0 : i32
    %cond3A_4 = arith.cmpi ne, %convert_element_type3A, %cond3A : i32
    scf.if %cond3A_4 {
      "tpu.region"() ({
        %run_scoped3A_342 = tpu.sem_alloc : memref<!tpu.dma_semaphore, #tpu.memory_space<semaphore_mem>>
        %dma_start3A_343 = arith.constant 9984 : i32
        %dma_start3A_344 = arith.constant 0 : i32
        %dma_start3A_345 = tpu.memref_slice %arg14[%dma_start3A_343, %dma_start3A_344] : memref<10000x128xf32, #tpu.memory_space<vmem_shared>> -> memref<16x128xf32, #tpu.memory_space<vmem_shared>>
        %dma_start3A_346 = arith.constant 9984 : i32
        %dma_start3A_347 = arith.constant 0 : i32
        %dma_start3A_348 = tpu.memref_slice %arg4[%dma_start3A_346, %dma_start3A_347] : memref<10000x128xf32, #tpu.memory_space<hbm>> -> memref<16x128xf32, #tpu.memory_space<hbm>>
        tpu.enqueue_dma source(%dma_start3A_348 : memref<16x128xf32, #tpu.memory_space<hbm>>) target(%dma_start3A_345 : memref<16x128xf32, #tpu.memory_space<vmem_shared>>) target_semaphore(%run_scoped3A_342 : memref<!tpu.dma_semaphore, #tpu.memory_space<semaphore_mem>>)
        %dma_wait3A_349 = arith.constant 9984 : i32
        %dma_wait3A_350 = arith.constant 0 : i32
        %dma_wait3A_351 = tpu.memref_slice %arg14[%dma_wait3A_349, %dma_wait3A_350] : memref<10000x128xf32, #tpu.memory_space<vmem_shared>> -> memref<16x128xf32, #tpu.memory_space<vmem_shared>>
        %dma_wait3A_352 = arith.constant 9984 : i32
        %dma_wait3A_353 = arith.constant 0 : i32
        %dma_wait3A_354 = tpu.memref_slice %arg4[%dma_wait3A_352, %dma_wait3A_353] : memref<10000x128xf32, #tpu.memory_space<hbm>> -> memref<16x128xf32, #tpu.memory_space<hbm>>
        tpu.wait_dma2 semaphore(%run_scoped3A_342 : memref<!tpu.dma_semaphore, #tpu.memory_space<semaphore_mem>>) src(%dma_wait3A_354 : memref<16x128xf32, #tpu.memory_space<hbm>>) dst(%dma_wait3A_351 : memref<16x128xf32, #tpu.memory_space<vmem_shared>>)
        tpu.yield
      }) : () -> ()
    } else {
    }
    %barrier3A = arith.constant 0 : index
    tpu.barrier barrier_id(%barrier3A)
    %mul3A_5 = arith.constant 10000 : i32
    %mul3A_6 = arith.muli %add3A, %mul3A_5 : i32
    %add3A_7 = arith.constant 0 : i32
    %add3A_8 = arith.addi %mul3A_6, %add3A_7 : i32
    %run_scoped3A = arith.constant 0 : i32
    "tpu.region"() ({
      %run_scoped3A_342 = tpu.sem_alloc : memref<!tpu.dma_semaphore, #tpu.memory_space<semaphore_mem>>
      %dma_start3A_343 = arith.constant 0 : i32
      %dma_start3A_344 = arith.constant 0 : i32
      %dma_start3A_345 = tpu.memref_slice %arg6[%run_scoped3A, %dma_start3A_343, %dma_start3A_344] : memref<4x2x96xi32, #tpu.memory_space<vmem>> -> memref<1x2x96xi32, #tpu.memory_space<vmem>>
      %dma_start3A_346 = tpu.memref_squeeze %dma_start3A_345 : memref<1x2x96xi32, #tpu.memory_space<vmem>> -> memref<2x96xi32, #tpu.memory_space<vmem>>
      %dma_start3A_347 = arith.constant 0 : i32
      %dma_start3A_348 = tpu.memref_slice %arg3[%dma_start3A_347, %add3A_8] : memref<2x320000xi32, #tpu.memory_space<hbm>> -> memref<2x96xi32, #tpu.memory_space<hbm>>
      %dma_start3A_349 = arith.constant 0 : i32
      %dma_start3A_350 = arith.constant 0 : i32
      %dma_start3A_351 = tpu.memref_slice %arg6[%run_scoped3A, %dma_start3A_349, %dma_start3A_350] : memref<4x2x96xi32, #tpu.memory_space<vmem>> -> memref<1x2x96xi32, #tpu.memory_space<vmem>>
      %dma_start3A_352 = tpu.memref_squeeze %dma_start3A_351 : memref<1x2x96xi32, #tpu.memory_space<vmem>> -> memref<2x96xi32, #tpu.memory_space<vmem>>
      %dma_start3A_353 = arith.constant 0 : i32
      %dma_start3A_354 = tpu.memref_slice %arg3[%dma_start3A_353, %add3A_8] : memref<2x320000xi32, #tpu.memory_space<hbm>> -> memref<2x96xi32, #tpu.memory_space<hbm>>
      tpu.enqueue_dma source(%dma_start3A_354 : memref<2x96xi32, #tpu.memory_space<hbm>>) target(%dma_start3A_352 : memref<2x96xi32, #tpu.memory_space<vmem>>) target_semaphore(%run_scoped3A_342 : memref<!tpu.dma_semaphore, #tpu.memory_space<semaphore_mem>>)
      %dma_wait3A_355 = arith.constant 0 : i32
      %dma_wait3A_356 = arith.constant 0 : i32
      %dma_wait3A_357 = tpu.memref_slice %arg6[%run_scoped3A, %dma_wait3A_355, %dma_wait3A_356] : memref<4x2x96xi32, #tpu.memory_space<vmem>> -> memref<1x2x96xi32, #tpu.memory_space<vmem>>
      %dma_wait3A_358 = tpu.memref_squeeze %dma_wait3A_357 : memref<1x2x96xi32, #tpu.memory_space<vmem>> -> memref<2x96xi32, #tpu.memory_space<vmem>>
      %dma_wait3A_359 = arith.constant 0 : i32
      %dma_wait3A_360 = tpu.memref_slice %arg3[%dma_wait3A_359, %add3A_8] : memref<2x320000xi32, #tpu.memory_space<hbm>> -> memref<2x96xi32, #tpu.memory_space<hbm>>
      %dma_wait3A_361 = arith.constant 0 : i32
      %dma_wait3A_362 = arith.constant 0 : i32
      %dma_wait3A_363 = tpu.memref_slice %arg6[%run_scoped3A, %dma_wait3A_361, %dma_wait3A_362] : memref<4x2x96xi32, #tpu.memory_space<vmem>> -> memref<1x2x96xi32, #tpu.memory_space<vmem>>
      %dma_wait3A_364 = tpu.memref_squeeze %dma_wait3A_363 : memref<1x2x96xi32, #tpu.memory_space<vmem>> -> memref<2x96xi32, #tpu.memory_space<vmem>>
      %dma_wait3A_365 = arith.constant 0 : i32
      %dma_wait3A_366 = tpu.memref_slice %arg3[%dma_wait3A_365, %add3A_8] : memref<2x320000xi32, #tpu.memory_space<hbm>> -> memref<2x96xi32, #tpu.memory_space<hbm>>
      tpu.wait_dma2 semaphore(%run_scoped3A_342 : memref<!tpu.dma_semaphore, #tpu.memory_space<semaphore_mem>>) src(%dma_wait3A_366 : memref<2x96xi32, #tpu.memory_space<hbm>>) dst(%dma_wait3A_364 : memref<2x96xi32, #tpu.memory_space<vmem>>)
      tpu.yield
    }) : () -> ()
    %dma_start3A = arith.constant 0 : i32
    %dma_start3A_9 = arith.constant 0 : i32
    %dma_start3A_10 = arith.constant 0 : i32
    %dma_start3A_11 = arith.constant 0 : i32
    %dma_start3A_12 = arith.constant 0 : i32
    %dma_start3A_13 = tpu.memref_slice %arg7[%dma_start3A_10, %dma_start3A_11, %dma_start3A_12] : memref<2x96x128xf32, #tpu.memory_space<vmem>> -> memref<1x96x128xf32, #tpu.memory_space<vmem>>
    %dma_start3A_14 = tpu.memref_squeeze %dma_start3A_13 : memref<1x96x128xf32, #tpu.memory_space<vmem>> -> memref<96x128xf32, #tpu.memory_space<vmem>>
    %dma_start3A_15 = arith.constant 0 : i32
    %dma_start3A_16 = tpu.memref_slice %arg6[%dma_start3A, %dma_start3A_9, %dma_start3A_15] : memref<4x2x96xi32, #tpu.memory_space<vmem>> -> memref<1x1x96xi32, #tpu.memory_space<vmem>>
    %dma_start3A_17 = tpu.memref_squeeze %dma_start3A_16 : memref<1x1x96xi32, #tpu.memory_space<vmem>> -> memref<96xi32, #tpu.memory_space<vmem>>
    %dma_start3A_18 = arith.constant 0 : i32
    %dma_start3A_19 = arith.constant 0 : i32
    %dma_start3A_20 = tpu.memref_slice %arg2[%dma_start3A_18, %dma_start3A_19] : memref<10000x128xf32, #tpu.memory_space<hbm>> -> memref<10000x128xf32, #tpu.memory_space<hbm>>
    tpu.enqueue_indirect_dma source(%dma_start3A_20 : memref<10000x128xf32, #tpu.memory_space<hbm>>) target(%dma_start3A_14 : memref<96x128xf32, #tpu.memory_space<vmem>>) offsets(%dma_start3A_17 : memref<96xi32, #tpu.memory_space<vmem>>) semaphore(%arg10 : memref<!tpu.dma_semaphore, #tpu.memory_space<semaphore_mem>>)
    %add3A_21 = arith.constant 96 : i32
    %add3A_22 = arith.addi %mul3A_6, %add3A_21 : i32
    %dma_start3A_23 = arith.constant 1 : i32
    %dma_start3A_24 = arith.constant 0 : i32
    %dma_start3A_25 = arith.constant 0 : i32
    %dma_start3A_26 = tpu.memref_slice %arg6[%dma_start3A_23, %dma_start3A_24, %dma_start3A_25] : memref<4x2x96xi32, #tpu.memory_space<vmem>> -> memref<1x2x96xi32, #tpu.memory_space<vmem>>
    %dma_start3A_27 = tpu.memref_squeeze %dma_start3A_26 : memref<1x2x96xi32, #tpu.memory_space<vmem>> -> memref<2x96xi32, #tpu.memory_space<vmem>>
    %dma_start3A_28 = arith.constant 0 : i32
    %dma_start3A_29 = tpu.memref_slice %arg3[%dma_start3A_28, %add3A_22] : memref<2x320000xi32, #tpu.memory_space<hbm>> -> memref<2x96xi32, #tpu.memory_space<hbm>>
    %dma_start3A_30 = arith.constant 0 : i32
    %dma_start3A_31 = arith.constant 0 : i32
    %dma_start3A_32 = tpu.memref_slice %arg6[%dma_start3A_23, %dma_start3A_30, %dma_start3A_31] : memref<4x2x96xi32, #tpu.memory_space<vmem>> -> memref<1x2x96xi32, #tpu.memory_space<vmem>>
    %dma_start3A_33 = tpu.memref_squeeze %dma_start3A_32 : memref<1x2x96xi32, #tpu.memory_space<vmem>> -> memref<2x96xi32, #tpu.memory_space<vmem>>
    %dma_start3A_34 = arith.constant 0 : i32
    %dma_start3A_35 = tpu.memref_slice %arg3[%dma_start3A_34, %add3A_22] : memref<2x320000xi32, #tpu.memory_space<hbm>> -> memref<2x96xi32, #tpu.memory_space<hbm>>
    tpu.enqueue_dma source(%dma_start3A_35 : memref<2x96xi32, #tpu.memory_space<hbm>>) target(%dma_start3A_33 : memref<2x96xi32, #tpu.memory_space<vmem>>) target_semaphore(%arg9 : memref<!tpu.dma_semaphore, #tpu.memory_space<semaphore_mem>>)
    %add3A_36 = arith.constant 0 : i32
    %add3A_37 = arith.addi %mul3A_6, %add3A_36 : i32
    %dma_wait3A = arith.constant 1 : i32
    %dma_wait3A_38 = arith.constant 0 : i32
    %dma_wait3A_39 = arith.constant 0 : i32
    %dma_wait3A_40 = tpu.memref_slice %arg6[%dma_wait3A, %dma_wait3A_38, %dma_wait3A_39] : memref<4x2x96xi32, #tpu.memory_space<vmem>> -> memref<1x2x96xi32, #tpu.memory_space<vmem>>
    %dma_wait3A_41 = tpu.memref_squeeze %dma_wait3A_40 : memref<1x2x96xi32, #tpu.memory_space<vmem>> -> memref<2x96xi32, #tpu.memory_space<vmem>>
    %dma_wait3A_42 = arith.constant 0 : i32
    %dma_wait3A_43 = tpu.memref_slice %arg3[%dma_wait3A_42, %add3A_37] : memref<2x320000xi32, #tpu.memory_space<hbm>> -> memref<2x96xi32, #tpu.memory_space<hbm>>
    %dma_wait3A_44 = arith.constant 0 : i32
    %dma_wait3A_45 = arith.constant 0 : i32
    %dma_wait3A_46 = tpu.memref_slice %arg6[%dma_wait3A, %dma_wait3A_44, %dma_wait3A_45] : memref<4x2x96xi32, #tpu.memory_space<vmem>> -> memref<1x2x96xi32, #tpu.memory_space<vmem>>
    %dma_wait3A_47 = tpu.memref_squeeze %dma_wait3A_46 : memref<1x2x96xi32, #tpu.memory_space<vmem>> -> memref<2x96xi32, #tpu.memory_space<vmem>>
    %dma_wait3A_48 = arith.constant 0 : i32
    %dma_wait3A_49 = tpu.memref_slice %arg3[%dma_wait3A_48, %add3A_37] : memref<2x320000xi32, #tpu.memory_space<hbm>> -> memref<2x96xi32, #tpu.memory_space<hbm>>
    tpu.wait_dma2 semaphore(%arg9 : memref<!tpu.dma_semaphore, #tpu.memory_space<semaphore_mem>>) src(%dma_wait3A_49 : memref<2x96xi32, #tpu.memory_space<hbm>>) dst(%dma_wait3A_47 : memref<2x96xi32, #tpu.memory_space<vmem>>)
    %dma_start3A_50 = arith.constant 1 : i32
    %dma_start3A_51 = arith.constant 0 : i32
    %dma_start3A_52 = arith.constant 1 : i32
    %dma_start3A_53 = arith.constant 0 : i32
    %dma_start3A_54 = arith.constant 0 : i32
    %dma_start3A_55 = tpu.memref_slice %arg7[%dma_start3A_52, %dma_start3A_53, %dma_start3A_54] : memref<2x96x128xf32, #tpu.memory_space<vmem>> -> memref<1x96x128xf32, #tpu.memory_space<vmem>>
    %dma_start3A_56 = tpu.memref_squeeze %dma_start3A_55 : memref<1x96x128xf32, #tpu.memory_space<vmem>> -> memref<96x128xf32, #tpu.memory_space<vmem>>
    %dma_start3A_57 = arith.constant 0 : i32
    %dma_start3A_58 = tpu.memref_slice %arg6[%dma_start3A_50, %dma_start3A_51, %dma_start3A_57] : memref<4x2x96xi32, #tpu.memory_space<vmem>> -> memref<1x1x96xi32, #tpu.memory_space<vmem>>
    %dma_start3A_59 = tpu.memref_squeeze %dma_start3A_58 : memref<1x1x96xi32, #tpu.memory_space<vmem>> -> memref<96xi32, #tpu.memory_space<vmem>>
    %dma_start3A_60 = arith.constant 0 : i32
    %dma_start3A_61 = arith.constant 0 : i32
    %dma_start3A_62 = tpu.memref_slice %arg2[%dma_start3A_60, %dma_start3A_61] : memref<10000x128xf32, #tpu.memory_space<hbm>> -> memref<10000x128xf32, #tpu.memory_space<hbm>>
    tpu.enqueue_indirect_dma source(%dma_start3A_62 : memref<10000x128xf32, #tpu.memory_space<hbm>>) target(%dma_start3A_56 : memref<96x128xf32, #tpu.memory_space<vmem>>) offsets(%dma_start3A_59 : memref<96xi32, #tpu.memory_space<vmem>>) semaphore(%arg11 : memref<!tpu.dma_semaphore, #tpu.memory_space<semaphore_mem>>)
    %add3A_63 = arith.constant 192 : i32
    %add3A_64 = arith.addi %mul3A_6, %add3A_63 : i32
    %dma_start3A_65 = arith.constant 2 : i32
    %dma_start3A_66 = arith.constant 0 : i32
    %dma_start3A_67 = arith.constant 0 : i32
    %dma_start3A_68 = tpu.memref_slice %arg6[%dma_start3A_65, %dma_start3A_66, %dma_start3A_67] : memref<4x2x96xi32, #tpu.memory_space<vmem>> -> memref<1x2x96xi32, #tpu.memory_space<vmem>>
    %dma_start3A_69 = tpu.memref_squeeze %dma_start3A_68 : memref<1x2x96xi32, #tpu.memory_space<vmem>> -> memref<2x96xi32, #tpu.memory_space<vmem>>
    %dma_start3A_70 = arith.constant 0 : i32
    %dma_start3A_71 = tpu.memref_slice %arg3[%dma_start3A_70, %add3A_64] : memref<2x320000xi32, #tpu.memory_space<hbm>> -> memref<2x96xi32, #tpu.memory_space<hbm>>
    %dma_start3A_72 = arith.constant 0 : i32
    %dma_start3A_73 = arith.constant 0 : i32
    %dma_start3A_74 = tpu.memref_slice %arg6[%dma_start3A_65, %dma_start3A_72, %dma_start3A_73] : memref<4x2x96xi32, #tpu.memory_space<vmem>> -> memref<1x2x96xi32, #tpu.memory_space<vmem>>
    %dma_start3A_75 = tpu.memref_squeeze %dma_start3A_74 : memref<1x2x96xi32, #tpu.memory_space<vmem>> -> memref<2x96xi32, #tpu.memory_space<vmem>>
    %dma_start3A_76 = arith.constant 0 : i32
    %dma_start3A_77 = tpu.memref_slice %arg3[%dma_start3A_76, %add3A_64] : memref<2x320000xi32, #tpu.memory_space<hbm>> -> memref<2x96xi32, #tpu.memory_space<hbm>>
    tpu.enqueue_dma source(%dma_start3A_77 : memref<2x96xi32, #tpu.memory_space<hbm>>) target(%dma_start3A_75 : memref<2x96xi32, #tpu.memory_space<vmem>>) target_semaphore(%arg9 : memref<!tpu.dma_semaphore, #tpu.memory_space<semaphore_mem>>)
    %dma_wait3A_78 = arith.constant 0 : i32
    %dma_wait3A_79 = arith.constant 0 : i32
    %dma_wait3A_80 = arith.constant 0 : i32
    %dma_wait3A_81 = arith.constant 0 : i32
    %dma_wait3A_82 = arith.constant 0 : i32
    %dma_wait3A_83 = tpu.memref_slice %arg7[%dma_wait3A_80, %dma_wait3A_81, %dma_wait3A_82] : memref<2x96x128xf32, #tpu.memory_space<vmem>> -> memref<1x96x128xf32, #tpu.memory_space<vmem>>
    %dma_wait3A_84 = tpu.memref_squeeze %dma_wait3A_83 : memref<1x96x128xf32, #tpu.memory_space<vmem>> -> memref<96x128xf32, #tpu.memory_space<vmem>>
    %dma_wait3A_85 = arith.constant 0 : i32
    %dma_wait3A_86 = tpu.memref_slice %arg6[%dma_wait3A_78, %dma_wait3A_79, %dma_wait3A_85] : memref<4x2x96xi32, #tpu.memory_space<vmem>> -> memref<1x1x96xi32, #tpu.memory_space<vmem>>
    %dma_wait3A_87 = tpu.memref_squeeze %dma_wait3A_86 : memref<1x1x96xi32, #tpu.memory_space<vmem>> -> memref<96xi32, #tpu.memory_space<vmem>>
    %dma_wait3A_88 = arith.constant 0 : i32
    %dma_wait3A_89 = arith.constant 0 : i32
    %dma_wait3A_90 = tpu.memref_slice %arg2[%dma_wait3A_88, %dma_wait3A_89] : memref<10000x128xf32, #tpu.memory_space<hbm>> -> memref<10000x128xf32, #tpu.memory_space<hbm>>
    tpu.wait_indirect_dma semaphore(%arg10 : memref<!tpu.dma_semaphore, #tpu.memory_space<semaphore_mem>>) src(%dma_wait3A_90 : memref<10000x128xf32, #tpu.memory_space<hbm>>) dst(%dma_wait3A_84 : memref<96x128xf32, #tpu.memory_space<vmem>>)
    %dma_start3A_91 = arith.constant 0 : i32
    %dma_start3A_92 = arith.constant 0 : i32
    %dma_start3A_93 = arith.constant 1 : i32
    %dma_start3A_94 = arith.constant 0 : i32
    %dma_start3A_95 = arith.constant 0 : i32
    %dma_start3A_96 = tpu.memref_slice %arg7[%dma_start3A_91, %dma_start3A_94, %dma_start3A_95] : memref<2x96x128xf32, #tpu.memory_space<vmem>> -> memref<1x96x128xf32, #tpu.memory_space<vmem>>
    %dma_start3A_97 = tpu.memref_squeeze %dma_start3A_96 : memref<1x96x128xf32, #tpu.memory_space<vmem>> -> memref<96x128xf32, #tpu.memory_space<vmem>>
    %dma_start3A_98 = arith.constant 0 : i32
    %dma_start3A_99 = tpu.memref_slice %arg6[%dma_start3A_92, %dma_start3A_93, %dma_start3A_98] : memref<4x2x96xi32, #tpu.memory_space<vmem>> -> memref<1x1x96xi32, #tpu.memory_space<vmem>>
    %dma_start3A_100 = tpu.memref_squeeze %dma_start3A_99 : memref<1x1x96xi32, #tpu.memory_space<vmem>> -> memref<96xi32, #tpu.memory_space<vmem>>
    %dma_start3A_101 = arith.constant 0 : i32
    %dma_start3A_102 = arith.constant 0 : i32
    %dma_start3A_103 = tpu.memref_slice %arg14[%dma_start3A_101, %dma_start3A_102] : memref<10000x128xf32, #tpu.memory_space<vmem_shared>> -> memref<10000x128xf32, #tpu.memory_space<vmem_shared>>
    tpu.enqueue_indirect_dma source(%dma_start3A_97 : memref<96x128xf32, #tpu.memory_space<vmem>>) target(%dma_start3A_103 : memref<10000x128xf32, #tpu.memory_space<vmem_shared>>) offsets(%dma_start3A_100 : memref<96xi32, #tpu.memory_space<vmem>>) semaphore(%arg12 : memref<!tpu.dma_semaphore, #tpu.memory_space<semaphore_mem>>) {add = true}
    %add3A_104 = arith.constant 0 : i32
    %add3A_105 = arith.addi %mul3A_6, %add3A_104 : i32
    %dma_wait3A_106 = arith.constant 2 : i32
    %dma_wait3A_107 = arith.constant 0 : i32
    %dma_wait3A_108 = arith.constant 0 : i32
    %dma_wait3A_109 = tpu.memref_slice %arg6[%dma_wait3A_106, %dma_wait3A_107, %dma_wait3A_108] : memref<4x2x96xi32, #tpu.memory_space<vmem>> -> memref<1x2x96xi32, #tpu.memory_space<vmem>>
    %dma_wait3A_110 = tpu.memref_squeeze %dma_wait3A_109 : memref<1x2x96xi32, #tpu.memory_space<vmem>> -> memref<2x96xi32, #tpu.memory_space<vmem>>
    %dma_wait3A_111 = arith.constant 0 : i32
    %dma_wait3A_112 = tpu.memref_slice %arg3[%dma_wait3A_111, %add3A_105] : memref<2x320000xi32, #tpu.memory_space<hbm>> -> memref<2x96xi32, #tpu.memory_space<hbm>>
    %dma_wait3A_113 = arith.constant 0 : i32
    %dma_wait3A_114 = arith.constant 0 : i32
    %dma_wait3A_115 = tpu.memref_slice %arg6[%dma_wait3A_106, %dma_wait3A_113, %dma_wait3A_114] : memref<4x2x96xi32, #tpu.memory_space<vmem>> -> memref<1x2x96xi32, #tpu.memory_space<vmem>>
    %dma_wait3A_116 = tpu.memref_squeeze %dma_wait3A_115 : memref<1x2x96xi32, #tpu.memory_space<vmem>> -> memref<2x96xi32, #tpu.memory_space<vmem>>
    %dma_wait3A_117 = arith.constant 0 : i32
    %dma_wait3A_118 = tpu.memref_slice %arg3[%dma_wait3A_117, %add3A_105] : memref<2x320000xi32, #tpu.memory_space<hbm>> -> memref<2x96xi32, #tpu.memory_space<hbm>>
    tpu.wait_dma2 semaphore(%arg9 : memref<!tpu.dma_semaphore, #tpu.memory_space<semaphore_mem>>) src(%dma_wait3A_118 : memref<2x96xi32, #tpu.memory_space<hbm>>) dst(%dma_wait3A_116 : memref<2x96xi32, #tpu.memory_space<vmem>>)
    %dma_wait3A_119 = arith.constant 0 : i32
    %dma_wait3A_120 = arith.constant 0 : i32
    %dma_wait3A_121 = arith.constant 1 : i32
    %dma_wait3A_122 = arith.constant 0 : i32
    %dma_wait3A_123 = arith.constant 0 : i32
    %dma_wait3A_124 = tpu.memref_slice %arg7[%dma_wait3A_119, %dma_wait3A_122, %dma_wait3A_123] : memref<2x96x128xf32, #tpu.memory_space<vmem>> -> memref<1x96x128xf32, #tpu.memory_space<vmem>>
    %dma_wait3A_125 = tpu.memref_squeeze %dma_wait3A_124 : memref<1x96x128xf32, #tpu.memory_space<vmem>> -> memref<96x128xf32, #tpu.memory_space<vmem>>
    %dma_wait3A_126 = arith.constant 0 : i32
    %dma_wait3A_127 = tpu.memref_slice %arg6[%dma_wait3A_120, %dma_wait3A_121, %dma_wait3A_126] : memref<4x2x96xi32, #tpu.memory_space<vmem>> -> memref<1x1x96xi32, #tpu.memory_space<vmem>>
    %dma_wait3A_128 = tpu.memref_squeeze %dma_wait3A_127 : memref<1x1x96xi32, #tpu.memory_space<vmem>> -> memref<96xi32, #tpu.memory_space<vmem>>
    %dma_wait3A_129 = arith.constant 0 : i32
    %dma_wait3A_130 = arith.constant 0 : i32
    %dma_wait3A_131 = tpu.memref_slice %arg14[%dma_wait3A_129, %dma_wait3A_130] : memref<10000x128xf32, #tpu.memory_space<vmem_shared>> -> memref<10000x128xf32, #tpu.memory_space<vmem_shared>>
    tpu.wait_indirect_dma semaphore(%arg12 : memref<!tpu.dma_semaphore, #tpu.memory_space<semaphore_mem>>) src(%dma_wait3A_125 : memref<96x128xf32, #tpu.memory_space<vmem>>) dst(%dma_wait3A_131 : memref<10000x128xf32, #tpu.memory_space<vmem_shared>>)
    %dma_start3A_132 = arith.constant 2 : i32
    %dma_start3A_133 = arith.constant 0 : i32
    %dma_start3A_134 = arith.constant 0 : i32
    %dma_start3A_135 = arith.constant 0 : i32
    %dma_start3A_136 = arith.constant 0 : i32
    %dma_start3A_137 = tpu.memref_slice %arg7[%dma_start3A_134, %dma_start3A_135, %dma_start3A_136] : memref<2x96x128xf32, #tpu.memory_space<vmem>> -> memref<1x96x128xf32, #tpu.memory_space<vmem>>
    %dma_start3A_138 = tpu.memref_squeeze %dma_start3A_137 : memref<1x96x128xf32, #tpu.memory_space<vmem>> -> memref<96x128xf32, #tpu.memory_space<vmem>>
    %dma_start3A_139 = arith.constant 0 : i32
    %dma_start3A_140 = tpu.memref_slice %arg6[%dma_start3A_132, %dma_start3A_133, %dma_start3A_139] : memref<4x2x96xi32, #tpu.memory_space<vmem>> -> memref<1x1x96xi32, #tpu.memory_space<vmem>>
    %dma_start3A_141 = tpu.memref_squeeze %dma_start3A_140 : memref<1x1x96xi32, #tpu.memory_space<vmem>> -> memref<96xi32, #tpu.memory_space<vmem>>
    %dma_start3A_142 = arith.constant 0 : i32
    %dma_start3A_143 = arith.constant 0 : i32
    %dma_start3A_144 = tpu.memref_slice %arg2[%dma_start3A_142, %dma_start3A_143] : memref<10000x128xf32, #tpu.memory_space<hbm>> -> memref<10000x128xf32, #tpu.memory_space<hbm>>
    tpu.enqueue_indirect_dma source(%dma_start3A_144 : memref<10000x128xf32, #tpu.memory_space<hbm>>) target(%dma_start3A_138 : memref<96x128xf32, #tpu.memory_space<vmem>>) offsets(%dma_start3A_141 : memref<96xi32, #tpu.memory_space<vmem>>) semaphore(%arg10 : memref<!tpu.dma_semaphore, #tpu.memory_space<semaphore_mem>>)
    %add3A_145 = arith.constant 288 : i32
    %add3A_146 = arith.addi %mul3A_6, %add3A_145 : i32
    %dma_start3A_147 = arith.constant 3 : i32
    %dma_start3A_148 = arith.constant 0 : i32
    %dma_start3A_149 = arith.constant 0 : i32
    %dma_start3A_150 = tpu.memref_slice %arg6[%dma_start3A_147, %dma_start3A_148, %dma_start3A_149] : memref<4x2x96xi32, #tpu.memory_space<vmem>> -> memref<1x2x96xi32, #tpu.memory_space<vmem>>
    %dma_start3A_151 = tpu.memref_squeeze %dma_start3A_150 : memref<1x2x96xi32, #tpu.memory_space<vmem>> -> memref<2x96xi32, #tpu.memory_space<vmem>>
    %dma_start3A_152 = arith.constant 0 : i32
    %dma_start3A_153 = tpu.memref_slice %arg3[%dma_start3A_152, %add3A_146] : memref<2x320000xi32, #tpu.memory_space<hbm>> -> memref<2x96xi32, #tpu.memory_space<hbm>>
    %dma_start3A_154 = arith.constant 0 : i32
    %dma_start3A_155 = arith.constant 0 : i32
    %dma_start3A_156 = tpu.memref_slice %arg6[%dma_start3A_147, %dma_start3A_154, %dma_start3A_155] : memref<4x2x96xi32, #tpu.memory_space<vmem>> -> memref<1x2x96xi32, #tpu.memory_space<vmem>>
    %dma_start3A_157 = tpu.memref_squeeze %dma_start3A_156 : memref<1x2x96xi32, #tpu.memory_space<vmem>> -> memref<2x96xi32, #tpu.memory_space<vmem>>
    %dma_start3A_158 = arith.constant 0 : i32
    %dma_start3A_159 = tpu.memref_slice %arg3[%dma_start3A_158, %add3A_146] : memref<2x320000xi32, #tpu.memory_space<hbm>> -> memref<2x96xi32, #tpu.memory_space<hbm>>
    tpu.enqueue_dma source(%dma_start3A_159 : memref<2x96xi32, #tpu.memory_space<hbm>>) target(%dma_start3A_157 : memref<2x96xi32, #tpu.memory_space<vmem>>) target_semaphore(%arg9 : memref<!tpu.dma_semaphore, #tpu.memory_space<semaphore_mem>>)
    %dma_wait3A_160 = arith.constant 1 : i32
    %dma_wait3A_161 = arith.constant 0 : i32
    %dma_wait3A_162 = arith.constant 1 : i32
    %dma_wait3A_163 = arith.constant 0 : i32
    %dma_wait3A_164 = arith.constant 0 : i32
    %dma_wait3A_165 = tpu.memref_slice %arg7[%dma_wait3A_162, %dma_wait3A_163, %dma_wait3A_164] : memref<2x96x128xf32, #tpu.memory_space<vmem>> -> memref<1x96x128xf32, #tpu.memory_space<vmem>>
    %dma_wait3A_166 = tpu.memref_squeeze %dma_wait3A_165 : memref<1x96x128xf32, #tpu.memory_space<vmem>> -> memref<96x128xf32, #tpu.memory_space<vmem>>
    %dma_wait3A_167 = arith.constant 0 : i32
    %dma_wait3A_168 = tpu.memref_slice %arg6[%dma_wait3A_160, %dma_wait3A_161, %dma_wait3A_167] : memref<4x2x96xi32, #tpu.memory_space<vmem>> -> memref<1x1x96xi32, #tpu.memory_space<vmem>>
    %dma_wait3A_169 = tpu.memref_squeeze %dma_wait3A_168 : memref<1x1x96xi32, #tpu.memory_space<vmem>> -> memref<96xi32, #tpu.memory_space<vmem>>
    %dma_wait3A_170 = arith.constant 0 : i32
    %dma_wait3A_171 = arith.constant 0 : i32
    %dma_wait3A_172 = tpu.memref_slice %arg2[%dma_wait3A_170, %dma_wait3A_171] : memref<10000x128xf32, #tpu.memory_space<hbm>> -> memref<10000x128xf32, #tpu.memory_space<hbm>>
    tpu.wait_indirect_dma semaphore(%arg11 : memref<!tpu.dma_semaphore, #tpu.memory_space<semaphore_mem>>) src(%dma_wait3A_172 : memref<10000x128xf32, #tpu.memory_space<hbm>>) dst(%dma_wait3A_166 : memref<96x128xf32, #tpu.memory_space<vmem>>)
    %dma_start3A_173 = arith.constant 1 : i32
    %dma_start3A_174 = arith.constant 1 : i32
    %dma_start3A_175 = arith.constant 1 : i32
    %dma_start3A_176 = arith.constant 0 : i32
    %dma_start3A_177 = arith.constant 0 : i32
    %dma_start3A_178 = tpu.memref_slice %arg7[%dma_start3A_173, %dma_start3A_176, %dma_start3A_177] : memref<2x96x128xf32, #tpu.memory_space<vmem>> -> memref<1x96x128xf32, #tpu.memory_space<vmem>>
    %dma_start3A_179 = tpu.memref_squeeze %dma_start3A_178 : memref<1x96x128xf32, #tpu.memory_space<vmem>> -> memref<96x128xf32, #tpu.memory_space<vmem>>
    %dma_start3A_180 = arith.constant 0 : i32
    %dma_start3A_181 = tpu.memref_slice %arg6[%dma_start3A_174, %dma_start3A_175, %dma_start3A_180] : memref<4x2x96xi32, #tpu.memory_space<vmem>> -> memref<1x1x96xi32, #tpu.memory_space<vmem>>
    %dma_start3A_182 = tpu.memref_squeeze %dma_start3A_181 : memref<1x1x96xi32, #tpu.memory_space<vmem>> -> memref<96xi32, #tpu.memory_space<vmem>>
    %dma_start3A_183 = arith.constant 0 : i32
    %dma_start3A_184 = arith.constant 0 : i32
    %dma_start3A_185 = tpu.memref_slice %arg14[%dma_start3A_183, %dma_start3A_184] : memref<10000x128xf32, #tpu.memory_space<vmem_shared>> -> memref<10000x128xf32, #tpu.memory_space<vmem_shared>>
    tpu.enqueue_indirect_dma source(%dma_start3A_179 : memref<96x128xf32, #tpu.memory_space<vmem>>) target(%dma_start3A_185 : memref<10000x128xf32, #tpu.memory_space<vmem_shared>>) offsets(%dma_start3A_182 : memref<96xi32, #tpu.memory_space<vmem>>) semaphore(%arg12 : memref<!tpu.dma_semaphore, #tpu.memory_space<semaphore_mem>>) {add = true}
    %scan3A = arith.constant 0 : i32
    %scan3A_186 = arith.constant 0 : i32
    %scan3A_187 = arith.constant 25 : i32
    %scan3A_188 = arith.addi %scan3A_186, %scan3A_187 : i32
    %scan3A_189 = arith.constant 1 : i32
    scf.for %scan3A_342 = %scan3A_186 to %scan3A_188 step %scan3A_189  : i32 {
      %mul3A_343 = arith.constant 4 : i32
      %mul3A_344 = arith.muli %mul3A_343, %scan3A_342 : i32
      %add3A_345 = arith.constant 2 : i32
      %add3A_346 = arith.addi %add3A_345, %mul3A_344 : i32
      %add3A_347 = arith.constant 0 : i32
      %add3A_348 = arith.addi %add3A_346, %add3A_347 : i32
      %add3A_349 = arith.constant 0 : i32
      %add3A_350 = arith.addi %mul3A_6, %add3A_349 : i32
      %dma_wait3A_351 = arith.constant 3 : i32
      %dma_wait3A_352 = arith.constant 0 : i32
      %dma_wait3A_353 = arith.constant 0 : i32
      %dma_wait3A_354 = tpu.memref_slice %arg6[%dma_wait3A_351, %dma_wait3A_352, %dma_wait3A_353] : memref<4x2x96xi32, #tpu.memory_space<vmem>> -> memref<1x2x96xi32, #tpu.memory_space<vmem>>
      %dma_wait3A_355 = tpu.memref_squeeze %dma_wait3A_354 : memref<1x2x96xi32, #tpu.memory_space<vmem>> -> memref<2x96xi32, #tpu.memory_space<vmem>>
      %dma_wait3A_356 = arith.constant 0 : i32
      %dma_wait3A_357 = tpu.memref_slice %arg3[%dma_wait3A_356, %add3A_350] : memref<2x320000xi32, #tpu.memory_space<hbm>> -> memref<2x96xi32, #tpu.memory_space<hbm>>
      %dma_wait3A_358 = arith.constant 0 : i32
      %dma_wait3A_359 = arith.constant 0 : i32
      %dma_wait3A_360 = tpu.memref_slice %arg6[%dma_wait3A_351, %dma_wait3A_358, %dma_wait3A_359] : memref<4x2x96xi32, #tpu.memory_space<vmem>> -> memref<1x2x96xi32, #tpu.memory_space<vmem>>
      %dma_wait3A_361 = tpu.memref_squeeze %dma_wait3A_360 : memref<1x2x96xi32, #tpu.memory_space<vmem>> -> memref<2x96xi32, #tpu.memory_space<vmem>>
      %dma_wait3A_362 = arith.constant 0 : i32
      %dma_wait3A_363 = tpu.memref_slice %arg3[%dma_wait3A_362, %add3A_350] : memref<2x320000xi32, #tpu.memory_space<hbm>> -> memref<2x96xi32, #tpu.memory_space<hbm>>
      tpu.wait_dma2 semaphore(%arg9 : memref<!tpu.dma_semaphore, #tpu.memory_space<semaphore_mem>>) src(%dma_wait3A_363 : memref<2x96xi32, #tpu.memory_space<hbm>>) dst(%dma_wait3A_361 : memref<2x96xi32, #tpu.memory_space<vmem>>)
      %dma_wait3A_364 = arith.constant 1 : i32
      %dma_wait3A_365 = arith.constant 1 : i32
      %dma_wait3A_366 = arith.constant 1 : i32
      %dma_wait3A_367 = arith.constant 0 : i32
      %dma_wait3A_368 = arith.constant 0 : i32
      %dma_wait3A_369 = tpu.memref_slice %arg7[%dma_wait3A_364, %dma_wait3A_367, %dma_wait3A_368] : memref<2x96x128xf32, #tpu.memory_space<vmem>> -> memref<1x96x128xf32, #tpu.memory_space<vmem>>
      %dma_wait3A_370 = tpu.memref_squeeze %dma_wait3A_369 : memref<1x96x128xf32, #tpu.memory_space<vmem>> -> memref<96x128xf32, #tpu.memory_space<vmem>>
      %dma_wait3A_371 = arith.constant 0 : i32
      %dma_wait3A_372 = tpu.memref_slice %arg6[%dma_wait3A_365, %dma_wait3A_366, %dma_wait3A_371] : memref<4x2x96xi32, #tpu.memory_space<vmem>> -> memref<1x1x96xi32, #tpu.memory_space<vmem>>
      %dma_wait3A_373 = tpu.memref_squeeze %dma_wait3A_372 : memref<1x1x96xi32, #tpu.memory_space<vmem>> -> memref<96xi32, #tpu.memory_space<vmem>>
      %dma_wait3A_374 = arith.constant 0 : i32
      %dma_wait3A_375 = arith.constant 0 : i32
      %dma_wait3A_376 = tpu.memref_slice %arg14[%dma_wait3A_374, %dma_wait3A_375] : memref<10000x128xf32, #tpu.memory_space<vmem_shared>> -> memref<10000x128xf32, #tpu.memory_space<vmem_shared>>
      tpu.wait_indirect_dma semaphore(%arg12 : memref<!tpu.dma_semaphore, #tpu.memory_space<semaphore_mem>>) src(%dma_wait3A_370 : memref<96x128xf32, #tpu.memory_space<vmem>>) dst(%dma_wait3A_376 : memref<10000x128xf32, #tpu.memory_space<vmem_shared>>)
      %dma_start3A_377 = arith.constant 3 : i32
      %dma_start3A_378 = arith.constant 0 : i32
      %dma_start3A_379 = arith.constant 1 : i32
      %dma_start3A_380 = arith.constant 0 : i32
      %dma_start3A_381 = arith.constant 0 : i32
      %dma_start3A_382 = tpu.memref_slice %arg7[%dma_start3A_379, %dma_start3A_380, %dma_start3A_381] : memref<2x96x128xf32, #tpu.memory_space<vmem>> -> memref<1x96x128xf32, #tpu.memory_space<vmem>>
      %dma_start3A_383 = tpu.memref_squeeze %dma_start3A_382 : memref<1x96x128xf32, #tpu.memory_space<vmem>> -> memref<96x128xf32, #tpu.memory_space<vmem>>
      %dma_start3A_384 = arith.constant 0 : i32
      %dma_start3A_385 = tpu.memref_slice %arg6[%dma_start3A_377, %dma_start3A_378, %dma_start3A_384] : memref<4x2x96xi32, #tpu.memory_space<vmem>> -> memref<1x1x96xi32, #tpu.memory_space<vmem>>
      %dma_start3A_386 = tpu.memref_squeeze %dma_start3A_385 : memref<1x1x96xi32, #tpu.memory_space<vmem>> -> memref<96xi32, #tpu.memory_space<vmem>>
      %dma_start3A_387 = arith.constant 0 : i32
      %dma_start3A_388 = arith.constant 0 : i32
      %dma_start3A_389 = tpu.memref_slice %arg2[%dma_start3A_387, %dma_start3A_388] : memref<10000x128xf32, #tpu.memory_space<hbm>> -> memref<10000x128xf32, #tpu.memory_space<hbm>>
      tpu.enqueue_indirect_dma source(%dma_start3A_389 : memref<10000x128xf32, #tpu.memory_space<hbm>>) target(%dma_start3A_383 : memref<96x128xf32, #tpu.memory_space<vmem>>) offsets(%dma_start3A_386 : memref<96xi32, #tpu.memory_space<vmem>>) semaphore(%arg11 : memref<!tpu.dma_semaphore, #tpu.memory_space<semaphore_mem>>)
      %add3A_390 = arith.constant 2 : i32
      %add3A_391 = arith.addi %add3A_348, %add3A_390 : i32
      %mul3A_392 = arith.constant 96 : i32
      %mul3A_393 = arith.muli %add3A_391, %mul3A_392 : i32
      %add3A_394 = arith.addi %mul3A_6, %mul3A_393 : i32
      %dma_start3A_395 = arith.constant 0 : i32
      %dma_start3A_396 = arith.constant 0 : i32
      %dma_start3A_397 = arith.constant 0 : i32
      %dma_start3A_398 = tpu.memref_slice %arg6[%dma_start3A_395, %dma_start3A_396, %dma_start3A_397] : memref<4x2x96xi32, #tpu.memory_space<vmem>> -> memref<1x2x96xi32, #tpu.memory_space<vmem>>
      %dma_start3A_399 = tpu.memref_squeeze %dma_start3A_398 : memref<1x2x96xi32, #tpu.memory_space<vmem>> -> memref<2x96xi32, #tpu.memory_space<vmem>>
      %dma_start3A_400 = arith.constant 0 : i32
      %dma_start3A_401 = tpu.memref_slice %arg3[%dma_start3A_400, %add3A_394] : memref<2x320000xi32, #tpu.memory_space<hbm>> -> memref<2x96xi32, #tpu.memory_space<hbm>>
      %dma_start3A_402 = arith.constant 0 : i32
      %dma_start3A_403 = arith.constant 0 : i32
      %dma_start3A_404 = tpu.memref_slice %arg6[%dma_start3A_395, %dma_start3A_402, %dma_start3A_403] : memref<4x2x96xi32, #tpu.memory_space<vmem>> -> memref<1x2x96xi32, #tpu.memory_space<vmem>>
      %dma_start3A_405 = tpu.memref_squeeze %dma_start3A_404 : memref<1x2x96xi32, #tpu.memory_space<vmem>> -> memref<2x96xi32, #tpu.memory_space<vmem>>
      %dma_start3A_406 = arith.constant 0 : i32
      %dma_start3A_407 = tpu.memref_slice %arg3[%dma_start3A_406, %add3A_394] : memref<2x320000xi32, #tpu.memory_space<hbm>> -> memref<2x96xi32, #tpu.memory_space<hbm>>
      tpu.enqueue_dma source(%dma_start3A_407 : memref<2x96xi32, #tpu.memory_space<hbm>>) target(%dma_start3A_405 : memref<2x96xi32, #tpu.memory_space<vmem>>) target_semaphore(%arg9 : memref<!tpu.dma_semaphore, #tpu.memory_space<semaphore_mem>>)
      %dma_wait3A_408 = arith.constant 2 : i32
      %dma_wait3A_409 = arith.constant 0 : i32
      %dma_wait3A_410 = arith.constant 0 : i32
      %dma_wait3A_411 = arith.constant 0 : i32
      %dma_wait3A_412 = arith.constant 0 : i32
      %dma_wait3A_413 = tpu.memref_slice %arg7[%dma_wait3A_410, %dma_wait3A_411, %dma_wait3A_412] : memref<2x96x128xf32, #tpu.memory_space<vmem>> -> memref<1x96x128xf32, #tpu.memory_space<vmem>>
      %dma_wait3A_414 = tpu.memref_squeeze %dma_wait3A_413 : memref<1x96x128xf32, #tpu.memory_space<vmem>> -> memref<96x128xf32, #tpu.memory_space<vmem>>
      %dma_wait3A_415 = arith.constant 0 : i32
      %dma_wait3A_416 = tpu.memref_slice %arg6[%dma_wait3A_408, %dma_wait3A_409, %dma_wait3A_415] : memref<4x2x96xi32, #tpu.memory_space<vmem>> -> memref<1x1x96xi32, #tpu.memory_space<vmem>>
      %dma_wait3A_417 = tpu.memref_squeeze %dma_wait3A_416 : memref<1x1x96xi32, #tpu.memory_space<vmem>> -> memref<96xi32, #tpu.memory_space<vmem>>
      %dma_wait3A_418 = arith.constant 0 : i32
      %dma_wait3A_419 = arith.constant 0 : i32
      %dma_wait3A_420 = tpu.memref_slice %arg2[%dma_wait3A_418, %dma_wait3A_419] : memref<10000x128xf32, #tpu.memory_space<hbm>> -> memref<10000x128xf32, #tpu.memory_space<hbm>>
      tpu.wait_indirect_dma semaphore(%arg10 : memref<!tpu.dma_semaphore, #tpu.memory_space<semaphore_mem>>) src(%dma_wait3A_420 : memref<10000x128xf32, #tpu.memory_space<hbm>>) dst(%dma_wait3A_414 : memref<96x128xf32, #tpu.memory_space<vmem>>)
      %dma_start3A_421 = arith.constant 0 : i32
      %dma_start3A_422 = arith.constant 2 : i32
      %dma_start3A_423 = arith.constant 1 : i32
      %dma_start3A_424 = arith.constant 0 : i32
      %dma_start3A_425 = arith.constant 0 : i32
      %dma_start3A_426 = tpu.memref_slice %arg7[%dma_start3A_421, %dma_start3A_424, %dma_start3A_425] : memref<2x96x128xf32, #tpu.memory_space<vmem>> -> memref<1x96x128xf32, #tpu.memory_space<vmem>>
      %dma_start3A_427 = tpu.memref_squeeze %dma_start3A_426 : memref<1x96x128xf32, #tpu.memory_space<vmem>> -> memref<96x128xf32, #tpu.memory_space<vmem>>
      %dma_start3A_428 = arith.constant 0 : i32
      %dma_start3A_429 = tpu.memref_slice %arg6[%dma_start3A_422, %dma_start3A_423, %dma_start3A_428] : memref<4x2x96xi32, #tpu.memory_space<vmem>> -> memref<1x1x96xi32, #tpu.memory_space<vmem>>
      %dma_start3A_430 = tpu.memref_squeeze %dma_start3A_429 : memref<1x1x96xi32, #tpu.memory_space<vmem>> -> memref<96xi32, #tpu.memory_space<vmem>>
      %dma_start3A_431 = arith.constant 0 : i32
      %dma_start3A_432 = arith.constant 0 : i32
      %dma_start3A_433 = tpu.memref_slice %arg14[%dma_start3A_431, %dma_start3A_432] : memref<10000x128xf32, #tpu.memory_space<vmem_shared>> -> memref<10000x128xf32, #tpu.memory_space<vmem_shared>>
      tpu.enqueue_indirect_dma source(%dma_start3A_427 : memref<96x128xf32, #tpu.memory_space<vmem>>) target(%dma_start3A_433 : memref<10000x128xf32, #tpu.memory_space<vmem_shared>>) offsets(%dma_start3A_430 : memref<96xi32, #tpu.memory_space<vmem>>) semaphore(%arg12 : memref<!tpu.dma_semaphore, #tpu.memory_space<semaphore_mem>>) {add = true}
      %add3A_434 = arith.constant 1 : i32
      %add3A_435 = arith.addi %add3A_346, %add3A_434 : i32
      %add3A_436 = arith.constant 0 : i32
      %add3A_437 = arith.addi %mul3A_6, %add3A_436 : i32
      %dma_wait3A_438 = arith.constant 0 : i32
      %dma_wait3A_439 = arith.constant 0 : i32
      %dma_wait3A_440 = arith.constant 0 : i32
      %dma_wait3A_441 = tpu.memref_slice %arg6[%dma_wait3A_438, %dma_wait3A_439, %dma_wait3A_440] : memref<4x2x96xi32, #tpu.memory_space<vmem>> -> memref<1x2x96xi32, #tpu.memory_space<vmem>>
      %dma_wait3A_442 = tpu.memref_squeeze %dma_wait3A_441 : memref<1x2x96xi32, #tpu.memory_space<vmem>> -> memref<2x96xi32, #tpu.memory_space<vmem>>
      %dma_wait3A_443 = arith.constant 0 : i32
      %dma_wait3A_444 = tpu.memref_slice %arg3[%dma_wait3A_443, %add3A_437] : memref<2x320000xi32, #tpu.memory_space<hbm>> -> memref<2x96xi32, #tpu.memory_space<hbm>>
      %dma_wait3A_445 = arith.constant 0 : i32
      %dma_wait3A_446 = arith.constant 0 : i32
      %dma_wait3A_447 = tpu.memref_slice %arg6[%dma_wait3A_438, %dma_wait3A_445, %dma_wait3A_446] : memref<4x2x96xi32, #tpu.memory_space<vmem>> -> memref<1x2x96xi32, #tpu.memory_space<vmem>>
      %dma_wait3A_448 = tpu.memref_squeeze %dma_wait3A_447 : memref<1x2x96xi32, #tpu.memory_space<vmem>> -> memref<2x96xi32, #tpu.memory_space<vmem>>
      %dma_wait3A_449 = arith.constant 0 : i32
      %dma_wait3A_450 = tpu.memref_slice %arg3[%dma_wait3A_449, %add3A_437] : memref<2x320000xi32, #tpu.memory_space<hbm>> -> memref<2x96xi32, #tpu.memory_space<hbm>>
      tpu.wait_dma2 semaphore(%arg9 : memref<!tpu.dma_semaphore, #tpu.memory_space<semaphore_mem>>) src(%dma_wait3A_450 : memref<2x96xi32, #tpu.memory_space<hbm>>) dst(%dma_wait3A_448 : memref<2x96xi32, #tpu.memory_space<vmem>>)
      %dma_wait3A_451 = arith.constant 0 : i32
      %dma_wait3A_452 = arith.constant 2 : i32
      %dma_wait3A_453 = arith.constant 1 : i32
      %dma_wait3A_454 = arith.constant 0 : i32
      %dma_wait3A_455 = arith.constant 0 : i32
      %dma_wait3A_456 = tpu.memref_slice %arg7[%dma_wait3A_451, %dma_wait3A_454, %dma_wait3A_455] : memref<2x96x128xf32, #tpu.memory_space<vmem>> -> memref<1x96x128xf32, #tpu.memory_space<vmem>>
      %dma_wait3A_457 = tpu.memref_squeeze %dma_wait3A_456 : memref<1x96x128xf32, #tpu.memory_space<vmem>> -> memref<96x128xf32, #tpu.memory_space<vmem>>
      %dma_wait3A_458 = arith.constant 0 : i32
      %dma_wait3A_459 = tpu.memref_slice %arg6[%dma_wait3A_452, %dma_wait3A_453, %dma_wait3A_458] : memref<4x2x96xi32, #tpu.memory_space<vmem>> -> memref<1x1x96xi32, #tpu.memory_space<vmem>>
      %dma_wait3A_460 = tpu.memref_squeeze %dma_wait3A_459 : memref<1x1x96xi32, #tpu.memory_space<vmem>> -> memref<96xi32, #tpu.memory_space<vmem>>
      %dma_wait3A_461 = arith.constant 0 : i32
      %dma_wait3A_462 = arith.constant 0 : i32
      %dma_wait3A_463 = tpu.memref_slice %arg14[%dma_wait3A_461, %dma_wait3A_462] : memref<10000x128xf32, #tpu.memory_space<vmem_shared>> -> memref<10000x128xf32, #tpu.memory_space<vmem_shared>>
      tpu.wait_indirect_dma semaphore(%arg12 : memref<!tpu.dma_semaphore, #tpu.memory_space<semaphore_mem>>) src(%dma_wait3A_457 : memref<96x128xf32, #tpu.memory_space<vmem>>) dst(%dma_wait3A_463 : memref<10000x128xf32, #tpu.memory_space<vmem_shared>>)
      %dma_start3A_464 = arith.constant 0 : i32
      %dma_start3A_465 = arith.constant 0 : i32
      %dma_start3A_466 = arith.constant 0 : i32
      %dma_start3A_467 = arith.constant 0 : i32
      %dma_start3A_468 = arith.constant 0 : i32
      %dma_start3A_469 = tpu.memref_slice %arg7[%dma_start3A_466, %dma_start3A_467, %dma_start3A_468] : memref<2x96x128xf32, #tpu.memory_space<vmem>> -> memref<1x96x128xf32, #tpu.memory_space<vmem>>
      %dma_start3A_470 = tpu.memref_squeeze %dma_start3A_469 : memref<1x96x128xf32, #tpu.memory_space<vmem>> -> memref<96x128xf32, #tpu.memory_space<vmem>>
      %dma_start3A_471 = arith.constant 0 : i32
      %dma_start3A_472 = tpu.memref_slice %arg6[%dma_start3A_464, %dma_start3A_465, %dma_start3A_471] : memref<4x2x96xi32, #tpu.memory_space<vmem>> -> memref<1x1x96xi32, #tpu.memory_space<vmem>>
      %dma_start3A_473 = tpu.memref_squeeze %dma_start3A_472 : memref<1x1x96xi32, #tpu.memory_space<vmem>> -> memref<96xi32, #tpu.memory_space<vmem>>
      %dma_start3A_474 = arith.constant 0 : i32
      %dma_start3A_475 = arith.constant 0 : i32
      %dma_start3A_476 = tpu.memref_slice %arg2[%dma_start3A_474, %dma_start3A_475] : memref<10000x128xf32, #tpu.memory_space<hbm>> -> memref<10000x128xf32, #tpu.memory_space<hbm>>
      tpu.enqueue_indirect_dma source(%dma_start3A_476 : memref<10000x128xf32, #tpu.memory_space<hbm>>) target(%dma_start3A_470 : memref<96x128xf32, #tpu.memory_space<vmem>>) offsets(%dma_start3A_473 : memref<96xi32, #tpu.memory_space<vmem>>) semaphore(%arg10 : memref<!tpu.dma_semaphore, #tpu.memory_space<semaphore_mem>>)
      %add3A_477 = arith.constant 2 : i32
      %add3A_478 = arith.addi %add3A_435, %add3A_477 : i32
      %mul3A_479 = arith.constant 96 : i32
      %mul3A_480 = arith.muli %add3A_478, %mul3A_479 : i32
      %add3A_481 = arith.addi %mul3A_6, %mul3A_480 : i32
      %dma_start3A_482 = arith.constant 1 : i32
      %dma_start3A_483 = arith.constant 0 : i32
      %dma_start3A_484 = arith.constant 0 : i32
      %dma_start3A_485 = tpu.memref_slice %arg6[%dma_start3A_482, %dma_start3A_483, %dma_start3A_484] : memref<4x2x96xi32, #tpu.memory_space<vmem>> -> memref<1x2x96xi32, #tpu.memory_space<vmem>>
      %dma_start3A_486 = tpu.memref_squeeze %dma_start3A_485 : memref<1x2x96xi32, #tpu.memory_space<vmem>> -> memref<2x96xi32, #tpu.memory_space<vmem>>
      %dma_start3A_487 = arith.constant 0 : i32
      %dma_start3A_488 = tpu.memref_slice %arg3[%dma_start3A_487, %add3A_481] : memref<2x320000xi32, #tpu.memory_space<hbm>> -> memref<2x96xi32, #tpu.memory_space<hbm>>
      %dma_start3A_489 = arith.constant 0 : i32
      %dma_start3A_490 = arith.constant 0 : i32
      %dma_start3A_491 = tpu.memref_slice %arg6[%dma_start3A_482, %dma_start3A_489, %dma_start3A_490] : memref<4x2x96xi32, #tpu.memory_space<vmem>> -> memref<1x2x96xi32, #tpu.memory_space<vmem>>
      %dma_start3A_492 = tpu.memref_squeeze %dma_start3A_491 : memref<1x2x96xi32, #tpu.memory_space<vmem>> -> memref<2x96xi32, #tpu.memory_space<vmem>>
      %dma_start3A_493 = arith.constant 0 : i32
      %dma_start3A_494 = tpu.memref_slice %arg3[%dma_start3A_493, %add3A_481] : memref<2x320000xi32, #tpu.memory_space<hbm>> -> memref<2x96xi32, #tpu.memory_space<hbm>>
      tpu.enqueue_dma source(%dma_start3A_494 : memref<2x96xi32, #tpu.memory_space<hbm>>) target(%dma_start3A_492 : memref<2x96xi32, #tpu.memory_space<vmem>>) target_semaphore(%arg9 : memref<!tpu.dma_semaphore, #tpu.memory_space<semaphore_mem>>)
      %dma_wait3A_495 = arith.constant 3 : i32
      %dma_wait3A_496 = arith.constant 0 : i32
      %dma_wait3A_497 = arith.constant 1 : i32
      %dma_wait3A_498 = arith.constant 0 : i32
      %dma_wait3A_499 = arith.constant 0 : i32
      %dma_wait3A_500 = tpu.memref_slice %arg7[%dma_wait3A_497, %dma_wait3A_498, %dma_wait3A_499] : memref<2x96x128xf32, #tpu.memory_space<vmem>> -> memref<1x96x128xf32, #tpu.memory_space<vmem>>
      %dma_wait3A_501 = tpu.memref_squeeze %dma_wait3A_500 : memref<1x96x128xf32, #tpu.memory_space<vmem>> -> memref<96x128xf32, #tpu.memory_space<vmem>>
      %dma_wait3A_502 = arith.constant 0 : i32
      %dma_wait3A_503 = tpu.memref_slice %arg6[%dma_wait3A_495, %dma_wait3A_496, %dma_wait3A_502] : memref<4x2x96xi32, #tpu.memory_space<vmem>> -> memref<1x1x96xi32, #tpu.memory_space<vmem>>
      %dma_wait3A_504 = tpu.memref_squeeze %dma_wait3A_503 : memref<1x1x96xi32, #tpu.memory_space<vmem>> -> memref<96xi32, #tpu.memory_space<vmem>>
      %dma_wait3A_505 = arith.constant 0 : i32
      %dma_wait3A_506 = arith.constant 0 : i32
      %dma_wait3A_507 = tpu.memref_slice %arg2[%dma_wait3A_505, %dma_wait3A_506] : memref<10000x128xf32, #tpu.memory_space<hbm>> -> memref<10000x128xf32, #tpu.memory_space<hbm>>
      tpu.wait_indirect_dma semaphore(%arg11 : memref<!tpu.dma_semaphore, #tpu.memory_space<semaphore_mem>>) src(%dma_wait3A_507 : memref<10000x128xf32, #tpu.memory_space<hbm>>) dst(%dma_wait3A_501 : memref<96x128xf32, #tpu.memory_space<vmem>>)
      %dma_start3A_508 = arith.constant 1 : i32
      %dma_start3A_509 = arith.constant 3 : i32
      %dma_start3A_510 = arith.constant 1 : i32
      %dma_start3A_511 = arith.constant 0 : i32
      %dma_start3A_512 = arith.constant 0 : i32
      %dma_start3A_513 = tpu.memref_slice %arg7[%dma_start3A_508, %dma_start3A_511, %dma_start3A_512] : memref<2x96x128xf32, #tpu.memory_space<vmem>> -> memref<1x96x128xf32, #tpu.memory_space<vmem>>
      %dma_start3A_514 = tpu.memref_squeeze %dma_start3A_513 : memref<1x96x128xf32, #tpu.memory_space<vmem>> -> memref<96x128xf32, #tpu.memory_space<vmem>>
      %dma_start3A_515 = arith.constant 0 : i32
      %dma_start3A_516 = tpu.memref_slice %arg6[%dma_start3A_509, %dma_start3A_510, %dma_start3A_515] : memref<4x2x96xi32, #tpu.memory_space<vmem>> -> memref<1x1x96xi32, #tpu.memory_space<vmem>>
      %dma_start3A_517 = tpu.memref_squeeze %dma_start3A_516 : memref<1x1x96xi32, #tpu.memory_space<vmem>> -> memref<96xi32, #tpu.memory_space<vmem>>
      %dma_start3A_518 = arith.constant 0 : i32
      %dma_start3A_519 = arith.constant 0 : i32
      %dma_start3A_520 = tpu.memref_slice %arg14[%dma_start3A_518, %dma_start3A_519] : memref<10000x128xf32, #tpu.memory_space<vmem_shared>> -> memref<10000x128xf32, #tpu.memory_space<vmem_shared>>
      tpu.enqueue_indirect_dma source(%dma_start3A_514 : memref<96x128xf32, #tpu.memory_space<vmem>>) target(%dma_start3A_520 : memref<10000x128xf32, #tpu.memory_space<vmem_shared>>) offsets(%dma_start3A_517 : memref<96xi32, #tpu.memory_space<vmem>>) semaphore(%arg12 : memref<!tpu.dma_semaphore, #tpu.memory_space<semaphore_mem>>) {add = true}
      %add3A_521 = arith.constant 2 : i32
      %add3A_522 = arith.addi %add3A_346, %add3A_521 : i32
      %add3A_523 = arith.constant 0 : i32
      %add3A_524 = arith.addi %mul3A_6, %add3A_523 : i32
      %dma_wait3A_525 = arith.constant 1 : i32
      %dma_wait3A_526 = arith.constant 0 : i32
      %dma_wait3A_527 = arith.constant 0 : i32
      %dma_wait3A_528 = tpu.memref_slice %arg6[%dma_wait3A_525, %dma_wait3A_526, %dma_wait3A_527] : memref<4x2x96xi32, #tpu.memory_space<vmem>> -> memref<1x2x96xi32, #tpu.memory_space<vmem>>
      %dma_wait3A_529 = tpu.memref_squeeze %dma_wait3A_528 : memref<1x2x96xi32, #tpu.memory_space<vmem>> -> memref<2x96xi32, #tpu.memory_space<vmem>>
      %dma_wait3A_530 = arith.constant 0 : i32
      %dma_wait3A_531 = tpu.memref_slice %arg3[%dma_wait3A_530, %add3A_524] : memref<2x320000xi32, #tpu.memory_space<hbm>> -> memref<2x96xi32, #tpu.memory_space<hbm>>
      %dma_wait3A_532 = arith.constant 0 : i32
      %dma_wait3A_533 = arith.constant 0 : i32
      %dma_wait3A_534 = tpu.memref_slice %arg6[%dma_wait3A_525, %dma_wait3A_532, %dma_wait3A_533] : memref<4x2x96xi32, #tpu.memory_space<vmem>> -> memref<1x2x96xi32, #tpu.memory_space<vmem>>
      %dma_wait3A_535 = tpu.memref_squeeze %dma_wait3A_534 : memref<1x2x96xi32, #tpu.memory_space<vmem>> -> memref<2x96xi32, #tpu.memory_space<vmem>>
      %dma_wait3A_536 = arith.constant 0 : i32
      %dma_wait3A_537 = tpu.memref_slice %arg3[%dma_wait3A_536, %add3A_524] : memref<2x320000xi32, #tpu.memory_space<hbm>> -> memref<2x96xi32, #tpu.memory_space<hbm>>
      tpu.wait_dma2 semaphore(%arg9 : memref<!tpu.dma_semaphore, #tpu.memory_space<semaphore_mem>>) src(%dma_wait3A_537 : memref<2x96xi32, #tpu.memory_space<hbm>>) dst(%dma_wait3A_535 : memref<2x96xi32, #tpu.memory_space<vmem>>)
      %dma_wait3A_538 = arith.constant 1 : i32
      %dma_wait3A_539 = arith.constant 3 : i32
      %dma_wait3A_540 = arith.constant 1 : i32
      %dma_wait3A_541 = arith.constant 0 : i32
      %dma_wait3A_542 = arith.constant 0 : i32
      %dma_wait3A_543 = tpu.memref_slice %arg7[%dma_wait3A_538, %dma_wait3A_541, %dma_wait3A_542] : memref<2x96x128xf32, #tpu.memory_space<vmem>> -> memref<1x96x128xf32, #tpu.memory_space<vmem>>
      %dma_wait3A_544 = tpu.memref_squeeze %dma_wait3A_543 : memref<1x96x128xf32, #tpu.memory_space<vmem>> -> memref<96x128xf32, #tpu.memory_space<vmem>>
      %dma_wait3A_545 = arith.constant 0 : i32
      %dma_wait3A_546 = tpu.memref_slice %arg6[%dma_wait3A_539, %dma_wait3A_540, %dma_wait3A_545] : memref<4x2x96xi32, #tpu.memory_space<vmem>> -> memref<1x1x96xi32, #tpu.memory_space<vmem>>
      %dma_wait3A_547 = tpu.memref_squeeze %dma_wait3A_546 : memref<1x1x96xi32, #tpu.memory_space<vmem>> -> memref<96xi32, #tpu.memory_space<vmem>>
      %dma_wait3A_548 = arith.constant 0 : i32
      %dma_wait3A_549 = arith.constant 0 : i32
      %dma_wait3A_550 = tpu.memref_slice %arg14[%dma_wait3A_548, %dma_wait3A_549] : memref<10000x128xf32, #tpu.memory_space<vmem_shared>> -> memref<10000x128xf32, #tpu.memory_space<vmem_shared>>
      tpu.wait_indirect_dma semaphore(%arg12 : memref<!tpu.dma_semaphore, #tpu.memory_space<semaphore_mem>>) src(%dma_wait3A_544 : memref<96x128xf32, #tpu.memory_space<vmem>>) dst(%dma_wait3A_550 : memref<10000x128xf32, #tpu.memory_space<vmem_shared>>)
      %dma_start3A_551 = arith.constant 1 : i32
      %dma_start3A_552 = arith.constant 0 : i32
      %dma_start3A_553 = arith.constant 1 : i32
      %dma_start3A_554 = arith.constant 0 : i32
      %dma_start3A_555 = arith.constant 0 : i32
      %dma_start3A_556 = tpu.memref_slice %arg7[%dma_start3A_553, %dma_start3A_554, %dma_start3A_555] : memref<2x96x128xf32, #tpu.memory_space<vmem>> -> memref<1x96x128xf32, #tpu.memory_space<vmem>>
      %dma_start3A_557 = tpu.memref_squeeze %dma_start3A_556 : memref<1x96x128xf32, #tpu.memory_space<vmem>> -> memref<96x128xf32, #tpu.memory_space<vmem>>
      %dma_start3A_558 = arith.constant 0 : i32
      %dma_start3A_559 = tpu.memref_slice %arg6[%dma_start3A_551, %dma_start3A_552, %dma_start3A_558] : memref<4x2x96xi32, #tpu.memory_space<vmem>> -> memref<1x1x96xi32, #tpu.memory_space<vmem>>
      %dma_start3A_560 = tpu.memref_squeeze %dma_start3A_559 : memref<1x1x96xi32, #tpu.memory_space<vmem>> -> memref<96xi32, #tpu.memory_space<vmem>>
      %dma_start3A_561 = arith.constant 0 : i32
      %dma_start3A_562 = arith.constant 0 : i32
      %dma_start3A_563 = tpu.memref_slice %arg2[%dma_start3A_561, %dma_start3A_562] : memref<10000x128xf32, #tpu.memory_space<hbm>> -> memref<10000x128xf32, #tpu.memory_space<hbm>>
      tpu.enqueue_indirect_dma source(%dma_start3A_563 : memref<10000x128xf32, #tpu.memory_space<hbm>>) target(%dma_start3A_557 : memref<96x128xf32, #tpu.memory_space<vmem>>) offsets(%dma_start3A_560 : memref<96xi32, #tpu.memory_space<vmem>>) semaphore(%arg11 : memref<!tpu.dma_semaphore, #tpu.memory_space<semaphore_mem>>)
      %add3A_564 = arith.constant 2 : i32
      %add3A_565 = arith.addi %add3A_522, %add3A_564 : i32
      %mul3A_566 = arith.constant 96 : i32
      %mul3A_567 = arith.muli %add3A_565, %mul3A_566 : i32
      %add3A_568 = arith.addi %mul3A_6, %mul3A_567 : i32
      %dma_start3A_569 = arith.constant 2 : i32
      %dma_start3A_570 = arith.constant 0 : i32
      %dma_start3A_571 = arith.constant 0 : i32
      %dma_start3A_572 = tpu.memref_slice %arg6[%dma_start3A_569, %dma_start3A_570, %dma_start3A_571] : memref<4x2x96xi32, #tpu.memory_space<vmem>> -> memref<1x2x96xi32, #tpu.memory_space<vmem>>
      %dma_start3A_573 = tpu.memref_squeeze %dma_start3A_572 : memref<1x2x96xi32, #tpu.memory_space<vmem>> -> memref<2x96xi32, #tpu.memory_space<vmem>>
      %dma_start3A_574 = arith.constant 0 : i32
      %dma_start3A_575 = tpu.memref_slice %arg3[%dma_start3A_574, %add3A_568] : memref<2x320000xi32, #tpu.memory_space<hbm>> -> memref<2x96xi32, #tpu.memory_space<hbm>>
      %dma_start3A_576 = arith.constant 0 : i32
      %dma_start3A_577 = arith.constant 0 : i32
      %dma_start3A_578 = tpu.memref_slice %arg6[%dma_start3A_569, %dma_start3A_576, %dma_start3A_577] : memref<4x2x96xi32, #tpu.memory_space<vmem>> -> memref<1x2x96xi32, #tpu.memory_space<vmem>>
      %dma_start3A_579 = tpu.memref_squeeze %dma_start3A_578 : memref<1x2x96xi32, #tpu.memory_space<vmem>> -> memref<2x96xi32, #tpu.memory_space<vmem>>
      %dma_start3A_580 = arith.constant 0 : i32
      %dma_start3A_581 = tpu.memref_slice %arg3[%dma_start3A_580, %add3A_568] : memref<2x320000xi32, #tpu.memory_space<hbm>> -> memref<2x96xi32, #tpu.memory_space<hbm>>
      tpu.enqueue_dma source(%dma_start3A_581 : memref<2x96xi32, #tpu.memory_space<hbm>>) target(%dma_start3A_579 : memref<2x96xi32, #tpu.memory_space<vmem>>) target_semaphore(%arg9 : memref<!tpu.dma_semaphore, #tpu.memory_space<semaphore_mem>>)
      %dma_wait3A_582 = arith.constant 0 : i32
      %dma_wait3A_583 = arith.constant 0 : i32
      %dma_wait3A_584 = arith.constant 0 : i32
      %dma_wait3A_585 = arith.constant 0 : i32
      %dma_wait3A_586 = arith.constant 0 : i32
      %dma_wait3A_587 = tpu.memref_slice %arg7[%dma_wait3A_584, %dma_wait3A_585, %dma_wait3A_586] : memref<2x96x128xf32, #tpu.memory_space<vmem>> -> memref<1x96x128xf32, #tpu.memory_space<vmem>>
      %dma_wait3A_588 = tpu.memref_squeeze %dma_wait3A_587 : memref<1x96x128xf32, #tpu.memory_space<vmem>> -> memref<96x128xf32, #tpu.memory_space<vmem>>
      %dma_wait3A_589 = arith.constant 0 : i32
      %dma_wait3A_590 = tpu.memref_slice %arg6[%dma_wait3A_582, %dma_wait3A_583, %dma_wait3A_589] : memref<4x2x96xi32, #tpu.memory_space<vmem>> -> memref<1x1x96xi32, #tpu.memory_space<vmem>>
      %dma_wait3A_591 = tpu.memref_squeeze %dma_wait3A_590 : memref<1x1x96xi32, #tpu.memory_space<vmem>> -> memref<96xi32, #tpu.memory_space<vmem>>
      %dma_wait3A_592 = arith.constant 0 : i32
      %dma_wait3A_593 = arith.constant 0 : i32
      %dma_wait3A_594 = tpu.memref_slice %arg2[%dma_wait3A_592, %dma_wait3A_593] : memref<10000x128xf32, #tpu.memory_space<hbm>> -> memref<10000x128xf32, #tpu.memory_space<hbm>>
      tpu.wait_indirect_dma semaphore(%arg10 : memref<!tpu.dma_semaphore, #tpu.memory_space<semaphore_mem>>) src(%dma_wait3A_594 : memref<10000x128xf32, #tpu.memory_space<hbm>>) dst(%dma_wait3A_588 : memref<96x128xf32, #tpu.memory_space<vmem>>)
      %dma_start3A_595 = arith.constant 0 : i32
      %dma_start3A_596 = arith.constant 0 : i32
      %dma_start3A_597 = arith.constant 1 : i32
      %dma_start3A_598 = arith.constant 0 : i32
      %dma_start3A_599 = arith.constant 0 : i32
      %dma_start3A_600 = tpu.memref_slice %arg7[%dma_start3A_595, %dma_start3A_598, %dma_start3A_599] : memref<2x96x128xf32, #tpu.memory_space<vmem>> -> memref<1x96x128xf32, #tpu.memory_space<vmem>>
      %dma_start3A_601 = tpu.memref_squeeze %dma_start3A_600 : memref<1x96x128xf32, #tpu.memory_space<vmem>> -> memref<96x128xf32, #tpu.memory_space<vmem>>
      %dma_start3A_602 = arith.constant 0 : i32
      %dma_start3A_603 = tpu.memref_slice %arg6[%dma_start3A_596, %dma_start3A_597, %dma_start3A_602] : memref<4x2x96xi32, #tpu.memory_space<vmem>> -> memref<1x1x96xi32, #tpu.memory_space<vmem>>
      %dma_start3A_604 = tpu.memref_squeeze %dma_start3A_603 : memref<1x1x96xi32, #tpu.memory_space<vmem>> -> memref<96xi32, #tpu.memory_space<vmem>>
      %dma_start3A_605 = arith.constant 0 : i32
      %dma_start3A_606 = arith.constant 0 : i32
      %dma_start3A_607 = tpu.memref_slice %arg14[%dma_start3A_605, %dma_start3A_606] : memref<10000x128xf32, #tpu.memory_space<vmem_shared>> -> memref<10000x128xf32, #tpu.memory_space<vmem_shared>>
      tpu.enqueue_indirect_dma source(%dma_start3A_601 : memref<96x128xf32, #tpu.memory_space<vmem>>) target(%dma_start3A_607 : memref<10000x128xf32, #tpu.memory_space<vmem_shared>>) offsets(%dma_start3A_604 : memref<96xi32, #tpu.memory_space<vmem>>) semaphore(%arg12 : memref<!tpu.dma_semaphore, #tpu.memory_space<semaphore_mem>>) {add = true}
      %add3A_608 = arith.constant 3 : i32
      %add3A_609 = arith.addi %add3A_346, %add3A_608 : i32
      %add3A_610 = arith.constant 0 : i32
      %add3A_611 = arith.addi %mul3A_6, %add3A_610 : i32
      %dma_wait3A_612 = arith.constant 2 : i32
      %dma_wait3A_613 = arith.constant 0 : i32
      %dma_wait3A_614 = arith.constant 0 : i32
      %dma_wait3A_615 = tpu.memref_slice %arg6[%dma_wait3A_612, %dma_wait3A_613, %dma_wait3A_614] : memref<4x2x96xi32, #tpu.memory_space<vmem>> -> memref<1x2x96xi32, #tpu.memory_space<vmem>>
      %dma_wait3A_616 = tpu.memref_squeeze %dma_wait3A_615 : memref<1x2x96xi32, #tpu.memory_space<vmem>> -> memref<2x96xi32, #tpu.memory_space<vmem>>
      %dma_wait3A_617 = arith.constant 0 : i32
      %dma_wait3A_618 = tpu.memref_slice %arg3[%dma_wait3A_617, %add3A_611] : memref<2x320000xi32, #tpu.memory_space<hbm>> -> memref<2x96xi32, #tpu.memory_space<hbm>>
      %dma_wait3A_619 = arith.constant 0 : i32
      %dma_wait3A_620 = arith.constant 0 : i32
      %dma_wait3A_621 = tpu.memref_slice %arg6[%dma_wait3A_612, %dma_wait3A_619, %dma_wait3A_620] : memref<4x2x96xi32, #tpu.memory_space<vmem>> -> memref<1x2x96xi32, #tpu.memory_space<vmem>>
      %dma_wait3A_622 = tpu.memref_squeeze %dma_wait3A_621 : memref<1x2x96xi32, #tpu.memory_space<vmem>> -> memref<2x96xi32, #tpu.memory_space<vmem>>
      %dma_wait3A_623 = arith.constant 0 : i32
      %dma_wait3A_624 = tpu.memref_slice %arg3[%dma_wait3A_623, %add3A_611] : memref<2x320000xi32, #tpu.memory_space<hbm>> -> memref<2x96xi32, #tpu.memory_space<hbm>>
      tpu.wait_dma2 semaphore(%arg9 : memref<!tpu.dma_semaphore, #tpu.memory_space<semaphore_mem>>) src(%dma_wait3A_624 : memref<2x96xi32, #tpu.memory_space<hbm>>) dst(%dma_wait3A_622 : memref<2x96xi32, #tpu.memory_space<vmem>>)
      %dma_wait3A_625 = arith.constant 0 : i32
      %dma_wait3A_626 = arith.constant 0 : i32
      %dma_wait3A_627 = arith.constant 1 : i32
      %dma_wait3A_628 = arith.constant 0 : i32
      %dma_wait3A_629 = arith.constant 0 : i32
      %dma_wait3A_630 = tpu.memref_slice %arg7[%dma_wait3A_625, %dma_wait3A_628, %dma_wait3A_629] : memref<2x96x128xf32, #tpu.memory_space<vmem>> -> memref<1x96x128xf32, #tpu.memory_space<vmem>>
      %dma_wait3A_631 = tpu.memref_squeeze %dma_wait3A_630 : memref<1x96x128xf32, #tpu.memory_space<vmem>> -> memref<96x128xf32, #tpu.memory_space<vmem>>
      %dma_wait3A_632 = arith.constant 0 : i32
      %dma_wait3A_633 = tpu.memref_slice %arg6[%dma_wait3A_626, %dma_wait3A_627, %dma_wait3A_632] : memref<4x2x96xi32, #tpu.memory_space<vmem>> -> memref<1x1x96xi32, #tpu.memory_space<vmem>>
      %dma_wait3A_634 = tpu.memref_squeeze %dma_wait3A_633 : memref<1x1x96xi32, #tpu.memory_space<vmem>> -> memref<96xi32, #tpu.memory_space<vmem>>
      %dma_wait3A_635 = arith.constant 0 : i32
      %dma_wait3A_636 = arith.constant 0 : i32
      %dma_wait3A_637 = tpu.memref_slice %arg14[%dma_wait3A_635, %dma_wait3A_636] : memref<10000x128xf32, #tpu.memory_space<vmem_shared>> -> memref<10000x128xf32, #tpu.memory_space<vmem_shared>>
      tpu.wait_indirect_dma semaphore(%arg12 : memref<!tpu.dma_semaphore, #tpu.memory_space<semaphore_mem>>) src(%dma_wait3A_631 : memref<96x128xf32, #tpu.memory_space<vmem>>) dst(%dma_wait3A_637 : memref<10000x128xf32, #tpu.memory_space<vmem_shared>>)
      %dma_start3A_638 = arith.constant 2 : i32
      %dma_start3A_639 = arith.constant 0 : i32
      %dma_start3A_640 = arith.constant 0 : i32
      %dma_start3A_641 = arith.constant 0 : i32
      %dma_start3A_642 = arith.constant 0 : i32
      %dma_start3A_643 = tpu.memref_slice %arg7[%dma_start3A_640, %dma_start3A_641, %dma_start3A_642] : memref<2x96x128xf32, #tpu.memory_space<vmem>> -> memref<1x96x128xf32, #tpu.memory_space<vmem>>
      %dma_start3A_644 = tpu.memref_squeeze %dma_start3A_643 : memref<1x96x128xf32, #tpu.memory_space<vmem>> -> memref<96x128xf32, #tpu.memory_space<vmem>>
      %dma_start3A_645 = arith.constant 0 : i32
      %dma_start3A_646 = tpu.memref_slice %arg6[%dma_start3A_638, %dma_start3A_639, %dma_start3A_645] : memref<4x2x96xi32, #tpu.memory_space<vmem>> -> memref<1x1x96xi32, #tpu.memory_space<vmem>>
      %dma_start3A_647 = tpu.memref_squeeze %dma_start3A_646 : memref<1x1x96xi32, #tpu.memory_space<vmem>> -> memref<96xi32, #tpu.memory_space<vmem>>
      %dma_start3A_648 = arith.constant 0 : i32
      %dma_start3A_649 = arith.constant 0 : i32
      %dma_start3A_650 = tpu.memref_slice %arg2[%dma_start3A_648, %dma_start3A_649] : memref<10000x128xf32, #tpu.memory_space<hbm>> -> memref<10000x128xf32, #tpu.memory_space<hbm>>
      tpu.enqueue_indirect_dma source(%dma_start3A_650 : memref<10000x128xf32, #tpu.memory_space<hbm>>) target(%dma_start3A_644 : memref<96x128xf32, #tpu.memory_space<vmem>>) offsets(%dma_start3A_647 : memref<96xi32, #tpu.memory_space<vmem>>) semaphore(%arg10 : memref<!tpu.dma_semaphore, #tpu.memory_space<semaphore_mem>>)
      %add3A_651 = arith.constant 2 : i32
      %add3A_652 = arith.addi %add3A_609, %add3A_651 : i32
      %mul3A_653 = arith.constant 96 : i32
      %mul3A_654 = arith.muli %add3A_652, %mul3A_653 : i32
      %add3A_655 = arith.addi %mul3A_6, %mul3A_654 : i32
      %dma_start3A_656 = arith.constant 3 : i32
      %dma_start3A_657 = arith.constant 0 : i32
      %dma_start3A_658 = arith.constant 0 : i32
      %dma_start3A_659 = tpu.memref_slice %arg6[%dma_start3A_656, %dma_start3A_657, %dma_start3A_658] : memref<4x2x96xi32, #tpu.memory_space<vmem>> -> memref<1x2x96xi32, #tpu.memory_space<vmem>>
      %dma_start3A_660 = tpu.memref_squeeze %dma_start3A_659 : memref<1x2x96xi32, #tpu.memory_space<vmem>> -> memref<2x96xi32, #tpu.memory_space<vmem>>
      %dma_start3A_661 = arith.constant 0 : i32
      %dma_start3A_662 = tpu.memref_slice %arg3[%dma_start3A_661, %add3A_655] : memref<2x320000xi32, #tpu.memory_space<hbm>> -> memref<2x96xi32, #tpu.memory_space<hbm>>
      %dma_start3A_663 = arith.constant 0 : i32
      %dma_start3A_664 = arith.constant 0 : i32
      %dma_start3A_665 = tpu.memref_slice %arg6[%dma_start3A_656, %dma_start3A_663, %dma_start3A_664] : memref<4x2x96xi32, #tpu.memory_space<vmem>> -> memref<1x2x96xi32, #tpu.memory_space<vmem>>
      %dma_start3A_666 = tpu.memref_squeeze %dma_start3A_665 : memref<1x2x96xi32, #tpu.memory_space<vmem>> -> memref<2x96xi32, #tpu.memory_space<vmem>>
      %dma_start3A_667 = arith.constant 0 : i32
      %dma_start3A_668 = tpu.memref_slice %arg3[%dma_start3A_667, %add3A_655] : memref<2x320000xi32, #tpu.memory_space<hbm>> -> memref<2x96xi32, #tpu.memory_space<hbm>>
      tpu.enqueue_dma source(%dma_start3A_668 : memref<2x96xi32, #tpu.memory_space<hbm>>) target(%dma_start3A_666 : memref<2x96xi32, #tpu.memory_space<vmem>>) target_semaphore(%arg9 : memref<!tpu.dma_semaphore, #tpu.memory_space<semaphore_mem>>)
      %dma_wait3A_669 = arith.constant 1 : i32
      %dma_wait3A_670 = arith.constant 0 : i32
      %dma_wait3A_671 = arith.constant 1 : i32
      %dma_wait3A_672 = arith.constant 0 : i32
      %dma_wait3A_673 = arith.constant 0 : i32
      %dma_wait3A_674 = tpu.memref_slice %arg7[%dma_wait3A_671, %dma_wait3A_672, %dma_wait3A_673] : memref<2x96x128xf32, #tpu.memory_space<vmem>> -> memref<1x96x128xf32, #tpu.memory_space<vmem>>
      %dma_wait3A_675 = tpu.memref_squeeze %dma_wait3A_674 : memref<1x96x128xf32, #tpu.memory_space<vmem>> -> memref<96x128xf32, #tpu.memory_space<vmem>>
      %dma_wait3A_676 = arith.constant 0 : i32
      %dma_wait3A_677 = tpu.memref_slice %arg6[%dma_wait3A_669, %dma_wait3A_670, %dma_wait3A_676] : memref<4x2x96xi32, #tpu.memory_space<vmem>> -> memref<1x1x96xi32, #tpu.memory_space<vmem>>
      %dma_wait3A_678 = tpu.memref_squeeze %dma_wait3A_677 : memref<1x1x96xi32, #tpu.memory_space<vmem>> -> memref<96xi32, #tpu.memory_space<vmem>>
      %dma_wait3A_679 = arith.constant 0 : i32
      %dma_wait3A_680 = arith.constant 0 : i32
      %dma_wait3A_681 = tpu.memref_slice %arg2[%dma_wait3A_679, %dma_wait3A_680] : memref<10000x128xf32, #tpu.memory_space<hbm>> -> memref<10000x128xf32, #tpu.memory_space<hbm>>
      tpu.wait_indirect_dma semaphore(%arg11 : memref<!tpu.dma_semaphore, #tpu.memory_space<semaphore_mem>>) src(%dma_wait3A_681 : memref<10000x128xf32, #tpu.memory_space<hbm>>) dst(%dma_wait3A_675 : memref<96x128xf32, #tpu.memory_space<vmem>>)
      %dma_start3A_682 = arith.constant 1 : i32
      %dma_start3A_683 = arith.constant 1 : i32
      %dma_start3A_684 = arith.constant 1 : i32
      %dma_start3A_685 = arith.constant 0 : i32
      %dma_start3A_686 = arith.constant 0 : i32
      %dma_start3A_687 = tpu.memref_slice %arg7[%dma_start3A_682, %dma_start3A_685, %dma_start3A_686] : memref<2x96x128xf32, #tpu.memory_space<vmem>> -> memref<1x96x128xf32, #tpu.memory_space<vmem>>
      %dma_start3A_688 = tpu.memref_squeeze %dma_start3A_687 : memref<1x96x128xf32, #tpu.memory_space<vmem>> -> memref<96x128xf32, #tpu.memory_space<vmem>>
      %dma_start3A_689 = arith.constant 0 : i32
      %dma_start3A_690 = tpu.memref_slice %arg6[%dma_start3A_683, %dma_start3A_684, %dma_start3A_689] : memref<4x2x96xi32, #tpu.memory_space<vmem>> -> memref<1x1x96xi32, #tpu.memory_space<vmem>>
      %dma_start3A_691 = tpu.memref_squeeze %dma_start3A_690 : memref<1x1x96xi32, #tpu.memory_space<vmem>> -> memref<96xi32, #tpu.memory_space<vmem>>
      %dma_start3A_692 = arith.constant 0 : i32
      %dma_start3A_693 = arith.constant 0 : i32
      %dma_start3A_694 = tpu.memref_slice %arg14[%dma_start3A_692, %dma_start3A_693] : memref<10000x128xf32, #tpu.memory_space<vmem_shared>> -> memref<10000x128xf32, #tpu.memory_space<vmem_shared>>
      tpu.enqueue_indirect_dma source(%dma_start3A_688 : memref<96x128xf32, #tpu.memory_space<vmem>>) target(%dma_start3A_694 : memref<10000x128xf32, #tpu.memory_space<vmem_shared>>) offsets(%dma_start3A_691 : memref<96xi32, #tpu.memory_space<vmem>>) semaphore(%arg12 : memref<!tpu.dma_semaphore, #tpu.memory_space<semaphore_mem>>) {add = true}
    }
    %scan3A_190 = arith.constant 25 : i32
    %add3A_191 = arith.constant 0 : i32
    %add3A_192 = arith.addi %mul3A_6, %add3A_191 : i32
    %dma_wait3A_193 = arith.constant 3 : i32
    %dma_wait3A_194 = arith.constant 0 : i32
    %dma_wait3A_195 = arith.constant 0 : i32
    %dma_wait3A_196 = tpu.memref_slice %arg6[%dma_wait3A_193, %dma_wait3A_194, %dma_wait3A_195] : memref<4x2x96xi32, #tpu.memory_space<vmem>> -> memref<1x2x96xi32, #tpu.memory_space<vmem>>
    %dma_wait3A_197 = tpu.memref_squeeze %dma_wait3A_196 : memref<1x2x96xi32, #tpu.memory_space<vmem>> -> memref<2x96xi32, #tpu.memory_space<vmem>>
    %dma_wait3A_198 = arith.constant 0 : i32
    %dma_wait3A_199 = tpu.memref_slice %arg3[%dma_wait3A_198, %add3A_192] : memref<2x320000xi32, #tpu.memory_space<hbm>> -> memref<2x96xi32, #tpu.memory_space<hbm>>
    %dma_wait3A_200 = arith.constant 0 : i32
    %dma_wait3A_201 = arith.constant 0 : i32
    %dma_wait3A_202 = tpu.memref_slice %arg6[%dma_wait3A_193, %dma_wait3A_200, %dma_wait3A_201] : memref<4x2x96xi32, #tpu.memory_space<vmem>> -> memref<1x2x96xi32, #tpu.memory_space<vmem>>
    %dma_wait3A_203 = tpu.memref_squeeze %dma_wait3A_202 : memref<1x2x96xi32, #tpu.memory_space<vmem>> -> memref<2x96xi32, #tpu.memory_space<vmem>>
    %dma_wait3A_204 = arith.constant 0 : i32
    %dma_wait3A_205 = tpu.memref_slice %arg3[%dma_wait3A_204, %add3A_192] : memref<2x320000xi32, #tpu.memory_space<hbm>> -> memref<2x96xi32, #tpu.memory_space<hbm>>
    tpu.wait_dma2 semaphore(%arg9 : memref<!tpu.dma_semaphore, #tpu.memory_space<semaphore_mem>>) src(%dma_wait3A_205 : memref<2x96xi32, #tpu.memory_space<hbm>>) dst(%dma_wait3A_203 : memref<2x96xi32, #tpu.memory_space<vmem>>)
    %dma_wait3A_206 = arith.constant 1 : i32
    %dma_wait3A_207 = arith.constant 1 : i32
    %dma_wait3A_208 = arith.constant 1 : i32
    %dma_wait3A_209 = arith.constant 0 : i32
    %dma_wait3A_210 = arith.constant 0 : i32
    %dma_wait3A_211 = tpu.memref_slice %arg7[%dma_wait3A_206, %dma_wait3A_209, %dma_wait3A_210] : memref<2x96x128xf32, #tpu.memory_space<vmem>> -> memref<1x96x128xf32, #tpu.memory_space<vmem>>
    %dma_wait3A_212 = tpu.memref_squeeze %dma_wait3A_211 : memref<1x96x128xf32, #tpu.memory_space<vmem>> -> memref<96x128xf32, #tpu.memory_space<vmem>>
    %dma_wait3A_213 = arith.constant 0 : i32
    %dma_wait3A_214 = tpu.memref_slice %arg6[%dma_wait3A_207, %dma_wait3A_208, %dma_wait3A_213] : memref<4x2x96xi32, #tpu.memory_space<vmem>> -> memref<1x1x96xi32, #tpu.memory_space<vmem>>
    %dma_wait3A_215 = tpu.memref_squeeze %dma_wait3A_214 : memref<1x1x96xi32, #tpu.memory_space<vmem>> -> memref<96xi32, #tpu.memory_space<vmem>>
    %dma_wait3A_216 = arith.constant 0 : i32
    %dma_wait3A_217 = arith.constant 0 : i32
    %dma_wait3A_218 = tpu.memref_slice %arg14[%dma_wait3A_216, %dma_wait3A_217] : memref<10000x128xf32, #tpu.memory_space<vmem_shared>> -> memref<10000x128xf32, #tpu.memory_space<vmem_shared>>
    tpu.wait_indirect_dma semaphore(%arg12 : memref<!tpu.dma_semaphore, #tpu.memory_space<semaphore_mem>>) src(%dma_wait3A_212 : memref<96x128xf32, #tpu.memory_space<vmem>>) dst(%dma_wait3A_218 : memref<10000x128xf32, #tpu.memory_space<vmem_shared>>)
    %dma_start3A_219 = arith.constant 3 : i32
    %dma_start3A_220 = arith.constant 0 : i32
    %dma_start3A_221 = arith.constant 1 : i32
    %dma_start3A_222 = arith.constant 0 : i32
    %dma_start3A_223 = arith.constant 0 : i32
    %dma_start3A_224 = tpu.memref_slice %arg7[%dma_start3A_221, %dma_start3A_222, %dma_start3A_223] : memref<2x96x128xf32, #tpu.memory_space<vmem>> -> memref<1x96x128xf32, #tpu.memory_space<vmem>>
    %dma_start3A_225 = tpu.memref_squeeze %dma_start3A_224 : memref<1x96x128xf32, #tpu.memory_space<vmem>> -> memref<96x128xf32, #tpu.memory_space<vmem>>
    %dma_start3A_226 = arith.constant 0 : i32
    %dma_start3A_227 = tpu.memref_slice %arg6[%dma_start3A_219, %dma_start3A_220, %dma_start3A_226] : memref<4x2x96xi32, #tpu.memory_space<vmem>> -> memref<1x1x96xi32, #tpu.memory_space<vmem>>
    %dma_start3A_228 = tpu.memref_squeeze %dma_start3A_227 : memref<1x1x96xi32, #tpu.memory_space<vmem>> -> memref<96xi32, #tpu.memory_space<vmem>>
    %dma_start3A_229 = arith.constant 0 : i32
    %dma_start3A_230 = arith.constant 0 : i32
    %dma_start3A_231 = tpu.memref_slice %arg2[%dma_start3A_229, %dma_start3A_230] : memref<10000x128xf32, #tpu.memory_space<hbm>> -> memref<10000x128xf32, #tpu.memory_space<hbm>>
    tpu.enqueue_indirect_dma source(%dma_start3A_231 : memref<10000x128xf32, #tpu.memory_space<hbm>>) target(%dma_start3A_225 : memref<96x128xf32, #tpu.memory_space<vmem>>) offsets(%dma_start3A_228 : memref<96xi32, #tpu.memory_space<vmem>>) semaphore(%arg11 : memref<!tpu.dma_semaphore, #tpu.memory_space<semaphore_mem>>)
    %dma_wait3A_232 = arith.constant 2 : i32
    %dma_wait3A_233 = arith.constant 0 : i32
    %dma_wait3A_234 = arith.constant 0 : i32
    %dma_wait3A_235 = arith.constant 0 : i32
    %dma_wait3A_236 = arith.constant 0 : i32
    %dma_wait3A_237 = tpu.memref_slice %arg7[%dma_wait3A_234, %dma_wait3A_235, %dma_wait3A_236] : memref<2x96x128xf32, #tpu.memory_space<vmem>> -> memref<1x96x128xf32, #tpu.memory_space<vmem>>
    %dma_wait3A_238 = tpu.memref_squeeze %dma_wait3A_237 : memref<1x96x128xf32, #tpu.memory_space<vmem>> -> memref<96x128xf32, #tpu.memory_space<vmem>>
    %dma_wait3A_239 = arith.constant 0 : i32
    %dma_wait3A_240 = tpu.memref_slice %arg6[%dma_wait3A_232, %dma_wait3A_233, %dma_wait3A_239] : memref<4x2x96xi32, #tpu.memory_space<vmem>> -> memref<1x1x96xi32, #tpu.memory_space<vmem>>
    %dma_wait3A_241 = tpu.memref_squeeze %dma_wait3A_240 : memref<1x1x96xi32, #tpu.memory_space<vmem>> -> memref<96xi32, #tpu.memory_space<vmem>>
    %dma_wait3A_242 = arith.constant 0 : i32
    %dma_wait3A_243 = arith.constant 0 : i32
    %dma_wait3A_244 = tpu.memref_slice %arg2[%dma_wait3A_242, %dma_wait3A_243] : memref<10000x128xf32, #tpu.memory_space<hbm>> -> memref<10000x128xf32, #tpu.memory_space<hbm>>
    tpu.wait_indirect_dma semaphore(%arg10 : memref<!tpu.dma_semaphore, #tpu.memory_space<semaphore_mem>>) src(%dma_wait3A_244 : memref<10000x128xf32, #tpu.memory_space<hbm>>) dst(%dma_wait3A_238 : memref<96x128xf32, #tpu.memory_space<vmem>>)
    %dma_start3A_245 = arith.constant 0 : i32
    %dma_start3A_246 = arith.constant 2 : i32
    %dma_start3A_247 = arith.constant 1 : i32
    %dma_start3A_248 = arith.constant 0 : i32
    %dma_start3A_249 = arith.constant 0 : i32
    %dma_start3A_250 = tpu.memref_slice %arg7[%dma_start3A_245, %dma_start3A_248, %dma_start3A_249] : memref<2x96x128xf32, #tpu.memory_space<vmem>> -> memref<1x96x128xf32, #tpu.memory_space<vmem>>
    %dma_start3A_251 = tpu.memref_squeeze %dma_start3A_250 : memref<1x96x128xf32, #tpu.memory_space<vmem>> -> memref<96x128xf32, #tpu.memory_space<vmem>>
    %dma_start3A_252 = arith.constant 0 : i32
    %dma_start3A_253 = tpu.memref_slice %arg6[%dma_start3A_246, %dma_start3A_247, %dma_start3A_252] : memref<4x2x96xi32, #tpu.memory_space<vmem>> -> memref<1x1x96xi32, #tpu.memory_space<vmem>>
    %dma_start3A_254 = tpu.memref_squeeze %dma_start3A_253 : memref<1x1x96xi32, #tpu.memory_space<vmem>> -> memref<96xi32, #tpu.memory_space<vmem>>
    %dma_start3A_255 = arith.constant 0 : i32
    %dma_start3A_256 = arith.constant 0 : i32
    %dma_start3A_257 = tpu.memref_slice %arg14[%dma_start3A_255, %dma_start3A_256] : memref<10000x128xf32, #tpu.memory_space<vmem_shared>> -> memref<10000x128xf32, #tpu.memory_space<vmem_shared>>
    tpu.enqueue_indirect_dma source(%dma_start3A_251 : memref<96x128xf32, #tpu.memory_space<vmem>>) target(%dma_start3A_257 : memref<10000x128xf32, #tpu.memory_space<vmem_shared>>) offsets(%dma_start3A_254 : memref<96xi32, #tpu.memory_space<vmem>>) semaphore(%arg12 : memref<!tpu.dma_semaphore, #tpu.memory_space<semaphore_mem>>) {add = true}
    %dma_wait3A_258 = arith.constant 0 : i32
    %dma_wait3A_259 = arith.constant 2 : i32
    %dma_wait3A_260 = arith.constant 1 : i32
    %dma_wait3A_261 = arith.constant 0 : i32
    %dma_wait3A_262 = arith.constant 0 : i32
    %dma_wait3A_263 = tpu.memref_slice %arg7[%dma_wait3A_258, %dma_wait3A_261, %dma_wait3A_262] : memref<2x96x128xf32, #tpu.memory_space<vmem>> -> memref<1x96x128xf32, #tpu.memory_space<vmem>>
    %dma_wait3A_264 = tpu.memref_squeeze %dma_wait3A_263 : memref<1x96x128xf32, #tpu.memory_space<vmem>> -> memref<96x128xf32, #tpu.memory_space<vmem>>
    %dma_wait3A_265 = arith.constant 0 : i32
    %dma_wait3A_266 = tpu.memref_slice %arg6[%dma_wait3A_259, %dma_wait3A_260, %dma_wait3A_265] : memref<4x2x96xi32, #tpu.memory_space<vmem>> -> memref<1x1x96xi32, #tpu.memory_space<vmem>>
    %dma_wait3A_267 = tpu.memref_squeeze %dma_wait3A_266 : memref<1x1x96xi32, #tpu.memory_space<vmem>> -> memref<96xi32, #tpu.memory_space<vmem>>
    %dma_wait3A_268 = arith.constant 0 : i32
    %dma_wait3A_269 = arith.constant 0 : i32
    %dma_wait3A_270 = tpu.memref_slice %arg14[%dma_wait3A_268, %dma_wait3A_269] : memref<10000x128xf32, #tpu.memory_space<vmem_shared>> -> memref<10000x128xf32, #tpu.memory_space<vmem_shared>>
    tpu.wait_indirect_dma semaphore(%arg12 : memref<!tpu.dma_semaphore, #tpu.memory_space<semaphore_mem>>) src(%dma_wait3A_264 : memref<96x128xf32, #tpu.memory_space<vmem>>) dst(%dma_wait3A_270 : memref<10000x128xf32, #tpu.memory_space<vmem_shared>>)
    %dma_wait3A_271 = arith.constant 3 : i32
    %dma_wait3A_272 = arith.constant 0 : i32
    %dma_wait3A_273 = arith.constant 1 : i32
    %dma_wait3A_274 = arith.constant 0 : i32
    %dma_wait3A_275 = arith.constant 0 : i32
    %dma_wait3A_276 = tpu.memref_slice %arg7[%dma_wait3A_273, %dma_wait3A_274, %dma_wait3A_275] : memref<2x96x128xf32, #tpu.memory_space<vmem>> -> memref<1x96x128xf32, #tpu.memory_space<vmem>>
    %dma_wait3A_277 = tpu.memref_squeeze %dma_wait3A_276 : memref<1x96x128xf32, #tpu.memory_space<vmem>> -> memref<96x128xf32, #tpu.memory_space<vmem>>
    %dma_wait3A_278 = arith.constant 0 : i32
    %dma_wait3A_279 = tpu.memref_slice %arg6[%dma_wait3A_271, %dma_wait3A_272, %dma_wait3A_278] : memref<4x2x96xi32, #tpu.memory_space<vmem>> -> memref<1x1x96xi32, #tpu.memory_space<vmem>>
    %dma_wait3A_280 = tpu.memref_squeeze %dma_wait3A_279 : memref<1x1x96xi32, #tpu.memory_space<vmem>> -> memref<96xi32, #tpu.memory_space<vmem>>
    %dma_wait3A_281 = arith.constant 0 : i32
    %dma_wait3A_282 = arith.constant 0 : i32
    %dma_wait3A_283 = tpu.memref_slice %arg2[%dma_wait3A_281, %dma_wait3A_282] : memref<10000x128xf32, #tpu.memory_space<hbm>> -> memref<10000x128xf32, #tpu.memory_space<hbm>>
    tpu.wait_indirect_dma semaphore(%arg11 : memref<!tpu.dma_semaphore, #tpu.memory_space<semaphore_mem>>) src(%dma_wait3A_283 : memref<10000x128xf32, #tpu.memory_space<hbm>>) dst(%dma_wait3A_277 : memref<96x128xf32, #tpu.memory_space<vmem>>)
    %dma_start3A_284 = arith.constant 1 : i32
    %dma_start3A_285 = arith.constant 3 : i32
    %dma_start3A_286 = arith.constant 1 : i32
    %dma_start3A_287 = arith.constant 0 : i32
    %dma_start3A_288 = arith.constant 0 : i32
    %dma_start3A_289 = tpu.memref_slice %arg7[%dma_start3A_284, %dma_start3A_287, %dma_start3A_288] : memref<2x96x128xf32, #tpu.memory_space<vmem>> -> memref<1x96x128xf32, #tpu.memory_space<vmem>>
    %dma_start3A_290 = tpu.memref_squeeze %dma_start3A_289 : memref<1x96x128xf32, #tpu.memory_space<vmem>> -> memref<96x128xf32, #tpu.memory_space<vmem>>
    %dma_start3A_291 = arith.constant 0 : i32
    %dma_start3A_292 = tpu.memref_slice %arg6[%dma_start3A_285, %dma_start3A_286, %dma_start3A_291] : memref<4x2x96xi32, #tpu.memory_space<vmem>> -> memref<1x1x96xi32, #tpu.memory_space<vmem>>
    %dma_start3A_293 = tpu.memref_squeeze %dma_start3A_292 : memref<1x1x96xi32, #tpu.memory_space<vmem>> -> memref<96xi32, #tpu.memory_space<vmem>>
    %dma_start3A_294 = arith.constant 0 : i32
    %dma_start3A_295 = arith.constant 0 : i32
    %dma_start3A_296 = tpu.memref_slice %arg14[%dma_start3A_294, %dma_start3A_295] : memref<10000x128xf32, #tpu.memory_space<vmem_shared>> -> memref<10000x128xf32, #tpu.memory_space<vmem_shared>>
    tpu.enqueue_indirect_dma source(%dma_start3A_290 : memref<96x128xf32, #tpu.memory_space<vmem>>) target(%dma_start3A_296 : memref<10000x128xf32, #tpu.memory_space<vmem_shared>>) offsets(%dma_start3A_293 : memref<96xi32, #tpu.memory_space<vmem>>) semaphore(%arg12 : memref<!tpu.dma_semaphore, #tpu.memory_space<semaphore_mem>>) {add = true}
    %dma_wait3A_297 = arith.constant 1 : i32
    %dma_wait3A_298 = arith.constant 3 : i32
    %dma_wait3A_299 = arith.constant 1 : i32
    %dma_wait3A_300 = arith.constant 0 : i32
    %dma_wait3A_301 = arith.constant 0 : i32
    %dma_wait3A_302 = tpu.memref_slice %arg7[%dma_wait3A_297, %dma_wait3A_300, %dma_wait3A_301] : memref<2x96x128xf32, #tpu.memory_space<vmem>> -> memref<1x96x128xf32, #tpu.memory_space<vmem>>
    %dma_wait3A_303 = tpu.memref_squeeze %dma_wait3A_302 : memref<1x96x128xf32, #tpu.memory_space<vmem>> -> memref<96x128xf32, #tpu.memory_space<vmem>>
    %dma_wait3A_304 = arith.constant 0 : i32
    %dma_wait3A_305 = tpu.memref_slice %arg6[%dma_wait3A_298, %dma_wait3A_299, %dma_wait3A_304] : memref<4x2x96xi32, #tpu.memory_space<vmem>> -> memref<1x1x96xi32, #tpu.memory_space<vmem>>
    %dma_wait3A_306 = tpu.memref_squeeze %dma_wait3A_305 : memref<1x1x96xi32, #tpu.memory_space<vmem>> -> memref<96xi32, #tpu.memory_space<vmem>>
    %dma_wait3A_307 = arith.constant 0 : i32
    %dma_wait3A_308 = arith.constant 0 : i32
    %dma_wait3A_309 = tpu.memref_slice %arg14[%dma_wait3A_307, %dma_wait3A_308] : memref<10000x128xf32, #tpu.memory_space<vmem_shared>> -> memref<10000x128xf32, #tpu.memory_space<vmem_shared>>
    tpu.wait_indirect_dma semaphore(%arg12 : memref<!tpu.dma_semaphore, #tpu.memory_space<semaphore_mem>>) src(%dma_wait3A_303 : memref<96x128xf32, #tpu.memory_space<vmem>>) dst(%dma_wait3A_309 : memref<10000x128xf32, #tpu.memory_space<vmem_shared>>)
    %add3A_310 = arith.constant 9984 : i32
    %add3A_311 = arith.addi %mul3A_6, %add3A_310 : i32
    "tpu.region"() ({
      %run_scoped3A_342 = tpu.sem_alloc : memref<!tpu.dma_semaphore, #tpu.memory_space<semaphore_mem>>
      %dma_start3A_343 = arith.constant 0 : i32
      %dma_start3A_344 = tpu.memref_slice %arg3[%dma_start3A_343, %add3A_311] : memref<2x320000xi32, #tpu.memory_space<hbm>> -> memref<2x16xi32, #tpu.memory_space<hbm>>
      %dma_start3A_345 = arith.constant 0 : i32
      %dma_start3A_346 = tpu.memref_slice %arg3[%dma_start3A_345, %add3A_311] : memref<2x320000xi32, #tpu.memory_space<hbm>> -> memref<2x16xi32, #tpu.memory_space<hbm>>
      tpu.enqueue_dma source(%dma_start3A_346 : memref<2x16xi32, #tpu.memory_space<hbm>>) target(%arg8 : memref<2x16xi32, #tpu.memory_space<vmem>>) target_semaphore(%run_scoped3A_342 : memref<!tpu.dma_semaphore, #tpu.memory_space<semaphore_mem>>)
      %dma_wait3A_347 = arith.constant 0 : i32
      %dma_wait3A_348 = tpu.memref_slice %arg3[%dma_wait3A_347, %add3A_311] : memref<2x320000xi32, #tpu.memory_space<hbm>> -> memref<2x16xi32, #tpu.memory_space<hbm>>
      %dma_wait3A_349 = arith.constant 0 : i32
      %dma_wait3A_350 = tpu.memref_slice %arg3[%dma_wait3A_349, %add3A_311] : memref<2x320000xi32, #tpu.memory_space<hbm>> -> memref<2x16xi32, #tpu.memory_space<hbm>>
      tpu.wait_dma2 semaphore(%run_scoped3A_342 : memref<!tpu.dma_semaphore, #tpu.memory_space<semaphore_mem>>) src(%dma_wait3A_350 : memref<2x16xi32, #tpu.memory_space<hbm>>) dst(%arg8 : memref<2x16xi32, #tpu.memory_space<vmem>>)
      tpu.yield
    }) : () -> ()
    %dma_start3A_312 = arith.constant 0 : i32
    %dma_start3A_313 = arith.constant 0 : i32
    %dma_start3A_314 = arith.constant 0 : i32
    %dma_start3A_315 = arith.constant 0 : i32
    %dma_start3A_316 = tpu.memref_slice %arg7[%dma_start3A_313, %dma_start3A_314, %dma_start3A_315] : memref<2x96x128xf32, #tpu.memory_space<vmem>> -> memref<1x16x128xf32, #tpu.memory_space<vmem>>
    %dma_start3A_317 = tpu.memref_squeeze %dma_start3A_316 : memref<1x16x128xf32, #tpu.memory_space<vmem>> -> memref<16x128xf32, #tpu.memory_space<vmem>>
    %dma_start3A_318 = arith.constant 0 : i32
    %dma_start3A_319 = tpu.memref_slice %arg8[%dma_start3A_312, %dma_start3A_318] : memref<2x16xi32, #tpu.memory_space<vmem>> -> memref<1x16xi32, #tpu.memory_space<vmem>>
    %dma_start3A_320 = tpu.memref_squeeze %dma_start3A_319 : memref<1x16xi32, #tpu.memory_space<vmem>> -> memref<16xi32, #tpu.memory_space<vmem>>
    %dma_start3A_321 = arith.constant 0 : i32
    %dma_start3A_322 = arith.constant 0 : i32
    %dma_start3A_323 = tpu.memref_slice %arg2[%dma_start3A_321, %dma_start3A_322] : memref<10000x128xf32, #tpu.memory_space<hbm>> -> memref<10000x128xf32, #tpu.memory_space<hbm>>
    tpu.enqueue_indirect_dma source(%dma_start3A_323 : memref<10000x128xf32, #tpu.memory_space<hbm>>) target(%dma_start3A_317 : memref<16x128xf32, #tpu.memory_space<vmem>>) offsets(%dma_start3A_320 : memref<16xi32, #tpu.memory_space<vmem>>) semaphore(%arg10 : memref<!tpu.dma_semaphore, #tpu.memory_space<semaphore_mem>>)
    %dma_wait3A_324 = arith.constant 0 : i32
    %dma_wait3A_325 = arith.constant 0 : i32
    %dma_wait3A_326 = arith.constant 0 : i32
    %dma_wait3A_327 = arith.constant 0 : i32
    %dma_wait3A_328 = tpu.memref_slice %arg7[%dma_wait3A_325, %dma_wait3A_326, %dma_wait3A_327] : memref<2x96x128xf32, #tpu.memory_space<vmem>> -> memref<1x16x128xf32, #tpu.memory_space<vmem>>
    %dma_wait3A_329 = tpu.memref_squeeze %dma_wait3A_328 : memref<1x16x128xf32, #tpu.memory_space<vmem>> -> memref<16x128xf32, #tpu.memory_space<vmem>>
    %dma_wait3A_330 = arith.constant 0 : i32
    %dma_wait3A_331 = tpu.memref_slice %arg8[%dma_wait3A_324, %dma_wait3A_330] : memref<2x16xi32, #tpu.memory_space<vmem>> -> memref<1x16xi32, #tpu.memory_space<vmem>>
    %dma_wait3A_332 = tpu.memref_squeeze %dma_wait3A_331 : memref<1x16xi32, #tpu.memory_space<vmem>> -> memref<16xi32, #tpu.memory_space<vmem>>
    %dma_wait3A_333 = arith.constant 0 : i32
    %dma_wait3A_334 = arith.constant 0 : i32
    %dma_wait3A_335 = tpu.memref_slice %arg2[%dma_wait3A_333, %dma_wait3A_334] : memref<10000x128xf32, #tpu.memory_space<hbm>> -> memref<10000x128xf32, #tpu.memory_space<hbm>>
    tpu.wait_indirect_dma semaphore(%arg10 : memref<!tpu.dma_semaphore, #tpu.memory_space<semaphore_mem>>) src(%dma_wait3A_335 : memref<10000x128xf32, #tpu.memory_space<hbm>>) dst(%dma_wait3A_329 : memref<16x128xf32, #tpu.memory_space<vmem>>)
    %run_scoped3A_336 = arith.constant 0 : i32
    %run_scoped3A_337 = arith.constant 1 : i32
    "tpu.region"() ({
      %run_scoped3A_342 = tpu.sem_alloc : memref<!tpu.dma_semaphore, #tpu.memory_space<semaphore_mem>>
      %dma_start3A_343 = arith.constant 0 : i32
      %dma_start3A_344 = arith.constant 0 : i32
      %dma_start3A_345 = tpu.memref_slice %arg7[%run_scoped3A_336, %dma_start3A_343, %dma_start3A_344] : memref<2x96x128xf32, #tpu.memory_space<vmem>> -> memref<1x16x128xf32, #tpu.memory_space<vmem>>
      %dma_start3A_346 = tpu.memref_squeeze %dma_start3A_345 : memref<1x16x128xf32, #tpu.memory_space<vmem>> -> memref<16x128xf32, #tpu.memory_space<vmem>>
      %dma_start3A_347 = arith.constant 0 : i32
      %dma_start3A_348 = tpu.memref_slice %arg8[%run_scoped3A_337, %dma_start3A_347] : memref<2x16xi32, #tpu.memory_space<vmem>> -> memref<1x16xi32, #tpu.memory_space<vmem>>
      %dma_start3A_349 = tpu.memref_squeeze %dma_start3A_348 : memref<1x16xi32, #tpu.memory_space<vmem>> -> memref<16xi32, #tpu.memory_space<vmem>>
      %dma_start3A_350 = arith.constant 0 : i32
      %dma_start3A_351 = arith.constant 0 : i32
      %dma_start3A_352 = tpu.memref_slice %arg14[%dma_start3A_350, %dma_start3A_351] : memref<10000x128xf32, #tpu.memory_space<vmem_shared>> -> memref<10000x128xf32, #tpu.memory_space<vmem_shared>>
      tpu.enqueue_indirect_dma source(%dma_start3A_346 : memref<16x128xf32, #tpu.memory_space<vmem>>) target(%dma_start3A_352 : memref<10000x128xf32, #tpu.memory_space<vmem_shared>>) offsets(%dma_start3A_349 : memref<16xi32, #tpu.memory_space<vmem>>) semaphore(%run_scoped3A_342 : memref<!tpu.dma_semaphore, #tpu.memory_space<semaphore_mem>>) {add = true}
      %dma_wait3A_353 = arith.constant 0 : i32
      %dma_wait3A_354 = arith.constant 0 : i32
      %dma_wait3A_355 = tpu.memref_slice %arg7[%run_scoped3A_336, %dma_wait3A_353, %dma_wait3A_354] : memref<2x96x128xf32, #tpu.memory_space<vmem>> -> memref<1x16x128xf32, #tpu.memory_space<vmem>>
      %dma_wait3A_356 = tpu.memref_squeeze %dma_wait3A_355 : memref<1x16x128xf32, #tpu.memory_space<vmem>> -> memref<16x128xf32, #tpu.memory_space<vmem>>
      %dma_wait3A_357 = arith.constant 0 : i32
      %dma_wait3A_358 = tpu.memref_slice %arg8[%run_scoped3A_337, %dma_wait3A_357] : memref<2x16xi32, #tpu.memory_space<vmem>> -> memref<1x16xi32, #tpu.memory_space<vmem>>
      %dma_wait3A_359 = tpu.memref_squeeze %dma_wait3A_358 : memref<1x16xi32, #tpu.memory_space<vmem>> -> memref<16xi32, #tpu.memory_space<vmem>>
      %dma_wait3A_360 = arith.constant 0 : i32
      %dma_wait3A_361 = arith.constant 0 : i32
      %dma_wait3A_362 = tpu.memref_slice %arg14[%dma_wait3A_360, %dma_wait3A_361] : memref<10000x128xf32, #tpu.memory_space<vmem_shared>> -> memref<10000x128xf32, #tpu.memory_space<vmem_shared>>
      tpu.wait_indirect_dma semaphore(%run_scoped3A_342 : memref<!tpu.dma_semaphore, #tpu.memory_space<semaphore_mem>>) src(%dma_wait3A_356 : memref<16x128xf32, #tpu.memory_space<vmem>>) dst(%dma_wait3A_362 : memref<10000x128xf32, #tpu.memory_space<vmem_shared>>)
      tpu.yield
    }) : () -> ()
    %barrier3A_338 = arith.constant 0 : index
    tpu.barrier barrier_id(%barrier3A_338)
    "tpu.region"() ({
      %run_scoped3A_342 = tpu.sem_alloc : memref<!tpu.dma_semaphore, #tpu.memory_space<semaphore_mem>>
      %dma_start3A_343 = arith.constant 0 : i32
      %dma_start3A_344 = tpu.memref_slice %arg5[%arg0, %mul3A_2, %dma_start3A_343] : memref<2x10000x128xf32, #tpu.memory_space<hbm>> -> memref<1x624x128xf32, #tpu.memory_space<hbm>>
      %dma_start3A_345 = tpu.memref_squeeze %dma_start3A_344 : memref<1x624x128xf32, #tpu.memory_space<hbm>> -> memref<624x128xf32, #tpu.memory_space<hbm>>
      %dma_start3A_346 = arith.constant 0 : i32
      %dma_start3A_347 = tpu.memref_slice %arg14[%mul3A_2, %dma_start3A_346] : memref<10000x128xf32, #tpu.memory_space<vmem_shared>> -> memref<624x128xf32, #tpu.memory_space<vmem_shared>>
      tpu.enqueue_dma source(%dma_start3A_347 : memref<624x128xf32, #tpu.memory_space<vmem_shared>>) target(%dma_start3A_345 : memref<624x128xf32, #tpu.memory_space<hbm>>) target_semaphore(%run_scoped3A_342 : memref<!tpu.dma_semaphore, #tpu.memory_space<semaphore_mem>>)
      %dma_wait3A_348 = arith.constant 0 : i32
      %dma_wait3A_349 = tpu.memref_slice %arg5[%arg0, %mul3A_2, %dma_wait3A_348] : memref<2x10000x128xf32, #tpu.memory_space<hbm>> -> memref<1x624x128xf32, #tpu.memory_space<hbm>>
      %dma_wait3A_350 = tpu.memref_squeeze %dma_wait3A_349 : memref<1x624x128xf32, #tpu.memory_space<hbm>> -> memref<624x128xf32, #tpu.memory_space<hbm>>
      %dma_wait3A_351 = arith.constant 0 : i32
      %dma_wait3A_352 = tpu.memref_slice %arg14[%mul3A_2, %dma_wait3A_351] : memref<10000x128xf32, #tpu.memory_space<vmem_shared>> -> memref<624x128xf32, #tpu.memory_space<vmem_shared>>
      tpu.wait_dma2 semaphore(%run_scoped3A_342 : memref<!tpu.dma_semaphore, #tpu.memory_space<semaphore_mem>>) src(%dma_wait3A_352 : memref<624x128xf32, #tpu.memory_space<vmem_shared>>) dst(%dma_wait3A_350 : memref<624x128xf32, #tpu.memory_space<hbm>>)
      tpu.yield
    }) : () -> ()
    %convert_element_type3A_339 = arith.extui %eq3A_3 : i1 to i32
    %cond3A_340 = arith.constant 0 : i32
    %cond3A_341 = arith.cmpi ne, %convert_element_type3A_339, %cond3A_340 : i32
    scf.if %cond3A_341 {
      "tpu.region"() ({
        %run_scoped3A_342 = tpu.sem_alloc : memref<!tpu.dma_semaphore, #tpu.memory_space<semaphore_mem>>
        %dma_start3A_343 = arith.constant 9984 : i32
        %dma_start3A_344 = arith.constant 0 : i32
        %dma_start3A_345 = tpu.memref_slice %arg5[%arg0, %dma_start3A_343, %dma_start3A_344] : memref<2x10000x128xf32, #tpu.memory_space<hbm>> -> memref<1x16x128xf32, #tpu.memory_space<hbm>>
        %dma_start3A_346 = tpu.memref_squeeze %dma_start3A_345 : memref<1x16x128xf32, #tpu.memory_space<hbm>> -> memref<16x128xf32, #tpu.memory_space<hbm>>
        %dma_start3A_347 = arith.constant 9984 : i32
        %dma_start3A_348 = arith.constant 0 : i32
        %dma_start3A_349 = tpu.memref_slice %arg14[%dma_start3A_347, %dma_start3A_348] : memref<10000x128xf32, #tpu.memory_space<vmem_shared>> -> memref<16x128xf32, #tpu.memory_space<vmem_shared>>
        tpu.enqueue_dma source(%dma_start3A_349 : memref<16x128xf32, #tpu.memory_space<vmem_shared>>) target(%dma_start3A_346 : memref<16x128xf32, #tpu.memory_space<hbm>>) target_semaphore(%run_scoped3A_342 : memref<!tpu.dma_semaphore, #tpu.memory_space<semaphore_mem>>)
        %dma_wait3A_350 = arith.constant 9984 : i32
        %dma_wait3A_351 = arith.constant 0 : i32
        %dma_wait3A_352 = tpu.memref_slice %arg5[%arg0, %dma_wait3A_350, %dma_wait3A_351] : memref<2x10000x128xf32, #tpu.memory_space<hbm>> -> memref<1x16x128xf32, #tpu.memory_space<hbm>>
        %dma_wait3A_353 = tpu.memref_squeeze %dma_wait3A_352 : memref<1x16x128xf32, #tpu.memory_space<hbm>> -> memref<16x128xf32, #tpu.memory_space<hbm>>
        %dma_wait3A_354 = arith.constant 9984 : i32
        %dma_wait3A_355 = arith.constant 0 : i32
        %dma_wait3A_356 = tpu.memref_slice %arg14[%dma_wait3A_354, %dma_wait3A_355] : memref<10000x128xf32, #tpu.memory_space<vmem_shared>> -> memref<16x128xf32, #tpu.memory_space<vmem_shared>>
        tpu.wait_dma2 semaphore(%run_scoped3A_342 : memref<!tpu.dma_semaphore, #tpu.memory_space<semaphore_mem>>) src(%dma_wait3A_356 : memref<16x128xf32, #tpu.memory_space<vmem_shared>>) dst(%dma_wait3A_353 : memref<16x128xf32, #tpu.memory_space<hbm>>)
        tpu.yield
      }) : () -> ()
    } else {
    }
    return
  }
}

#map = affine_map<(d0, d1) -> (0, 0)>
#map1 = affine_map<(d0, d1) -> (0, 0, 0)>
module attributes {stable_mosaic.version = 14 : i64} {
  func.func @body(%arg0: i32, %arg1: i32, %arg2: memref<10000x128xf32, #tpu.memory_space<hbm>>, %arg3: memref<2x320000xi32, #tpu.memory_space<hbm>>, %arg4: memref<10000x128xf32, #tpu.memory_space<hbm>>, %arg5: memref<2x10000x128xf32, #tpu.memory_space<hbm>>, %arg6: memref<2x160000xf32, #tpu.memory_space<hbm>>, %arg7: memref<4x2x104xi32, #tpu.memory_space<vmem>>, %arg8: memref<2x104x128xf32, #tpu.memory_space<vmem>>, %arg9: memref<2x16xi32, #tpu.memory_space<vmem>>, %arg10: memref<!tpu.dma_semaphore, #tpu.memory_space<semaphore_mem>>, %arg11: memref<!tpu.dma_semaphore, #tpu.memory_space<semaphore_mem>>, %arg12: memref<!tpu.dma_semaphore, #tpu.memory_space<semaphore_mem>>, %arg13: memref<!tpu.dma_semaphore, #tpu.memory_space<semaphore_mem>>, %arg14: memref<!tpu.dma_semaphore, #tpu.memory_space<semaphore_mem>>, %arg15: memref<10000x128xf32, #tpu.memory_space<vmem_shared>>, %arg16: memref<104x16xf32, #tpu.memory_space<vmem>>, %arg17: memref<156x16xf32, #tpu.memory_space<vmem>>, %arg18: memref<2496xf32, #tpu.memory_space<vmem>>, %arg19: memref<10000x16xf32, #tpu.memory_space<vmem_shared>>) attributes {dimension_semantics = [#tpu.dimension_semantics<core_parallel>, #tpu.dimension_semantics<subcore_parallel>], iteration_bounds = array<i64: 2, 16>, scalar_prefetch = 0 : i64, scratch_operands = 13 : i64, tpu.core_type = #tpu.core_type<sc_vector_subcore>, window_params = [{transform_indices = #map}, {transform_indices = #map}, {transform_indices = #map}, {transform_indices = #map1}, {transform_indices = #map}]} {
    %mul3A = arith.constant 2 : i32
    %mul3A_0 = arith.muli %arg1, %mul3A : i32
    %add3A = arith.addi %mul3A_0, %arg0 : i32
    %mul3A_1 = arith.constant 624 : i32
    %mul3A_2 = arith.muli %arg1, %mul3A_1 : i32
    %eq3A = arith.constant 15 : i32
    %eq3A_3 = arith.cmpi eq, %arg1, %eq3A : i32
    "tpu.region"() ({
      %run_scoped3A_481 = tpu.sem_alloc : memref<!tpu.dma_semaphore, #tpu.memory_space<semaphore_mem>>
      %dma_start3A_482 = arith.constant 0 : i32
      %dma_start3A_483 = tpu.memref_slice %arg15[%mul3A_2, %dma_start3A_482] : memref<10000x128xf32, #tpu.memory_space<vmem_shared>> -> memref<624x128xf32, #tpu.memory_space<vmem_shared>>
      %dma_start3A_484 = arith.constant 0 : i32
      %dma_start3A_485 = tpu.memref_slice %arg4[%mul3A_2, %dma_start3A_484] : memref<10000x128xf32, #tpu.memory_space<hbm>> -> memref<624x128xf32, #tpu.memory_space<hbm>>
      tpu.enqueue_dma source(%dma_start3A_485 : memref<624x128xf32, #tpu.memory_space<hbm>>) target(%dma_start3A_483 : memref<624x128xf32, #tpu.memory_space<vmem_shared>>) target_semaphore(%run_scoped3A_481 : memref<!tpu.dma_semaphore, #tpu.memory_space<semaphore_mem>>)
      %dma_wait3A_486 = arith.constant 0 : i32
      %dma_wait3A_487 = tpu.memref_slice %arg15[%mul3A_2, %dma_wait3A_486] : memref<10000x128xf32, #tpu.memory_space<vmem_shared>> -> memref<624x128xf32, #tpu.memory_space<vmem_shared>>
      %dma_wait3A_488 = arith.constant 0 : i32
      %dma_wait3A_489 = tpu.memref_slice %arg4[%mul3A_2, %dma_wait3A_488] : memref<10000x128xf32, #tpu.memory_space<hbm>> -> memref<624x128xf32, #tpu.memory_space<hbm>>
      tpu.wait_dma2 semaphore(%run_scoped3A_481 : memref<!tpu.dma_semaphore, #tpu.memory_space<semaphore_mem>>) src(%dma_wait3A_489 : memref<624x128xf32, #tpu.memory_space<hbm>>) dst(%dma_wait3A_487 : memref<624x128xf32, #tpu.memory_space<vmem_shared>>)
      tpu.yield
    }) : () -> ()
    %convert_element_type3A = arith.extui %eq3A_3 : i1 to i32
    %cond3A = arith.constant 0 : i32
    %cond3A_4 = arith.cmpi ne, %convert_element_type3A, %cond3A : i32
    scf.if %cond3A_4 {
      "tpu.region"() ({
        %run_scoped3A_481 = tpu.sem_alloc : memref<!tpu.dma_semaphore, #tpu.memory_space<semaphore_mem>>
        %dma_start3A_482 = arith.constant 9984 : i32
        %dma_start3A_483 = arith.constant 0 : i32
        %dma_start3A_484 = tpu.memref_slice %arg15[%dma_start3A_482, %dma_start3A_483] : memref<10000x128xf32, #tpu.memory_space<vmem_shared>> -> memref<16x128xf32, #tpu.memory_space<vmem_shared>>
        %dma_start3A_485 = arith.constant 9984 : i32
        %dma_start3A_486 = arith.constant 0 : i32
        %dma_start3A_487 = tpu.memref_slice %arg4[%dma_start3A_485, %dma_start3A_486] : memref<10000x128xf32, #tpu.memory_space<hbm>> -> memref<16x128xf32, #tpu.memory_space<hbm>>
        tpu.enqueue_dma source(%dma_start3A_487 : memref<16x128xf32, #tpu.memory_space<hbm>>) target(%dma_start3A_484 : memref<16x128xf32, #tpu.memory_space<vmem_shared>>) target_semaphore(%run_scoped3A_481 : memref<!tpu.dma_semaphore, #tpu.memory_space<semaphore_mem>>)
        %dma_wait3A_488 = arith.constant 9984 : i32
        %dma_wait3A_489 = arith.constant 0 : i32
        %dma_wait3A_490 = tpu.memref_slice %arg15[%dma_wait3A_488, %dma_wait3A_489] : memref<10000x128xf32, #tpu.memory_space<vmem_shared>> -> memref<16x128xf32, #tpu.memory_space<vmem_shared>>
        %dma_wait3A_491 = arith.constant 9984 : i32
        %dma_wait3A_492 = arith.constant 0 : i32
        %dma_wait3A_493 = tpu.memref_slice %arg4[%dma_wait3A_491, %dma_wait3A_492] : memref<10000x128xf32, #tpu.memory_space<hbm>> -> memref<16x128xf32, #tpu.memory_space<hbm>>
        tpu.wait_dma2 semaphore(%run_scoped3A_481 : memref<!tpu.dma_semaphore, #tpu.memory_space<semaphore_mem>>) src(%dma_wait3A_493 : memref<16x128xf32, #tpu.memory_space<hbm>>) dst(%dma_wait3A_490 : memref<16x128xf32, #tpu.memory_space<vmem_shared>>)
        tpu.yield
      }) : () -> ()
    } else {
    }
    %scan3A = arith.constant 0 : i32
    %scan3A_5 = arith.constant 0 : i32
    %scan3A_6 = arith.constant 104 : i32
    %scan3A_7 = arith.addi %scan3A_5, %scan3A_6 : i32
    %scan3A_8 = arith.constant 1 : i32
    scf.for %scan3A_481 = %scan3A_5 to %scan3A_7 step %scan3A_8  : i32 {
      %broadcast_in_dim3A = arith.constant 1.000000e+00 : f32
      %broadcast_in_dim3A_482 = vector.broadcast %broadcast_in_dim3A : f32 to vector<16xf32>
      %swap3A = arith.index_cast %scan3A_481 : i32 to index
      %swap3A_483 = arith.constant 0 : index
      %swap3A_484 = tpu.vector_load %arg16[%swap3A, %swap3A_483] {strides = array<i32>} : memref<104x16xf32, #tpu.memory_space<vmem>>, vector<1x16xf32>,
      %swap3A_485 = vector.shape_cast %swap3A_484 : vector<1x16xf32> to vector<16xf32>
      %swap3A_486 = vector.shape_cast %broadcast_in_dim3A_482 : vector<16xf32> to vector<1x16xf32>
      tpu.vector_store %arg16[%swap3A, %swap3A_483], %swap3A_486 {strides = array<i32>} : memref<104x16xf32, #tpu.memory_space<vmem>>, vector<1x16xf32>,
    }
    %scan3A_9 = arith.constant 104 : i32
    %scan3A_10 = arith.constant 0 : i32
    %scan3A_11 = arith.constant 0 : i32
    %scan3A_12 = arith.constant 156 : i32
    %scan3A_13 = arith.addi %scan3A_11, %scan3A_12 : i32
    %scan3A_14 = arith.constant 1 : i32
    scf.for %scan3A_481 = %scan3A_11 to %scan3A_13 step %scan3A_14  : i32 {
      %broadcast_in_dim3A = arith.constant 0.000000e+00 : f32
      %broadcast_in_dim3A_482 = vector.broadcast %broadcast_in_dim3A : f32 to vector<16xf32>
      %swap3A = arith.index_cast %scan3A_481 : i32 to index
      %swap3A_483 = arith.constant 0 : index
      %swap3A_484 = tpu.vector_load %arg17[%swap3A, %swap3A_483] {strides = array<i32>} : memref<156x16xf32, #tpu.memory_space<vmem>>, vector<1x16xf32>,
      %swap3A_485 = vector.shape_cast %swap3A_484 : vector<1x16xf32> to vector<16xf32>
      %swap3A_486 = vector.shape_cast %broadcast_in_dim3A_482 : vector<16xf32> to vector<1x16xf32>
      tpu.vector_store %arg17[%swap3A, %swap3A_483], %swap3A_486 {strides = array<i32>} : memref<156x16xf32, #tpu.memory_space<vmem>>, vector<1x16xf32>,
    }
    %scan3A_15 = arith.constant 156 : i32
    %add3A_16 = arith.constant 0 : i32
    %add3A_17 = arith.addi %mul3A_2, %add3A_16 : i32
    "tpu.region"() ({
      %run_scoped3A_481 = tpu.sem_alloc : memref<!tpu.dma_semaphore, #tpu.memory_space<semaphore_mem>>
      %dma_start3A_482 = arith.constant 0 : i32
      %dma_start3A_483 = tpu.memref_slice %arg19[%add3A_17, %dma_start3A_482] : memref<10000x16xf32, #tpu.memory_space<vmem_shared>> -> memref<156x16xf32, #tpu.memory_space<vmem_shared>>
      %dma_start3A_484 = arith.constant 0 : i32
      %dma_start3A_485 = tpu.memref_slice %arg19[%add3A_17, %dma_start3A_484] : memref<10000x16xf32, #tpu.memory_space<vmem_shared>> -> memref<156x16xf32, #tpu.memory_space<vmem_shared>>
      tpu.enqueue_dma source(%arg17 : memref<156x16xf32, #tpu.memory_space<vmem>>) target(%dma_start3A_485 : memref<156x16xf32, #tpu.memory_space<vmem_shared>>) target_semaphore(%run_scoped3A_481 : memref<!tpu.dma_semaphore, #tpu.memory_space<semaphore_mem>>)
      %dma_wait3A_486 = arith.constant 0 : i32
      %dma_wait3A_487 = tpu.memref_slice %arg19[%add3A_17, %dma_wait3A_486] : memref<10000x16xf32, #tpu.memory_space<vmem_shared>> -> memref<156x16xf32, #tpu.memory_space<vmem_shared>>
      %dma_wait3A_488 = arith.constant 0 : i32
      %dma_wait3A_489 = tpu.memref_slice %arg19[%add3A_17, %dma_wait3A_488] : memref<10000x16xf32, #tpu.memory_space<vmem_shared>> -> memref<156x16xf32, #tpu.memory_space<vmem_shared>>
      tpu.wait_dma2 semaphore(%run_scoped3A_481 : memref<!tpu.dma_semaphore, #tpu.memory_space<semaphore_mem>>) src(%arg17 : memref<156x16xf32, #tpu.memory_space<vmem>>) dst(%dma_wait3A_489 : memref<156x16xf32, #tpu.memory_space<vmem_shared>>)
      tpu.yield
    }) : () -> ()
    %add3A_18 = arith.constant 156 : i32
    %add3A_19 = arith.addi %mul3A_2, %add3A_18 : i32
    "tpu.region"() ({
      %run_scoped3A_481 = tpu.sem_alloc : memref<!tpu.dma_semaphore, #tpu.memory_space<semaphore_mem>>
      %dma_start3A_482 = arith.constant 0 : i32
      %dma_start3A_483 = tpu.memref_slice %arg19[%add3A_19, %dma_start3A_482] : memref<10000x16xf32, #tpu.memory_space<vmem_shared>> -> memref<156x16xf32, #tpu.memory_space<vmem_shared>>
      %dma_start3A_484 = arith.constant 0 : i32
      %dma_start3A_485 = tpu.memref_slice %arg19[%add3A_19, %dma_start3A_484] : memref<10000x16xf32, #tpu.memory_space<vmem_shared>> -> memref<156x16xf32, #tpu.memory_space<vmem_shared>>
      tpu.enqueue_dma source(%arg17 : memref<156x16xf32, #tpu.memory_space<vmem>>) target(%dma_start3A_485 : memref<156x16xf32, #tpu.memory_space<vmem_shared>>) target_semaphore(%run_scoped3A_481 : memref<!tpu.dma_semaphore, #tpu.memory_space<semaphore_mem>>)
      %dma_wait3A_486 = arith.constant 0 : i32
      %dma_wait3A_487 = tpu.memref_slice %arg19[%add3A_19, %dma_wait3A_486] : memref<10000x16xf32, #tpu.memory_space<vmem_shared>> -> memref<156x16xf32, #tpu.memory_space<vmem_shared>>
      %dma_wait3A_488 = arith.constant 0 : i32
      %dma_wait3A_489 = tpu.memref_slice %arg19[%add3A_19, %dma_wait3A_488] : memref<10000x16xf32, #tpu.memory_space<vmem_shared>> -> memref<156x16xf32, #tpu.memory_space<vmem_shared>>
      tpu.wait_dma2 semaphore(%run_scoped3A_481 : memref<!tpu.dma_semaphore, #tpu.memory_space<semaphore_mem>>) src(%arg17 : memref<156x16xf32, #tpu.memory_space<vmem>>) dst(%dma_wait3A_489 : memref<156x16xf32, #tpu.memory_space<vmem_shared>>)
      tpu.yield
    }) : () -> ()
    %add3A_20 = arith.constant 312 : i32
    %add3A_21 = arith.addi %mul3A_2, %add3A_20 : i32
    "tpu.region"() ({
      %run_scoped3A_481 = tpu.sem_alloc : memref<!tpu.dma_semaphore, #tpu.memory_space<semaphore_mem>>
      %dma_start3A_482 = arith.constant 0 : i32
      %dma_start3A_483 = tpu.memref_slice %arg19[%add3A_21, %dma_start3A_482] : memref<10000x16xf32, #tpu.memory_space<vmem_shared>> -> memref<156x16xf32, #tpu.memory_space<vmem_shared>>
      %dma_start3A_484 = arith.constant 0 : i32
      %dma_start3A_485 = tpu.memref_slice %arg19[%add3A_21, %dma_start3A_484] : memref<10000x16xf32, #tpu.memory_space<vmem_shared>> -> memref<156x16xf32, #tpu.memory_space<vmem_shared>>
      tpu.enqueue_dma source(%arg17 : memref<156x16xf32, #tpu.memory_space<vmem>>) target(%dma_start3A_485 : memref<156x16xf32, #tpu.memory_space<vmem_shared>>) target_semaphore(%run_scoped3A_481 : memref<!tpu.dma_semaphore, #tpu.memory_space<semaphore_mem>>)
      %dma_wait3A_486 = arith.constant 0 : i32
      %dma_wait3A_487 = tpu.memref_slice %arg19[%add3A_21, %dma_wait3A_486] : memref<10000x16xf32, #tpu.memory_space<vmem_shared>> -> memref<156x16xf32, #tpu.memory_space<vmem_shared>>
      %dma_wait3A_488 = arith.constant 0 : i32
      %dma_wait3A_489 = tpu.memref_slice %arg19[%add3A_21, %dma_wait3A_488] : memref<10000x16xf32, #tpu.memory_space<vmem_shared>> -> memref<156x16xf32, #tpu.memory_space<vmem_shared>>
      tpu.wait_dma2 semaphore(%run_scoped3A_481 : memref<!tpu.dma_semaphore, #tpu.memory_space<semaphore_mem>>) src(%arg17 : memref<156x16xf32, #tpu.memory_space<vmem>>) dst(%dma_wait3A_489 : memref<156x16xf32, #tpu.memory_space<vmem_shared>>)
      tpu.yield
    }) : () -> ()
    %add3A_22 = arith.constant 468 : i32
    %add3A_23 = arith.addi %mul3A_2, %add3A_22 : i32
    "tpu.region"() ({
      %run_scoped3A_481 = tpu.sem_alloc : memref<!tpu.dma_semaphore, #tpu.memory_space<semaphore_mem>>
      %dma_start3A_482 = arith.constant 0 : i32
      %dma_start3A_483 = tpu.memref_slice %arg19[%add3A_23, %dma_start3A_482] : memref<10000x16xf32, #tpu.memory_space<vmem_shared>> -> memref<156x16xf32, #tpu.memory_space<vmem_shared>>
      %dma_start3A_484 = arith.constant 0 : i32
      %dma_start3A_485 = tpu.memref_slice %arg19[%add3A_23, %dma_start3A_484] : memref<10000x16xf32, #tpu.memory_space<vmem_shared>> -> memref<156x16xf32, #tpu.memory_space<vmem_shared>>
      tpu.enqueue_dma source(%arg17 : memref<156x16xf32, #tpu.memory_space<vmem>>) target(%dma_start3A_485 : memref<156x16xf32, #tpu.memory_space<vmem_shared>>) target_semaphore(%run_scoped3A_481 : memref<!tpu.dma_semaphore, #tpu.memory_space<semaphore_mem>>)
      %dma_wait3A_486 = arith.constant 0 : i32
      %dma_wait3A_487 = tpu.memref_slice %arg19[%add3A_23, %dma_wait3A_486] : memref<10000x16xf32, #tpu.memory_space<vmem_shared>> -> memref<156x16xf32, #tpu.memory_space<vmem_shared>>
      %dma_wait3A_488 = arith.constant 0 : i32
      %dma_wait3A_489 = tpu.memref_slice %arg19[%add3A_23, %dma_wait3A_488] : memref<10000x16xf32, #tpu.memory_space<vmem_shared>> -> memref<156x16xf32, #tpu.memory_space<vmem_shared>>
      tpu.wait_dma2 semaphore(%run_scoped3A_481 : memref<!tpu.dma_semaphore, #tpu.memory_space<semaphore_mem>>) src(%arg17 : memref<156x16xf32, #tpu.memory_space<vmem>>) dst(%dma_wait3A_489 : memref<156x16xf32, #tpu.memory_space<vmem_shared>>)
      tpu.yield
    }) : () -> ()
    %convert_element_type3A_24 = arith.extui %eq3A_3 : i1 to i32
    %cond3A_25 = arith.constant 0 : i32
    %cond3A_26 = arith.cmpi ne, %convert_element_type3A_24, %cond3A_25 : i32
    scf.if %cond3A_26 {
      "tpu.region"() ({
        %run_scoped3A_481 = tpu.sem_alloc : memref<!tpu.dma_semaphore, #tpu.memory_space<semaphore_mem>>
        %dma_start3A_482 = arith.constant 0 : i32
        %dma_start3A_483 = arith.constant 0 : i32
        %dma_start3A_484 = tpu.memref_slice %arg17[%dma_start3A_482, %dma_start3A_483] : memref<156x16xf32, #tpu.memory_space<vmem>> -> memref<16x16xf32, #tpu.memory_space<vmem>>
        %dma_start3A_485 = arith.constant 9984 : i32
        %dma_start3A_486 = arith.constant 0 : i32
        %dma_start3A_487 = tpu.memref_slice %arg19[%dma_start3A_485, %dma_start3A_486] : memref<10000x16xf32, #tpu.memory_space<vmem_shared>> -> memref<16x16xf32, #tpu.memory_space<vmem_shared>>
        %dma_start3A_488 = arith.constant 9984 : i32
        %dma_start3A_489 = arith.constant 0 : i32
        %dma_start3A_490 = tpu.memref_slice %arg19[%dma_start3A_488, %dma_start3A_489] : memref<10000x16xf32, #tpu.memory_space<vmem_shared>> -> memref<16x16xf32, #tpu.memory_space<vmem_shared>>
        %dma_start3A_491 = arith.constant 0 : i32
        %dma_start3A_492 = arith.constant 0 : i32
        %dma_start3A_493 = tpu.memref_slice %arg17[%dma_start3A_491, %dma_start3A_492] : memref<156x16xf32, #tpu.memory_space<vmem>> -> memref<16x16xf32, #tpu.memory_space<vmem>>
        tpu.enqueue_dma source(%dma_start3A_493 : memref<16x16xf32, #tpu.memory_space<vmem>>) target(%dma_start3A_490 : memref<16x16xf32, #tpu.memory_space<vmem_shared>>) target_semaphore(%run_scoped3A_481 : memref<!tpu.dma_semaphore, #tpu.memory_space<semaphore_mem>>)
        %dma_wait3A_494 = arith.constant 0 : i32
        %dma_wait3A_495 = arith.constant 0 : i32
        %dma_wait3A_496 = tpu.memref_slice %arg17[%dma_wait3A_494, %dma_wait3A_495] : memref<156x16xf32, #tpu.memory_space<vmem>> -> memref<16x16xf32, #tpu.memory_space<vmem>>
        %dma_wait3A_497 = arith.constant 9984 : i32
        %dma_wait3A_498 = arith.constant 0 : i32
        %dma_wait3A_499 = tpu.memref_slice %arg19[%dma_wait3A_497, %dma_wait3A_498] : memref<10000x16xf32, #tpu.memory_space<vmem_shared>> -> memref<16x16xf32, #tpu.memory_space<vmem_shared>>
        %dma_wait3A_500 = arith.constant 9984 : i32
        %dma_wait3A_501 = arith.constant 0 : i32
        %dma_wait3A_502 = tpu.memref_slice %arg19[%dma_wait3A_500, %dma_wait3A_501] : memref<10000x16xf32, #tpu.memory_space<vmem_shared>> -> memref<16x16xf32, #tpu.memory_space<vmem_shared>>
        %dma_wait3A_503 = arith.constant 0 : i32
        %dma_wait3A_504 = arith.constant 0 : i32
        %dma_wait3A_505 = tpu.memref_slice %arg17[%dma_wait3A_503, %dma_wait3A_504] : memref<156x16xf32, #tpu.memory_space<vmem>> -> memref<16x16xf32, #tpu.memory_space<vmem>>
        tpu.wait_dma2 semaphore(%run_scoped3A_481 : memref<!tpu.dma_semaphore, #tpu.memory_space<semaphore_mem>>) src(%dma_wait3A_505 : memref<16x16xf32, #tpu.memory_space<vmem>>) dst(%dma_wait3A_502 : memref<16x16xf32, #tpu.memory_space<vmem_shared>>)
        tpu.yield
      }) : () -> ()
    } else {
    }
    %barrier3A = arith.constant 0 : index
    tpu.barrier barrier_id(%barrier3A)
    %mul3A_27 = arith.constant 10000 : i32
    %mul3A_28 = arith.muli %add3A, %mul3A_27 : i32
    %add3A_29 = arith.constant 0 : i32
    %add3A_30 = arith.addi %mul3A_28, %add3A_29 : i32
    %run_scoped3A = arith.constant 0 : i32
    "tpu.region"() ({
      %run_scoped3A_481 = tpu.sem_alloc : memref<!tpu.dma_semaphore, #tpu.memory_space<semaphore_mem>>
      %dma_start3A_482 = arith.constant 0 : i32
      %dma_start3A_483 = arith.constant 0 : i32
      %dma_start3A_484 = tpu.memref_slice %arg7[%run_scoped3A, %dma_start3A_482, %dma_start3A_483] : memref<4x2x104xi32, #tpu.memory_space<vmem>> -> memref<1x2x104xi32, #tpu.memory_space<vmem>>
      %dma_start3A_485 = tpu.memref_squeeze %dma_start3A_484 : memref<1x2x104xi32, #tpu.memory_space<vmem>> -> memref<2x104xi32, #tpu.memory_space<vmem>>
      %dma_start3A_486 = arith.constant 0 : i32
      %dma_start3A_487 = tpu.memref_slice %arg3[%dma_start3A_486, %add3A_30] : memref<2x320000xi32, #tpu.memory_space<hbm>> -> memref<2x104xi32, #tpu.memory_space<hbm>>
      %dma_start3A_488 = arith.constant 0 : i32
      %dma_start3A_489 = arith.constant 0 : i32
      %dma_start3A_490 = tpu.memref_slice %arg7[%run_scoped3A, %dma_start3A_488, %dma_start3A_489] : memref<4x2x104xi32, #tpu.memory_space<vmem>> -> memref<1x2x104xi32, #tpu.memory_space<vmem>>
      %dma_start3A_491 = tpu.memref_squeeze %dma_start3A_490 : memref<1x2x104xi32, #tpu.memory_space<vmem>> -> memref<2x104xi32, #tpu.memory_space<vmem>>
      %dma_start3A_492 = arith.constant 0 : i32
      %dma_start3A_493 = tpu.memref_slice %arg3[%dma_start3A_492, %add3A_30] : memref<2x320000xi32, #tpu.memory_space<hbm>> -> memref<2x104xi32, #tpu.memory_space<hbm>>
      tpu.enqueue_dma source(%dma_start3A_493 : memref<2x104xi32, #tpu.memory_space<hbm>>) target(%dma_start3A_491 : memref<2x104xi32, #tpu.memory_space<vmem>>) target_semaphore(%run_scoped3A_481 : memref<!tpu.dma_semaphore, #tpu.memory_space<semaphore_mem>>)
      %dma_wait3A_494 = arith.constant 0 : i32
      %dma_wait3A_495 = arith.constant 0 : i32
      %dma_wait3A_496 = tpu.memref_slice %arg7[%run_scoped3A, %dma_wait3A_494, %dma_wait3A_495] : memref<4x2x104xi32, #tpu.memory_space<vmem>> -> memref<1x2x104xi32, #tpu.memory_space<vmem>>
      %dma_wait3A_497 = tpu.memref_squeeze %dma_wait3A_496 : memref<1x2x104xi32, #tpu.memory_space<vmem>> -> memref<2x104xi32, #tpu.memory_space<vmem>>
      %dma_wait3A_498 = arith.constant 0 : i32
      %dma_wait3A_499 = tpu.memref_slice %arg3[%dma_wait3A_498, %add3A_30] : memref<2x320000xi32, #tpu.memory_space<hbm>> -> memref<2x104xi32, #tpu.memory_space<hbm>>
      %dma_wait3A_500 = arith.constant 0 : i32
      %dma_wait3A_501 = arith.constant 0 : i32
      %dma_wait3A_502 = tpu.memref_slice %arg7[%run_scoped3A, %dma_wait3A_500, %dma_wait3A_501] : memref<4x2x104xi32, #tpu.memory_space<vmem>> -> memref<1x2x104xi32, #tpu.memory_space<vmem>>
      %dma_wait3A_503 = tpu.memref_squeeze %dma_wait3A_502 : memref<1x2x104xi32, #tpu.memory_space<vmem>> -> memref<2x104xi32, #tpu.memory_space<vmem>>
      %dma_wait3A_504 = arith.constant 0 : i32
      %dma_wait3A_505 = tpu.memref_slice %arg3[%dma_wait3A_504, %add3A_30] : memref<2x320000xi32, #tpu.memory_space<hbm>> -> memref<2x104xi32, #tpu.memory_space<hbm>>
      tpu.wait_dma2 semaphore(%run_scoped3A_481 : memref<!tpu.dma_semaphore, #tpu.memory_space<semaphore_mem>>) src(%dma_wait3A_505 : memref<2x104xi32, #tpu.memory_space<hbm>>) dst(%dma_wait3A_503 : memref<2x104xi32, #tpu.memory_space<vmem>>)
      tpu.yield
    }) : () -> ()
    %dma_start3A = arith.constant 0 : i32
    %dma_start3A_31 = arith.constant 0 : i32
    %dma_start3A_32 = arith.constant 0 : i32
    %dma_start3A_33 = arith.constant 0 : i32
    %dma_start3A_34 = arith.constant 0 : i32
    %dma_start3A_35 = tpu.memref_slice %arg8[%dma_start3A_32, %dma_start3A_33, %dma_start3A_34] : memref<2x104x128xf32, #tpu.memory_space<vmem>> -> memref<1x104x128xf32, #tpu.memory_space<vmem>>
    %dma_start3A_36 = tpu.memref_squeeze %dma_start3A_35 : memref<1x104x128xf32, #tpu.memory_space<vmem>> -> memref<104x128xf32, #tpu.memory_space<vmem>>
    %dma_start3A_37 = arith.constant 0 : i32
    %dma_start3A_38 = tpu.memref_slice %arg7[%dma_start3A, %dma_start3A_31, %dma_start3A_37] : memref<4x2x104xi32, #tpu.memory_space<vmem>> -> memref<1x1x104xi32, #tpu.memory_space<vmem>>
    %dma_start3A_39 = tpu.memref_squeeze %dma_start3A_38 : memref<1x1x104xi32, #tpu.memory_space<vmem>> -> memref<104xi32, #tpu.memory_space<vmem>>
    %dma_start3A_40 = arith.constant 0 : i32
    %dma_start3A_41 = arith.constant 0 : i32
    %dma_start3A_42 = tpu.memref_slice %arg2[%dma_start3A_40, %dma_start3A_41] : memref<10000x128xf32, #tpu.memory_space<hbm>> -> memref<10000x128xf32, #tpu.memory_space<hbm>>
    tpu.enqueue_indirect_dma source(%dma_start3A_42 : memref<10000x128xf32, #tpu.memory_space<hbm>>) target(%dma_start3A_36 : memref<104x128xf32, #tpu.memory_space<vmem>>) offsets(%dma_start3A_39 : memref<104xi32, #tpu.memory_space<vmem>>) semaphore(%arg11 : memref<!tpu.dma_semaphore, #tpu.memory_space<semaphore_mem>>)
    %add3A_43 = arith.constant 104 : i32
    %add3A_44 = arith.addi %mul3A_28, %add3A_43 : i32
    %dma_start3A_45 = arith.constant 1 : i32
    %dma_start3A_46 = arith.constant 0 : i32
    %dma_start3A_47 = arith.constant 0 : i32
    %dma_start3A_48 = tpu.memref_slice %arg7[%dma_start3A_45, %dma_start3A_46, %dma_start3A_47] : memref<4x2x104xi32, #tpu.memory_space<vmem>> -> memref<1x2x104xi32, #tpu.memory_space<vmem>>
    %dma_start3A_49 = tpu.memref_squeeze %dma_start3A_48 : memref<1x2x104xi32, #tpu.memory_space<vmem>> -> memref<2x104xi32, #tpu.memory_space<vmem>>
    %dma_start3A_50 = arith.constant 0 : i32
    %dma_start3A_51 = tpu.memref_slice %arg3[%dma_start3A_50, %add3A_44] : memref<2x320000xi32, #tpu.memory_space<hbm>> -> memref<2x104xi32, #tpu.memory_space<hbm>>
    %dma_start3A_52 = arith.constant 0 : i32
    %dma_start3A_53 = arith.constant 0 : i32
    %dma_start3A_54 = tpu.memref_slice %arg7[%dma_start3A_45, %dma_start3A_52, %dma_start3A_53] : memref<4x2x104xi32, #tpu.memory_space<vmem>> -> memref<1x2x104xi32, #tpu.memory_space<vmem>>
    %dma_start3A_55 = tpu.memref_squeeze %dma_start3A_54 : memref<1x2x104xi32, #tpu.memory_space<vmem>> -> memref<2x104xi32, #tpu.memory_space<vmem>>
    %dma_start3A_56 = arith.constant 0 : i32
    %dma_start3A_57 = tpu.memref_slice %arg3[%dma_start3A_56, %add3A_44] : memref<2x320000xi32, #tpu.memory_space<hbm>> -> memref<2x104xi32, #tpu.memory_space<hbm>>
    tpu.enqueue_dma source(%dma_start3A_57 : memref<2x104xi32, #tpu.memory_space<hbm>>) target(%dma_start3A_55 : memref<2x104xi32, #tpu.memory_space<vmem>>) target_semaphore(%arg10 : memref<!tpu.dma_semaphore, #tpu.memory_space<semaphore_mem>>)
    %add3A_58 = arith.constant 0 : i32
    %add3A_59 = arith.addi %mul3A_28, %add3A_58 : i32
    %dma_wait3A = arith.constant 1 : i32
    %dma_wait3A_60 = arith.constant 0 : i32
    %dma_wait3A_61 = arith.constant 0 : i32
    %dma_wait3A_62 = tpu.memref_slice %arg7[%dma_wait3A, %dma_wait3A_60, %dma_wait3A_61] : memref<4x2x104xi32, #tpu.memory_space<vmem>> -> memref<1x2x104xi32, #tpu.memory_space<vmem>>
    %dma_wait3A_63 = tpu.memref_squeeze %dma_wait3A_62 : memref<1x2x104xi32, #tpu.memory_space<vmem>> -> memref<2x104xi32, #tpu.memory_space<vmem>>
    %dma_wait3A_64 = arith.constant 0 : i32
    %dma_wait3A_65 = tpu.memref_slice %arg3[%dma_wait3A_64, %add3A_59] : memref<2x320000xi32, #tpu.memory_space<hbm>> -> memref<2x104xi32, #tpu.memory_space<hbm>>
    %dma_wait3A_66 = arith.constant 0 : i32
    %dma_wait3A_67 = arith.constant 0 : i32
    %dma_wait3A_68 = tpu.memref_slice %arg7[%dma_wait3A, %dma_wait3A_66, %dma_wait3A_67] : memref<4x2x104xi32, #tpu.memory_space<vmem>> -> memref<1x2x104xi32, #tpu.memory_space<vmem>>
    %dma_wait3A_69 = tpu.memref_squeeze %dma_wait3A_68 : memref<1x2x104xi32, #tpu.memory_space<vmem>> -> memref<2x104xi32, #tpu.memory_space<vmem>>
    %dma_wait3A_70 = arith.constant 0 : i32
    %dma_wait3A_71 = tpu.memref_slice %arg3[%dma_wait3A_70, %add3A_59] : memref<2x320000xi32, #tpu.memory_space<hbm>> -> memref<2x104xi32, #tpu.memory_space<hbm>>
    tpu.wait_dma2 semaphore(%arg10 : memref<!tpu.dma_semaphore, #tpu.memory_space<semaphore_mem>>) src(%dma_wait3A_71 : memref<2x104xi32, #tpu.memory_space<hbm>>) dst(%dma_wait3A_69 : memref<2x104xi32, #tpu.memory_space<vmem>>)
    %dma_start3A_72 = arith.constant 1 : i32
    %dma_start3A_73 = arith.constant 0 : i32
    %dma_start3A_74 = arith.constant 1 : i32
    %dma_start3A_75 = arith.constant 0 : i32
    %dma_start3A_76 = arith.constant 0 : i32
    %dma_start3A_77 = tpu.memref_slice %arg8[%dma_start3A_74, %dma_start3A_75, %dma_start3A_76] : memref<2x104x128xf32, #tpu.memory_space<vmem>> -> memref<1x104x128xf32, #tpu.memory_space<vmem>>
    %dma_start3A_78 = tpu.memref_squeeze %dma_start3A_77 : memref<1x104x128xf32, #tpu.memory_space<vmem>> -> memref<104x128xf32, #tpu.memory_space<vmem>>
    %dma_start3A_79 = arith.constant 0 : i32
    %dma_start3A_80 = tpu.memref_slice %arg7[%dma_start3A_72, %dma_start3A_73, %dma_start3A_79] : memref<4x2x104xi32, #tpu.memory_space<vmem>> -> memref<1x1x104xi32, #tpu.memory_space<vmem>>
    %dma_start3A_81 = tpu.memref_squeeze %dma_start3A_80 : memref<1x1x104xi32, #tpu.memory_space<vmem>> -> memref<104xi32, #tpu.memory_space<vmem>>
    %dma_start3A_82 = arith.constant 0 : i32
    %dma_start3A_83 = arith.constant 0 : i32
    %dma_start3A_84 = tpu.memref_slice %arg2[%dma_start3A_82, %dma_start3A_83] : memref<10000x128xf32, #tpu.memory_space<hbm>> -> memref<10000x128xf32, #tpu.memory_space<hbm>>
    tpu.enqueue_indirect_dma source(%dma_start3A_84 : memref<10000x128xf32, #tpu.memory_space<hbm>>) target(%dma_start3A_78 : memref<104x128xf32, #tpu.memory_space<vmem>>) offsets(%dma_start3A_81 : memref<104xi32, #tpu.memory_space<vmem>>) semaphore(%arg12 : memref<!tpu.dma_semaphore, #tpu.memory_space<semaphore_mem>>)
    %add3A_85 = arith.constant 208 : i32
    %add3A_86 = arith.addi %mul3A_28, %add3A_85 : i32
    %dma_start3A_87 = arith.constant 2 : i32
    %dma_start3A_88 = arith.constant 0 : i32
    %dma_start3A_89 = arith.constant 0 : i32
    %dma_start3A_90 = tpu.memref_slice %arg7[%dma_start3A_87, %dma_start3A_88, %dma_start3A_89] : memref<4x2x104xi32, #tpu.memory_space<vmem>> -> memref<1x2x104xi32, #tpu.memory_space<vmem>>
    %dma_start3A_91 = tpu.memref_squeeze %dma_start3A_90 : memref<1x2x104xi32, #tpu.memory_space<vmem>> -> memref<2x104xi32, #tpu.memory_space<vmem>>
    %dma_start3A_92 = arith.constant 0 : i32
    %dma_start3A_93 = tpu.memref_slice %arg3[%dma_start3A_92, %add3A_86] : memref<2x320000xi32, #tpu.memory_space<hbm>> -> memref<2x104xi32, #tpu.memory_space<hbm>>
    %dma_start3A_94 = arith.constant 0 : i32
    %dma_start3A_95 = arith.constant 0 : i32
    %dma_start3A_96 = tpu.memref_slice %arg7[%dma_start3A_87, %dma_start3A_94, %dma_start3A_95] : memref<4x2x104xi32, #tpu.memory_space<vmem>> -> memref<1x2x104xi32, #tpu.memory_space<vmem>>
    %dma_start3A_97 = tpu.memref_squeeze %dma_start3A_96 : memref<1x2x104xi32, #tpu.memory_space<vmem>> -> memref<2x104xi32, #tpu.memory_space<vmem>>
    %dma_start3A_98 = arith.constant 0 : i32
    %dma_start3A_99 = tpu.memref_slice %arg3[%dma_start3A_98, %add3A_86] : memref<2x320000xi32, #tpu.memory_space<hbm>> -> memref<2x104xi32, #tpu.memory_space<hbm>>
    tpu.enqueue_dma source(%dma_start3A_99 : memref<2x104xi32, #tpu.memory_space<hbm>>) target(%dma_start3A_97 : memref<2x104xi32, #tpu.memory_space<vmem>>) target_semaphore(%arg10 : memref<!tpu.dma_semaphore, #tpu.memory_space<semaphore_mem>>)
    %dma_wait3A_100 = arith.constant 0 : i32
    %dma_wait3A_101 = arith.constant 0 : i32
    %dma_wait3A_102 = arith.constant 0 : i32
    %dma_wait3A_103 = arith.constant 0 : i32
    %dma_wait3A_104 = arith.constant 0 : i32
    %dma_wait3A_105 = tpu.memref_slice %arg8[%dma_wait3A_102, %dma_wait3A_103, %dma_wait3A_104] : memref<2x104x128xf32, #tpu.memory_space<vmem>> -> memref<1x104x128xf32, #tpu.memory_space<vmem>>
    %dma_wait3A_106 = tpu.memref_squeeze %dma_wait3A_105 : memref<1x104x128xf32, #tpu.memory_space<vmem>> -> memref<104x128xf32, #tpu.memory_space<vmem>>
    %dma_wait3A_107 = arith.constant 0 : i32
    %dma_wait3A_108 = tpu.memref_slice %arg7[%dma_wait3A_100, %dma_wait3A_101, %dma_wait3A_107] : memref<4x2x104xi32, #tpu.memory_space<vmem>> -> memref<1x1x104xi32, #tpu.memory_space<vmem>>
    %dma_wait3A_109 = tpu.memref_squeeze %dma_wait3A_108 : memref<1x1x104xi32, #tpu.memory_space<vmem>> -> memref<104xi32, #tpu.memory_space<vmem>>
    %dma_wait3A_110 = arith.constant 0 : i32
    %dma_wait3A_111 = arith.constant 0 : i32
    %dma_wait3A_112 = tpu.memref_slice %arg2[%dma_wait3A_110, %dma_wait3A_111] : memref<10000x128xf32, #tpu.memory_space<hbm>> -> memref<10000x128xf32, #tpu.memory_space<hbm>>
    tpu.wait_indirect_dma semaphore(%arg11 : memref<!tpu.dma_semaphore, #tpu.memory_space<semaphore_mem>>) src(%dma_wait3A_112 : memref<10000x128xf32, #tpu.memory_space<hbm>>) dst(%dma_wait3A_106 : memref<104x128xf32, #tpu.memory_space<vmem>>)
    %dma_start3A_113 = arith.constant 0 : i32
    %dma_start3A_114 = arith.constant 0 : i32
    %dma_start3A_115 = arith.constant 1 : i32
    %dma_start3A_116 = arith.constant 0 : i32
    %dma_start3A_117 = arith.constant 0 : i32
    %dma_start3A_118 = tpu.memref_slice %arg8[%dma_start3A_113, %dma_start3A_116, %dma_start3A_117] : memref<2x104x128xf32, #tpu.memory_space<vmem>> -> memref<1x104x128xf32, #tpu.memory_space<vmem>>
    %dma_start3A_119 = tpu.memref_squeeze %dma_start3A_118 : memref<1x104x128xf32, #tpu.memory_space<vmem>> -> memref<104x128xf32, #tpu.memory_space<vmem>>
    %dma_start3A_120 = arith.constant 0 : i32
    %dma_start3A_121 = tpu.memref_slice %arg7[%dma_start3A_114, %dma_start3A_115, %dma_start3A_120] : memref<4x2x104xi32, #tpu.memory_space<vmem>> -> memref<1x1x104xi32, #tpu.memory_space<vmem>>
    %dma_start3A_122 = tpu.memref_squeeze %dma_start3A_121 : memref<1x1x104xi32, #tpu.memory_space<vmem>> -> memref<104xi32, #tpu.memory_space<vmem>>
    %dma_start3A_123 = arith.constant 0 : i32
    %dma_start3A_124 = arith.constant 0 : i32
    %dma_start3A_125 = tpu.memref_slice %arg15[%dma_start3A_123, %dma_start3A_124] : memref<10000x128xf32, #tpu.memory_space<vmem_shared>> -> memref<10000x128xf32, #tpu.memory_space<vmem_shared>>
    tpu.enqueue_indirect_dma source(%dma_start3A_119 : memref<104x128xf32, #tpu.memory_space<vmem>>) target(%dma_start3A_125 : memref<10000x128xf32, #tpu.memory_space<vmem_shared>>) offsets(%dma_start3A_122 : memref<104xi32, #tpu.memory_space<vmem>>) semaphore(%arg13 : memref<!tpu.dma_semaphore, #tpu.memory_space<semaphore_mem>>) {add = true}
    %dma_start3A_126 = arith.constant 0 : i32
    %dma_start3A_127 = arith.constant 1 : i32
    %dma_start3A_128 = arith.constant 0 : i32
    %dma_start3A_129 = tpu.memref_slice %arg7[%dma_start3A_126, %dma_start3A_127, %dma_start3A_128] : memref<4x2x104xi32, #tpu.memory_space<vmem>> -> memref<1x1x104xi32, #tpu.memory_space<vmem>>
    %dma_start3A_130 = tpu.memref_squeeze %dma_start3A_129 : memref<1x1x104xi32, #tpu.memory_space<vmem>> -> memref<104xi32, #tpu.memory_space<vmem>>
    %dma_start3A_131 = arith.constant 0 : i32
    %dma_start3A_132 = arith.constant 0 : i32
    %dma_start3A_133 = tpu.memref_slice %arg19[%dma_start3A_131, %dma_start3A_132] : memref<10000x16xf32, #tpu.memory_space<vmem_shared>> -> memref<10000x16xf32, #tpu.memory_space<vmem_shared>>
    tpu.enqueue_indirect_dma source(%arg16 : memref<104x16xf32, #tpu.memory_space<vmem>>) target(%dma_start3A_133 : memref<10000x16xf32, #tpu.memory_space<vmem_shared>>) offsets(%dma_start3A_130 : memref<104xi32, #tpu.memory_space<vmem>>) semaphore(%arg14 : memref<!tpu.dma_semaphore, #tpu.memory_space<semaphore_mem>>) {add = true}
    %add3A_134 = arith.constant 0 : i32
    %add3A_135 = arith.addi %mul3A_28, %add3A_134 : i32
    %dma_wait3A_136 = arith.constant 2 : i32
    %dma_wait3A_137 = arith.constant 0 : i32
    %dma_wait3A_138 = arith.constant 0 : i32
    %dma_wait3A_139 = tpu.memref_slice %arg7[%dma_wait3A_136, %dma_wait3A_137, %dma_wait3A_138] : memref<4x2x104xi32, #tpu.memory_space<vmem>> -> memref<1x2x104xi32, #tpu.memory_space<vmem>>
    %dma_wait3A_140 = tpu.memref_squeeze %dma_wait3A_139 : memref<1x2x104xi32, #tpu.memory_space<vmem>> -> memref<2x104xi32, #tpu.memory_space<vmem>>
    %dma_wait3A_141 = arith.constant 0 : i32
    %dma_wait3A_142 = tpu.memref_slice %arg3[%dma_wait3A_141, %add3A_135] : memref<2x320000xi32, #tpu.memory_space<hbm>> -> memref<2x104xi32, #tpu.memory_space<hbm>>
    %dma_wait3A_143 = arith.constant 0 : i32
    %dma_wait3A_144 = arith.constant 0 : i32
    %dma_wait3A_145 = tpu.memref_slice %arg7[%dma_wait3A_136, %dma_wait3A_143, %dma_wait3A_144] : memref<4x2x104xi32, #tpu.memory_space<vmem>> -> memref<1x2x104xi32, #tpu.memory_space<vmem>>
    %dma_wait3A_146 = tpu.memref_squeeze %dma_wait3A_145 : memref<1x2x104xi32, #tpu.memory_space<vmem>> -> memref<2x104xi32, #tpu.memory_space<vmem>>
    %dma_wait3A_147 = arith.constant 0 : i32
    %dma_wait3A_148 = tpu.memref_slice %arg3[%dma_wait3A_147, %add3A_135] : memref<2x320000xi32, #tpu.memory_space<hbm>> -> memref<2x104xi32, #tpu.memory_space<hbm>>
    tpu.wait_dma2 semaphore(%arg10 : memref<!tpu.dma_semaphore, #tpu.memory_space<semaphore_mem>>) src(%dma_wait3A_148 : memref<2x104xi32, #tpu.memory_space<hbm>>) dst(%dma_wait3A_146 : memref<2x104xi32, #tpu.memory_space<vmem>>)
    %dma_wait3A_149 = arith.constant 0 : i32
    %dma_wait3A_150 = arith.constant 0 : i32
    %dma_wait3A_151 = arith.constant 1 : i32
    %dma_wait3A_152 = arith.constant 0 : i32
    %dma_wait3A_153 = arith.constant 0 : i32
    %dma_wait3A_154 = tpu.memref_slice %arg8[%dma_wait3A_149, %dma_wait3A_152, %dma_wait3A_153] : memref<2x104x128xf32, #tpu.memory_space<vmem>> -> memref<1x104x128xf32, #tpu.memory_space<vmem>>
    %dma_wait3A_155 = tpu.memref_squeeze %dma_wait3A_154 : memref<1x104x128xf32, #tpu.memory_space<vmem>> -> memref<104x128xf32, #tpu.memory_space<vmem>>
    %dma_wait3A_156 = arith.constant 0 : i32
    %dma_wait3A_157 = tpu.memref_slice %arg7[%dma_wait3A_150, %dma_wait3A_151, %dma_wait3A_156] : memref<4x2x104xi32, #tpu.memory_space<vmem>> -> memref<1x1x104xi32, #tpu.memory_space<vmem>>
    %dma_wait3A_158 = tpu.memref_squeeze %dma_wait3A_157 : memref<1x1x104xi32, #tpu.memory_space<vmem>> -> memref<104xi32, #tpu.memory_space<vmem>>
    %dma_wait3A_159 = arith.constant 0 : i32
    %dma_wait3A_160 = arith.constant 0 : i32
    %dma_wait3A_161 = tpu.memref_slice %arg15[%dma_wait3A_159, %dma_wait3A_160] : memref<10000x128xf32, #tpu.memory_space<vmem_shared>> -> memref<10000x128xf32, #tpu.memory_space<vmem_shared>>
    tpu.wait_indirect_dma semaphore(%arg13 : memref<!tpu.dma_semaphore, #tpu.memory_space<semaphore_mem>>) src(%dma_wait3A_155 : memref<104x128xf32, #tpu.memory_space<vmem>>) dst(%dma_wait3A_161 : memref<10000x128xf32, #tpu.memory_space<vmem_shared>>)
    %dma_wait3A_162 = arith.constant 0 : i32
    %dma_wait3A_163 = arith.constant 1 : i32
    %dma_wait3A_164 = arith.constant 0 : i32
    %dma_wait3A_165 = tpu.memref_slice %arg7[%dma_wait3A_162, %dma_wait3A_163, %dma_wait3A_164] : memref<4x2x104xi32, #tpu.memory_space<vmem>> -> memref<1x1x104xi32, #tpu.memory_space<vmem>>
    %dma_wait3A_166 = tpu.memref_squeeze %dma_wait3A_165 : memref<1x1x104xi32, #tpu.memory_space<vmem>> -> memref<104xi32, #tpu.memory_space<vmem>>
    %dma_wait3A_167 = arith.constant 0 : i32
    %dma_wait3A_168 = arith.constant 0 : i32
    %dma_wait3A_169 = tpu.memref_slice %arg19[%dma_wait3A_167, %dma_wait3A_168] : memref<10000x16xf32, #tpu.memory_space<vmem_shared>> -> memref<10000x16xf32, #tpu.memory_space<vmem_shared>>
    tpu.wait_indirect_dma semaphore(%arg14 : memref<!tpu.dma_semaphore, #tpu.memory_space<semaphore_mem>>) src(%arg16 : memref<104x16xf32, #tpu.memory_space<vmem>>) dst(%dma_wait3A_169 : memref<10000x16xf32, #tpu.memory_space<vmem_shared>>)
    %dma_start3A_170 = arith.constant 2 : i32
    %dma_start3A_171 = arith.constant 0 : i32
    %dma_start3A_172 = arith.constant 0 : i32
    %dma_start3A_173 = arith.constant 0 : i32
    %dma_start3A_174 = arith.constant 0 : i32
    %dma_start3A_175 = tpu.memref_slice %arg8[%dma_start3A_172, %dma_start3A_173, %dma_start3A_174] : memref<2x104x128xf32, #tpu.memory_space<vmem>> -> memref<1x104x128xf32, #tpu.memory_space<vmem>>
    %dma_start3A_176 = tpu.memref_squeeze %dma_start3A_175 : memref<1x104x128xf32, #tpu.memory_space<vmem>> -> memref<104x128xf32, #tpu.memory_space<vmem>>
    %dma_start3A_177 = arith.constant 0 : i32
    %dma_start3A_178 = tpu.memref_slice %arg7[%dma_start3A_170, %dma_start3A_171, %dma_start3A_177] : memref<4x2x104xi32, #tpu.memory_space<vmem>> -> memref<1x1x104xi32, #tpu.memory_space<vmem>>
    %dma_start3A_179 = tpu.memref_squeeze %dma_start3A_178 : memref<1x1x104xi32, #tpu.memory_space<vmem>> -> memref<104xi32, #tpu.memory_space<vmem>>
    %dma_start3A_180 = arith.constant 0 : i32
    %dma_start3A_181 = arith.constant 0 : i32
    %dma_start3A_182 = tpu.memref_slice %arg2[%dma_start3A_180, %dma_start3A_181] : memref<10000x128xf32, #tpu.memory_space<hbm>> -> memref<10000x128xf32, #tpu.memory_space<hbm>>
    tpu.enqueue_indirect_dma source(%dma_start3A_182 : memref<10000x128xf32, #tpu.memory_space<hbm>>) target(%dma_start3A_176 : memref<104x128xf32, #tpu.memory_space<vmem>>) offsets(%dma_start3A_179 : memref<104xi32, #tpu.memory_space<vmem>>) semaphore(%arg11 : memref<!tpu.dma_semaphore, #tpu.memory_space<semaphore_mem>>)
    %add3A_183 = arith.constant 312 : i32
    %add3A_184 = arith.addi %mul3A_28, %add3A_183 : i32
    %dma_start3A_185 = arith.constant 3 : i32
    %dma_start3A_186 = arith.constant 0 : i32
    %dma_start3A_187 = arith.constant 0 : i32
    %dma_start3A_188 = tpu.memref_slice %arg7[%dma_start3A_185, %dma_start3A_186, %dma_start3A_187] : memref<4x2x104xi32, #tpu.memory_space<vmem>> -> memref<1x2x104xi32, #tpu.memory_space<vmem>>
    %dma_start3A_189 = tpu.memref_squeeze %dma_start3A_188 : memref<1x2x104xi32, #tpu.memory_space<vmem>> -> memref<2x104xi32, #tpu.memory_space<vmem>>
    %dma_start3A_190 = arith.constant 0 : i32
    %dma_start3A_191 = tpu.memref_slice %arg3[%dma_start3A_190, %add3A_184] : memref<2x320000xi32, #tpu.memory_space<hbm>> -> memref<2x104xi32, #tpu.memory_space<hbm>>
    %dma_start3A_192 = arith.constant 0 : i32
    %dma_start3A_193 = arith.constant 0 : i32
    %dma_start3A_194 = tpu.memref_slice %arg7[%dma_start3A_185, %dma_start3A_192, %dma_start3A_193] : memref<4x2x104xi32, #tpu.memory_space<vmem>> -> memref<1x2x104xi32, #tpu.memory_space<vmem>>
    %dma_start3A_195 = tpu.memref_squeeze %dma_start3A_194 : memref<1x2x104xi32, #tpu.memory_space<vmem>> -> memref<2x104xi32, #tpu.memory_space<vmem>>
    %dma_start3A_196 = arith.constant 0 : i32
    %dma_start3A_197 = tpu.memref_slice %arg3[%dma_start3A_196, %add3A_184] : memref<2x320000xi32, #tpu.memory_space<hbm>> -> memref<2x104xi32, #tpu.memory_space<hbm>>
    tpu.enqueue_dma source(%dma_start3A_197 : memref<2x104xi32, #tpu.memory_space<hbm>>) target(%dma_start3A_195 : memref<2x104xi32, #tpu.memory_space<vmem>>) target_semaphore(%arg10 : memref<!tpu.dma_semaphore, #tpu.memory_space<semaphore_mem>>)
    %dma_wait3A_198 = arith.constant 1 : i32
    %dma_wait3A_199 = arith.constant 0 : i32
    %dma_wait3A_200 = arith.constant 1 : i32
    %dma_wait3A_201 = arith.constant 0 : i32
    %dma_wait3A_202 = arith.constant 0 : i32
    %dma_wait3A_203 = tpu.memref_slice %arg8[%dma_wait3A_200, %dma_wait3A_201, %dma_wait3A_202] : memref<2x104x128xf32, #tpu.memory_space<vmem>> -> memref<1x104x128xf32, #tpu.memory_space<vmem>>
    %dma_wait3A_204 = tpu.memref_squeeze %dma_wait3A_203 : memref<1x104x128xf32, #tpu.memory_space<vmem>> -> memref<104x128xf32, #tpu.memory_space<vmem>>
    %dma_wait3A_205 = arith.constant 0 : i32
    %dma_wait3A_206 = tpu.memref_slice %arg7[%dma_wait3A_198, %dma_wait3A_199, %dma_wait3A_205] : memref<4x2x104xi32, #tpu.memory_space<vmem>> -> memref<1x1x104xi32, #tpu.memory_space<vmem>>
    %dma_wait3A_207 = tpu.memref_squeeze %dma_wait3A_206 : memref<1x1x104xi32, #tpu.memory_space<vmem>> -> memref<104xi32, #tpu.memory_space<vmem>>
    %dma_wait3A_208 = arith.constant 0 : i32
    %dma_wait3A_209 = arith.constant 0 : i32
    %dma_wait3A_210 = tpu.memref_slice %arg2[%dma_wait3A_208, %dma_wait3A_209] : memref<10000x128xf32, #tpu.memory_space<hbm>> -> memref<10000x128xf32, #tpu.memory_space<hbm>>
    tpu.wait_indirect_dma semaphore(%arg12 : memref<!tpu.dma_semaphore, #tpu.memory_space<semaphore_mem>>) src(%dma_wait3A_210 : memref<10000x128xf32, #tpu.memory_space<hbm>>) dst(%dma_wait3A_204 : memref<104x128xf32, #tpu.memory_space<vmem>>)
    %dma_start3A_211 = arith.constant 1 : i32
    %dma_start3A_212 = arith.constant 1 : i32
    %dma_start3A_213 = arith.constant 1 : i32
    %dma_start3A_214 = arith.constant 0 : i32
    %dma_start3A_215 = arith.constant 0 : i32
    %dma_start3A_216 = tpu.memref_slice %arg8[%dma_start3A_211, %dma_start3A_214, %dma_start3A_215] : memref<2x104x128xf32, #tpu.memory_space<vmem>> -> memref<1x104x128xf32, #tpu.memory_space<vmem>>
    %dma_start3A_217 = tpu.memref_squeeze %dma_start3A_216 : memref<1x104x128xf32, #tpu.memory_space<vmem>> -> memref<104x128xf32, #tpu.memory_space<vmem>>
    %dma_start3A_218 = arith.constant 0 : i32
    %dma_start3A_219 = tpu.memref_slice %arg7[%dma_start3A_212, %dma_start3A_213, %dma_start3A_218] : memref<4x2x104xi32, #tpu.memory_space<vmem>> -> memref<1x1x104xi32, #tpu.memory_space<vmem>>
    %dma_start3A_220 = tpu.memref_squeeze %dma_start3A_219 : memref<1x1x104xi32, #tpu.memory_space<vmem>> -> memref<104xi32, #tpu.memory_space<vmem>>
    %dma_start3A_221 = arith.constant 0 : i32
    %dma_start3A_222 = arith.constant 0 : i32
    %dma_start3A_223 = tpu.memref_slice %arg15[%dma_start3A_221, %dma_start3A_222] : memref<10000x128xf32, #tpu.memory_space<vmem_shared>> -> memref<10000x128xf32, #tpu.memory_space<vmem_shared>>
    tpu.enqueue_indirect_dma source(%dma_start3A_217 : memref<104x128xf32, #tpu.memory_space<vmem>>) target(%dma_start3A_223 : memref<10000x128xf32, #tpu.memory_space<vmem_shared>>) offsets(%dma_start3A_220 : memref<104xi32, #tpu.memory_space<vmem>>) semaphore(%arg13 : memref<!tpu.dma_semaphore, #tpu.memory_space<semaphore_mem>>) {add = true}
    %dma_start3A_224 = arith.constant 1 : i32
    %dma_start3A_225 = arith.constant 1 : i32
    %dma_start3A_226 = arith.constant 0 : i32
    %dma_start3A_227 = tpu.memref_slice %arg7[%dma_start3A_224, %dma_start3A_225, %dma_start3A_226] : memref<4x2x104xi32, #tpu.memory_space<vmem>> -> memref<1x1x104xi32, #tpu.memory_space<vmem>>
    %dma_start3A_228 = tpu.memref_squeeze %dma_start3A_227 : memref<1x1x104xi32, #tpu.memory_space<vmem>> -> memref<104xi32, #tpu.memory_space<vmem>>
    %dma_start3A_229 = arith.constant 0 : i32
    %dma_start3A_230 = arith.constant 0 : i32
    %dma_start3A_231 = tpu.memref_slice %arg19[%dma_start3A_229, %dma_start3A_230] : memref<10000x16xf32, #tpu.memory_space<vmem_shared>> -> memref<10000x16xf32, #tpu.memory_space<vmem_shared>>
    tpu.enqueue_indirect_dma source(%arg16 : memref<104x16xf32, #tpu.memory_space<vmem>>) target(%dma_start3A_231 : memref<10000x16xf32, #tpu.memory_space<vmem_shared>>) offsets(%dma_start3A_228 : memref<104xi32, #tpu.memory_space<vmem>>) semaphore(%arg14 : memref<!tpu.dma_semaphore, #tpu.memory_space<semaphore_mem>>) {add = true}
    %scan3A_232 = arith.constant 0 : i32
    %scan3A_233 = arith.constant 0 : i32
    %scan3A_234 = arith.constant 23 : i32
    %scan3A_235 = arith.addi %scan3A_233, %scan3A_234 : i32
    %scan3A_236 = arith.constant 1 : i32
    scf.for %scan3A_481 = %scan3A_233 to %scan3A_235 step %scan3A_236  : i32 {
      %mul3A_482 = arith.constant 4 : i32
      %mul3A_483 = arith.muli %mul3A_482, %scan3A_481 : i32
      %add3A_484 = arith.constant 2 : i32
      %add3A_485 = arith.addi %add3A_484, %mul3A_483 : i32
      %add3A_486 = arith.constant 0 : i32
      %add3A_487 = arith.addi %add3A_485, %add3A_486 : i32
      %add3A_488 = arith.constant 0 : i32
      %add3A_489 = arith.addi %mul3A_28, %add3A_488 : i32
      %dma_wait3A_490 = arith.constant 3 : i32
      %dma_wait3A_491 = arith.constant 0 : i32
      %dma_wait3A_492 = arith.constant 0 : i32
      %dma_wait3A_493 = tpu.memref_slice %arg7[%dma_wait3A_490, %dma_wait3A_491, %dma_wait3A_492] : memref<4x2x104xi32, #tpu.memory_space<vmem>> -> memref<1x2x104xi32, #tpu.memory_space<vmem>>
      %dma_wait3A_494 = tpu.memref_squeeze %dma_wait3A_493 : memref<1x2x104xi32, #tpu.memory_space<vmem>> -> memref<2x104xi32, #tpu.memory_space<vmem>>
      %dma_wait3A_495 = arith.constant 0 : i32
      %dma_wait3A_496 = tpu.memref_slice %arg3[%dma_wait3A_495, %add3A_489] : memref<2x320000xi32, #tpu.memory_space<hbm>> -> memref<2x104xi32, #tpu.memory_space<hbm>>
      %dma_wait3A_497 = arith.constant 0 : i32
      %dma_wait3A_498 = arith.constant 0 : i32
      %dma_wait3A_499 = tpu.memref_slice %arg7[%dma_wait3A_490, %dma_wait3A_497, %dma_wait3A_498] : memref<4x2x104xi32, #tpu.memory_space<vmem>> -> memref<1x2x104xi32, #tpu.memory_space<vmem>>
      %dma_wait3A_500 = tpu.memref_squeeze %dma_wait3A_499 : memref<1x2x104xi32, #tpu.memory_space<vmem>> -> memref<2x104xi32, #tpu.memory_space<vmem>>
      %dma_wait3A_501 = arith.constant 0 : i32
      %dma_wait3A_502 = tpu.memref_slice %arg3[%dma_wait3A_501, %add3A_489] : memref<2x320000xi32, #tpu.memory_space<hbm>> -> memref<2x104xi32, #tpu.memory_space<hbm>>
      tpu.wait_dma2 semaphore(%arg10 : memref<!tpu.dma_semaphore, #tpu.memory_space<semaphore_mem>>) src(%dma_wait3A_502 : memref<2x104xi32, #tpu.memory_space<hbm>>) dst(%dma_wait3A_500 : memref<2x104xi32, #tpu.memory_space<vmem>>)
      %dma_wait3A_503 = arith.constant 1 : i32
      %dma_wait3A_504 = arith.constant 1 : i32
      %dma_wait3A_505 = arith.constant 1 : i32
      %dma_wait3A_506 = arith.constant 0 : i32
      %dma_wait3A_507 = arith.constant 0 : i32
      %dma_wait3A_508 = tpu.memref_slice %arg8[%dma_wait3A_503, %dma_wait3A_506, %dma_wait3A_507] : memref<2x104x128xf32, #tpu.memory_space<vmem>> -> memref<1x104x128xf32, #tpu.memory_space<vmem>>
      %dma_wait3A_509 = tpu.memref_squeeze %dma_wait3A_508 : memref<1x104x128xf32, #tpu.memory_space<vmem>> -> memref<104x128xf32, #tpu.memory_space<vmem>>
      %dma_wait3A_510 = arith.constant 0 : i32
      %dma_wait3A_511 = tpu.memref_slice %arg7[%dma_wait3A_504, %dma_wait3A_505, %dma_wait3A_510] : memref<4x2x104xi32, #tpu.memory_space<vmem>> -> memref<1x1x104xi32, #tpu.memory_space<vmem>>
      %dma_wait3A_512 = tpu.memref_squeeze %dma_wait3A_511 : memref<1x1x104xi32, #tpu.memory_space<vmem>> -> memref<104xi32, #tpu.memory_space<vmem>>
      %dma_wait3A_513 = arith.constant 0 : i32
      %dma_wait3A_514 = arith.constant 0 : i32
      %dma_wait3A_515 = tpu.memref_slice %arg15[%dma_wait3A_513, %dma_wait3A_514] : memref<10000x128xf32, #tpu.memory_space<vmem_shared>> -> memref<10000x128xf32, #tpu.memory_space<vmem_shared>>
      tpu.wait_indirect_dma semaphore(%arg13 : memref<!tpu.dma_semaphore, #tpu.memory_space<semaphore_mem>>) src(%dma_wait3A_509 : memref<104x128xf32, #tpu.memory_space<vmem>>) dst(%dma_wait3A_515 : memref<10000x128xf32, #tpu.memory_space<vmem_shared>>)
      %dma_wait3A_516 = arith.constant 1 : i32
      %dma_wait3A_517 = arith.constant 1 : i32
      %dma_wait3A_518 = arith.constant 0 : i32
      %dma_wait3A_519 = tpu.memref_slice %arg7[%dma_wait3A_516, %dma_wait3A_517, %dma_wait3A_518] : memref<4x2x104xi32, #tpu.memory_space<vmem>> -> memref<1x1x104xi32, #tpu.memory_space<vmem>>
      %dma_wait3A_520 = tpu.memref_squeeze %dma_wait3A_519 : memref<1x1x104xi32, #tpu.memory_space<vmem>> -> memref<104xi32, #tpu.memory_space<vmem>>
      %dma_wait3A_521 = arith.constant 0 : i32
      %dma_wait3A_522 = arith.constant 0 : i32
      %dma_wait3A_523 = tpu.memref_slice %arg19[%dma_wait3A_521, %dma_wait3A_522] : memref<10000x16xf32, #tpu.memory_space<vmem_shared>> -> memref<10000x16xf32, #tpu.memory_space<vmem_shared>>
      tpu.wait_indirect_dma semaphore(%arg14 : memref<!tpu.dma_semaphore, #tpu.memory_space<semaphore_mem>>) src(%arg16 : memref<104x16xf32, #tpu.memory_space<vmem>>) dst(%dma_wait3A_523 : memref<10000x16xf32, #tpu.memory_space<vmem_shared>>)
      %dma_start3A_524 = arith.constant 3 : i32
      %dma_start3A_525 = arith.constant 0 : i32
      %dma_start3A_526 = arith.constant 1 : i32
      %dma_start3A_527 = arith.constant 0 : i32
      %dma_start3A_528 = arith.constant 0 : i32
      %dma_start3A_529 = tpu.memref_slice %arg8[%dma_start3A_526, %dma_start3A_527, %dma_start3A_528] : memref<2x104x128xf32, #tpu.memory_space<vmem>> -> memref<1x104x128xf32, #tpu.memory_space<vmem>>
      %dma_start3A_530 = tpu.memref_squeeze %dma_start3A_529 : memref<1x104x128xf32, #tpu.memory_space<vmem>> -> memref<104x128xf32, #tpu.memory_space<vmem>>
      %dma_start3A_531 = arith.constant 0 : i32
      %dma_start3A_532 = tpu.memref_slice %arg7[%dma_start3A_524, %dma_start3A_525, %dma_start3A_531] : memref<4x2x104xi32, #tpu.memory_space<vmem>> -> memref<1x1x104xi32, #tpu.memory_space<vmem>>
      %dma_start3A_533 = tpu.memref_squeeze %dma_start3A_532 : memref<1x1x104xi32, #tpu.memory_space<vmem>> -> memref<104xi32, #tpu.memory_space<vmem>>
      %dma_start3A_534 = arith.constant 0 : i32
      %dma_start3A_535 = arith.constant 0 : i32
      %dma_start3A_536 = tpu.memref_slice %arg2[%dma_start3A_534, %dma_start3A_535] : memref<10000x128xf32, #tpu.memory_space<hbm>> -> memref<10000x128xf32, #tpu.memory_space<hbm>>
      tpu.enqueue_indirect_dma source(%dma_start3A_536 : memref<10000x128xf32, #tpu.memory_space<hbm>>) target(%dma_start3A_530 : memref<104x128xf32, #tpu.memory_space<vmem>>) offsets(%dma_start3A_533 : memref<104xi32, #tpu.memory_space<vmem>>) semaphore(%arg12 : memref<!tpu.dma_semaphore, #tpu.memory_space<semaphore_mem>>)
      %add3A_537 = arith.constant 2 : i32
      %add3A_538 = arith.addi %add3A_487, %add3A_537 : i32
      %mul3A_539 = arith.constant 104 : i32
      %mul3A_540 = arith.muli %add3A_538, %mul3A_539 : i32
      %add3A_541 = arith.addi %mul3A_28, %mul3A_540 : i32
      %dma_start3A_542 = arith.constant 0 : i32
      %dma_start3A_543 = arith.constant 0 : i32
      %dma_start3A_544 = arith.constant 0 : i32
      %dma_start3A_545 = tpu.memref_slice %arg7[%dma_start3A_542, %dma_start3A_543, %dma_start3A_544] : memref<4x2x104xi32, #tpu.memory_space<vmem>> -> memref<1x2x104xi32, #tpu.memory_space<vmem>>
      %dma_start3A_546 = tpu.memref_squeeze %dma_start3A_545 : memref<1x2x104xi32, #tpu.memory_space<vmem>> -> memref<2x104xi32, #tpu.memory_space<vmem>>
      %dma_start3A_547 = arith.constant 0 : i32
      %dma_start3A_548 = tpu.memref_slice %arg3[%dma_start3A_547, %add3A_541] : memref<2x320000xi32, #tpu.memory_space<hbm>> -> memref<2x104xi32, #tpu.memory_space<hbm>>
      %dma_start3A_549 = arith.constant 0 : i32
      %dma_start3A_550 = arith.constant 0 : i32
      %dma_start3A_551 = tpu.memref_slice %arg7[%dma_start3A_542, %dma_start3A_549, %dma_start3A_550] : memref<4x2x104xi32, #tpu.memory_space<vmem>> -> memref<1x2x104xi32, #tpu.memory_space<vmem>>
      %dma_start3A_552 = tpu.memref_squeeze %dma_start3A_551 : memref<1x2x104xi32, #tpu.memory_space<vmem>> -> memref<2x104xi32, #tpu.memory_space<vmem>>
      %dma_start3A_553 = arith.constant 0 : i32
      %dma_start3A_554 = tpu.memref_slice %arg3[%dma_start3A_553, %add3A_541] : memref<2x320000xi32, #tpu.memory_space<hbm>> -> memref<2x104xi32, #tpu.memory_space<hbm>>
      tpu.enqueue_dma source(%dma_start3A_554 : memref<2x104xi32, #tpu.memory_space<hbm>>) target(%dma_start3A_552 : memref<2x104xi32, #tpu.memory_space<vmem>>) target_semaphore(%arg10 : memref<!tpu.dma_semaphore, #tpu.memory_space<semaphore_mem>>)
      %dma_wait3A_555 = arith.constant 2 : i32
      %dma_wait3A_556 = arith.constant 0 : i32
      %dma_wait3A_557 = arith.constant 0 : i32
      %dma_wait3A_558 = arith.constant 0 : i32
      %dma_wait3A_559 = arith.constant 0 : i32
      %dma_wait3A_560 = tpu.memref_slice %arg8[%dma_wait3A_557, %dma_wait3A_558, %dma_wait3A_559] : memref<2x104x128xf32, #tpu.memory_space<vmem>> -> memref<1x104x128xf32, #tpu.memory_space<vmem>>
      %dma_wait3A_561 = tpu.memref_squeeze %dma_wait3A_560 : memref<1x104x128xf32, #tpu.memory_space<vmem>> -> memref<104x128xf32, #tpu.memory_space<vmem>>
      %dma_wait3A_562 = arith.constant 0 : i32
      %dma_wait3A_563 = tpu.memref_slice %arg7[%dma_wait3A_555, %dma_wait3A_556, %dma_wait3A_562] : memref<4x2x104xi32, #tpu.memory_space<vmem>> -> memref<1x1x104xi32, #tpu.memory_space<vmem>>
      %dma_wait3A_564 = tpu.memref_squeeze %dma_wait3A_563 : memref<1x1x104xi32, #tpu.memory_space<vmem>> -> memref<104xi32, #tpu.memory_space<vmem>>
      %dma_wait3A_565 = arith.constant 0 : i32
      %dma_wait3A_566 = arith.constant 0 : i32
      %dma_wait3A_567 = tpu.memref_slice %arg2[%dma_wait3A_565, %dma_wait3A_566] : memref<10000x128xf32, #tpu.memory_space<hbm>> -> memref<10000x128xf32, #tpu.memory_space<hbm>>
      tpu.wait_indirect_dma semaphore(%arg11 : memref<!tpu.dma_semaphore, #tpu.memory_space<semaphore_mem>>) src(%dma_wait3A_567 : memref<10000x128xf32, #tpu.memory_space<hbm>>) dst(%dma_wait3A_561 : memref<104x128xf32, #tpu.memory_space<vmem>>)
      %dma_start3A_568 = arith.constant 0 : i32
      %dma_start3A_569 = arith.constant 2 : i32
      %dma_start3A_570 = arith.constant 1 : i32
      %dma_start3A_571 = arith.constant 0 : i32
      %dma_start3A_572 = arith.constant 0 : i32
      %dma_start3A_573 = tpu.memref_slice %arg8[%dma_start3A_568, %dma_start3A_571, %dma_start3A_572] : memref<2x104x128xf32, #tpu.memory_space<vmem>> -> memref<1x104x128xf32, #tpu.memory_space<vmem>>
      %dma_start3A_574 = tpu.memref_squeeze %dma_start3A_573 : memref<1x104x128xf32, #tpu.memory_space<vmem>> -> memref<104x128xf32, #tpu.memory_space<vmem>>
      %dma_start3A_575 = arith.constant 0 : i32
      %dma_start3A_576 = tpu.memref_slice %arg7[%dma_start3A_569, %dma_start3A_570, %dma_start3A_575] : memref<4x2x104xi32, #tpu.memory_space<vmem>> -> memref<1x1x104xi32, #tpu.memory_space<vmem>>
      %dma_start3A_577 = tpu.memref_squeeze %dma_start3A_576 : memref<1x1x104xi32, #tpu.memory_space<vmem>> -> memref<104xi32, #tpu.memory_space<vmem>>
      %dma_start3A_578 = arith.constant 0 : i32
      %dma_start3A_579 = arith.constant 0 : i32
      %dma_start3A_580 = tpu.memref_slice %arg15[%dma_start3A_578, %dma_start3A_579] : memref<10000x128xf32, #tpu.memory_space<vmem_shared>> -> memref<10000x128xf32, #tpu.memory_space<vmem_shared>>
      tpu.enqueue_indirect_dma source(%dma_start3A_574 : memref<104x128xf32, #tpu.memory_space<vmem>>) target(%dma_start3A_580 : memref<10000x128xf32, #tpu.memory_space<vmem_shared>>) offsets(%dma_start3A_577 : memref<104xi32, #tpu.memory_space<vmem>>) semaphore(%arg13 : memref<!tpu.dma_semaphore, #tpu.memory_space<semaphore_mem>>) {add = true}
      %dma_start3A_581 = arith.constant 2 : i32
      %dma_start3A_582 = arith.constant 1 : i32
      %dma_start3A_583 = arith.constant 0 : i32
      %dma_start3A_584 = tpu.memref_slice %arg7[%dma_start3A_581, %dma_start3A_582, %dma_start3A_583] : memref<4x2x104xi32, #tpu.memory_space<vmem>> -> memref<1x1x104xi32, #tpu.memory_space<vmem>>
      %dma_start3A_585 = tpu.memref_squeeze %dma_start3A_584 : memref<1x1x104xi32, #tpu.memory_space<vmem>> -> memref<104xi32, #tpu.memory_space<vmem>>
      %dma_start3A_586 = arith.constant 0 : i32
      %dma_start3A_587 = arith.constant 0 : i32
      %dma_start3A_588 = tpu.memref_slice %arg19[%dma_start3A_586, %dma_start3A_587] : memref<10000x16xf32, #tpu.memory_space<vmem_shared>> -> memref<10000x16xf32, #tpu.memory_space<vmem_shared>>
      tpu.enqueue_indirect_dma source(%arg16 : memref<104x16xf32, #tpu.memory_space<vmem>>) target(%dma_start3A_588 : memref<10000x16xf32, #tpu.memory_space<vmem_shared>>) offsets(%dma_start3A_585 : memref<104xi32, #tpu.memory_space<vmem>>) semaphore(%arg14 : memref<!tpu.dma_semaphore, #tpu.memory_space<semaphore_mem>>) {add = true}
      %add3A_589 = arith.constant 1 : i32
      %add3A_590 = arith.addi %add3A_485, %add3A_589 : i32
      %add3A_591 = arith.constant 0 : i32
      %add3A_592 = arith.addi %mul3A_28, %add3A_591 : i32
      %dma_wait3A_593 = arith.constant 0 : i32
      %dma_wait3A_594 = arith.constant 0 : i32
      %dma_wait3A_595 = arith.constant 0 : i32
      %dma_wait3A_596 = tpu.memref_slice %arg7[%dma_wait3A_593, %dma_wait3A_594, %dma_wait3A_595] : memref<4x2x104xi32, #tpu.memory_space<vmem>> -> memref<1x2x104xi32, #tpu.memory_space<vmem>>
      %dma_wait3A_597 = tpu.memref_squeeze %dma_wait3A_596 : memref<1x2x104xi32, #tpu.memory_space<vmem>> -> memref<2x104xi32, #tpu.memory_space<vmem>>
      %dma_wait3A_598 = arith.constant 0 : i32
      %dma_wait3A_599 = tpu.memref_slice %arg3[%dma_wait3A_598, %add3A_592] : memref<2x320000xi32, #tpu.memory_space<hbm>> -> memref<2x104xi32, #tpu.memory_space<hbm>>
      %dma_wait3A_600 = arith.constant 0 : i32
      %dma_wait3A_601 = arith.constant 0 : i32
      %dma_wait3A_602 = tpu.memref_slice %arg7[%dma_wait3A_593, %dma_wait3A_600, %dma_wait3A_601] : memref<4x2x104xi32, #tpu.memory_space<vmem>> -> memref<1x2x104xi32, #tpu.memory_space<vmem>>
      %dma_wait3A_603 = tpu.memref_squeeze %dma_wait3A_602 : memref<1x2x104xi32, #tpu.memory_space<vmem>> -> memref<2x104xi32, #tpu.memory_space<vmem>>
      %dma_wait3A_604 = arith.constant 0 : i32
      %dma_wait3A_605 = tpu.memref_slice %arg3[%dma_wait3A_604, %add3A_592] : memref<2x320000xi32, #tpu.memory_space<hbm>> -> memref<2x104xi32, #tpu.memory_space<hbm>>
      tpu.wait_dma2 semaphore(%arg10 : memref<!tpu.dma_semaphore, #tpu.memory_space<semaphore_mem>>) src(%dma_wait3A_605 : memref<2x104xi32, #tpu.memory_space<hbm>>) dst(%dma_wait3A_603 : memref<2x104xi32, #tpu.memory_space<vmem>>)
      %dma_wait3A_606 = arith.constant 0 : i32
      %dma_wait3A_607 = arith.constant 2 : i32
      %dma_wait3A_608 = arith.constant 1 : i32
      %dma_wait3A_609 = arith.constant 0 : i32
      %dma_wait3A_610 = arith.constant 0 : i32
      %dma_wait3A_611 = tpu.memref_slice %arg8[%dma_wait3A_606, %dma_wait3A_609, %dma_wait3A_610] : memref<2x104x128xf32, #tpu.memory_space<vmem>> -> memref<1x104x128xf32, #tpu.memory_space<vmem>>
      %dma_wait3A_612 = tpu.memref_squeeze %dma_wait3A_611 : memref<1x104x128xf32, #tpu.memory_space<vmem>> -> memref<104x128xf32, #tpu.memory_space<vmem>>
      %dma_wait3A_613 = arith.constant 0 : i32
      %dma_wait3A_614 = tpu.memref_slice %arg7[%dma_wait3A_607, %dma_wait3A_608, %dma_wait3A_613] : memref<4x2x104xi32, #tpu.memory_space<vmem>> -> memref<1x1x104xi32, #tpu.memory_space<vmem>>
      %dma_wait3A_615 = tpu.memref_squeeze %dma_wait3A_614 : memref<1x1x104xi32, #tpu.memory_space<vmem>> -> memref<104xi32, #tpu.memory_space<vmem>>
      %dma_wait3A_616 = arith.constant 0 : i32
      %dma_wait3A_617 = arith.constant 0 : i32
      %dma_wait3A_618 = tpu.memref_slice %arg15[%dma_wait3A_616, %dma_wait3A_617] : memref<10000x128xf32, #tpu.memory_space<vmem_shared>> -> memref<10000x128xf32, #tpu.memory_space<vmem_shared>>
      tpu.wait_indirect_dma semaphore(%arg13 : memref<!tpu.dma_semaphore, #tpu.memory_space<semaphore_mem>>) src(%dma_wait3A_612 : memref<104x128xf32, #tpu.memory_space<vmem>>) dst(%dma_wait3A_618 : memref<10000x128xf32, #tpu.memory_space<vmem_shared>>)
      %dma_wait3A_619 = arith.constant 2 : i32
      %dma_wait3A_620 = arith.constant 1 : i32
      %dma_wait3A_621 = arith.constant 0 : i32
      %dma_wait3A_622 = tpu.memref_slice %arg7[%dma_wait3A_619, %dma_wait3A_620, %dma_wait3A_621] : memref<4x2x104xi32, #tpu.memory_space<vmem>> -> memref<1x1x104xi32, #tpu.memory_space<vmem>>
      %dma_wait3A_623 = tpu.memref_squeeze %dma_wait3A_622 : memref<1x1x104xi32, #tpu.memory_space<vmem>> -> memref<104xi32, #tpu.memory_space<vmem>>
      %dma_wait3A_624 = arith.constant 0 : i32
      %dma_wait3A_625 = arith.constant 0 : i32
      %dma_wait3A_626 = tpu.memref_slice %arg19[%dma_wait3A_624, %dma_wait3A_625] : memref<10000x16xf32, #tpu.memory_space<vmem_shared>> -> memref<10000x16xf32, #tpu.memory_space<vmem_shared>>
      tpu.wait_indirect_dma semaphore(%arg14 : memref<!tpu.dma_semaphore, #tpu.memory_space<semaphore_mem>>) src(%arg16 : memref<104x16xf32, #tpu.memory_space<vmem>>) dst(%dma_wait3A_626 : memref<10000x16xf32, #tpu.memory_space<vmem_shared>>)
      %dma_start3A_627 = arith.constant 0 : i32
      %dma_start3A_628 = arith.constant 0 : i32
      %dma_start3A_629 = arith.constant 0 : i32
      %dma_start3A_630 = arith.constant 0 : i32
      %dma_start3A_631 = arith.constant 0 : i32
      %dma_start3A_632 = tpu.memref_slice %arg8[%dma_start3A_629, %dma_start3A_630, %dma_start3A_631] : memref<2x104x128xf32, #tpu.memory_space<vmem>> -> memref<1x104x128xf32, #tpu.memory_space<vmem>>
      %dma_start3A_633 = tpu.memref_squeeze %dma_start3A_632 : memref<1x104x128xf32, #tpu.memory_space<vmem>> -> memref<104x128xf32, #tpu.memory_space<vmem>>
      %dma_start3A_634 = arith.constant 0 : i32
      %dma_start3A_635 = tpu.memref_slice %arg7[%dma_start3A_627, %dma_start3A_628, %dma_start3A_634] : memref<4x2x104xi32, #tpu.memory_space<vmem>> -> memref<1x1x104xi32, #tpu.memory_space<vmem>>
      %dma_start3A_636 = tpu.memref_squeeze %dma_start3A_635 : memref<1x1x104xi32, #tpu.memory_space<vmem>> -> memref<104xi32, #tpu.memory_space<vmem>>
      %dma_start3A_637 = arith.constant 0 : i32
      %dma_start3A_638 = arith.constant 0 : i32
      %dma_start3A_639 = tpu.memref_slice %arg2[%dma_start3A_637, %dma_start3A_638] : memref<10000x128xf32, #tpu.memory_space<hbm>> -> memref<10000x128xf32, #tpu.memory_space<hbm>>
      tpu.enqueue_indirect_dma source(%dma_start3A_639 : memref<10000x128xf32, #tpu.memory_space<hbm>>) target(%dma_start3A_633 : memref<104x128xf32, #tpu.memory_space<vmem>>) offsets(%dma_start3A_636 : memref<104xi32, #tpu.memory_space<vmem>>) semaphore(%arg11 : memref<!tpu.dma_semaphore, #tpu.memory_space<semaphore_mem>>)
      %add3A_640 = arith.constant 2 : i32
      %add3A_641 = arith.addi %add3A_590, %add3A_640 : i32
      %mul3A_642 = arith.constant 104 : i32
      %mul3A_643 = arith.muli %add3A_641, %mul3A_642 : i32
      %add3A_644 = arith.addi %mul3A_28, %mul3A_643 : i32
      %dma_start3A_645 = arith.constant 1 : i32
      %dma_start3A_646 = arith.constant 0 : i32
      %dma_start3A_647 = arith.constant 0 : i32
      %dma_start3A_648 = tpu.memref_slice %arg7[%dma_start3A_645, %dma_start3A_646, %dma_start3A_647] : memref<4x2x104xi32, #tpu.memory_space<vmem>> -> memref<1x2x104xi32, #tpu.memory_space<vmem>>
      %dma_start3A_649 = tpu.memref_squeeze %dma_start3A_648 : memref<1x2x104xi32, #tpu.memory_space<vmem>> -> memref<2x104xi32, #tpu.memory_space<vmem>>
      %dma_start3A_650 = arith.constant 0 : i32
      %dma_start3A_651 = tpu.memref_slice %arg3[%dma_start3A_650, %add3A_644] : memref<2x320000xi32, #tpu.memory_space<hbm>> -> memref<2x104xi32, #tpu.memory_space<hbm>>
      %dma_start3A_652 = arith.constant 0 : i32
      %dma_start3A_653 = arith.constant 0 : i32
      %dma_start3A_654 = tpu.memref_slice %arg7[%dma_start3A_645, %dma_start3A_652, %dma_start3A_653] : memref<4x2x104xi32, #tpu.memory_space<vmem>> -> memref<1x2x104xi32, #tpu.memory_space<vmem>>
      %dma_start3A_655 = tpu.memref_squeeze %dma_start3A_654 : memref<1x2x104xi32, #tpu.memory_space<vmem>> -> memref<2x104xi32, #tpu.memory_space<vmem>>
      %dma_start3A_656 = arith.constant 0 : i32
      %dma_start3A_657 = tpu.memref_slice %arg3[%dma_start3A_656, %add3A_644] : memref<2x320000xi32, #tpu.memory_space<hbm>> -> memref<2x104xi32, #tpu.memory_space<hbm>>
      tpu.enqueue_dma source(%dma_start3A_657 : memref<2x104xi32, #tpu.memory_space<hbm>>) target(%dma_start3A_655 : memref<2x104xi32, #tpu.memory_space<vmem>>) target_semaphore(%arg10 : memref<!tpu.dma_semaphore, #tpu.memory_space<semaphore_mem>>)
      %dma_wait3A_658 = arith.constant 3 : i32
      %dma_wait3A_659 = arith.constant 0 : i32
      %dma_wait3A_660 = arith.constant 1 : i32
      %dma_wait3A_661 = arith.constant 0 : i32
      %dma_wait3A_662 = arith.constant 0 : i32
      %dma_wait3A_663 = tpu.memref_slice %arg8[%dma_wait3A_660, %dma_wait3A_661, %dma_wait3A_662] : memref<2x104x128xf32, #tpu.memory_space<vmem>> -> memref<1x104x128xf32, #tpu.memory_space<vmem>>
      %dma_wait3A_664 = tpu.memref_squeeze %dma_wait3A_663 : memref<1x104x128xf32, #tpu.memory_space<vmem>> -> memref<104x128xf32, #tpu.memory_space<vmem>>
      %dma_wait3A_665 = arith.constant 0 : i32
      %dma_wait3A_666 = tpu.memref_slice %arg7[%dma_wait3A_658, %dma_wait3A_659, %dma_wait3A_665] : memref<4x2x104xi32, #tpu.memory_space<vmem>> -> memref<1x1x104xi32, #tpu.memory_space<vmem>>
      %dma_wait3A_667 = tpu.memref_squeeze %dma_wait3A_666 : memref<1x1x104xi32, #tpu.memory_space<vmem>> -> memref<104xi32, #tpu.memory_space<vmem>>
      %dma_wait3A_668 = arith.constant 0 : i32
      %dma_wait3A_669 = arith.constant 0 : i32
      %dma_wait3A_670 = tpu.memref_slice %arg2[%dma_wait3A_668, %dma_wait3A_669] : memref<10000x128xf32, #tpu.memory_space<hbm>> -> memref<10000x128xf32, #tpu.memory_space<hbm>>
      tpu.wait_indirect_dma semaphore(%arg12 : memref<!tpu.dma_semaphore, #tpu.memory_space<semaphore_mem>>) src(%dma_wait3A_670 : memref<10000x128xf32, #tpu.memory_space<hbm>>) dst(%dma_wait3A_664 : memref<104x128xf32, #tpu.memory_space<vmem>>)
      %dma_start3A_671 = arith.constant 1 : i32
      %dma_start3A_672 = arith.constant 3 : i32
      %dma_start3A_673 = arith.constant 1 : i32
      %dma_start3A_674 = arith.constant 0 : i32
      %dma_start3A_675 = arith.constant 0 : i32
      %dma_start3A_676 = tpu.memref_slice %arg8[%dma_start3A_671, %dma_start3A_674, %dma_start3A_675] : memref<2x104x128xf32, #tpu.memory_space<vmem>> -> memref<1x104x128xf32, #tpu.memory_space<vmem>>
      %dma_start3A_677 = tpu.memref_squeeze %dma_start3A_676 : memref<1x104x128xf32, #tpu.memory_space<vmem>> -> memref<104x128xf32, #tpu.memory_space<vmem>>
      %dma_start3A_678 = arith.constant 0 : i32
      %dma_start3A_679 = tpu.memref_slice %arg7[%dma_start3A_672, %dma_start3A_673, %dma_start3A_678] : memref<4x2x104xi32, #tpu.memory_space<vmem>> -> memref<1x1x104xi32, #tpu.memory_space<vmem>>
      %dma_start3A_680 = tpu.memref_squeeze %dma_start3A_679 : memref<1x1x104xi32, #tpu.memory_space<vmem>> -> memref<104xi32, #tpu.memory_space<vmem>>
      %dma_start3A_681 = arith.constant 0 : i32
      %dma_start3A_682 = arith.constant 0 : i32
      %dma_start3A_683 = tpu.memref_slice %arg15[%dma_start3A_681, %dma_start3A_682] : memref<10000x128xf32, #tpu.memory_space<vmem_shared>> -> memref<10000x128xf32, #tpu.memory_space<vmem_shared>>
      tpu.enqueue_indirect_dma source(%dma_start3A_677 : memref<104x128xf32, #tpu.memory_space<vmem>>) target(%dma_start3A_683 : memref<10000x128xf32, #tpu.memory_space<vmem_shared>>) offsets(%dma_start3A_680 : memref<104xi32, #tpu.memory_space<vmem>>) semaphore(%arg13 : memref<!tpu.dma_semaphore, #tpu.memory_space<semaphore_mem>>) {add = true}
      %dma_start3A_684 = arith.constant 3 : i32
      %dma_start3A_685 = arith.constant 1 : i32
      %dma_start3A_686 = arith.constant 0 : i32
      %dma_start3A_687 = tpu.memref_slice %arg7[%dma_start3A_684, %dma_start3A_685, %dma_start3A_686] : memref<4x2x104xi32, #tpu.memory_space<vmem>> -> memref<1x1x104xi32, #tpu.memory_space<vmem>>
      %dma_start3A_688 = tpu.memref_squeeze %dma_start3A_687 : memref<1x1x104xi32, #tpu.memory_space<vmem>> -> memref<104xi32, #tpu.memory_space<vmem>>
      %dma_start3A_689 = arith.constant 0 : i32
      %dma_start3A_690 = arith.constant 0 : i32
      %dma_start3A_691 = tpu.memref_slice %arg19[%dma_start3A_689, %dma_start3A_690] : memref<10000x16xf32, #tpu.memory_space<vmem_shared>> -> memref<10000x16xf32, #tpu.memory_space<vmem_shared>>
      tpu.enqueue_indirect_dma source(%arg16 : memref<104x16xf32, #tpu.memory_space<vmem>>) target(%dma_start3A_691 : memref<10000x16xf32, #tpu.memory_space<vmem_shared>>) offsets(%dma_start3A_688 : memref<104xi32, #tpu.memory_space<vmem>>) semaphore(%arg14 : memref<!tpu.dma_semaphore, #tpu.memory_space<semaphore_mem>>) {add = true}
      %add3A_692 = arith.constant 2 : i32
      %add3A_693 = arith.addi %add3A_485, %add3A_692 : i32
      %add3A_694 = arith.constant 0 : i32
      %add3A_695 = arith.addi %mul3A_28, %add3A_694 : i32
      %dma_wait3A_696 = arith.constant 1 : i32
      %dma_wait3A_697 = arith.constant 0 : i32
      %dma_wait3A_698 = arith.constant 0 : i32
      %dma_wait3A_699 = tpu.memref_slice %arg7[%dma_wait3A_696, %dma_wait3A_697, %dma_wait3A_698] : memref<4x2x104xi32, #tpu.memory_space<vmem>> -> memref<1x2x104xi32, #tpu.memory_space<vmem>>
      %dma_wait3A_700 = tpu.memref_squeeze %dma_wait3A_699 : memref<1x2x104xi32, #tpu.memory_space<vmem>> -> memref<2x104xi32, #tpu.memory_space<vmem>>
      %dma_wait3A_701 = arith.constant 0 : i32
      %dma_wait3A_702 = tpu.memref_slice %arg3[%dma_wait3A_701, %add3A_695] : memref<2x320000xi32, #tpu.memory_space<hbm>> -> memref<2x104xi32, #tpu.memory_space<hbm>>
      %dma_wait3A_703 = arith.constant 0 : i32
      %dma_wait3A_704 = arith.constant 0 : i32
      %dma_wait3A_705 = tpu.memref_slice %arg7[%dma_wait3A_696, %dma_wait3A_703, %dma_wait3A_704] : memref<4x2x104xi32, #tpu.memory_space<vmem>> -> memref<1x2x104xi32, #tpu.memory_space<vmem>>
      %dma_wait3A_706 = tpu.memref_squeeze %dma_wait3A_705 : memref<1x2x104xi32, #tpu.memory_space<vmem>> -> memref<2x104xi32, #tpu.memory_space<vmem>>
      %dma_wait3A_707 = arith.constant 0 : i32
      %dma_wait3A_708 = tpu.memref_slice %arg3[%dma_wait3A_707, %add3A_695] : memref<2x320000xi32, #tpu.memory_space<hbm>> -> memref<2x104xi32, #tpu.memory_space<hbm>>
      tpu.wait_dma2 semaphore(%arg10 : memref<!tpu.dma_semaphore, #tpu.memory_space<semaphore_mem>>) src(%dma_wait3A_708 : memref<2x104xi32, #tpu.memory_space<hbm>>) dst(%dma_wait3A_706 : memref<2x104xi32, #tpu.memory_space<vmem>>)
      %dma_wait3A_709 = arith.constant 1 : i32
      %dma_wait3A_710 = arith.constant 3 : i32
      %dma_wait3A_711 = arith.constant 1 : i32
      %dma_wait3A_712 = arith.constant 0 : i32
      %dma_wait3A_713 = arith.constant 0 : i32
      %dma_wait3A_714 = tpu.memref_slice %arg8[%dma_wait3A_709, %dma_wait3A_712, %dma_wait3A_713] : memref<2x104x128xf32, #tpu.memory_space<vmem>> -> memref<1x104x128xf32, #tpu.memory_space<vmem>>
      %dma_wait3A_715 = tpu.memref_squeeze %dma_wait3A_714 : memref<1x104x128xf32, #tpu.memory_space<vmem>> -> memref<104x128xf32, #tpu.memory_space<vmem>>
      %dma_wait3A_716 = arith.constant 0 : i32
      %dma_wait3A_717 = tpu.memref_slice %arg7[%dma_wait3A_710, %dma_wait3A_711, %dma_wait3A_716] : memref<4x2x104xi32, #tpu.memory_space<vmem>> -> memref<1x1x104xi32, #tpu.memory_space<vmem>>
      %dma_wait3A_718 = tpu.memref_squeeze %dma_wait3A_717 : memref<1x1x104xi32, #tpu.memory_space<vmem>> -> memref<104xi32, #tpu.memory_space<vmem>>
      %dma_wait3A_719 = arith.constant 0 : i32
      %dma_wait3A_720 = arith.constant 0 : i32
      %dma_wait3A_721 = tpu.memref_slice %arg15[%dma_wait3A_719, %dma_wait3A_720] : memref<10000x128xf32, #tpu.memory_space<vmem_shared>> -> memref<10000x128xf32, #tpu.memory_space<vmem_shared>>
      tpu.wait_indirect_dma semaphore(%arg13 : memref<!tpu.dma_semaphore, #tpu.memory_space<semaphore_mem>>) src(%dma_wait3A_715 : memref<104x128xf32, #tpu.memory_space<vmem>>) dst(%dma_wait3A_721 : memref<10000x128xf32, #tpu.memory_space<vmem_shared>>)
      %dma_wait3A_722 = arith.constant 3 : i32
      %dma_wait3A_723 = arith.constant 1 : i32
      %dma_wait3A_724 = arith.constant 0 : i32
      %dma_wait3A_725 = tpu.memref_slice %arg7[%dma_wait3A_722, %dma_wait3A_723, %dma_wait3A_724] : memref<4x2x104xi32, #tpu.memory_space<vmem>> -> memref<1x1x104xi32, #tpu.memory_space<vmem>>
      %dma_wait3A_726 = tpu.memref_squeeze %dma_wait3A_725 : memref<1x1x104xi32, #tpu.memory_space<vmem>> -> memref<104xi32, #tpu.memory_space<vmem>>
      %dma_wait3A_727 = arith.constant 0 : i32
      %dma_wait3A_728 = arith.constant 0 : i32
      %dma_wait3A_729 = tpu.memref_slice %arg19[%dma_wait3A_727, %dma_wait3A_728] : memref<10000x16xf32, #tpu.memory_space<vmem_shared>> -> memref<10000x16xf32, #tpu.memory_space<vmem_shared>>
      tpu.wait_indirect_dma semaphore(%arg14 : memref<!tpu.dma_semaphore, #tpu.memory_space<semaphore_mem>>) src(%arg16 : memref<104x16xf32, #tpu.memory_space<vmem>>) dst(%dma_wait3A_729 : memref<10000x16xf32, #tpu.memory_space<vmem_shared>>)
      %dma_start3A_730 = arith.constant 1 : i32
      %dma_start3A_731 = arith.constant 0 : i32
      %dma_start3A_732 = arith.constant 1 : i32
      %dma_start3A_733 = arith.constant 0 : i32
      %dma_start3A_734 = arith.constant 0 : i32
      %dma_start3A_735 = tpu.memref_slice %arg8[%dma_start3A_732, %dma_start3A_733, %dma_start3A_734] : memref<2x104x128xf32, #tpu.memory_space<vmem>> -> memref<1x104x128xf32, #tpu.memory_space<vmem>>
      %dma_start3A_736 = tpu.memref_squeeze %dma_start3A_735 : memref<1x104x128xf32, #tpu.memory_space<vmem>> -> memref<104x128xf32, #tpu.memory_space<vmem>>
      %dma_start3A_737 = arith.constant 0 : i32
      %dma_start3A_738 = tpu.memref_slice %arg7[%dma_start3A_730, %dma_start3A_731, %dma_start3A_737] : memref<4x2x104xi32, #tpu.memory_space<vmem>> -> memref<1x1x104xi32, #tpu.memory_space<vmem>>
      %dma_start3A_739 = tpu.memref_squeeze %dma_start3A_738 : memref<1x1x104xi32, #tpu.memory_space<vmem>> -> memref<104xi32, #tpu.memory_space<vmem>>
      %dma_start3A_740 = arith.constant 0 : i32
      %dma_start3A_741 = arith.constant 0 : i32
      %dma_start3A_742 = tpu.memref_slice %arg2[%dma_start3A_740, %dma_start3A_741] : memref<10000x128xf32, #tpu.memory_space<hbm>> -> memref<10000x128xf32, #tpu.memory_space<hbm>>
      tpu.enqueue_indirect_dma source(%dma_start3A_742 : memref<10000x128xf32, #tpu.memory_space<hbm>>) target(%dma_start3A_736 : memref<104x128xf32, #tpu.memory_space<vmem>>) offsets(%dma_start3A_739 : memref<104xi32, #tpu.memory_space<vmem>>) semaphore(%arg12 : memref<!tpu.dma_semaphore, #tpu.memory_space<semaphore_mem>>)
      %add3A_743 = arith.constant 2 : i32
      %add3A_744 = arith.addi %add3A_693, %add3A_743 : i32
      %mul3A_745 = arith.constant 104 : i32
      %mul3A_746 = arith.muli %add3A_744, %mul3A_745 : i32
      %add3A_747 = arith.addi %mul3A_28, %mul3A_746 : i32
      %dma_start3A_748 = arith.constant 2 : i32
      %dma_start3A_749 = arith.constant 0 : i32
      %dma_start3A_750 = arith.constant 0 : i32
      %dma_start3A_751 = tpu.memref_slice %arg7[%dma_start3A_748, %dma_start3A_749, %dma_start3A_750] : memref<4x2x104xi32, #tpu.memory_space<vmem>> -> memref<1x2x104xi32, #tpu.memory_space<vmem>>
      %dma_start3A_752 = tpu.memref_squeeze %dma_start3A_751 : memref<1x2x104xi32, #tpu.memory_space<vmem>> -> memref<2x104xi32, #tpu.memory_space<vmem>>
      %dma_start3A_753 = arith.constant 0 : i32
      %dma_start3A_754 = tpu.memref_slice %arg3[%dma_start3A_753, %add3A_747] : memref<2x320000xi32, #tpu.memory_space<hbm>> -> memref<2x104xi32, #tpu.memory_space<hbm>>
      %dma_start3A_755 = arith.constant 0 : i32
      %dma_start3A_756 = arith.constant 0 : i32
      %dma_start3A_757 = tpu.memref_slice %arg7[%dma_start3A_748, %dma_start3A_755, %dma_start3A_756] : memref<4x2x104xi32, #tpu.memory_space<vmem>> -> memref<1x2x104xi32, #tpu.memory_space<vmem>>
      %dma_start3A_758 = tpu.memref_squeeze %dma_start3A_757 : memref<1x2x104xi32, #tpu.memory_space<vmem>> -> memref<2x104xi32, #tpu.memory_space<vmem>>
      %dma_start3A_759 = arith.constant 0 : i32
      %dma_start3A_760 = tpu.memref_slice %arg3[%dma_start3A_759, %add3A_747] : memref<2x320000xi32, #tpu.memory_space<hbm>> -> memref<2x104xi32, #tpu.memory_space<hbm>>
      tpu.enqueue_dma source(%dma_start3A_760 : memref<2x104xi32, #tpu.memory_space<hbm>>) target(%dma_start3A_758 : memref<2x104xi32, #tpu.memory_space<vmem>>) target_semaphore(%arg10 : memref<!tpu.dma_semaphore, #tpu.memory_space<semaphore_mem>>)
      %dma_wait3A_761 = arith.constant 0 : i32
      %dma_wait3A_762 = arith.constant 0 : i32
      %dma_wait3A_763 = arith.constant 0 : i32
      %dma_wait3A_764 = arith.constant 0 : i32
      %dma_wait3A_765 = arith.constant 0 : i32
      %dma_wait3A_766 = tpu.memref_slice %arg8[%dma_wait3A_763, %dma_wait3A_764, %dma_wait3A_765] : memref<2x104x128xf32, #tpu.memory_space<vmem>> -> memref<1x104x128xf32, #tpu.memory_space<vmem>>
      %dma_wait3A_767 = tpu.memref_squeeze %dma_wait3A_766 : memref<1x104x128xf32, #tpu.memory_space<vmem>> -> memref<104x128xf32, #tpu.memory_space<vmem>>
      %dma_wait3A_768 = arith.constant 0 : i32
      %dma_wait3A_769 = tpu.memref_slice %arg7[%dma_wait3A_761, %dma_wait3A_762, %dma_wait3A_768] : memref<4x2x104xi32, #tpu.memory_space<vmem>> -> memref<1x1x104xi32, #tpu.memory_space<vmem>>
      %dma_wait3A_770 = tpu.memref_squeeze %dma_wait3A_769 : memref<1x1x104xi32, #tpu.memory_space<vmem>> -> memref<104xi32, #tpu.memory_space<vmem>>
      %dma_wait3A_771 = arith.constant 0 : i32
      %dma_wait3A_772 = arith.constant 0 : i32
      %dma_wait3A_773 = tpu.memref_slice %arg2[%dma_wait3A_771, %dma_wait3A_772] : memref<10000x128xf32, #tpu.memory_space<hbm>> -> memref<10000x128xf32, #tpu.memory_space<hbm>>
      tpu.wait_indirect_dma semaphore(%arg11 : memref<!tpu.dma_semaphore, #tpu.memory_space<semaphore_mem>>) src(%dma_wait3A_773 : memref<10000x128xf32, #tpu.memory_space<hbm>>) dst(%dma_wait3A_767 : memref<104x128xf32, #tpu.memory_space<vmem>>)
      %dma_start3A_774 = arith.constant 0 : i32
      %dma_start3A_775 = arith.constant 0 : i32
      %dma_start3A_776 = arith.constant 1 : i32
      %dma_start3A_777 = arith.constant 0 : i32
      %dma_start3A_778 = arith.constant 0 : i32
      %dma_start3A_779 = tpu.memref_slice %arg8[%dma_start3A_774, %dma_start3A_777, %dma_start3A_778] : memref<2x104x128xf32, #tpu.memory_space<vmem>> -> memref<1x104x128xf32, #tpu.memory_space<vmem>>
      %dma_start3A_780 = tpu.memref_squeeze %dma_start3A_779 : memref<1x104x128xf32, #tpu.memory_space<vmem>> -> memref<104x128xf32, #tpu.memory_space<vmem>>
      %dma_start3A_781 = arith.constant 0 : i32
      %dma_start3A_782 = tpu.memref_slice %arg7[%dma_start3A_775, %dma_start3A_776, %dma_start3A_781] : memref<4x2x104xi32, #tpu.memory_space<vmem>> -> memref<1x1x104xi32, #tpu.memory_space<vmem>>
      %dma_start3A_783 = tpu.memref_squeeze %dma_start3A_782 : memref<1x1x104xi32, #tpu.memory_space<vmem>> -> memref<104xi32, #tpu.memory_space<vmem>>
      %dma_start3A_784 = arith.constant 0 : i32
      %dma_start3A_785 = arith.constant 0 : i32
      %dma_start3A_786 = tpu.memref_slice %arg15[%dma_start3A_784, %dma_start3A_785] : memref<10000x128xf32, #tpu.memory_space<vmem_shared>> -> memref<10000x128xf32, #tpu.memory_space<vmem_shared>>
      tpu.enqueue_indirect_dma source(%dma_start3A_780 : memref<104x128xf32, #tpu.memory_space<vmem>>) target(%dma_start3A_786 : memref<10000x128xf32, #tpu.memory_space<vmem_shared>>) offsets(%dma_start3A_783 : memref<104xi32, #tpu.memory_space<vmem>>) semaphore(%arg13 : memref<!tpu.dma_semaphore, #tpu.memory_space<semaphore_mem>>) {add = true}
      %dma_start3A_787 = arith.constant 0 : i32
      %dma_start3A_788 = arith.constant 1 : i32
      %dma_start3A_789 = arith.constant 0 : i32
      %dma_start3A_790 = tpu.memref_slice %arg7[%dma_start3A_787, %dma_start3A_788, %dma_start3A_789] : memref<4x2x104xi32, #tpu.memory_space<vmem>> -> memref<1x1x104xi32, #tpu.memory_space<vmem>>
      %dma_start3A_791 = tpu.memref_squeeze %dma_start3A_790 : memref<1x1x104xi32, #tpu.memory_space<vmem>> -> memref<104xi32, #tpu.memory_space<vmem>>
      %dma_start3A_792 = arith.constant 0 : i32
      %dma_start3A_793 = arith.constant 0 : i32
      %dma_start3A_794 = tpu.memref_slice %arg19[%dma_start3A_792, %dma_start3A_793] : memref<10000x16xf32, #tpu.memory_space<vmem_shared>> -> memref<10000x16xf32, #tpu.memory_space<vmem_shared>>
      tpu.enqueue_indirect_dma source(%arg16 : memref<104x16xf32, #tpu.memory_space<vmem>>) target(%dma_start3A_794 : memref<10000x16xf32, #tpu.memory_space<vmem_shared>>) offsets(%dma_start3A_791 : memref<104xi32, #tpu.memory_space<vmem>>) semaphore(%arg14 : memref<!tpu.dma_semaphore, #tpu.memory_space<semaphore_mem>>) {add = true}
      %add3A_795 = arith.constant 3 : i32
      %add3A_796 = arith.addi %add3A_485, %add3A_795 : i32
      %add3A_797 = arith.constant 0 : i32
      %add3A_798 = arith.addi %mul3A_28, %add3A_797 : i32
      %dma_wait3A_799 = arith.constant 2 : i32
      %dma_wait3A_800 = arith.constant 0 : i32
      %dma_wait3A_801 = arith.constant 0 : i32
      %dma_wait3A_802 = tpu.memref_slice %arg7[%dma_wait3A_799, %dma_wait3A_800, %dma_wait3A_801] : memref<4x2x104xi32, #tpu.memory_space<vmem>> -> memref<1x2x104xi32, #tpu.memory_space<vmem>>
      %dma_wait3A_803 = tpu.memref_squeeze %dma_wait3A_802 : memref<1x2x104xi32, #tpu.memory_space<vmem>> -> memref<2x104xi32, #tpu.memory_space<vmem>>
      %dma_wait3A_804 = arith.constant 0 : i32
      %dma_wait3A_805 = tpu.memref_slice %arg3[%dma_wait3A_804, %add3A_798] : memref<2x320000xi32, #tpu.memory_space<hbm>> -> memref<2x104xi32, #tpu.memory_space<hbm>>
      %dma_wait3A_806 = arith.constant 0 : i32
      %dma_wait3A_807 = arith.constant 0 : i32
      %dma_wait3A_808 = tpu.memref_slice %arg7[%dma_wait3A_799, %dma_wait3A_806, %dma_wait3A_807] : memref<4x2x104xi32, #tpu.memory_space<vmem>> -> memref<1x2x104xi32, #tpu.memory_space<vmem>>
      %dma_wait3A_809 = tpu.memref_squeeze %dma_wait3A_808 : memref<1x2x104xi32, #tpu.memory_space<vmem>> -> memref<2x104xi32, #tpu.memory_space<vmem>>
      %dma_wait3A_810 = arith.constant 0 : i32
      %dma_wait3A_811 = tpu.memref_slice %arg3[%dma_wait3A_810, %add3A_798] : memref<2x320000xi32, #tpu.memory_space<hbm>> -> memref<2x104xi32, #tpu.memory_space<hbm>>
      tpu.wait_dma2 semaphore(%arg10 : memref<!tpu.dma_semaphore, #tpu.memory_space<semaphore_mem>>) src(%dma_wait3A_811 : memref<2x104xi32, #tpu.memory_space<hbm>>) dst(%dma_wait3A_809 : memref<2x104xi32, #tpu.memory_space<vmem>>)
      %dma_wait3A_812 = arith.constant 0 : i32
      %dma_wait3A_813 = arith.constant 0 : i32
      %dma_wait3A_814 = arith.constant 1 : i32
      %dma_wait3A_815 = arith.constant 0 : i32
      %dma_wait3A_816 = arith.constant 0 : i32
      %dma_wait3A_817 = tpu.memref_slice %arg8[%dma_wait3A_812, %dma_wait3A_815, %dma_wait3A_816] : memref<2x104x128xf32, #tpu.memory_space<vmem>> -> memref<1x104x128xf32, #tpu.memory_space<vmem>>
      %dma_wait3A_818 = tpu.memref_squeeze %dma_wait3A_817 : memref<1x104x128xf32, #tpu.memory_space<vmem>> -> memref<104x128xf32, #tpu.memory_space<vmem>>
      %dma_wait3A_819 = arith.constant 0 : i32
      %dma_wait3A_820 = tpu.memref_slice %arg7[%dma_wait3A_813, %dma_wait3A_814, %dma_wait3A_819] : memref<4x2x104xi32, #tpu.memory_space<vmem>> -> memref<1x1x104xi32, #tpu.memory_space<vmem>>
      %dma_wait3A_821 = tpu.memref_squeeze %dma_wait3A_820 : memref<1x1x104xi32, #tpu.memory_space<vmem>> -> memref<104xi32, #tpu.memory_space<vmem>>
      %dma_wait3A_822 = arith.constant 0 : i32
      %dma_wait3A_823 = arith.constant 0 : i32
      %dma_wait3A_824 = tpu.memref_slice %arg15[%dma_wait3A_822, %dma_wait3A_823] : memref<10000x128xf32, #tpu.memory_space<vmem_shared>> -> memref<10000x128xf32, #tpu.memory_space<vmem_shared>>
      tpu.wait_indirect_dma semaphore(%arg13 : memref<!tpu.dma_semaphore, #tpu.memory_space<semaphore_mem>>) src(%dma_wait3A_818 : memref<104x128xf32, #tpu.memory_space<vmem>>) dst(%dma_wait3A_824 : memref<10000x128xf32, #tpu.memory_space<vmem_shared>>)
      %dma_wait3A_825 = arith.constant 0 : i32
      %dma_wait3A_826 = arith.constant 1 : i32
      %dma_wait3A_827 = arith.constant 0 : i32
      %dma_wait3A_828 = tpu.memref_slice %arg7[%dma_wait3A_825, %dma_wait3A_826, %dma_wait3A_827] : memref<4x2x104xi32, #tpu.memory_space<vmem>> -> memref<1x1x104xi32, #tpu.memory_space<vmem>>
      %dma_wait3A_829 = tpu.memref_squeeze %dma_wait3A_828 : memref<1x1x104xi32, #tpu.memory_space<vmem>> -> memref<104xi32, #tpu.memory_space<vmem>>
      %dma_wait3A_830 = arith.constant 0 : i32
      %dma_wait3A_831 = arith.constant 0 : i32
      %dma_wait3A_832 = tpu.memref_slice %arg19[%dma_wait3A_830, %dma_wait3A_831] : memref<10000x16xf32, #tpu.memory_space<vmem_shared>> -> memref<10000x16xf32, #tpu.memory_space<vmem_shared>>
      tpu.wait_indirect_dma semaphore(%arg14 : memref<!tpu.dma_semaphore, #tpu.memory_space<semaphore_mem>>) src(%arg16 : memref<104x16xf32, #tpu.memory_space<vmem>>) dst(%dma_wait3A_832 : memref<10000x16xf32, #tpu.memory_space<vmem_shared>>)
      %dma_start3A_833 = arith.constant 2 : i32
      %dma_start3A_834 = arith.constant 0 : i32
      %dma_start3A_835 = arith.constant 0 : i32
      %dma_start3A_836 = arith.constant 0 : i32
      %dma_start3A_837 = arith.constant 0 : i32
      %dma_start3A_838 = tpu.memref_slice %arg8[%dma_start3A_835, %dma_start3A_836, %dma_start3A_837] : memref<2x104x128xf32, #tpu.memory_space<vmem>> -> memref<1x104x128xf32, #tpu.memory_space<vmem>>
      %dma_start3A_839 = tpu.memref_squeeze %dma_start3A_838 : memref<1x104x128xf32, #tpu.memory_space<vmem>> -> memref<104x128xf32, #tpu.memory_space<vmem>>
      %dma_start3A_840 = arith.constant 0 : i32
      %dma_start3A_841 = tpu.memref_slice %arg7[%dma_start3A_833, %dma_start3A_834, %dma_start3A_840] : memref<4x2x104xi32, #tpu.memory_space<vmem>> -> memref<1x1x104xi32, #tpu.memory_space<vmem>>
      %dma_start3A_842 = tpu.memref_squeeze %dma_start3A_841 : memref<1x1x104xi32, #tpu.memory_space<vmem>> -> memref<104xi32, #tpu.memory_space<vmem>>
      %dma_start3A_843 = arith.constant 0 : i32
      %dma_start3A_844 = arith.constant 0 : i32
      %dma_start3A_845 = tpu.memref_slice %arg2[%dma_start3A_843, %dma_start3A_844] : memref<10000x128xf32, #tpu.memory_space<hbm>> -> memref<10000x128xf32, #tpu.memory_space<hbm>>
      tpu.enqueue_indirect_dma source(%dma_start3A_845 : memref<10000x128xf32, #tpu.memory_space<hbm>>) target(%dma_start3A_839 : memref<104x128xf32, #tpu.memory_space<vmem>>) offsets(%dma_start3A_842 : memref<104xi32, #tpu.memory_space<vmem>>) semaphore(%arg11 : memref<!tpu.dma_semaphore, #tpu.memory_space<semaphore_mem>>)
      %add3A_846 = arith.constant 2 : i32
      %add3A_847 = arith.addi %add3A_796, %add3A_846 : i32
      %mul3A_848 = arith.constant 104 : i32
      %mul3A_849 = arith.muli %add3A_847, %mul3A_848 : i32
      %add3A_850 = arith.addi %mul3A_28, %mul3A_849 : i32
      %dma_start3A_851 = arith.constant 3 : i32
      %dma_start3A_852 = arith.constant 0 : i32
      %dma_start3A_853 = arith.constant 0 : i32
      %dma_start3A_854 = tpu.memref_slice %arg7[%dma_start3A_851, %dma_start3A_852, %dma_start3A_853] : memref<4x2x104xi32, #tpu.memory_space<vmem>> -> memref<1x2x104xi32, #tpu.memory_space<vmem>>
      %dma_start3A_855 = tpu.memref_squeeze %dma_start3A_854 : memref<1x2x104xi32, #tpu.memory_space<vmem>> -> memref<2x104xi32, #tpu.memory_space<vmem>>
      %dma_start3A_856 = arith.constant 0 : i32
      %dma_start3A_857 = tpu.memref_slice %arg3[%dma_start3A_856, %add3A_850] : memref<2x320000xi32, #tpu.memory_space<hbm>> -> memref<2x104xi32, #tpu.memory_space<hbm>>
      %dma_start3A_858 = arith.constant 0 : i32
      %dma_start3A_859 = arith.constant 0 : i32
      %dma_start3A_860 = tpu.memref_slice %arg7[%dma_start3A_851, %dma_start3A_858, %dma_start3A_859] : memref<4x2x104xi32, #tpu.memory_space<vmem>> -> memref<1x2x104xi32, #tpu.memory_space<vmem>>
      %dma_start3A_861 = tpu.memref_squeeze %dma_start3A_860 : memref<1x2x104xi32, #tpu.memory_space<vmem>> -> memref<2x104xi32, #tpu.memory_space<vmem>>
      %dma_start3A_862 = arith.constant 0 : i32
      %dma_start3A_863 = tpu.memref_slice %arg3[%dma_start3A_862, %add3A_850] : memref<2x320000xi32, #tpu.memory_space<hbm>> -> memref<2x104xi32, #tpu.memory_space<hbm>>
      tpu.enqueue_dma source(%dma_start3A_863 : memref<2x104xi32, #tpu.memory_space<hbm>>) target(%dma_start3A_861 : memref<2x104xi32, #tpu.memory_space<vmem>>) target_semaphore(%arg10 : memref<!tpu.dma_semaphore, #tpu.memory_space<semaphore_mem>>)
      %dma_wait3A_864 = arith.constant 1 : i32
      %dma_wait3A_865 = arith.constant 0 : i32
      %dma_wait3A_866 = arith.constant 1 : i32
      %dma_wait3A_867 = arith.constant 0 : i32
      %dma_wait3A_868 = arith.constant 0 : i32
      %dma_wait3A_869 = tpu.memref_slice %arg8[%dma_wait3A_866, %dma_wait3A_867, %dma_wait3A_868] : memref<2x104x128xf32, #tpu.memory_space<vmem>> -> memref<1x104x128xf32, #tpu.memory_space<vmem>>
      %dma_wait3A_870 = tpu.memref_squeeze %dma_wait3A_869 : memref<1x104x128xf32, #tpu.memory_space<vmem>> -> memref<104x128xf32, #tpu.memory_space<vmem>>
      %dma_wait3A_871 = arith.constant 0 : i32
      %dma_wait3A_872 = tpu.memref_slice %arg7[%dma_wait3A_864, %dma_wait3A_865, %dma_wait3A_871] : memref<4x2x104xi32, #tpu.memory_space<vmem>> -> memref<1x1x104xi32, #tpu.memory_space<vmem>>
      %dma_wait3A_873 = tpu.memref_squeeze %dma_wait3A_872 : memref<1x1x104xi32, #tpu.memory_space<vmem>> -> memref<104xi32, #tpu.memory_space<vmem>>
      %dma_wait3A_874 = arith.constant 0 : i32
      %dma_wait3A_875 = arith.constant 0 : i32
      %dma_wait3A_876 = tpu.memref_slice %arg2[%dma_wait3A_874, %dma_wait3A_875] : memref<10000x128xf32, #tpu.memory_space<hbm>> -> memref<10000x128xf32, #tpu.memory_space<hbm>>
      tpu.wait_indirect_dma semaphore(%arg12 : memref<!tpu.dma_semaphore, #tpu.memory_space<semaphore_mem>>) src(%dma_wait3A_876 : memref<10000x128xf32, #tpu.memory_space<hbm>>) dst(%dma_wait3A_870 : memref<104x128xf32, #tpu.memory_space<vmem>>)
      %dma_start3A_877 = arith.constant 1 : i32
      %dma_start3A_878 = arith.constant 1 : i32
      %dma_start3A_879 = arith.constant 1 : i32
      %dma_start3A_880 = arith.constant 0 : i32
      %dma_start3A_881 = arith.constant 0 : i32
      %dma_start3A_882 = tpu.memref_slice %arg8[%dma_start3A_877, %dma_start3A_880, %dma_start3A_881] : memref<2x104x128xf32, #tpu.memory_space<vmem>> -> memref<1x104x128xf32, #tpu.memory_space<vmem>>
      %dma_start3A_883 = tpu.memref_squeeze %dma_start3A_882 : memref<1x104x128xf32, #tpu.memory_space<vmem>> -> memref<104x128xf32, #tpu.memory_space<vmem>>
      %dma_start3A_884 = arith.constant 0 : i32
      %dma_start3A_885 = tpu.memref_slice %arg7[%dma_start3A_878, %dma_start3A_879, %dma_start3A_884] : memref<4x2x104xi32, #tpu.memory_space<vmem>> -> memref<1x1x104xi32, #tpu.memory_space<vmem>>
      %dma_start3A_886 = tpu.memref_squeeze %dma_start3A_885 : memref<1x1x104xi32, #tpu.memory_space<vmem>> -> memref<104xi32, #tpu.memory_space<vmem>>
      %dma_start3A_887 = arith.constant 0 : i32
      %dma_start3A_888 = arith.constant 0 : i32
      %dma_start3A_889 = tpu.memref_slice %arg15[%dma_start3A_887, %dma_start3A_888] : memref<10000x128xf32, #tpu.memory_space<vmem_shared>> -> memref<10000x128xf32, #tpu.memory_space<vmem_shared>>
      tpu.enqueue_indirect_dma source(%dma_start3A_883 : memref<104x128xf32, #tpu.memory_space<vmem>>) target(%dma_start3A_889 : memref<10000x128xf32, #tpu.memory_space<vmem_shared>>) offsets(%dma_start3A_886 : memref<104xi32, #tpu.memory_space<vmem>>) semaphore(%arg13 : memref<!tpu.dma_semaphore, #tpu.memory_space<semaphore_mem>>) {add = true}
      %dma_start3A_890 = arith.constant 1 : i32
      %dma_start3A_891 = arith.constant 1 : i32
      %dma_start3A_892 = arith.constant 0 : i32
      %dma_start3A_893 = tpu.memref_slice %arg7[%dma_start3A_890, %dma_start3A_891, %dma_start3A_892] : memref<4x2x104xi32, #tpu.memory_space<vmem>> -> memref<1x1x104xi32, #tpu.memory_space<vmem>>
      %dma_start3A_894 = tpu.memref_squeeze %dma_start3A_893 : memref<1x1x104xi32, #tpu.memory_space<vmem>> -> memref<104xi32, #tpu.memory_space<vmem>>
      %dma_start3A_895 = arith.constant 0 : i32
      %dma_start3A_896 = arith.constant 0 : i32
      %dma_start3A_897 = tpu.memref_slice %arg19[%dma_start3A_895, %dma_start3A_896] : memref<10000x16xf32, #tpu.memory_space<vmem_shared>> -> memref<10000x16xf32, #tpu.memory_space<vmem_shared>>
      tpu.enqueue_indirect_dma source(%arg16 : memref<104x16xf32, #tpu.memory_space<vmem>>) target(%dma_start3A_897 : memref<10000x16xf32, #tpu.memory_space<vmem_shared>>) offsets(%dma_start3A_894 : memref<104xi32, #tpu.memory_space<vmem>>) semaphore(%arg14 : memref<!tpu.dma_semaphore, #tpu.memory_space<semaphore_mem>>) {add = true}
    }
    %scan3A_237 = arith.constant 23 : i32
    %add3A_238 = arith.constant 0 : i32
    %add3A_239 = arith.addi %mul3A_28, %add3A_238 : i32
    %dma_wait3A_240 = arith.constant 3 : i32
    %dma_wait3A_241 = arith.constant 0 : i32
    %dma_wait3A_242 = arith.constant 0 : i32
    %dma_wait3A_243 = tpu.memref_slice %arg7[%dma_wait3A_240, %dma_wait3A_241, %dma_wait3A_242] : memref<4x2x104xi32, #tpu.memory_space<vmem>> -> memref<1x2x104xi32, #tpu.memory_space<vmem>>
    %dma_wait3A_244 = tpu.memref_squeeze %dma_wait3A_243 : memref<1x2x104xi32, #tpu.memory_space<vmem>> -> memref<2x104xi32, #tpu.memory_space<vmem>>
    %dma_wait3A_245 = arith.constant 0 : i32
    %dma_wait3A_246 = tpu.memref_slice %arg3[%dma_wait3A_245, %add3A_239] : memref<2x320000xi32, #tpu.memory_space<hbm>> -> memref<2x104xi32, #tpu.memory_space<hbm>>
    %dma_wait3A_247 = arith.constant 0 : i32
    %dma_wait3A_248 = arith.constant 0 : i32
    %dma_wait3A_249 = tpu.memref_slice %arg7[%dma_wait3A_240, %dma_wait3A_247, %dma_wait3A_248] : memref<4x2x104xi32, #tpu.memory_space<vmem>> -> memref<1x2x104xi32, #tpu.memory_space<vmem>>
    %dma_wait3A_250 = tpu.memref_squeeze %dma_wait3A_249 : memref<1x2x104xi32, #tpu.memory_space<vmem>> -> memref<2x104xi32, #tpu.memory_space<vmem>>
    %dma_wait3A_251 = arith.constant 0 : i32
    %dma_wait3A_252 = tpu.memref_slice %arg3[%dma_wait3A_251, %add3A_239] : memref<2x320000xi32, #tpu.memory_space<hbm>> -> memref<2x104xi32, #tpu.memory_space<hbm>>
    tpu.wait_dma2 semaphore(%arg10 : memref<!tpu.dma_semaphore, #tpu.memory_space<semaphore_mem>>) src(%dma_wait3A_252 : memref<2x104xi32, #tpu.memory_space<hbm>>) dst(%dma_wait3A_250 : memref<2x104xi32, #tpu.memory_space<vmem>>)
    %dma_wait3A_253 = arith.constant 1 : i32
    %dma_wait3A_254 = arith.constant 1 : i32
    %dma_wait3A_255 = arith.constant 1 : i32
    %dma_wait3A_256 = arith.constant 0 : i32
    %dma_wait3A_257 = arith.constant 0 : i32
    %dma_wait3A_258 = tpu.memref_slice %arg8[%dma_wait3A_253, %dma_wait3A_256, %dma_wait3A_257] : memref<2x104x128xf32, #tpu.memory_space<vmem>> -> memref<1x104x128xf32, #tpu.memory_space<vmem>>
    %dma_wait3A_259 = tpu.memref_squeeze %dma_wait3A_258 : memref<1x104x128xf32, #tpu.memory_space<vmem>> -> memref<104x128xf32, #tpu.memory_space<vmem>>
    %dma_wait3A_260 = arith.constant 0 : i32
    %dma_wait3A_261 = tpu.memref_slice %arg7[%dma_wait3A_254, %dma_wait3A_255, %dma_wait3A_260] : memref<4x2x104xi32, #tpu.memory_space<vmem>> -> memref<1x1x104xi32, #tpu.memory_space<vmem>>
    %dma_wait3A_262 = tpu.memref_squeeze %dma_wait3A_261 : memref<1x1x104xi32, #tpu.memory_space<vmem>> -> memref<104xi32, #tpu.memory_space<vmem>>
    %dma_wait3A_263 = arith.constant 0 : i32
    %dma_wait3A_264 = arith.constant 0 : i32
    %dma_wait3A_265 = tpu.memref_slice %arg15[%dma_wait3A_263, %dma_wait3A_264] : memref<10000x128xf32, #tpu.memory_space<vmem_shared>> -> memref<10000x128xf32, #tpu.memory_space<vmem_shared>>
    tpu.wait_indirect_dma semaphore(%arg13 : memref<!tpu.dma_semaphore, #tpu.memory_space<semaphore_mem>>) src(%dma_wait3A_259 : memref<104x128xf32, #tpu.memory_space<vmem>>) dst(%dma_wait3A_265 : memref<10000x128xf32, #tpu.memory_space<vmem_shared>>)
    %dma_wait3A_266 = arith.constant 1 : i32
    %dma_wait3A_267 = arith.constant 1 : i32
    %dma_wait3A_268 = arith.constant 0 : i32
    %dma_wait3A_269 = tpu.memref_slice %arg7[%dma_wait3A_266, %dma_wait3A_267, %dma_wait3A_268] : memref<4x2x104xi32, #tpu.memory_space<vmem>> -> memref<1x1x104xi32, #tpu.memory_space<vmem>>
    %dma_wait3A_270 = tpu.memref_squeeze %dma_wait3A_269 : memref<1x1x104xi32, #tpu.memory_space<vmem>> -> memref<104xi32, #tpu.memory_space<vmem>>
    %dma_wait3A_271 = arith.constant 0 : i32
    %dma_wait3A_272 = arith.constant 0 : i32
    %dma_wait3A_273 = tpu.memref_slice %arg19[%dma_wait3A_271, %dma_wait3A_272] : memref<10000x16xf32, #tpu.memory_space<vmem_shared>> -> memref<10000x16xf32, #tpu.memory_space<vmem_shared>>
    tpu.wait_indirect_dma semaphore(%arg14 : memref<!tpu.dma_semaphore, #tpu.memory_space<semaphore_mem>>) src(%arg16 : memref<104x16xf32, #tpu.memory_space<vmem>>) dst(%dma_wait3A_273 : memref<10000x16xf32, #tpu.memory_space<vmem_shared>>)
    %dma_start3A_274 = arith.constant 3 : i32
    %dma_start3A_275 = arith.constant 0 : i32
    %dma_start3A_276 = arith.constant 1 : i32
    %dma_start3A_277 = arith.constant 0 : i32
    %dma_start3A_278 = arith.constant 0 : i32
    %dma_start3A_279 = tpu.memref_slice %arg8[%dma_start3A_276, %dma_start3A_277, %dma_start3A_278] : memref<2x104x128xf32, #tpu.memory_space<vmem>> -> memref<1x104x128xf32, #tpu.memory_space<vmem>>
    %dma_start3A_280 = tpu.memref_squeeze %dma_start3A_279 : memref<1x104x128xf32, #tpu.memory_space<vmem>> -> memref<104x128xf32, #tpu.memory_space<vmem>>
    %dma_start3A_281 = arith.constant 0 : i32
    %dma_start3A_282 = tpu.memref_slice %arg7[%dma_start3A_274, %dma_start3A_275, %dma_start3A_281] : memref<4x2x104xi32, #tpu.memory_space<vmem>> -> memref<1x1x104xi32, #tpu.memory_space<vmem>>
    %dma_start3A_283 = tpu.memref_squeeze %dma_start3A_282 : memref<1x1x104xi32, #tpu.memory_space<vmem>> -> memref<104xi32, #tpu.memory_space<vmem>>
    %dma_start3A_284 = arith.constant 0 : i32
    %dma_start3A_285 = arith.constant 0 : i32
    %dma_start3A_286 = tpu.memref_slice %arg2[%dma_start3A_284, %dma_start3A_285] : memref<10000x128xf32, #tpu.memory_space<hbm>> -> memref<10000x128xf32, #tpu.memory_space<hbm>>
    tpu.enqueue_indirect_dma source(%dma_start3A_286 : memref<10000x128xf32, #tpu.memory_space<hbm>>) target(%dma_start3A_280 : memref<104x128xf32, #tpu.memory_space<vmem>>) offsets(%dma_start3A_283 : memref<104xi32, #tpu.memory_space<vmem>>) semaphore(%arg12 : memref<!tpu.dma_semaphore, #tpu.memory_space<semaphore_mem>>)
    %dma_wait3A_287 = arith.constant 2 : i32
    %dma_wait3A_288 = arith.constant 0 : i32
    %dma_wait3A_289 = arith.constant 0 : i32
    %dma_wait3A_290 = arith.constant 0 : i32
    %dma_wait3A_291 = arith.constant 0 : i32
    %dma_wait3A_292 = tpu.memref_slice %arg8[%dma_wait3A_289, %dma_wait3A_290, %dma_wait3A_291] : memref<2x104x128xf32, #tpu.memory_space<vmem>> -> memref<1x104x128xf32, #tpu.memory_space<vmem>>
    %dma_wait3A_293 = tpu.memref_squeeze %dma_wait3A_292 : memref<1x104x128xf32, #tpu.memory_space<vmem>> -> memref<104x128xf32, #tpu.memory_space<vmem>>
    %dma_wait3A_294 = arith.constant 0 : i32
    %dma_wait3A_295 = tpu.memref_slice %arg7[%dma_wait3A_287, %dma_wait3A_288, %dma_wait3A_294] : memref<4x2x104xi32, #tpu.memory_space<vmem>> -> memref<1x1x104xi32, #tpu.memory_space<vmem>>
    %dma_wait3A_296 = tpu.memref_squeeze %dma_wait3A_295 : memref<1x1x104xi32, #tpu.memory_space<vmem>> -> memref<104xi32, #tpu.memory_space<vmem>>
    %dma_wait3A_297 = arith.constant 0 : i32
    %dma_wait3A_298 = arith.constant 0 : i32
    %dma_wait3A_299 = tpu.memref_slice %arg2[%dma_wait3A_297, %dma_wait3A_298] : memref<10000x128xf32, #tpu.memory_space<hbm>> -> memref<10000x128xf32, #tpu.memory_space<hbm>>
    tpu.wait_indirect_dma semaphore(%arg11 : memref<!tpu.dma_semaphore, #tpu.memory_space<semaphore_mem>>) src(%dma_wait3A_299 : memref<10000x128xf32, #tpu.memory_space<hbm>>) dst(%dma_wait3A_293 : memref<104x128xf32, #tpu.memory_space<vmem>>)
    %dma_start3A_300 = arith.constant 0 : i32
    %dma_start3A_301 = arith.constant 2 : i32
    %dma_start3A_302 = arith.constant 1 : i32
    %dma_start3A_303 = arith.constant 0 : i32
    %dma_start3A_304 = arith.constant 0 : i32
    %dma_start3A_305 = tpu.memref_slice %arg8[%dma_start3A_300, %dma_start3A_303, %dma_start3A_304] : memref<2x104x128xf32, #tpu.memory_space<vmem>> -> memref<1x104x128xf32, #tpu.memory_space<vmem>>
    %dma_start3A_306 = tpu.memref_squeeze %dma_start3A_305 : memref<1x104x128xf32, #tpu.memory_space<vmem>> -> memref<104x128xf32, #tpu.memory_space<vmem>>
    %dma_start3A_307 = arith.constant 0 : i32
    %dma_start3A_308 = tpu.memref_slice %arg7[%dma_start3A_301, %dma_start3A_302, %dma_start3A_307] : memref<4x2x104xi32, #tpu.memory_space<vmem>> -> memref<1x1x104xi32, #tpu.memory_space<vmem>>
    %dma_start3A_309 = tpu.memref_squeeze %dma_start3A_308 : memref<1x1x104xi32, #tpu.memory_space<vmem>> -> memref<104xi32, #tpu.memory_space<vmem>>
    %dma_start3A_310 = arith.constant 0 : i32
    %dma_start3A_311 = arith.constant 0 : i32
    %dma_start3A_312 = tpu.memref_slice %arg15[%dma_start3A_310, %dma_start3A_311] : memref<10000x128xf32, #tpu.memory_space<vmem_shared>> -> memref<10000x128xf32, #tpu.memory_space<vmem_shared>>
    tpu.enqueue_indirect_dma source(%dma_start3A_306 : memref<104x128xf32, #tpu.memory_space<vmem>>) target(%dma_start3A_312 : memref<10000x128xf32, #tpu.memory_space<vmem_shared>>) offsets(%dma_start3A_309 : memref<104xi32, #tpu.memory_space<vmem>>) semaphore(%arg13 : memref<!tpu.dma_semaphore, #tpu.memory_space<semaphore_mem>>) {add = true}
    %dma_start3A_313 = arith.constant 2 : i32
    %dma_start3A_314 = arith.constant 1 : i32
    %dma_start3A_315 = arith.constant 0 : i32
    %dma_start3A_316 = tpu.memref_slice %arg7[%dma_start3A_313, %dma_start3A_314, %dma_start3A_315] : memref<4x2x104xi32, #tpu.memory_space<vmem>> -> memref<1x1x104xi32, #tpu.memory_space<vmem>>
    %dma_start3A_317 = tpu.memref_squeeze %dma_start3A_316 : memref<1x1x104xi32, #tpu.memory_space<vmem>> -> memref<104xi32, #tpu.memory_space<vmem>>
    %dma_start3A_318 = arith.constant 0 : i32
    %dma_start3A_319 = arith.constant 0 : i32
    %dma_start3A_320 = tpu.memref_slice %arg19[%dma_start3A_318, %dma_start3A_319] : memref<10000x16xf32, #tpu.memory_space<vmem_shared>> -> memref<10000x16xf32, #tpu.memory_space<vmem_shared>>
    tpu.enqueue_indirect_dma source(%arg16 : memref<104x16xf32, #tpu.memory_space<vmem>>) target(%dma_start3A_320 : memref<10000x16xf32, #tpu.memory_space<vmem_shared>>) offsets(%dma_start3A_317 : memref<104xi32, #tpu.memory_space<vmem>>) semaphore(%arg14 : memref<!tpu.dma_semaphore, #tpu.memory_space<semaphore_mem>>) {add = true}
    %dma_wait3A_321 = arith.constant 0 : i32
    %dma_wait3A_322 = arith.constant 2 : i32
    %dma_wait3A_323 = arith.constant 1 : i32
    %dma_wait3A_324 = arith.constant 0 : i32
    %dma_wait3A_325 = arith.constant 0 : i32
    %dma_wait3A_326 = tpu.memref_slice %arg8[%dma_wait3A_321, %dma_wait3A_324, %dma_wait3A_325] : memref<2x104x128xf32, #tpu.memory_space<vmem>> -> memref<1x104x128xf32, #tpu.memory_space<vmem>>
    %dma_wait3A_327 = tpu.memref_squeeze %dma_wait3A_326 : memref<1x104x128xf32, #tpu.memory_space<vmem>> -> memref<104x128xf32, #tpu.memory_space<vmem>>
    %dma_wait3A_328 = arith.constant 0 : i32
    %dma_wait3A_329 = tpu.memref_slice %arg7[%dma_wait3A_322, %dma_wait3A_323, %dma_wait3A_328] : memref<4x2x104xi32, #tpu.memory_space<vmem>> -> memref<1x1x104xi32, #tpu.memory_space<vmem>>
    %dma_wait3A_330 = tpu.memref_squeeze %dma_wait3A_329 : memref<1x1x104xi32, #tpu.memory_space<vmem>> -> memref<104xi32, #tpu.memory_space<vmem>>
    %dma_wait3A_331 = arith.constant 0 : i32
    %dma_wait3A_332 = arith.constant 0 : i32
    %dma_wait3A_333 = tpu.memref_slice %arg15[%dma_wait3A_331, %dma_wait3A_332] : memref<10000x128xf32, #tpu.memory_space<vmem_shared>> -> memref<10000x128xf32, #tpu.memory_space<vmem_shared>>
    tpu.wait_indirect_dma semaphore(%arg13 : memref<!tpu.dma_semaphore, #tpu.memory_space<semaphore_mem>>) src(%dma_wait3A_327 : memref<104x128xf32, #tpu.memory_space<vmem>>) dst(%dma_wait3A_333 : memref<10000x128xf32, #tpu.memory_space<vmem_shared>>)
    %dma_wait3A_334 = arith.constant 2 : i32
    %dma_wait3A_335 = arith.constant 1 : i32
    %dma_wait3A_336 = arith.constant 0 : i32
    %dma_wait3A_337 = tpu.memref_slice %arg7[%dma_wait3A_334, %dma_wait3A_335, %dma_wait3A_336] : memref<4x2x104xi32, #tpu.memory_space<vmem>> -> memref<1x1x104xi32, #tpu.memory_space<vmem>>
    %dma_wait3A_338 = tpu.memref_squeeze %dma_wait3A_337 : memref<1x1x104xi32, #tpu.memory_space<vmem>> -> memref<104xi32, #tpu.memory_space<vmem>>
    %dma_wait3A_339 = arith.constant 0 : i32
    %dma_wait3A_340 = arith.constant 0 : i32
    %dma_wait3A_341 = tpu.memref_slice %arg19[%dma_wait3A_339, %dma_wait3A_340] : memref<10000x16xf32, #tpu.memory_space<vmem_shared>> -> memref<10000x16xf32, #tpu.memory_space<vmem_shared>>
    tpu.wait_indirect_dma semaphore(%arg14 : memref<!tpu.dma_semaphore, #tpu.memory_space<semaphore_mem>>) src(%arg16 : memref<104x16xf32, #tpu.memory_space<vmem>>) dst(%dma_wait3A_341 : memref<10000x16xf32, #tpu.memory_space<vmem_shared>>)
    %dma_wait3A_342 = arith.constant 3 : i32
    %dma_wait3A_343 = arith.constant 0 : i32
    %dma_wait3A_344 = arith.constant 1 : i32
    %dma_wait3A_345 = arith.constant 0 : i32
    %dma_wait3A_346 = arith.constant 0 : i32
    %dma_wait3A_347 = tpu.memref_slice %arg8[%dma_wait3A_344, %dma_wait3A_345, %dma_wait3A_346] : memref<2x104x128xf32, #tpu.memory_space<vmem>> -> memref<1x104x128xf32, #tpu.memory_space<vmem>>
    %dma_wait3A_348 = tpu.memref_squeeze %dma_wait3A_347 : memref<1x104x128xf32, #tpu.memory_space<vmem>> -> memref<104x128xf32, #tpu.memory_space<vmem>>
    %dma_wait3A_349 = arith.constant 0 : i32
    %dma_wait3A_350 = tpu.memref_slice %arg7[%dma_wait3A_342, %dma_wait3A_343, %dma_wait3A_349] : memref<4x2x104xi32, #tpu.memory_space<vmem>> -> memref<1x1x104xi32, #tpu.memory_space<vmem>>
    %dma_wait3A_351 = tpu.memref_squeeze %dma_wait3A_350 : memref<1x1x104xi32, #tpu.memory_space<vmem>> -> memref<104xi32, #tpu.memory_space<vmem>>
    %dma_wait3A_352 = arith.constant 0 : i32
    %dma_wait3A_353 = arith.constant 0 : i32
    %dma_wait3A_354 = tpu.memref_slice %arg2[%dma_wait3A_352, %dma_wait3A_353] : memref<10000x128xf32, #tpu.memory_space<hbm>> -> memref<10000x128xf32, #tpu.memory_space<hbm>>
    tpu.wait_indirect_dma semaphore(%arg12 : memref<!tpu.dma_semaphore, #tpu.memory_space<semaphore_mem>>) src(%dma_wait3A_354 : memref<10000x128xf32, #tpu.memory_space<hbm>>) dst(%dma_wait3A_348 : memref<104x128xf32, #tpu.memory_space<vmem>>)
    %dma_start3A_355 = arith.constant 1 : i32
    %dma_start3A_356 = arith.constant 3 : i32
    %dma_start3A_357 = arith.constant 1 : i32
    %dma_start3A_358 = arith.constant 0 : i32
    %dma_start3A_359 = arith.constant 0 : i32
    %dma_start3A_360 = tpu.memref_slice %arg8[%dma_start3A_355, %dma_start3A_358, %dma_start3A_359] : memref<2x104x128xf32, #tpu.memory_space<vmem>> -> memref<1x104x128xf32, #tpu.memory_space<vmem>>
    %dma_start3A_361 = tpu.memref_squeeze %dma_start3A_360 : memref<1x104x128xf32, #tpu.memory_space<vmem>> -> memref<104x128xf32, #tpu.memory_space<vmem>>
    %dma_start3A_362 = arith.constant 0 : i32
    %dma_start3A_363 = tpu.memref_slice %arg7[%dma_start3A_356, %dma_start3A_357, %dma_start3A_362] : memref<4x2x104xi32, #tpu.memory_space<vmem>> -> memref<1x1x104xi32, #tpu.memory_space<vmem>>
    %dma_start3A_364 = tpu.memref_squeeze %dma_start3A_363 : memref<1x1x104xi32, #tpu.memory_space<vmem>> -> memref<104xi32, #tpu.memory_space<vmem>>
    %dma_start3A_365 = arith.constant 0 : i32
    %dma_start3A_366 = arith.constant 0 : i32
    %dma_start3A_367 = tpu.memref_slice %arg15[%dma_start3A_365, %dma_start3A_366] : memref<10000x128xf32, #tpu.memory_space<vmem_shared>> -> memref<10000x128xf32, #tpu.memory_space<vmem_shared>>
    tpu.enqueue_indirect_dma source(%dma_start3A_361 : memref<104x128xf32, #tpu.memory_space<vmem>>) target(%dma_start3A_367 : memref<10000x128xf32, #tpu.memory_space<vmem_shared>>) offsets(%dma_start3A_364 : memref<104xi32, #tpu.memory_space<vmem>>) semaphore(%arg13 : memref<!tpu.dma_semaphore, #tpu.memory_space<semaphore_mem>>) {add = true}
    %dma_start3A_368 = arith.constant 3 : i32
    %dma_start3A_369 = arith.constant 1 : i32
    %dma_start3A_370 = arith.constant 0 : i32
    %dma_start3A_371 = tpu.memref_slice %arg7[%dma_start3A_368, %dma_start3A_369, %dma_start3A_370] : memref<4x2x104xi32, #tpu.memory_space<vmem>> -> memref<1x1x104xi32, #tpu.memory_space<vmem>>
    %dma_start3A_372 = tpu.memref_squeeze %dma_start3A_371 : memref<1x1x104xi32, #tpu.memory_space<vmem>> -> memref<104xi32, #tpu.memory_space<vmem>>
    %dma_start3A_373 = arith.constant 0 : i32
    %dma_start3A_374 = arith.constant 0 : i32
    %dma_start3A_375 = tpu.memref_slice %arg19[%dma_start3A_373, %dma_start3A_374] : memref<10000x16xf32, #tpu.memory_space<vmem_shared>> -> memref<10000x16xf32, #tpu.memory_space<vmem_shared>>
    tpu.enqueue_indirect_dma source(%arg16 : memref<104x16xf32, #tpu.memory_space<vmem>>) target(%dma_start3A_375 : memref<10000x16xf32, #tpu.memory_space<vmem_shared>>) offsets(%dma_start3A_372 : memref<104xi32, #tpu.memory_space<vmem>>) semaphore(%arg14 : memref<!tpu.dma_semaphore, #tpu.memory_space<semaphore_mem>>) {add = true}
    %dma_wait3A_376 = arith.constant 1 : i32
    %dma_wait3A_377 = arith.constant 3 : i32
    %dma_wait3A_378 = arith.constant 1 : i32
    %dma_wait3A_379 = arith.constant 0 : i32
    %dma_wait3A_380 = arith.constant 0 : i32
    %dma_wait3A_381 = tpu.memref_slice %arg8[%dma_wait3A_376, %dma_wait3A_379, %dma_wait3A_380] : memref<2x104x128xf32, #tpu.memory_space<vmem>> -> memref<1x104x128xf32, #tpu.memory_space<vmem>>
    %dma_wait3A_382 = tpu.memref_squeeze %dma_wait3A_381 : memref<1x104x128xf32, #tpu.memory_space<vmem>> -> memref<104x128xf32, #tpu.memory_space<vmem>>
    %dma_wait3A_383 = arith.constant 0 : i32
    %dma_wait3A_384 = tpu.memref_slice %arg7[%dma_wait3A_377, %dma_wait3A_378, %dma_wait3A_383] : memref<4x2x104xi32, #tpu.memory_space<vmem>> -> memref<1x1x104xi32, #tpu.memory_space<vmem>>
    %dma_wait3A_385 = tpu.memref_squeeze %dma_wait3A_384 : memref<1x1x104xi32, #tpu.memory_space<vmem>> -> memref<104xi32, #tpu.memory_space<vmem>>
    %dma_wait3A_386 = arith.constant 0 : i32
    %dma_wait3A_387 = arith.constant 0 : i32
    %dma_wait3A_388 = tpu.memref_slice %arg15[%dma_wait3A_386, %dma_wait3A_387] : memref<10000x128xf32, #tpu.memory_space<vmem_shared>> -> memref<10000x128xf32, #tpu.memory_space<vmem_shared>>
    tpu.wait_indirect_dma semaphore(%arg13 : memref<!tpu.dma_semaphore, #tpu.memory_space<semaphore_mem>>) src(%dma_wait3A_382 : memref<104x128xf32, #tpu.memory_space<vmem>>) dst(%dma_wait3A_388 : memref<10000x128xf32, #tpu.memory_space<vmem_shared>>)
    %dma_wait3A_389 = arith.constant 3 : i32
    %dma_wait3A_390 = arith.constant 1 : i32
    %dma_wait3A_391 = arith.constant 0 : i32
    %dma_wait3A_392 = tpu.memref_slice %arg7[%dma_wait3A_389, %dma_wait3A_390, %dma_wait3A_391] : memref<4x2x104xi32, #tpu.memory_space<vmem>> -> memref<1x1x104xi32, #tpu.memory_space<vmem>>
    %dma_wait3A_393 = tpu.memref_squeeze %dma_wait3A_392 : memref<1x1x104xi32, #tpu.memory_space<vmem>> -> memref<104xi32, #tpu.memory_space<vmem>>
    %dma_wait3A_394 = arith.constant 0 : i32
    %dma_wait3A_395 = arith.constant 0 : i32
    %dma_wait3A_396 = tpu.memref_slice %arg19[%dma_wait3A_394, %dma_wait3A_395] : memref<10000x16xf32, #tpu.memory_space<vmem_shared>> -> memref<10000x16xf32, #tpu.memory_space<vmem_shared>>
    tpu.wait_indirect_dma semaphore(%arg14 : memref<!tpu.dma_semaphore, #tpu.memory_space<semaphore_mem>>) src(%arg16 : memref<104x16xf32, #tpu.memory_space<vmem>>) dst(%dma_wait3A_396 : memref<10000x16xf32, #tpu.memory_space<vmem_shared>>)
    %add3A_397 = arith.constant 9984 : i32
    %add3A_398 = arith.addi %mul3A_28, %add3A_397 : i32
    "tpu.region"() ({
      %run_scoped3A_481 = tpu.sem_alloc : memref<!tpu.dma_semaphore, #tpu.memory_space<semaphore_mem>>
      %dma_start3A_482 = arith.constant 0 : i32
      %dma_start3A_483 = tpu.memref_slice %arg3[%dma_start3A_482, %add3A_398] : memref<2x320000xi32, #tpu.memory_space<hbm>> -> memref<2x16xi32, #tpu.memory_space<hbm>>
      %dma_start3A_484 = arith.constant 0 : i32
      %dma_start3A_485 = tpu.memref_slice %arg3[%dma_start3A_484, %add3A_398] : memref<2x320000xi32, #tpu.memory_space<hbm>> -> memref<2x16xi32, #tpu.memory_space<hbm>>
      tpu.enqueue_dma source(%dma_start3A_485 : memref<2x16xi32, #tpu.memory_space<hbm>>) target(%arg9 : memref<2x16xi32, #tpu.memory_space<vmem>>) target_semaphore(%run_scoped3A_481 : memref<!tpu.dma_semaphore, #tpu.memory_space<semaphore_mem>>)
      %dma_wait3A_486 = arith.constant 0 : i32
      %dma_wait3A_487 = tpu.memref_slice %arg3[%dma_wait3A_486, %add3A_398] : memref<2x320000xi32, #tpu.memory_space<hbm>> -> memref<2x16xi32, #tpu.memory_space<hbm>>
      %dma_wait3A_488 = arith.constant 0 : i32
      %dma_wait3A_489 = tpu.memref_slice %arg3[%dma_wait3A_488, %add3A_398] : memref<2x320000xi32, #tpu.memory_space<hbm>> -> memref<2x16xi32, #tpu.memory_space<hbm>>
      tpu.wait_dma2 semaphore(%run_scoped3A_481 : memref<!tpu.dma_semaphore, #tpu.memory_space<semaphore_mem>>) src(%dma_wait3A_489 : memref<2x16xi32, #tpu.memory_space<hbm>>) dst(%arg9 : memref<2x16xi32, #tpu.memory_space<vmem>>)
      tpu.yield
    }) : () -> ()
    %dma_start3A_399 = arith.constant 0 : i32
    %dma_start3A_400 = arith.constant 0 : i32
    %dma_start3A_401 = arith.constant 0 : i32
    %dma_start3A_402 = arith.constant 0 : i32
    %dma_start3A_403 = tpu.memref_slice %arg8[%dma_start3A_400, %dma_start3A_401, %dma_start3A_402] : memref<2x104x128xf32, #tpu.memory_space<vmem>> -> memref<1x16x128xf32, #tpu.memory_space<vmem>>
    %dma_start3A_404 = tpu.memref_squeeze %dma_start3A_403 : memref<1x16x128xf32, #tpu.memory_space<vmem>> -> memref<16x128xf32, #tpu.memory_space<vmem>>
    %dma_start3A_405 = arith.constant 0 : i32
    %dma_start3A_406 = tpu.memref_slice %arg9[%dma_start3A_399, %dma_start3A_405] : memref<2x16xi32, #tpu.memory_space<vmem>> -> memref<1x16xi32, #tpu.memory_space<vmem>>
    %dma_start3A_407 = tpu.memref_squeeze %dma_start3A_406 : memref<1x16xi32, #tpu.memory_space<vmem>> -> memref<16xi32, #tpu.memory_space<vmem>>
    %dma_start3A_408 = arith.constant 0 : i32
    %dma_start3A_409 = arith.constant 0 : i32
    %dma_start3A_410 = tpu.memref_slice %arg2[%dma_start3A_408, %dma_start3A_409] : memref<10000x128xf32, #tpu.memory_space<hbm>> -> memref<10000x128xf32, #tpu.memory_space<hbm>>
    tpu.enqueue_indirect_dma source(%dma_start3A_410 : memref<10000x128xf32, #tpu.memory_space<hbm>>) target(%dma_start3A_404 : memref<16x128xf32, #tpu.memory_space<vmem>>) offsets(%dma_start3A_407 : memref<16xi32, #tpu.memory_space<vmem>>) semaphore(%arg11 : memref<!tpu.dma_semaphore, #tpu.memory_space<semaphore_mem>>)
    %dma_wait3A_411 = arith.constant 0 : i32
    %dma_wait3A_412 = arith.constant 0 : i32
    %dma_wait3A_413 = arith.constant 0 : i32
    %dma_wait3A_414 = arith.constant 0 : i32
    %dma_wait3A_415 = tpu.memref_slice %arg8[%dma_wait3A_412, %dma_wait3A_413, %dma_wait3A_414] : memref<2x104x128xf32, #tpu.memory_space<vmem>> -> memref<1x16x128xf32, #tpu.memory_space<vmem>>
    %dma_wait3A_416 = tpu.memref_squeeze %dma_wait3A_415 : memref<1x16x128xf32, #tpu.memory_space<vmem>> -> memref<16x128xf32, #tpu.memory_space<vmem>>
    %dma_wait3A_417 = arith.constant 0 : i32
    %dma_wait3A_418 = tpu.memref_slice %arg9[%dma_wait3A_411, %dma_wait3A_417] : memref<2x16xi32, #tpu.memory_space<vmem>> -> memref<1x16xi32, #tpu.memory_space<vmem>>
    %dma_wait3A_419 = tpu.memref_squeeze %dma_wait3A_418 : memref<1x16xi32, #tpu.memory_space<vmem>> -> memref<16xi32, #tpu.memory_space<vmem>>
    %dma_wait3A_420 = arith.constant 0 : i32
    %dma_wait3A_421 = arith.constant 0 : i32
    %dma_wait3A_422 = tpu.memref_slice %arg2[%dma_wait3A_420, %dma_wait3A_421] : memref<10000x128xf32, #tpu.memory_space<hbm>> -> memref<10000x128xf32, #tpu.memory_space<hbm>>
    tpu.wait_indirect_dma semaphore(%arg11 : memref<!tpu.dma_semaphore, #tpu.memory_space<semaphore_mem>>) src(%dma_wait3A_422 : memref<10000x128xf32, #tpu.memory_space<hbm>>) dst(%dma_wait3A_416 : memref<16x128xf32, #tpu.memory_space<vmem>>)
    %run_scoped3A_423 = arith.constant 0 : i32
    %run_scoped3A_424 = arith.constant 1 : i32
    "tpu.region"() ({
      %run_scoped3A_481 = tpu.sem_alloc : memref<!tpu.dma_semaphore, #tpu.memory_space<semaphore_mem>>
      %dma_start3A_482 = arith.constant 0 : i32
      %dma_start3A_483 = arith.constant 0 : i32
      %dma_start3A_484 = tpu.memref_slice %arg8[%run_scoped3A_423, %dma_start3A_482, %dma_start3A_483] : memref<2x104x128xf32, #tpu.memory_space<vmem>> -> memref<1x16x128xf32, #tpu.memory_space<vmem>>
      %dma_start3A_485 = tpu.memref_squeeze %dma_start3A_484 : memref<1x16x128xf32, #tpu.memory_space<vmem>> -> memref<16x128xf32, #tpu.memory_space<vmem>>
      %dma_start3A_486 = arith.constant 0 : i32
      %dma_start3A_487 = tpu.memref_slice %arg9[%run_scoped3A_424, %dma_start3A_486] : memref<2x16xi32, #tpu.memory_space<vmem>> -> memref<1x16xi32, #tpu.memory_space<vmem>>
      %dma_start3A_488 = tpu.memref_squeeze %dma_start3A_487 : memref<1x16xi32, #tpu.memory_space<vmem>> -> memref<16xi32, #tpu.memory_space<vmem>>
      %dma_start3A_489 = arith.constant 0 : i32
      %dma_start3A_490 = arith.constant 0 : i32
      %dma_start3A_491 = tpu.memref_slice %arg15[%dma_start3A_489, %dma_start3A_490] : memref<10000x128xf32, #tpu.memory_space<vmem_shared>> -> memref<10000x128xf32, #tpu.memory_space<vmem_shared>>
      tpu.enqueue_indirect_dma source(%dma_start3A_485 : memref<16x128xf32, #tpu.memory_space<vmem>>) target(%dma_start3A_491 : memref<10000x128xf32, #tpu.memory_space<vmem_shared>>) offsets(%dma_start3A_488 : memref<16xi32, #tpu.memory_space<vmem>>) semaphore(%run_scoped3A_481 : memref<!tpu.dma_semaphore, #tpu.memory_space<semaphore_mem>>) {add = true}
      %dma_wait3A_492 = arith.constant 0 : i32
      %dma_wait3A_493 = arith.constant 0 : i32
      %dma_wait3A_494 = tpu.memref_slice %arg8[%run_scoped3A_423, %dma_wait3A_492, %dma_wait3A_493] : memref<2x104x128xf32, #tpu.memory_space<vmem>> -> memref<1x16x128xf32, #tpu.memory_space<vmem>>
      %dma_wait3A_495 = tpu.memref_squeeze %dma_wait3A_494 : memref<1x16x128xf32, #tpu.memory_space<vmem>> -> memref<16x128xf32, #tpu.memory_space<vmem>>
      %dma_wait3A_496 = arith.constant 0 : i32
      %dma_wait3A_497 = tpu.memref_slice %arg9[%run_scoped3A_424, %dma_wait3A_496] : memref<2x16xi32, #tpu.memory_space<vmem>> -> memref<1x16xi32, #tpu.memory_space<vmem>>
      %dma_wait3A_498 = tpu.memref_squeeze %dma_wait3A_497 : memref<1x16xi32, #tpu.memory_space<vmem>> -> memref<16xi32, #tpu.memory_space<vmem>>
      %dma_wait3A_499 = arith.constant 0 : i32
      %dma_wait3A_500 = arith.constant 0 : i32
      %dma_wait3A_501 = tpu.memref_slice %arg15[%dma_wait3A_499, %dma_wait3A_500] : memref<10000x128xf32, #tpu.memory_space<vmem_shared>> -> memref<10000x128xf32, #tpu.memory_space<vmem_shared>>
      tpu.wait_indirect_dma semaphore(%run_scoped3A_481 : memref<!tpu.dma_semaphore, #tpu.memory_space<semaphore_mem>>) src(%dma_wait3A_495 : memref<16x128xf32, #tpu.memory_space<vmem>>) dst(%dma_wait3A_501 : memref<10000x128xf32, #tpu.memory_space<vmem_shared>>)
      tpu.yield
    }) : () -> ()
    %run_scoped3A_425 = arith.constant 1 : i32
    "tpu.region"() ({
      %run_scoped3A_481 = tpu.sem_alloc : memref<!tpu.dma_semaphore, #tpu.memory_space<semaphore_mem>>
      %dma_start3A_482 = arith.constant 0 : i32
      %dma_start3A_483 = arith.constant 0 : i32
      %dma_start3A_484 = tpu.memref_slice %arg16[%dma_start3A_482, %dma_start3A_483] : memref<104x16xf32, #tpu.memory_space<vmem>> -> memref<16x16xf32, #tpu.memory_space<vmem>>
      %dma_start3A_485 = arith.constant 0 : i32
      %dma_start3A_486 = tpu.memref_slice %arg9[%run_scoped3A_425, %dma_start3A_485] : memref<2x16xi32, #tpu.memory_space<vmem>> -> memref<1x16xi32, #tpu.memory_space<vmem>>
      %dma_start3A_487 = tpu.memref_squeeze %dma_start3A_486 : memref<1x16xi32, #tpu.memory_space<vmem>> -> memref<16xi32, #tpu.memory_space<vmem>>
      %dma_start3A_488 = arith.constant 0 : i32
      %dma_start3A_489 = arith.constant 0 : i32
      %dma_start3A_490 = tpu.memref_slice %arg19[%dma_start3A_488, %dma_start3A_489] : memref<10000x16xf32, #tpu.memory_space<vmem_shared>> -> memref<10000x16xf32, #tpu.memory_space<vmem_shared>>
      tpu.enqueue_indirect_dma source(%dma_start3A_484 : memref<16x16xf32, #tpu.memory_space<vmem>>) target(%dma_start3A_490 : memref<10000x16xf32, #tpu.memory_space<vmem_shared>>) offsets(%dma_start3A_487 : memref<16xi32, #tpu.memory_space<vmem>>) semaphore(%run_scoped3A_481 : memref<!tpu.dma_semaphore, #tpu.memory_space<semaphore_mem>>) {add = true}
      %dma_wait3A_491 = arith.constant 0 : i32
      %dma_wait3A_492 = arith.constant 0 : i32
      %dma_wait3A_493 = tpu.memref_slice %arg16[%dma_wait3A_491, %dma_wait3A_492] : memref<104x16xf32, #tpu.memory_space<vmem>> -> memref<16x16xf32, #tpu.memory_space<vmem>>
      %dma_wait3A_494 = arith.constant 0 : i32
      %dma_wait3A_495 = tpu.memref_slice %arg9[%run_scoped3A_425, %dma_wait3A_494] : memref<2x16xi32, #tpu.memory_space<vmem>> -> memref<1x16xi32, #tpu.memory_space<vmem>>
      %dma_wait3A_496 = tpu.memref_squeeze %dma_wait3A_495 : memref<1x16xi32, #tpu.memory_space<vmem>> -> memref<16xi32, #tpu.memory_space<vmem>>
      %dma_wait3A_497 = arith.constant 0 : i32
      %dma_wait3A_498 = arith.constant 0 : i32
      %dma_wait3A_499 = tpu.memref_slice %arg19[%dma_wait3A_497, %dma_wait3A_498] : memref<10000x16xf32, #tpu.memory_space<vmem_shared>> -> memref<10000x16xf32, #tpu.memory_space<vmem_shared>>
      tpu.wait_indirect_dma semaphore(%run_scoped3A_481 : memref<!tpu.dma_semaphore, #tpu.memory_space<semaphore_mem>>) src(%dma_wait3A_493 : memref<16x16xf32, #tpu.memory_space<vmem>>) dst(%dma_wait3A_499 : memref<10000x16xf32, #tpu.memory_space<vmem_shared>>)
      tpu.yield
    }) : () -> ()
    %barrier3A_426 = arith.constant 0 : index
    tpu.barrier barrier_id(%barrier3A_426)
    "tpu.region"() ({
      %run_scoped3A_481 = tpu.sem_alloc : memref<!tpu.dma_semaphore, #tpu.memory_space<semaphore_mem>>
      %dma_start3A_482 = arith.constant 0 : i32
      %dma_start3A_483 = tpu.memref_slice %arg5[%arg0, %mul3A_2, %dma_start3A_482] : memref<2x10000x128xf32, #tpu.memory_space<hbm>> -> memref<1x624x128xf32, #tpu.memory_space<hbm>>
      %dma_start3A_484 = tpu.memref_squeeze %dma_start3A_483 : memref<1x624x128xf32, #tpu.memory_space<hbm>> -> memref<624x128xf32, #tpu.memory_space<hbm>>
      %dma_start3A_485 = arith.constant 0 : i32
      %dma_start3A_486 = tpu.memref_slice %arg15[%mul3A_2, %dma_start3A_485] : memref<10000x128xf32, #tpu.memory_space<vmem_shared>> -> memref<624x128xf32, #tpu.memory_space<vmem_shared>>
      tpu.enqueue_dma source(%dma_start3A_486 : memref<624x128xf32, #tpu.memory_space<vmem_shared>>) target(%dma_start3A_484 : memref<624x128xf32, #tpu.memory_space<hbm>>) target_semaphore(%run_scoped3A_481 : memref<!tpu.dma_semaphore, #tpu.memory_space<semaphore_mem>>)
      %dma_wait3A_487 = arith.constant 0 : i32
      %dma_wait3A_488 = tpu.memref_slice %arg5[%arg0, %mul3A_2, %dma_wait3A_487] : memref<2x10000x128xf32, #tpu.memory_space<hbm>> -> memref<1x624x128xf32, #tpu.memory_space<hbm>>
      %dma_wait3A_489 = tpu.memref_squeeze %dma_wait3A_488 : memref<1x624x128xf32, #tpu.memory_space<hbm>> -> memref<624x128xf32, #tpu.memory_space<hbm>>
      %dma_wait3A_490 = arith.constant 0 : i32
      %dma_wait3A_491 = tpu.memref_slice %arg15[%mul3A_2, %dma_wait3A_490] : memref<10000x128xf32, #tpu.memory_space<vmem_shared>> -> memref<624x128xf32, #tpu.memory_space<vmem_shared>>
      tpu.wait_dma2 semaphore(%run_scoped3A_481 : memref<!tpu.dma_semaphore, #tpu.memory_space<semaphore_mem>>) src(%dma_wait3A_491 : memref<624x128xf32, #tpu.memory_space<vmem_shared>>) dst(%dma_wait3A_489 : memref<624x128xf32, #tpu.memory_space<hbm>>)
      tpu.yield
    }) : () -> ()
    %convert_element_type3A_427 = arith.extui %eq3A_3 : i1 to i32
    %cond3A_428 = arith.constant 0 : i32
    %cond3A_429 = arith.cmpi ne, %convert_element_type3A_427, %cond3A_428 : i32
    scf.if %cond3A_429 {
      "tpu.region"() ({
        %run_scoped3A_481 = tpu.sem_alloc : memref<!tpu.dma_semaphore, #tpu.memory_space<semaphore_mem>>
        %dma_start3A_482 = arith.constant 9984 : i32
        %dma_start3A_483 = arith.constant 0 : i32
        %dma_start3A_484 = tpu.memref_slice %arg5[%arg0, %dma_start3A_482, %dma_start3A_483] : memref<2x10000x128xf32, #tpu.memory_space<hbm>> -> memref<1x16x128xf32, #tpu.memory_space<hbm>>
        %dma_start3A_485 = tpu.memref_squeeze %dma_start3A_484 : memref<1x16x128xf32, #tpu.memory_space<hbm>> -> memref<16x128xf32, #tpu.memory_space<hbm>>
        %dma_start3A_486 = arith.constant 9984 : i32
        %dma_start3A_487 = arith.constant 0 : i32
        %dma_start3A_488 = tpu.memref_slice %arg15[%dma_start3A_486, %dma_start3A_487] : memref<10000x128xf32, #tpu.memory_space<vmem_shared>> -> memref<16x128xf32, #tpu.memory_space<vmem_shared>>
        tpu.enqueue_dma source(%dma_start3A_488 : memref<16x128xf32, #tpu.memory_space<vmem_shared>>) target(%dma_start3A_485 : memref<16x128xf32, #tpu.memory_space<hbm>>) target_semaphore(%run_scoped3A_481 : memref<!tpu.dma_semaphore, #tpu.memory_space<semaphore_mem>>)
        %dma_wait3A_489 = arith.constant 9984 : i32
        %dma_wait3A_490 = arith.constant 0 : i32
        %dma_wait3A_491 = tpu.memref_slice %arg5[%arg0, %dma_wait3A_489, %dma_wait3A_490] : memref<2x10000x128xf32, #tpu.memory_space<hbm>> -> memref<1x16x128xf32, #tpu.memory_space<hbm>>
        %dma_wait3A_492 = tpu.memref_squeeze %dma_wait3A_491 : memref<1x16x128xf32, #tpu.memory_space<hbm>> -> memref<16x128xf32, #tpu.memory_space<hbm>>
        %dma_wait3A_493 = arith.constant 9984 : i32
        %dma_wait3A_494 = arith.constant 0 : i32
        %dma_wait3A_495 = tpu.memref_slice %arg15[%dma_wait3A_493, %dma_wait3A_494] : memref<10000x128xf32, #tpu.memory_space<vmem_shared>> -> memref<16x128xf32, #tpu.memory_space<vmem_shared>>
        tpu.wait_dma2 semaphore(%run_scoped3A_481 : memref<!tpu.dma_semaphore, #tpu.memory_space<semaphore_mem>>) src(%dma_wait3A_495 : memref<16x128xf32, #tpu.memory_space<vmem_shared>>) dst(%dma_wait3A_492 : memref<16x128xf32, #tpu.memory_space<hbm>>)
        tpu.yield
      }) : () -> ()
    } else {
    }
    %add3A_430 = arith.constant 0 : i32
    %add3A_431 = arith.addi %mul3A_2, %add3A_430 : i32
    "tpu.region"() ({
      %run_scoped3A_481 = tpu.sem_alloc : memref<!tpu.dma_semaphore, #tpu.memory_space<semaphore_mem>>
      %dma_start3A_482 = arith.constant 0 : i32
      %dma_start3A_483 = tpu.memref_slice %arg19[%add3A_431, %dma_start3A_482] : memref<10000x16xf32, #tpu.memory_space<vmem_shared>> -> memref<156x16xf32, #tpu.memory_space<vmem_shared>>
      %dma_start3A_484 = arith.constant 0 : i32
      %dma_start3A_485 = tpu.memref_slice %arg19[%add3A_431, %dma_start3A_484] : memref<10000x16xf32, #tpu.memory_space<vmem_shared>> -> memref<156x16xf32, #tpu.memory_space<vmem_shared>>
      tpu.enqueue_dma source(%dma_start3A_485 : memref<156x16xf32, #tpu.memory_space<vmem_shared>>) target(%arg17 : memref<156x16xf32, #tpu.memory_space<vmem>>) target_semaphore(%run_scoped3A_481 : memref<!tpu.dma_semaphore, #tpu.memory_space<semaphore_mem>>)
      %dma_wait3A_486 = arith.constant 0 : i32
      %dma_wait3A_487 = tpu.memref_slice %arg19[%add3A_431, %dma_wait3A_486] : memref<10000x16xf32, #tpu.memory_space<vmem_shared>> -> memref<156x16xf32, #tpu.memory_space<vmem_shared>>
      %dma_wait3A_488 = arith.constant 0 : i32
      %dma_wait3A_489 = tpu.memref_slice %arg19[%add3A_431, %dma_wait3A_488] : memref<10000x16xf32, #tpu.memory_space<vmem_shared>> -> memref<156x16xf32, #tpu.memory_space<vmem_shared>>
      tpu.wait_dma2 semaphore(%run_scoped3A_481 : memref<!tpu.dma_semaphore, #tpu.memory_space<semaphore_mem>>) src(%dma_wait3A_489 : memref<156x16xf32, #tpu.memory_space<vmem_shared>>) dst(%arg17 : memref<156x16xf32, #tpu.memory_space<vmem>>)
      tpu.yield
    }) : () -> ()
    %scan3A_432 = arith.constant 0 : i32
    %scan3A_433 = arith.constant 0 : i32
    %scan3A_434 = arith.constant 156 : i32
    %scan3A_435 = arith.addi %scan3A_433, %scan3A_434 : i32
    %scan3A_436 = arith.constant 1 : i32
    scf.for %scan3A_481 = %scan3A_433 to %scan3A_435 step %scan3A_436  : i32 {
      %get3A = arith.index_cast %scan3A_481 : i32 to index
      %get3A_482 = arith.constant 0 : index
      %get3A_483 = tpu.vector_load %arg17[%get3A, %get3A_482] {strides = array<i32>} : memref<156x16xf32, #tpu.memory_space<vmem>>, vector<1x16xf32>,
      %get3A_484 = vector.shape_cast %get3A_483 : vector<1x16xf32> to vector<16xf32>
      %mul3A_485 = arith.constant 16 : i32
      %mul3A_486 = arith.muli %scan3A_481, %mul3A_485 : i32
      %swap3A = arith.index_cast %mul3A_486 : i32 to index
      %swap3A_487 = tpu.vector_load %arg18[%swap3A] {strides = array<i32>} : memref<2496xf32, #tpu.memory_space<vmem>>, vector<16xf32>,
      %swap3A_488 = vector.shape_cast %swap3A_487 : vector<16xf32> to vector<16xf32>
      %swap3A_489 = vector.shape_cast %get3A_484 : vector<16xf32> to vector<16xf32>
      tpu.vector_store %arg18[%swap3A], %swap3A_489 {strides = array<i32>} : memref<2496xf32, #tpu.memory_space<vmem>>, vector<16xf32>,
    }
    %scan3A_437 = arith.constant 156 : i32
    %mul3A_438 = arith.constant 9984 : i32
    %mul3A_439 = arith.muli %arg1, %mul3A_438 : i32
    %add3A_440 = arith.constant 0 : i32
    %add3A_441 = arith.addi %mul3A_439, %add3A_440 : i32
    "tpu.region"() ({
      %run_scoped3A_481 = tpu.sem_alloc : memref<!tpu.dma_semaphore, #tpu.memory_space<semaphore_mem>>
      %dma_start3A_482 = tpu.memref_slice %arg6[%arg0, %add3A_441] : memref<2x160000xf32, #tpu.memory_space<hbm>> -> memref<1x2496xf32, #tpu.memory_space<hbm>>
      %dma_start3A_483 = tpu.memref_squeeze %dma_start3A_482 : memref<1x2496xf32, #tpu.memory_space<hbm>> -> memref<2496xf32, #tpu.memory_space<hbm>>
      %dma_start3A_484 = tpu.memref_slice %arg6[%arg0, %add3A_441] : memref<2x160000xf32, #tpu.memory_space<hbm>> -> memref<1x2496xf32, #tpu.memory_space<hbm>>
      %dma_start3A_485 = tpu.memref_squeeze %dma_start3A_484 : memref<1x2496xf32, #tpu.memory_space<hbm>> -> memref<2496xf32, #tpu.memory_space<hbm>>
      tpu.enqueue_dma source(%arg18 : memref<2496xf32, #tpu.memory_space<vmem>>) target(%dma_start3A_485 : memref<2496xf32, #tpu.memory_space<hbm>>) target_semaphore(%run_scoped3A_481 : memref<!tpu.dma_semaphore, #tpu.memory_space<semaphore_mem>>)
      %dma_wait3A_486 = tpu.memref_slice %arg6[%arg0, %add3A_441] : memref<2x160000xf32, #tpu.memory_space<hbm>> -> memref<1x2496xf32, #tpu.memory_space<hbm>>
      %dma_wait3A_487 = tpu.memref_squeeze %dma_wait3A_486 : memref<1x2496xf32, #tpu.memory_space<hbm>> -> memref<2496xf32, #tpu.memory_space<hbm>>
      %dma_wait3A_488 = tpu.memref_slice %arg6[%arg0, %add3A_441] : memref<2x160000xf32, #tpu.memory_space<hbm>> -> memref<1x2496xf32, #tpu.memory_space<hbm>>
      %dma_wait3A_489 = tpu.memref_squeeze %dma_wait3A_488 : memref<1x2496xf32, #tpu.memory_space<hbm>> -> memref<2496xf32, #tpu.memory_space<hbm>>
      tpu.wait_dma2 semaphore(%run_scoped3A_481 : memref<!tpu.dma_semaphore, #tpu.memory_space<semaphore_mem>>) src(%arg18 : memref<2496xf32, #tpu.memory_space<vmem>>) dst(%dma_wait3A_489 : memref<2496xf32, #tpu.memory_space<hbm>>)
      tpu.yield
    }) : () -> ()
    %add3A_442 = arith.constant 156 : i32
    %add3A_443 = arith.addi %mul3A_2, %add3A_442 : i32
    "tpu.region"() ({
      %run_scoped3A_481 = tpu.sem_alloc : memref<!tpu.dma_semaphore, #tpu.memory_space<semaphore_mem>>
      %dma_start3A_482 = arith.constant 0 : i32
      %dma_start3A_483 = tpu.memref_slice %arg19[%add3A_443, %dma_start3A_482] : memref<10000x16xf32, #tpu.memory_space<vmem_shared>> -> memref<156x16xf32, #tpu.memory_space<vmem_shared>>
      %dma_start3A_484 = arith.constant 0 : i32
      %dma_start3A_485 = tpu.memref_slice %arg19[%add3A_443, %dma_start3A_484] : memref<10000x16xf32, #tpu.memory_space<vmem_shared>> -> memref<156x16xf32, #tpu.memory_space<vmem_shared>>
      tpu.enqueue_dma source(%dma_start3A_485 : memref<156x16xf32, #tpu.memory_space<vmem_shared>>) target(%arg17 : memref<156x16xf32, #tpu.memory_space<vmem>>) target_semaphore(%run_scoped3A_481 : memref<!tpu.dma_semaphore, #tpu.memory_space<semaphore_mem>>)
      %dma_wait3A_486 = arith.constant 0 : i32
      %dma_wait3A_487 = tpu.memref_slice %arg19[%add3A_443, %dma_wait3A_486] : memref<10000x16xf32, #tpu.memory_space<vmem_shared>> -> memref<156x16xf32, #tpu.memory_space<vmem_shared>>
      %dma_wait3A_488 = arith.constant 0 : i32
      %dma_wait3A_489 = tpu.memref_slice %arg19[%add3A_443, %dma_wait3A_488] : memref<10000x16xf32, #tpu.memory_space<vmem_shared>> -> memref<156x16xf32, #tpu.memory_space<vmem_shared>>
      tpu.wait_dma2 semaphore(%run_scoped3A_481 : memref<!tpu.dma_semaphore, #tpu.memory_space<semaphore_mem>>) src(%dma_wait3A_489 : memref<156x16xf32, #tpu.memory_space<vmem_shared>>) dst(%arg17 : memref<156x16xf32, #tpu.memory_space<vmem>>)
      tpu.yield
    }) : () -> ()
    %scan3A_444 = arith.constant 0 : i32
    %scan3A_445 = arith.constant 0 : i32
    %scan3A_446 = arith.constant 156 : i32
    %scan3A_447 = arith.addi %scan3A_445, %scan3A_446 : i32
    %scan3A_448 = arith.constant 1 : i32
    scf.for %scan3A_481 = %scan3A_445 to %scan3A_447 step %scan3A_448  : i32 {
      %get3A = arith.index_cast %scan3A_481 : i32 to index
      %get3A_482 = arith.constant 0 : index
      %get3A_483 = tpu.vector_load %arg17[%get3A, %get3A_482] {strides = array<i32>} : memref<156x16xf32, #tpu.memory_space<vmem>>, vector<1x16xf32>,
      %get3A_484 = vector.shape_cast %get3A_483 : vector<1x16xf32> to vector<16xf32>
      %mul3A_485 = arith.constant 16 : i32
      %mul3A_486 = arith.muli %scan3A_481, %mul3A_485 : i32
      %swap3A = arith.index_cast %mul3A_486 : i32 to index
      %swap3A_487 = tpu.vector_load %arg18[%swap3A] {strides = array<i32>} : memref<2496xf32, #tpu.memory_space<vmem>>, vector<16xf32>,
      %swap3A_488 = vector.shape_cast %swap3A_487 : vector<16xf32> to vector<16xf32>
      %swap3A_489 = vector.shape_cast %get3A_484 : vector<16xf32> to vector<16xf32>
      tpu.vector_store %arg18[%swap3A], %swap3A_489 {strides = array<i32>} : memref<2496xf32, #tpu.memory_space<vmem>>, vector<16xf32>,
    }
    %scan3A_449 = arith.constant 156 : i32
    %mul3A_450 = arith.constant 9984 : i32
    %mul3A_451 = arith.muli %arg1, %mul3A_450 : i32
    %add3A_452 = arith.constant 2496 : i32
    %add3A_453 = arith.addi %mul3A_451, %add3A_452 : i32
    "tpu.region"() ({
      %run_scoped3A_481 = tpu.sem_alloc : memref<!tpu.dma_semaphore, #tpu.memory_space<semaphore_mem>>
      %dma_start3A_482 = tpu.memref_slice %arg6[%arg0, %add3A_453] : memref<2x160000xf32, #tpu.memory_space<hbm>> -> memref<1x2496xf32, #tpu.memory_space<hbm>>
      %dma_start3A_483 = tpu.memref_squeeze %dma_start3A_482 : memref<1x2496xf32, #tpu.memory_space<hbm>> -> memref<2496xf32, #tpu.memory_space<hbm>>
      %dma_start3A_484 = tpu.memref_slice %arg6[%arg0, %add3A_453] : memref<2x160000xf32, #tpu.memory_space<hbm>> -> memref<1x2496xf32, #tpu.memory_space<hbm>>
      %dma_start3A_485 = tpu.memref_squeeze %dma_start3A_484 : memref<1x2496xf32, #tpu.memory_space<hbm>> -> memref<2496xf32, #tpu.memory_space<hbm>>
      tpu.enqueue_dma source(%arg18 : memref<2496xf32, #tpu.memory_space<vmem>>) target(%dma_start3A_485 : memref<2496xf32, #tpu.memory_space<hbm>>) target_semaphore(%run_scoped3A_481 : memref<!tpu.dma_semaphore, #tpu.memory_space<semaphore_mem>>)
      %dma_wait3A_486 = tpu.memref_slice %arg6[%arg0, %add3A_453] : memref<2x160000xf32, #tpu.memory_space<hbm>> -> memref<1x2496xf32, #tpu.memory_space<hbm>>
      %dma_wait3A_487 = tpu.memref_squeeze %dma_wait3A_486 : memref<1x2496xf32, #tpu.memory_space<hbm>> -> memref<2496xf32, #tpu.memory_space<hbm>>
      %dma_wait3A_488 = tpu.memref_slice %arg6[%arg0, %add3A_453] : memref<2x160000xf32, #tpu.memory_space<hbm>> -> memref<1x2496xf32, #tpu.memory_space<hbm>>
      %dma_wait3A_489 = tpu.memref_squeeze %dma_wait3A_488 : memref<1x2496xf32, #tpu.memory_space<hbm>> -> memref<2496xf32, #tpu.memory_space<hbm>>
      tpu.wait_dma2 semaphore(%run_scoped3A_481 : memref<!tpu.dma_semaphore, #tpu.memory_space<semaphore_mem>>) src(%arg18 : memref<2496xf32, #tpu.memory_space<vmem>>) dst(%dma_wait3A_489 : memref<2496xf32, #tpu.memory_space<hbm>>)
      tpu.yield
    }) : () -> ()
    %add3A_454 = arith.constant 312 : i32
    %add3A_455 = arith.addi %mul3A_2, %add3A_454 : i32
    "tpu.region"() ({
      %run_scoped3A_481 = tpu.sem_alloc : memref<!tpu.dma_semaphore, #tpu.memory_space<semaphore_mem>>
      %dma_start3A_482 = arith.constant 0 : i32
      %dma_start3A_483 = tpu.memref_slice %arg19[%add3A_455, %dma_start3A_482] : memref<10000x16xf32, #tpu.memory_space<vmem_shared>> -> memref<156x16xf32, #tpu.memory_space<vmem_shared>>
      %dma_start3A_484 = arith.constant 0 : i32
      %dma_start3A_485 = tpu.memref_slice %arg19[%add3A_455, %dma_start3A_484] : memref<10000x16xf32, #tpu.memory_space<vmem_shared>> -> memref<156x16xf32, #tpu.memory_space<vmem_shared>>
      tpu.enqueue_dma source(%dma_start3A_485 : memref<156x16xf32, #tpu.memory_space<vmem_shared>>) target(%arg17 : memref<156x16xf32, #tpu.memory_space<vmem>>) target_semaphore(%run_scoped3A_481 : memref<!tpu.dma_semaphore, #tpu.memory_space<semaphore_mem>>)
      %dma_wait3A_486 = arith.constant 0 : i32
      %dma_wait3A_487 = tpu.memref_slice %arg19[%add3A_455, %dma_wait3A_486] : memref<10000x16xf32, #tpu.memory_space<vmem_shared>> -> memref<156x16xf32, #tpu.memory_space<vmem_shared>>
      %dma_wait3A_488 = arith.constant 0 : i32
      %dma_wait3A_489 = tpu.memref_slice %arg19[%add3A_455, %dma_wait3A_488] : memref<10000x16xf32, #tpu.memory_space<vmem_shared>> -> memref<156x16xf32, #tpu.memory_space<vmem_shared>>
      tpu.wait_dma2 semaphore(%run_scoped3A_481 : memref<!tpu.dma_semaphore, #tpu.memory_space<semaphore_mem>>) src(%dma_wait3A_489 : memref<156x16xf32, #tpu.memory_space<vmem_shared>>) dst(%arg17 : memref<156x16xf32, #tpu.memory_space<vmem>>)
      tpu.yield
    }) : () -> ()
    %scan3A_456 = arith.constant 0 : i32
    %scan3A_457 = arith.constant 0 : i32
    %scan3A_458 = arith.constant 156 : i32
    %scan3A_459 = arith.addi %scan3A_457, %scan3A_458 : i32
    %scan3A_460 = arith.constant 1 : i32
    scf.for %scan3A_481 = %scan3A_457 to %scan3A_459 step %scan3A_460  : i32 {
      %get3A = arith.index_cast %scan3A_481 : i32 to index
      %get3A_482 = arith.constant 0 : index
      %get3A_483 = tpu.vector_load %arg17[%get3A, %get3A_482] {strides = array<i32>} : memref<156x16xf32, #tpu.memory_space<vmem>>, vector<1x16xf32>,
      %get3A_484 = vector.shape_cast %get3A_483 : vector<1x16xf32> to vector<16xf32>
      %mul3A_485 = arith.constant 16 : i32
      %mul3A_486 = arith.muli %scan3A_481, %mul3A_485 : i32
      %swap3A = arith.index_cast %mul3A_486 : i32 to index
      %swap3A_487 = tpu.vector_load %arg18[%swap3A] {strides = array<i32>} : memref<2496xf32, #tpu.memory_space<vmem>>, vector<16xf32>,
      %swap3A_488 = vector.shape_cast %swap3A_487 : vector<16xf32> to vector<16xf32>
      %swap3A_489 = vector.shape_cast %get3A_484 : vector<16xf32> to vector<16xf32>
      tpu.vector_store %arg18[%swap3A], %swap3A_489 {strides = array<i32>} : memref<2496xf32, #tpu.memory_space<vmem>>, vector<16xf32>,
    }
    %scan3A_461 = arith.constant 156 : i32
    %mul3A_462 = arith.constant 9984 : i32
    %mul3A_463 = arith.muli %arg1, %mul3A_462 : i32
    %add3A_464 = arith.constant 4992 : i32
    %add3A_465 = arith.addi %mul3A_463, %add3A_464 : i32
    "tpu.region"() ({
      %run_scoped3A_481 = tpu.sem_alloc : memref<!tpu.dma_semaphore, #tpu.memory_space<semaphore_mem>>
      %dma_start3A_482 = tpu.memref_slice %arg6[%arg0, %add3A_465] : memref<2x160000xf32, #tpu.memory_space<hbm>> -> memref<1x2496xf32, #tpu.memory_space<hbm>>
      %dma_start3A_483 = tpu.memref_squeeze %dma_start3A_482 : memref<1x2496xf32, #tpu.memory_space<hbm>> -> memref<2496xf32, #tpu.memory_space<hbm>>
      %dma_start3A_484 = tpu.memref_slice %arg6[%arg0, %add3A_465] : memref<2x160000xf32, #tpu.memory_space<hbm>> -> memref<1x2496xf32, #tpu.memory_space<hbm>>
      %dma_start3A_485 = tpu.memref_squeeze %dma_start3A_484 : memref<1x2496xf32, #tpu.memory_space<hbm>> -> memref<2496xf32, #tpu.memory_space<hbm>>
      tpu.enqueue_dma source(%arg18 : memref<2496xf32, #tpu.memory_space<vmem>>) target(%dma_start3A_485 : memref<2496xf32, #tpu.memory_space<hbm>>) target_semaphore(%run_scoped3A_481 : memref<!tpu.dma_semaphore, #tpu.memory_space<semaphore_mem>>)
      %dma_wait3A_486 = tpu.memref_slice %arg6[%arg0, %add3A_465] : memref<2x160000xf32, #tpu.memory_space<hbm>> -> memref<1x2496xf32, #tpu.memory_space<hbm>>
      %dma_wait3A_487 = tpu.memref_squeeze %dma_wait3A_486 : memref<1x2496xf32, #tpu.memory_space<hbm>> -> memref<2496xf32, #tpu.memory_space<hbm>>
      %dma_wait3A_488 = tpu.memref_slice %arg6[%arg0, %add3A_465] : memref<2x160000xf32, #tpu.memory_space<hbm>> -> memref<1x2496xf32, #tpu.memory_space<hbm>>
      %dma_wait3A_489 = tpu.memref_squeeze %dma_wait3A_488 : memref<1x2496xf32, #tpu.memory_space<hbm>> -> memref<2496xf32, #tpu.memory_space<hbm>>
      tpu.wait_dma2 semaphore(%run_scoped3A_481 : memref<!tpu.dma_semaphore, #tpu.memory_space<semaphore_mem>>) src(%arg18 : memref<2496xf32, #tpu.memory_space<vmem>>) dst(%dma_wait3A_489 : memref<2496xf32, #tpu.memory_space<hbm>>)
      tpu.yield
    }) : () -> ()
    %add3A_466 = arith.constant 468 : i32
    %add3A_467 = arith.addi %mul3A_2, %add3A_466 : i32
    "tpu.region"() ({
      %run_scoped3A_481 = tpu.sem_alloc : memref<!tpu.dma_semaphore, #tpu.memory_space<semaphore_mem>>
      %dma_start3A_482 = arith.constant 0 : i32
      %dma_start3A_483 = tpu.memref_slice %arg19[%add3A_467, %dma_start3A_482] : memref<10000x16xf32, #tpu.memory_space<vmem_shared>> -> memref<156x16xf32, #tpu.memory_space<vmem_shared>>
      %dma_start3A_484 = arith.constant 0 : i32
      %dma_start3A_485 = tpu.memref_slice %arg19[%add3A_467, %dma_start3A_484] : memref<10000x16xf32, #tpu.memory_space<vmem_shared>> -> memref<156x16xf32, #tpu.memory_space<vmem_shared>>
      tpu.enqueue_dma source(%dma_start3A_485 : memref<156x16xf32, #tpu.memory_space<vmem_shared>>) target(%arg17 : memref<156x16xf32, #tpu.memory_space<vmem>>) target_semaphore(%run_scoped3A_481 : memref<!tpu.dma_semaphore, #tpu.memory_space<semaphore_mem>>)
      %dma_wait3A_486 = arith.constant 0 : i32
      %dma_wait3A_487 = tpu.memref_slice %arg19[%add3A_467, %dma_wait3A_486] : memref<10000x16xf32, #tpu.memory_space<vmem_shared>> -> memref<156x16xf32, #tpu.memory_space<vmem_shared>>
      %dma_wait3A_488 = arith.constant 0 : i32
      %dma_wait3A_489 = tpu.memref_slice %arg19[%add3A_467, %dma_wait3A_488] : memref<10000x16xf32, #tpu.memory_space<vmem_shared>> -> memref<156x16xf32, #tpu.memory_space<vmem_shared>>
      tpu.wait_dma2 semaphore(%run_scoped3A_481 : memref<!tpu.dma_semaphore, #tpu.memory_space<semaphore_mem>>) src(%dma_wait3A_489 : memref<156x16xf32, #tpu.memory_space<vmem_shared>>) dst(%arg17 : memref<156x16xf32, #tpu.memory_space<vmem>>)
      tpu.yield
    }) : () -> ()
    %scan3A_468 = arith.constant 0 : i32
    %scan3A_469 = arith.constant 0 : i32
    %scan3A_470 = arith.constant 156 : i32
    %scan3A_471 = arith.addi %scan3A_469, %scan3A_470 : i32
    %scan3A_472 = arith.constant 1 : i32
    scf.for %scan3A_481 = %scan3A_469 to %scan3A_471 step %scan3A_472  : i32 {
      %get3A = arith.index_cast %scan3A_481 : i32 to index
      %get3A_482 = arith.constant 0 : index
      %get3A_483 = tpu.vector_load %arg17[%get3A, %get3A_482] {strides = array<i32>} : memref<156x16xf32, #tpu.memory_space<vmem>>, vector<1x16xf32>,
      %get3A_484 = vector.shape_cast %get3A_483 : vector<1x16xf32> to vector<16xf32>
      %mul3A_485 = arith.constant 16 : i32
      %mul3A_486 = arith.muli %scan3A_481, %mul3A_485 : i32
      %swap3A = arith.index_cast %mul3A_486 : i32 to index
      %swap3A_487 = tpu.vector_load %arg18[%swap3A] {strides = array<i32>} : memref<2496xf32, #tpu.memory_space<vmem>>, vector<16xf32>,
      %swap3A_488 = vector.shape_cast %swap3A_487 : vector<16xf32> to vector<16xf32>
      %swap3A_489 = vector.shape_cast %get3A_484 : vector<16xf32> to vector<16xf32>
      tpu.vector_store %arg18[%swap3A], %swap3A_489 {strides = array<i32>} : memref<2496xf32, #tpu.memory_space<vmem>>, vector<16xf32>,
    }
    %scan3A_473 = arith.constant 156 : i32
    %mul3A_474 = arith.constant 9984 : i32
    %mul3A_475 = arith.muli %arg1, %mul3A_474 : i32
    %add3A_476 = arith.constant 7488 : i32
    %add3A_477 = arith.addi %mul3A_475, %add3A_476 : i32
    "tpu.region"() ({
      %run_scoped3A_481 = tpu.sem_alloc : memref<!tpu.dma_semaphore, #tpu.memory_space<semaphore_mem>>
      %dma_start3A_482 = tpu.memref_slice %arg6[%arg0, %add3A_477] : memref<2x160000xf32, #tpu.memory_space<hbm>> -> memref<1x2496xf32, #tpu.memory_space<hbm>>
      %dma_start3A_483 = tpu.memref_squeeze %dma_start3A_482 : memref<1x2496xf32, #tpu.memory_space<hbm>> -> memref<2496xf32, #tpu.memory_space<hbm>>
      %dma_start3A_484 = tpu.memref_slice %arg6[%arg0, %add3A_477] : memref<2x160000xf32, #tpu.memory_space<hbm>> -> memref<1x2496xf32, #tpu.memory_space<hbm>>
      %dma_start3A_485 = tpu.memref_squeeze %dma_start3A_484 : memref<1x2496xf32, #tpu.memory_space<hbm>> -> memref<2496xf32, #tpu.memory_space<hbm>>
      tpu.enqueue_dma source(%arg18 : memref<2496xf32, #tpu.memory_space<vmem>>) target(%dma_start3A_485 : memref<2496xf32, #tpu.memory_space<hbm>>) target_semaphore(%run_scoped3A_481 : memref<!tpu.dma_semaphore, #tpu.memory_space<semaphore_mem>>)
      %dma_wait3A_486 = tpu.memref_slice %arg6[%arg0, %add3A_477] : memref<2x160000xf32, #tpu.memory_space<hbm>> -> memref<1x2496xf32, #tpu.memory_space<hbm>>
      %dma_wait3A_487 = tpu.memref_squeeze %dma_wait3A_486 : memref<1x2496xf32, #tpu.memory_space<hbm>> -> memref<2496xf32, #tpu.memory_space<hbm>>
      %dma_wait3A_488 = tpu.memref_slice %arg6[%arg0, %add3A_477] : memref<2x160000xf32, #tpu.memory_space<hbm>> -> memref<1x2496xf32, #tpu.memory_space<hbm>>
      %dma_wait3A_489 = tpu.memref_squeeze %dma_wait3A_488 : memref<1x2496xf32, #tpu.memory_space<hbm>> -> memref<2496xf32, #tpu.memory_space<hbm>>
      tpu.wait_dma2 semaphore(%run_scoped3A_481 : memref<!tpu.dma_semaphore, #tpu.memory_space<semaphore_mem>>) src(%arg18 : memref<2496xf32, #tpu.memory_space<vmem>>) dst(%dma_wait3A_489 : memref<2496xf32, #tpu.memory_space<hbm>>)
      tpu.yield
    }) : () -> ()
    %convert_element_type3A_478 = arith.extui %eq3A_3 : i1 to i32
    %cond3A_479 = arith.constant 0 : i32
    %cond3A_480 = arith.cmpi ne, %convert_element_type3A_478, %cond3A_479 : i32
    scf.if %cond3A_480 {
      "tpu.region"() ({
        %run_scoped3A_487 = tpu.sem_alloc : memref<!tpu.dma_semaphore, #tpu.memory_space<semaphore_mem>>
        %dma_start3A_488 = arith.constant 0 : i32
        %dma_start3A_489 = arith.constant 0 : i32
        %dma_start3A_490 = tpu.memref_slice %arg17[%dma_start3A_488, %dma_start3A_489] : memref<156x16xf32, #tpu.memory_space<vmem>> -> memref<16x16xf32, #tpu.memory_space<vmem>>
        %dma_start3A_491 = arith.constant 9984 : i32
        %dma_start3A_492 = arith.constant 0 : i32
        %dma_start3A_493 = tpu.memref_slice %arg19[%dma_start3A_491, %dma_start3A_492] : memref<10000x16xf32, #tpu.memory_space<vmem_shared>> -> memref<16x16xf32, #tpu.memory_space<vmem_shared>>
        %dma_start3A_494 = arith.constant 0 : i32
        %dma_start3A_495 = arith.constant 0 : i32
        %dma_start3A_496 = tpu.memref_slice %arg17[%dma_start3A_494, %dma_start3A_495] : memref<156x16xf32, #tpu.memory_space<vmem>> -> memref<16x16xf32, #tpu.memory_space<vmem>>
        %dma_start3A_497 = arith.constant 9984 : i32
        %dma_start3A_498 = arith.constant 0 : i32
        %dma_start3A_499 = tpu.memref_slice %arg19[%dma_start3A_497, %dma_start3A_498] : memref<10000x16xf32, #tpu.memory_space<vmem_shared>> -> memref<16x16xf32, #tpu.memory_space<vmem_shared>>
        tpu.enqueue_dma source(%dma_start3A_499 : memref<16x16xf32, #tpu.memory_space<vmem_shared>>) target(%dma_start3A_496 : memref<16x16xf32, #tpu.memory_space<vmem>>) target_semaphore(%run_scoped3A_487 : memref<!tpu.dma_semaphore, #tpu.memory_space<semaphore_mem>>)
        %dma_wait3A_500 = arith.constant 0 : i32
        %dma_wait3A_501 = arith.constant 0 : i32
        %dma_wait3A_502 = tpu.memref_slice %arg17[%dma_wait3A_500, %dma_wait3A_501] : memref<156x16xf32, #tpu.memory_space<vmem>> -> memref<16x16xf32, #tpu.memory_space<vmem>>
        %dma_wait3A_503 = arith.constant 9984 : i32
        %dma_wait3A_504 = arith.constant 0 : i32
        %dma_wait3A_505 = tpu.memref_slice %arg19[%dma_wait3A_503, %dma_wait3A_504] : memref<10000x16xf32, #tpu.memory_space<vmem_shared>> -> memref<16x16xf32, #tpu.memory_space<vmem_shared>>
        %dma_wait3A_506 = arith.constant 0 : i32
        %dma_wait3A_507 = arith.constant 0 : i32
        %dma_wait3A_508 = tpu.memref_slice %arg17[%dma_wait3A_506, %dma_wait3A_507] : memref<156x16xf32, #tpu.memory_space<vmem>> -> memref<16x16xf32, #tpu.memory_space<vmem>>
        %dma_wait3A_509 = arith.constant 9984 : i32
        %dma_wait3A_510 = arith.constant 0 : i32
        %dma_wait3A_511 = tpu.memref_slice %arg19[%dma_wait3A_509, %dma_wait3A_510] : memref<10000x16xf32, #tpu.memory_space<vmem_shared>> -> memref<16x16xf32, #tpu.memory_space<vmem_shared>>
        tpu.wait_dma2 semaphore(%run_scoped3A_487 : memref<!tpu.dma_semaphore, #tpu.memory_space<semaphore_mem>>) src(%dma_wait3A_511 : memref<16x16xf32, #tpu.memory_space<vmem_shared>>) dst(%dma_wait3A_508 : memref<16x16xf32, #tpu.memory_space<vmem>>)
        tpu.yield
      }) : () -> ()
      %scan3A_481 = arith.constant 0 : i32
      %scan3A_482 = arith.constant 0 : i32
      %scan3A_483 = arith.constant 16 : i32
      %scan3A_484 = arith.addi %scan3A_482, %scan3A_483 : i32
      %scan3A_485 = arith.constant 1 : i32
      scf.for %scan3A_487 = %scan3A_482 to %scan3A_484 step %scan3A_485  : i32 {
        %get3A = arith.index_cast %scan3A_487 : i32 to index
        %get3A_488 = arith.constant 0 : index
        %get3A_489 = tpu.vector_load %arg17[%get3A, %get3A_488] {strides = array<i32>} : memref<156x16xf32, #tpu.memory_space<vmem>>, vector<1x16xf32>,
        %get3A_490 = vector.shape_cast %get3A_489 : vector<1x16xf32> to vector<16xf32>
        %mul3A_491 = arith.constant 16 : i32
        %mul3A_492 = arith.muli %scan3A_487, %mul3A_491 : i32
        %swap3A = arith.index_cast %mul3A_492 : i32 to index
        %swap3A_493 = tpu.vector_load %arg18[%swap3A] {strides = array<i32>} : memref<2496xf32, #tpu.memory_space<vmem>>, vector<16xf32>,
        %swap3A_494 = vector.shape_cast %swap3A_493 : vector<16xf32> to vector<16xf32>
        %swap3A_495 = vector.shape_cast %get3A_490 : vector<16xf32> to vector<16xf32>
        tpu.vector_store %arg18[%swap3A], %swap3A_495 {strides = array<i32>} : memref<2496xf32, #tpu.memory_space<vmem>>, vector<16xf32>,
      }
      %scan3A_486 = arith.constant 16 : i32
      "tpu.region"() ({
        %run_scoped3A_487 = tpu.sem_alloc : memref<!tpu.dma_semaphore, #tpu.memory_space<semaphore_mem>>
        %dma_start3A_488 = arith.constant 0 : i32
        %dma_start3A_489 = tpu.memref_slice %arg18[%dma_start3A_488] : memref<2496xf32, #tpu.memory_space<vmem>> -> memref<256xf32, #tpu.memory_space<vmem>>
        %dma_start3A_490 = arith.constant 159744 : i32
        %dma_start3A_491 = tpu.memref_slice %arg6[%arg0, %dma_start3A_490] : memref<2x160000xf32, #tpu.memory_space<hbm>> -> memref<1x256xf32, #tpu.memory_space<hbm>>
        %dma_start3A_492 = tpu.memref_squeeze %dma_start3A_491 : memref<1x256xf32, #tpu.memory_space<hbm>> -> memref<256xf32, #tpu.memory_space<hbm>>
        %dma_start3A_493 = arith.constant 159744 : i32
        %dma_start3A_494 = tpu.memref_slice %arg6[%arg0, %dma_start3A_493] : memref<2x160000xf32, #tpu.memory_space<hbm>> -> memref<1x256xf32, #tpu.memory_space<hbm>>
        %dma_start3A_495 = tpu.memref_squeeze %dma_start3A_494 : memref<1x256xf32, #tpu.memory_space<hbm>> -> memref<256xf32, #tpu.memory_space<hbm>>
        %dma_start3A_496 = arith.constant 0 : i32
        %dma_start3A_497 = tpu.memref_slice %arg18[%dma_start3A_496] : memref<2496xf32, #tpu.memory_space<vmem>> -> memref<256xf32, #tpu.memory_space<vmem>>
        tpu.enqueue_dma source(%dma_start3A_497 : memref<256xf32, #tpu.memory_space<vmem>>) target(%dma_start3A_495 : memref<256xf32, #tpu.memory_space<hbm>>) target_semaphore(%run_scoped3A_487 : memref<!tpu.dma_semaphore, #tpu.memory_space<semaphore_mem>>)
        %dma_wait3A_498 = arith.constant 0 : i32
        %dma_wait3A_499 = tpu.memref_slice %arg18[%dma_wait3A_498] : memref<2496xf32, #tpu.memory_space<vmem>> -> memref<256xf32, #tpu.memory_space<vmem>>
        %dma_wait3A_500 = arith.constant 159744 : i32
        %dma_wait3A_501 = tpu.memref_slice %arg6[%arg0, %dma_wait3A_500] : memref<2x160000xf32, #tpu.memory_space<hbm>> -> memref<1x256xf32, #tpu.memory_space<hbm>>
        %dma_wait3A_502 = tpu.memref_squeeze %dma_wait3A_501 : memref<1x256xf32, #tpu.memory_space<hbm>> -> memref<256xf32, #tpu.memory_space<hbm>>
        %dma_wait3A_503 = arith.constant 159744 : i32
        %dma_wait3A_504 = tpu.memref_slice %arg6[%arg0, %dma_wait3A_503] : memref<2x160000xf32, #tpu.memory_space<hbm>> -> memref<1x256xf32, #tpu.memory_space<hbm>>
        %dma_wait3A_505 = tpu.memref_squeeze %dma_wait3A_504 : memref<1x256xf32, #tpu.memory_space<hbm>> -> memref<256xf32, #tpu.memory_space<hbm>>
        %dma_wait3A_506 = arith.constant 0 : i32
        %dma_wait3A_507 = tpu.memref_slice %arg18[%dma_wait3A_506] : memref<2496xf32, #tpu.memory_space<vmem>> -> memref<256xf32, #tpu.memory_space<vmem>>
        tpu.wait_dma2 semaphore(%run_scoped3A_487 : memref<!tpu.dma_semaphore, #tpu.memory_space<semaphore_mem>>) src(%dma_wait3A_507 : memref<256xf32, #tpu.memory_space<vmem>>) dst(%dma_wait3A_505 : memref<256xf32, #tpu.memory_space<hbm>>)
        tpu.yield
      }) : () -> ()
    } else {
    }
    return
  }
}

module attributes {stable_mosaic.version = 14 : i64} {
  func.func @_tc1_body(%arg0: i32, %arg1: memref<2x1000x128xf32, #tpu.memory_space<vmem>>, %arg2: memref<2x1000x16xf32, #tpu.memory_space<vmem>>, %arg3: memref<1000x128xf32, #tpu.memory_space<vmem>>, %arg4: memref<128x128xf32, #tpu.memory_space<vmem>>, %arg5: memref<1x128xf32, #tpu.memory_space<vmem>>, %arg6: memref<128x128xf32, #tpu.memory_space<vmem>>, %arg7: memref<1000x128xf32, #tpu.memory_space<vmem>>) attributes {dimension_semantics = [#tpu.dimension_semantics<arbitrary>], iteration_bounds = array<i64: 10>, scalar_prefetch = 0 : i64, scratch_operands = 0 : i64, tpu.core_type = #tpu.core_type<tc>, window_params = [{transform_indices = @transform_0, window_bounds = array<i64: 2, 1000, 128>}, {transform_indices = @transform_1, window_bounds = array<i64: 2, 1000, 16>}, {transform_indices = @transform_2, window_bounds = array<i64: 1000, 128>}, {pipeline_mode = #tpu.pipeline_mode<synchronous>, transform_indices = @transform_3, window_bounds = array<i64: 128, 128>}, {pipeline_mode = #tpu.pipeline_mode<synchronous>, transform_indices = @transform_4, window_bounds = array<i64: 1, 128>}, {pipeline_mode = #tpu.pipeline_mode<synchronous>, transform_indices = @transform_5, window_bounds = array<i64: 128, 128>}, {transform_indices = @transform_6, window_bounds = array<i64: 1000, 128>}]} {
    %get3A = arith.constant 0 : index
    %get3A_0 = arith.constant 0 : index
    %get3A_1 = arith.constant 0 : index
    %get3A_2 = vector.load %arg1[%get3A, %get3A_0, %get3A_1] : memref<2x1000x128xf32, #tpu.memory_space<vmem>>, vector<1x1000x128xf32>
    %get3A_3 = vector.shape_cast %get3A_2 : vector<1x1000x128xf32> to vector<1000x128xf32>
    %get3A_4 = arith.constant 1 : index
    %get3A_5 = arith.constant 0 : index
    %get3A_6 = arith.constant 0 : index
    %get3A_7 = vector.load %arg1[%get3A_4, %get3A_5, %get3A_6] : memref<2x1000x128xf32, #tpu.memory_space<vmem>>, vector<1x1000x128xf32>
    %get3A_8 = vector.shape_cast %get3A_7 : vector<1x1000x128xf32> to vector<1000x128xf32>
    %add3A = arith.addf %get3A_3, %get3A_8 : vector<1000x128xf32>
    %get3A_9 = arith.constant 0 : index
    %get3A_10 = arith.constant 0 : index
    %get3A_11 = arith.constant 0 : index
    %get3A_12 = vector.load %arg2[%get3A_9, %get3A_10, %get3A_11] : memref<2x1000x16xf32, #tpu.memory_space<vmem>>, vector<1x1000x1xf32>
    %get3A_13 = vector.shape_cast %get3A_12 : vector<1x1000x1xf32> to vector<1000x1xf32>
    %get3A_14 = arith.constant 1 : index
    %get3A_15 = arith.constant 0 : index
    %get3A_16 = arith.constant 0 : index
    %get3A_17 = vector.load %arg2[%get3A_14, %get3A_15, %get3A_16] : memref<2x1000x16xf32, #tpu.memory_space<vmem>>, vector<1x1000x1xf32>
    %get3A_18 = vector.shape_cast %get3A_17 : vector<1x1000x1xf32> to vector<1000x1xf32>
    %add3A_19 = arith.addf %get3A_13, %get3A_18 : vector<1000x1xf32>
    %max3A = arith.constant 1.000000e+00 : f32
    %max3A_20 = vector.broadcast %max3A : f32 to vector<1000x1xf32>
    %max3A_21 = arith.maximumf %add3A_19, %max3A_20 : vector<1000x1xf32>
    %div3A = vector.broadcast %max3A_21 : vector<1000x1xf32> to vector<1000x128xf32>
    %div3A_22 = arith.divf %add3A, %div3A : vector<1000x128xf32>
    %get3A_23 = arith.constant 0 : index
    %get3A_24 = arith.constant 0 : index
    %get3A_25 = vector.load %arg4[%get3A_23, %get3A_24] : memref<128x128xf32, #tpu.memory_space<vmem>>, vector<128x128xf32>
    %dot_general3A = arith.constant dense<0.000000e+00> : vector<1000x128xf32>
    %dot_general3A_26 = tpu.matmul %div3A_22, %get3A_25, %dot_general3A {dimension_numbers = #tpu.dot_dimension_numbers<[1], [0], [0], [1], [0, 0, 1, 1], [], []>, transpose_lhs_hint = false} : vector<1000x128xf32>, vector<128x128xf32>, vector<1000x128xf32> -> vector<1000x128xf32>
    %get3A_27 = arith.constant 0 : index
    %get3A_28 = arith.constant 0 : index
    %get3A_29 = vector.load %arg5[%get3A_27, %get3A_28] : memref<1x128xf32, #tpu.memory_space<vmem>>, vector<1x128xf32>
    %add3A_30 = vector.broadcast %get3A_29 : vector<1x128xf32> to vector<1000x128xf32>
    %add3A_31 = arith.addf %dot_general3A_26, %add3A_30 : vector<1000x128xf32>
    %get3A_32 = arith.constant 0 : index
    %get3A_33 = arith.constant 0 : index
    %get3A_34 = vector.load %arg3[%get3A_32, %get3A_33] : memref<1000x128xf32, #tpu.memory_space<vmem>>, vector<1000x128xf32>
    %get3A_35 = arith.constant 0 : index
    %get3A_36 = arith.constant 0 : index
    %get3A_37 = vector.load %arg6[%get3A_35, %get3A_36] : memref<128x128xf32, #tpu.memory_space<vmem>>, vector<128x128xf32>
    %dot_general3A_38 = arith.constant dense<0.000000e+00> : vector<1000x128xf32>
    %dot_general3A_39 = tpu.matmul %get3A_34, %get3A_37, %dot_general3A_38 {dimension_numbers = #tpu.dot_dimension_numbers<[1], [0], [0], [1], [0, 0, 1, 1], [], []>, transpose_lhs_hint = false} : vector<1000x128xf32>, vector<128x128xf32>, vector<1000x128xf32> -> vector<1000x128xf32>
    %add3A_40 = arith.addf %add3A_31, %dot_general3A_39 : vector<1000x128xf32>
    %max3A_41 = arith.constant 0.000000e+00 : f32
    %max3A_42 = vector.broadcast %max3A_41 : f32 to vector<1000x128xf32>
    %max3A_43 = arith.maximumf %add3A_40, %max3A_42 : vector<1000x128xf32>
    %swap3A = arith.constant 0 : index
    %swap3A_44 = arith.constant 0 : index
    %swap3A_45 = vector.load %arg7[%swap3A, %swap3A_44] : memref<1000x128xf32, #tpu.memory_space<vmem>>, vector<1000x128xf32>
    tpu.vector_store %arg7[%swap3A, %swap3A_44], %max3A_43 {strides = array<i32>} : memref<1000x128xf32, #tpu.memory_space<vmem>>, vector<1000x128xf32>,
    return
  }
  func.func @transform_0(%arg0: i32) -> (i32, i32, i32) {
    %c0_i32 = arith.constant 0 : i32
    %c0_i32_0 = arith.constant 0 : i32
    %c0_i32_1 = arith.constant 0 : i32
    return %c0_i32, %arg0, %c0_i32_0 : i32, i32, i32
  }
  func.func @transform_1(%arg0: i32) -> (i32, i32, i32) {
    %c0_i32 = arith.constant 0 : i32
    %c0_i32_0 = arith.constant 0 : i32
    %c0_i32_1 = arith.constant 0 : i32
    return %c0_i32, %arg0, %c0_i32_0 : i32, i32, i32
  }
  func.func @transform_2(%arg0: i32) -> (i32, i32) {
    %c0_i32 = arith.constant 0 : i32
    %c0_i32_0 = arith.constant 0 : i32
    return %arg0, %c0_i32 : i32, i32
  }
  func.func @transform_3(%arg0: i32) -> (i32, i32) {
    %c0_i32 = arith.constant 0 : i32
    %c0_i32_0 = arith.constant 0 : i32
    %c0_i32_1 = arith.constant 0 : i32
    return %c0_i32, %c0_i32_0 : i32, i32
  }
  func.func @transform_4(%arg0: i32) -> (i32, i32) {
    %c0_i32 = arith.constant 0 : i32
    %c0_i32_0 = arith.constant 0 : i32
    %c0_i32_1 = arith.constant 0 : i32
    return %c0_i32, %c0_i32_0 : i32, i32
  }
  func.func @transform_5(%arg0: i32) -> (i32, i32) {
    %c0_i32 = arith.constant 0 : i32
    %c0_i32_0 = arith.constant 0 : i32
    %c0_i32_1 = arith.constant 0 : i32
    return %c0_i32, %c0_i32_0 : i32, i32
  }
  func.func @transform_6(%arg0: i32) -> (i32, i32) {
    %c0_i32 = arith.constant 0 : i32
    %c0_i32_0 = arith.constant 0 : i32
    return %arg0, %c0_i32 : i32, i32
  }
}

module attributes {stable_mosaic.version = 14 : i64} {
  func.func @_tc2_body(%arg0: i32, %arg1: memref<2x1000x128xf32, #tpu.memory_space<vmem>>, %arg2: memref<2x1000x16xf32, #tpu.memory_space<vmem>>, %arg3: memref<1000x128xf32, #tpu.memory_space<vmem>>, %arg4: memref<128x128xf32, #tpu.memory_space<vmem>>, %arg5: memref<1x128xf32, #tpu.memory_space<vmem>>, %arg6: memref<128x128xf32, #tpu.memory_space<vmem>>, %arg7: memref<128x128xf32, #tpu.memory_space<vmem>>, %arg8: memref<1x128xf32, #tpu.memory_space<vmem>>, %arg9: memref<1000x128xf32, #tpu.memory_space<vmem>>) attributes {dimension_semantics = [#tpu.dimension_semantics<arbitrary>], iteration_bounds = array<i64: 10>, scalar_prefetch = 0 : i64, scratch_operands = 0 : i64, tpu.core_type = #tpu.core_type<tc>, window_params = [{transform_indices = @transform_0, window_bounds = array<i64: 2, 1000, 128>}, {transform_indices = @transform_1, window_bounds = array<i64: 2, 1000, 16>}, {transform_indices = @transform_2, window_bounds = array<i64: 1000, 128>}, {pipeline_mode = #tpu.pipeline_mode<synchronous>, transform_indices = @transform_3, window_bounds = array<i64: 128, 128>}, {pipeline_mode = #tpu.pipeline_mode<synchronous>, transform_indices = @transform_4, window_bounds = array<i64: 1, 128>}, {pipeline_mode = #tpu.pipeline_mode<synchronous>, transform_indices = @transform_5, window_bounds = array<i64: 128, 128>}, {pipeline_mode = #tpu.pipeline_mode<synchronous>, transform_indices = @transform_6, window_bounds = array<i64: 128, 128>}, {pipeline_mode = #tpu.pipeline_mode<synchronous>, transform_indices = @transform_7, window_bounds = array<i64: 1, 128>}, {transform_indices = @transform_8, window_bounds = array<i64: 1000, 128>}]} {
    %get3A = arith.constant 0 : index
    %get3A_0 = arith.constant 0 : index
    %get3A_1 = arith.constant 0 : index
    %get3A_2 = vector.load %arg1[%get3A, %get3A_0, %get3A_1] : memref<2x1000x128xf32, #tpu.memory_space<vmem>>, vector<1x1000x128xf32>
    %get3A_3 = vector.shape_cast %get3A_2 : vector<1x1000x128xf32> to vector<1000x128xf32>
    %get3A_4 = arith.constant 1 : index
    %get3A_5 = arith.constant 0 : index
    %get3A_6 = arith.constant 0 : index
    %get3A_7 = vector.load %arg1[%get3A_4, %get3A_5, %get3A_6] : memref<2x1000x128xf32, #tpu.memory_space<vmem>>, vector<1x1000x128xf32>
    %get3A_8 = vector.shape_cast %get3A_7 : vector<1x1000x128xf32> to vector<1000x128xf32>
    %add3A = arith.addf %get3A_3, %get3A_8 : vector<1000x128xf32>
    %get3A_9 = arith.constant 0 : index
    %get3A_10 = arith.constant 0 : index
    %get3A_11 = arith.constant 0 : index
    %get3A_12 = vector.load %arg2[%get3A_9, %get3A_10, %get3A_11] : memref<2x1000x16xf32, #tpu.memory_space<vmem>>, vector<1x1000x1xf32>
    %get3A_13 = vector.shape_cast %get3A_12 : vector<1x1000x1xf32> to vector<1000x1xf32>
    %get3A_14 = arith.constant 1 : index
    %get3A_15 = arith.constant 0 : index
    %get3A_16 = arith.constant 0 : index
    %get3A_17 = vector.load %arg2[%get3A_14, %get3A_15, %get3A_16] : memref<2x1000x16xf32, #tpu.memory_space<vmem>>, vector<1x1000x1xf32>
    %get3A_18 = vector.shape_cast %get3A_17 : vector<1x1000x1xf32> to vector<1000x1xf32>
    %add3A_19 = arith.addf %get3A_13, %get3A_18 : vector<1000x1xf32>
    %max3A = arith.constant 1.000000e+00 : f32
    %max3A_20 = vector.broadcast %max3A : f32 to vector<1000x1xf32>
    %max3A_21 = arith.maximumf %add3A_19, %max3A_20 : vector<1000x1xf32>
    %div3A = vector.broadcast %max3A_21 : vector<1000x1xf32> to vector<1000x128xf32>
    %div3A_22 = arith.divf %add3A, %div3A : vector<1000x128xf32>
    %get3A_23 = arith.constant 0 : index
    %get3A_24 = arith.constant 0 : index
    %get3A_25 = vector.load %arg4[%get3A_23, %get3A_24] : memref<128x128xf32, #tpu.memory_space<vmem>>, vector<128x128xf32>
    %dot_general3A = arith.constant dense<0.000000e+00> : vector<1000x128xf32>
    %dot_general3A_26 = tpu.matmul %div3A_22, %get3A_25, %dot_general3A {dimension_numbers = #tpu.dot_dimension_numbers<[1], [0], [0], [1], [0, 0, 1, 1], [], []>, transpose_lhs_hint = false} : vector<1000x128xf32>, vector<128x128xf32>, vector<1000x128xf32> -> vector<1000x128xf32>
    %get3A_27 = arith.constant 0 : index
    %get3A_28 = arith.constant 0 : index
    %get3A_29 = vector.load %arg5[%get3A_27, %get3A_28] : memref<1x128xf32, #tpu.memory_space<vmem>>, vector<1x128xf32>
    %add3A_30 = vector.broadcast %get3A_29 : vector<1x128xf32> to vector<1000x128xf32>
    %add3A_31 = arith.addf %dot_general3A_26, %add3A_30 : vector<1000x128xf32>
    %get3A_32 = arith.constant 0 : index
    %get3A_33 = arith.constant 0 : index
    %get3A_34 = vector.load %arg3[%get3A_32, %get3A_33] : memref<1000x128xf32, #tpu.memory_space<vmem>>, vector<1000x128xf32>
    %get3A_35 = arith.constant 0 : index
    %get3A_36 = arith.constant 0 : index
    %get3A_37 = vector.load %arg6[%get3A_35, %get3A_36] : memref<128x128xf32, #tpu.memory_space<vmem>>, vector<128x128xf32>
    %dot_general3A_38 = arith.constant dense<0.000000e+00> : vector<1000x128xf32>
    %dot_general3A_39 = tpu.matmul %get3A_34, %get3A_37, %dot_general3A_38 {dimension_numbers = #tpu.dot_dimension_numbers<[1], [0], [0], [1], [0, 0, 1, 1], [], []>, transpose_lhs_hint = false} : vector<1000x128xf32>, vector<128x128xf32>, vector<1000x128xf32> -> vector<1000x128xf32>
    %add3A_40 = arith.addf %add3A_31, %dot_general3A_39 : vector<1000x128xf32>
    %max3A_41 = arith.constant 0.000000e+00 : f32
    %max3A_42 = vector.broadcast %max3A_41 : f32 to vector<1000x128xf32>
    %max3A_43 = arith.maximumf %add3A_40, %max3A_42 : vector<1000x128xf32>
    %get3A_44 = arith.constant 0 : index
    %get3A_45 = arith.constant 0 : index
    %get3A_46 = vector.load %arg7[%get3A_44, %get3A_45] : memref<128x128xf32, #tpu.memory_space<vmem>>, vector<128x128xf32>
    %dot_general3A_47 = arith.constant dense<0.000000e+00> : vector<1000x128xf32>
    %dot_general3A_48 = tpu.matmul %max3A_43, %get3A_46, %dot_general3A_47 {dimension_numbers = #tpu.dot_dimension_numbers<[1], [0], [0], [1], [0, 0, 1, 1], [], []>, transpose_lhs_hint = false} : vector<1000x128xf32>, vector<128x128xf32>, vector<1000x128xf32> -> vector<1000x128xf32>
    %get3A_49 = arith.constant 0 : index
    %get3A_50 = arith.constant 0 : index
    %get3A_51 = vector.load %arg8[%get3A_49, %get3A_50] : memref<1x128xf32, #tpu.memory_space<vmem>>, vector<1x128xf32>
    %add3A_52 = vector.broadcast %get3A_51 : vector<1x128xf32> to vector<1000x128xf32>
    %add3A_53 = arith.addf %dot_general3A_48, %add3A_52 : vector<1000x128xf32>
    %swap3A = arith.constant 0 : index
    %swap3A_54 = arith.constant 0 : index
    %swap3A_55 = vector.load %arg9[%swap3A, %swap3A_54] : memref<1000x128xf32, #tpu.memory_space<vmem>>, vector<1000x128xf32>
    tpu.vector_store %arg9[%swap3A, %swap3A_54], %add3A_53 {strides = array<i32>} : memref<1000x128xf32, #tpu.memory_space<vmem>>, vector<1000x128xf32>,
    return
  }
  func.func @transform_0(%arg0: i32) -> (i32, i32, i32) {
    %c0_i32 = arith.constant 0 : i32
    %c0_i32_0 = arith.constant 0 : i32
    %c0_i32_1 = arith.constant 0 : i32
    return %c0_i32, %arg0, %c0_i32_0 : i32, i32, i32
  }
  func.func @transform_1(%arg0: i32) -> (i32, i32, i32) {
    %c0_i32 = arith.constant 0 : i32
    %c0_i32_0 = arith.constant 0 : i32
    %c0_i32_1 = arith.constant 0 : i32
    return %c0_i32, %arg0, %c0_i32_0 : i32, i32, i32
  }
  func.func @transform_2(%arg0: i32) -> (i32, i32) {
    %c0_i32 = arith.constant 0 : i32
    %c0_i32_0 = arith.constant 0 : i32
    return %arg0, %c0_i32 : i32, i32
  }
  func.func @transform_3(%arg0: i32) -> (i32, i32) {
    %c0_i32 = arith.constant 0 : i32
    %c0_i32_0 = arith.constant 0 : i32
    %c0_i32_1 = arith.constant 0 : i32
    return %c0_i32, %c0_i32_0 : i32, i32
  }
  func.func @transform_4(%arg0: i32) -> (i32, i32) {
    %c0_i32 = arith.constant 0 : i32
    %c0_i32_0 = arith.constant 0 : i32
    %c0_i32_1 = arith.constant 0 : i32
    return %c0_i32, %c0_i32_0 : i32, i32
  }
  func.func @transform_5(%arg0: i32) -> (i32, i32) {
    %c0_i32 = arith.constant 0 : i32
    %c0_i32_0 = arith.constant 0 : i32
    %c0_i32_1 = arith.constant 0 : i32
    return %c0_i32, %c0_i32_0 : i32, i32
  }
  func.func @transform_6(%arg0: i32) -> (i32, i32) {
    %c0_i32 = arith.constant 0 : i32
    %c0_i32_0 = arith.constant 0 : i32
    %c0_i32_1 = arith.constant 0 : i32
    return %c0_i32, %c0_i32_0 : i32, i32
  }
  func.func @transform_7(%arg0: i32) -> (i32, i32) {
    %c0_i32 = arith.constant 0 : i32
    %c0_i32_0 = arith.constant 0 : i32
    %c0_i32_1 = arith.constant 0 : i32
    return %c0_i32, %c0_i32_0 : i32, i32
  }
  func.func @transform_8(%arg0: i32) -> (i32, i32) {
    %c0_i32 = arith.constant 0 : i32
    %c0_i32_0 = arith.constant 0 : i32
    return %arg0, %c0_i32 : i32, i32
  }
}

</mosaic_0001>

<sc_bundles>
// kernel: kernel.6.cloned.1.call-start
scs
__scs_entry_jumppad:
0x0: {  	(pc) =	sbr.rel $0x88, $3  }
0x1: {  	(tag) =	ssettag $0x0;
	lr =	simm.s32 $0x1  }
0x2: {  	[smem:$0x3F97] =	sst lr;
	_ =	strace $0xD0000000  }
0x3: {  	_ = 	snop  }
0x4: {  	_ = 	snop  }
0x5: {  	_ = 	snop  }
0x6: {  	_ = 	snop  }
0x7: {  	_ = 	snop  }
__scs_overlays_trampoline_lowered:
0x8: {  	[smem:$0x3FA6] =	sst s0  }
0x9: {  	[smem:$0x3FA7] =	sst s1  }
0xa: {  	[smem:$0x3FA8] =	sst s2  }
0xb: {  	[smem:$0x3FA9] =	sst s3  }
0xc: {  	[smem:$0x3FAA] =	sst s4  }
0xd: {  	[smem:$0x3FAB] =	sst s5  }
0xe: {  	[smem:$0x3FAC] =	sst s6  }
0xf: {  	[smem:$0x3FAD] =	sst s7  }
0x10: {  	[smem:$0x3FAE] =	sst s8  }
0x11: {  	[smem:$0x3FAF] =	sst s9;
	s0 =	simm.s32 @!p0 $0x0  }
0x12: {  	s1 =	sld [smem:$0x3F95];
	s0 =	simm.s32 @p0 $0x1  }
0x13: {  	[smem:$0x3FB0] =	sst s0;
	s0 =	simm.s32 @!p1 $0x0  }
0x14: {  	s2 =	sld [smem:$0x3F94];
	s0 =	simm.s32 @p1 $0x1  }
0x15: {  	[smem:$0x3FB1] =	sst s0;
	s0 =	simm.s32 @!p2 $0x0  }
0x16: {  	s3 =	sld [smem:$0x3FDB];
	s0 =	simm.s32 @p2 $0x1  }
0x17: {  	s4 =	simm.s32 $0x1BF5;
	[smem:$0x3FB3] =	sst s0  }
0x18: {  	s0 =	sld [smem:$0x3F96];
	_ =	swait.ge [sflag:s4], $0x0  }
0x19: {  	s7 =	sld [smem:$0x3F97]  }
0x1a: {  	s8 =	sadd.s32 $0xFFFFE003, lr  }
0x1b: {  	s9 =	sadd.s32 $0xFFFFFEF7, lr;
	s5 =	simm.s32 $0xFFFFFFFF;
	p2 =	slt.u32 s8, $0xFFFFF086  }
0x1c: {  	p1 =	slt.u32 s9, $0xF7A;
	s5 =	simm.s32 @!p2 $0x0  }
0x1d: {  	s5 =	simm.s32 @p1 $0x1;
	p0 =	seq.s32 s7, s2  }
0x1e: {  	s7 =	smul.u32 @!p0 $0xF7A, s2;
	p2 =	seq.s32 @!p0 s5, $0x0  }
0x1f: {  	s9 =	smul.u32 $0xF7A, s1;
	s8 =	simm.s32 @!p0 $0x1BF5;
	p2 =	por !p2, p0  }
0x20: {  	[sflag:s8] =	ssyncset.s32 @!p0 $0xFFFFF086;
	s6 =	sadd.s32 @!p0 s3, s7;
	s7 =	simm.s32 @!p0 $0x108  }
0x21: {  	s3 =	sadd.s32 s3, s9;
	s6 =	sadd.s32 @!p0 $0x88, s6;
	s7 =	simm.s32 @p2 $0x1082  }
0x22: {  	[simem:s7], [sflag:s8] =	dma.local @!p0 [hbm:s6], $0xF7A  }
0x23: {  	s9 =	sor.u32 $0xD0000000, s2;
	s6 =	simm.s32 $0x108;
	_ =	swait.ge @!p0 [sflag:s8], $0x0  }
0x24: {  	s3 =	sadd.s32 $0x88, s3;
	s6 =	simm.s32 @!p1 $0x1082;
	[sflag:s4] =	ssyncset.s32 $0xFFFFF086  }
0x25: {  	[simem:s6], [sflag:s4] =	dma.local [hbm:s3], $0xF7A  }
0x26: {  	[smem:$0x3F97] =	sst s1;
	(tag) =	ssettag s2;
	_ =	strace s9  }
0x27: {  	s1 =	sld [smem:$0x3FA7]  }
0x28: {  	s2 =	sld [smem:$0x3FA8]  }
0x29: {  	s4 =	sld [smem:$0x3FAA]  }
0x2a: {  	p0 =	seq.s32 s5, $0x0;
	s5 =	sld [smem:$0x3FAB]  }
0x2b: {  	s6 =	sld [smem:$0x3FAC]  }
0x2c: {  	s7 =	sld [smem:$0x3FAD]  }
0x2d: {  	s3 =	simm.s32 $0x108;
	s8 =	sld [smem:$0x3FAE]  }
0x2e: {  	s3 =	simm.s32 @!p0 $0x1082;
	s9 =	sld [smem:$0x3FAF]  }
0x2f: {  	lr =	sadd.s32 s0, s3;
	s0 =	sld [smem:$0x3FA6]  }
0x30: {  	s3 =	sld [smem:$0x3FA9]  }
0x31: {  	[smem:$0x3FB2] =	sst s10  }
0x32: {  	s10 =	sld [smem:$0x3FB0];
	_ =	sdelay $0x3  }
0x33: {  	p0 =	seq.s32 s10, $0x1;
	s10 =	sld [smem:$0x3FB2];
	_ =	sdelay $0x3  }
0x34: {  	[smem:$0x3FB2] =	sst s10  }
0x35: {  	s10 =	sld [smem:$0x3FB1];
	_ =	sdelay $0x3  }
0x36: {  	p1 =	seq.s32 s10, $0x1;
	s10 =	sld [smem:$0x3FB2];
	_ =	sdelay $0x3  }
0x37: {  	[smem:$0x3FB2] =	sst s10  }
0x38: {  	s10 =	sld [smem:$0x3FB3]  }
0x39: {  	_ = 	snop;
	(pc) =	sbr.ind lr, $3  }
0x3a: {  	_ = 	snop  }
0x3b: {  	_ = 	snop  }
0x3c: {  	p2 =	seq.s32 s10, $0x1;
	s10 =	sld [smem:$0x3FB2]  }
0x3d: {  	_ =	shalt  }
0x3e: {  	_ =	shalt  }
0x3f: {  	_ =	shalt  }
0x40: {  	_ =	shalt  }
0x41: {  	_ =	shalt  }
0x42: {  	_ =	shalt  }
0x43: {  	_ =	shalt  }
0x44: {  	_ =	shalt  }
0x45: {  	_ =	shalt  }
0x46: {  	_ =	shalt  }
0x47: {  	_ =	shalt  }
0x48: {  	_ =	shalt  }
0x49: {  	_ =	shalt  }
0x4a: {  	_ =	shalt  }
0x4b: {  	_ =	shalt  }
0x4c: {  	_ =	shalt  }
0x4d: {  	_ =	shalt  }
0x4e: {  	_ =	shalt  }
0x4f: {  	_ =	shalt  }
0x50: {  	_ =	shalt  }
0x51: {  	_ =	shalt  }
0x52: {  	_ =	shalt  }
0x53: {  	_ =	shalt  }
0x54: {  	_ =	shalt  }
0x55: {  	_ =	shalt  }
0x56: {  	_ =	shalt  }
0x57: {  	_ =	shalt  }
0x58: {  	_ =	shalt  }
0x59: {  	_ =	shalt  }
0x5a: {  	_ =	shalt  }
0x5b: {  	_ =	shalt  }
0x5c: {  	_ =	shalt  }
0x5d: {  	_ =	shalt  }
0x5e: {  	_ =	shalt  }
0x5f: {  	_ =	shalt  }
0x60: {  	_ =	shalt  }
0x61: {  	_ =	shalt  }
0x62: {  	_ =	shalt  }
0x63: {  	_ =	shalt  }
0x64: {  	_ =	shalt  }
0x65: {  	_ =	shalt  }
0x66: {  	_ =	shalt  }
0x67: {  	_ =	shalt  }
0x68: {  	_ =	shalt  }
0x69: {  	_ =	shalt  }
0x6a: {  	_ =	shalt  }
0x6b: {  	_ =	shalt  }
0x6c: {  	_ =	shalt  }
0x6d: {  	_ =	shalt  }
0x6e: {  	_ =	shalt  }
0x6f: {  	_ =	shalt  }
0x70: {  	_ =	shalt  }
0x71: {  	_ =	shalt  }
0x72: {  	_ =	shalt  }
0x73: {  	_ =	shalt  }
0x74: {  	_ =	shalt  }
0x75: {  	_ =	shalt  }
0x76: {  	_ =	shalt  }
0x77: {  	_ =	shalt  }
0x78: {  	_ =	shalt  }
0x79: {  	_ =	shalt  }
0x7a: {  	_ =	shalt  }
0x7b: {  	_ =	shalt  }
0x7c: {  	_ =	shalt  }
0x7d: {  	_ =	shalt  }
0x7e: {  	_ =	shalt  }
0x7f: {  	_ =	shalt  }
0x80: {  	_ =	shalt  }
0x81: {  	_ =	shalt  }
0x82: {  	_ =	shalt  }
0x83: {  	_ =	shalt  }
0x84: {  	_ =	shalt  }
0x85: {  	_ =	shalt  }
0x86: {  	_ =	shalt  }
0x87: {  	_ =	shalt  }
.Lfunc_end0:
.L_simem_size_0:
called_computation_lowered:
.L_overlay_start_0:
0x88: {  	s2 =	sld [smem:$0x3FD9]  }
0x89: {  	s3 =	sld [smem:$0x3FFE];
	_ =	sdelay $0x1  }
0x8a: {  	s1 =	srdreg.scid  }
0x8b: {  	s0 =	sand.u32 $0x1, s1  }
0x8c: {  	s17 =	sshll.u32 s0, $0xA;
	s2 =	sadd.s32 s3, s2  }
0x8d: {  	s2 =	sadd.s32 s2, s17  }
0x8e: {  	[smem:$0x3FBE] =	sst s2  }
0x8f: {  	_ = 	snop  }
0x90: {  	s2 =	sld [smem:$0x3FC9]  }
0x91: {  	s18 =	sld [smem:$0x3FD0];
	(tm) =	ssettm $0x1  }
0x92: {  	s4 =	sld [smem:$0x3FFB];
	_ =	sdelay $0x3  }
0x93: {  	_ =	strace s4  }
0x94: {  	s4 =	sld [smem:$0x3FFC];
	_ =	sdelay $0x3  }
0x95: {  	_ =	strace s4  }
0x96: {  	s4 =	sld [smem:$0x3FFD];
	_ =	sdelay $0x3  }
0x97: {  	_ =	strace s4  }
0x98: {  	_ =	strace $0x8FFFFFFF  }
0x99: {  	s19 =	sld [smem:$0x3FDB];
	_ =	sdelay $0x1  }
0x9a: {  	s5 =	simm.s32 $_scs_section_size  }
0x9b: {  	s6 =	simm.s32 $_size__tile_overlayer_lowered;
	s7 =	simm.s32 $_tile_overlayer_lowered  }
0x9c: {  	s22 =	simm.s32 $0x1BFF;
	s21 =	sshll.u32 s7, $0x1;
	s4 =	sadd.s32 s5, s19  }
0x9d: {  	s8 =	simm.s32 $0x0;
	s20 =	sshll.u32 s6, $0x1;
	s6 =	sadd.s32 s21, s4  }
0x9e: {  	[timem:s8], [sflag:s22] =	dma.local [hbm:s6], s20  }
0x9f: {  	_ =	swait.ge [sflag:s22], s20  }
0xa0: {  	s5 =	ssub.s32 $0x0, s20;
	[sflag:s22] =	ssyncset.done $0x0  }
0xa1: {  	[sflag:s22] =	ssyncadd.s32 s5;
	_ =	sdelay $0x1  }
0xa2: {  	s23 =	simm.s32 $0x1B8B  }
0xa3: {  	_ =	swait.ge [sflag:s23], $0x1  }
0xa4: {  	[sflag:s23] =	ssyncset.done $0x0  }
0xa5: {  	s25 =	simm.s32 $0x1B8E;
	s24 =	sld [smem:$0x3FFE];
	[sflag:s23] =	ssyncadd.s32 $0xFFFFFFFF  }
0xa6: {  	s26 =	simm.s32 $execute0_lowered;
	[smem:$0x3FD2] =	sst s25  }
0xa7: {  	s6 =	sshll.u32 s26, $0x1;
	_ =	strace $0x80000046;
	[dreg:$0x1] =	wrdreg $0xFFFFFFFF  }
0xa8: {  	s28 =	simm.s32 $_size_execute0_lowered;
	s4 =	sadd.s32 s4, s6;
	[dreg:$0x0] =	wrdreg $0x0  }
0xa9: {  	s6 =	sshll.u32 s28, $0x1;
	[dreg:$0x2] =	wrdreg s4  }
0xaa: {  	[dreg:$0x3] =	wrdreg s6  }
0xab: {  	[dreg:$0x4] =	wrdreg $0xC0  }
0xac: {  	_ =	task [dreg:s8], $0x5FFFF  }
0xad: {  	[dreg:$0x1] =	wrdreg $0xFFFFFFFF  }
0xae: {  	[dreg:$0x0] =	wrdreg $0x60  }
0xaf: {  	[dreg:$0x2] =	wrdreg s2  }
0xb0: {  	[dreg:$0x3] =	wrdreg s24  }
0xb1: {  	[dreg:$0x4] =	wrdreg s18  }
0xb2: {  	[dreg:$0x5] =	wrdreg $0x6B600  }
0xb3: {  	[dreg:$0x6] =	wrdreg $0x1BDE00  }
0xb4: {  	[dreg:$0x7] =	wrdreg $0x9  }
0xb5: {  	_ =	task.clear_ibuf [dreg:s8], $0x8FFFF;
	_ =	strace $0x90000046  }
0xb6: {  	s29 =	simm.s32 $0x9;
	_ =	strace $0x80000048  }
0xb7: {  	_ =	swait.ge [sflag:s29], $0x1  }
0xb8: {  	[sflag:s29] =	ssyncadd.s32 $0xFFFFFFFF  }
0xb9: {  	_ =	strace $0x90000048  }
0xba: {  	_ =	sfence  }
0xbb: {  	s30 =	sld [smem:$0x0];
	_ =	sdelay $0x2  }
0xbc: {  	s31 =	sshll.u32 s1, $0xD;
	s1 =	sshrl.u32 s1, $0x2  }
0xbd: {  	s3 =	sand.u32 $0x4000, s31;
	s1 =	sadd.s32 s1, s30  }
0xbe: {  	s0 =	sor.u32 s3, s0;
	s1 =	sshll.u32 s1, $0x11  }
0xbf: {  	s0 =	sor.u32 s1, s0  }
0xc0: {  	s0 =	sadd.s32 $0x8F2B, s0  }
0xc1: {  	[sflag:s0] =	ssyncadd.remote.s32 $0x1  }
0xc2: {  	_ =	sfence.sel $0xFFFF  }
0xc3: {  	[dreg:$0x0] =	wrdreg $0xFFFFFFFF;
	(pc) =	sbr.abs _section_cstart, $3  }
0xc4: {  	[dreg:$0x1] =	wrdreg $0xFFFFFFFF  }
0xc5: {  	_ =	task.clear_ibuf [dreg:s8], $0x2FFFF;
	_ =	strace $0x9FFFFFFF  }
0xc6: {  	(tm) =	ssettm $0x7FFFFFFF  }
0xc7: {  	_ =	shalt  }
tec
execute0_lowered:
.L_overlay_start_1:
0x0: {  	(tag) =	ssettag $0x1  }
0x1: {  	s1 =	rddreg [dreg:$0x0]  }
0x2: {  	s0 =	rddreg [dreg:$0x1]  }
0x3: {  	s5 =	rddreg [dreg:$0x2]  }
0x4: {  	s2 =	rddreg [dreg:$0x3]  }
0x5: {  	s3 =	rddreg [dreg:$0x4]  }
0x6: {  	s4 =	simm.s32 $0x0;
	s7 =	srdreg.scid;
	s16 =	stileid.u32  }
0x7: {  	s29 =	simm.s32 $0x1A3E0;
	s30 =	simm.s32 $0x4;
	s31 =	simm.s32 $0x5  }
0x8: {  	[smem:$0x7FF] =	sst s4;
	s6 =	sadd.s32 $0x2C00, s0;
	s12 =	smul.u32 $0x13800, s16  }
0x9: {  	s8 =	sadd.s32 $0x20400, s0;
	s7 =	sand.u32 $0x1, s7;
	s25 =	smul.u32 $0x9C00, s16  }
0xa: {  	s0 =	sadd.s32 $0x16600, s0;
	s11 =	sshll.u32 s16, $0x1;
	s21 =	smul.u32 $0x2700, s16  }
0xb: {  	s14 =	sshll.u32 s16, $0x6;
	s22 =	smul.u32 $0x4E20, s16;
	p0 =	sne.s32 s16, $0xF  }
0xc: {  	s16 =	simm.s32 $0x138;
	_ =	strace $0x80000047;
	s9 =	ssub.s32 $0x2, s7  }
0xd: {  	s24 =	sor.u32 s7, s11;
	s28 =	sor.u32 $0x1C06, s14;
	s14 =	sadd.s32 $0x138000, s2  }
0xe: {  	s18 =	smul.u32 $0x138800, s7;
	s10 =	sshrl.u32 s9, $0x1;
	[dreg:$0x9] =	wrdreg s28  }
0xf: {  	s13 =	sadd.s32 s12, s2;
	s26 =	sshrl.u32 s12, $0x3;
	[dreg:$0xa] =	wrdreg s14  }
0x10: {  	s11 =	sshrl.u32 s25, $0x2;
	[dreg:$0x7] =	wrdreg s13;
	s13 =	sadd.s32 s5, s26  }
0x11: {  	s9 =	ssub.s32 s9, s10;
	s5 =	sadd.s32 $0x27000, s5;
	[dreg:$0x8] =	wrdreg s13  }
0x12: {  	s17 =	sadd.s32 s11, s3;
	s10 =	smul.u32 $0x2710, s24;
	[dreg:$0xc] =	wrdreg s5  }
0x13: {  	s12 =	sadd.s32 s12, s18;
	s15 =	sadd.s32 $0x9C0, s17;
	[dreg:$0xb] =	wrdreg s17  }
0x14: {  	s11 =	sadd.s32 $0x1380, s17;
	s12 =	sshrl.u32 s12, $0x3;
	[dreg:$0xd] =	wrdreg s15  }
0x15: {  	s5 =	sshrl.u32 s18, $0x3;
	s14 =	smax.u32 s9, $0x1;
	[dreg:$0xe] =	wrdreg s11  }
0x16: {  	s19 =	sshrl.u32 s10, $0x3;
	s20 =	sadd.s32 $0x68, s10;
	s10 =	sadd.s32 $0x138, s10  }
0x17: {  	s15 =	smul.u32 $0x27100, s7;
	s12 =	sadd.s32 s8, s12;
	s5 =	sadd.s32 s8, s5  }
0x18: {  	s7 =	smul.u32 $0x2710, s7;
	[dreg:$0x16] =	wrdreg s14;
	s14 =	simm.s32 $0x1AA60  }
0x19: {  	[dreg:$0xf] =	wrdreg s12;
	s23 =	sshrl.u32 s20, $0x3;
	s10 =	sshrl.u32 s10, $0x3  }
0x1a: {  	s11 =	sadd.s32 s6, s19;
	s5 =	sadd.s32 $0x27000, s5;
	s19 =	sadd.s32 $0x1D40, s17  }
0x1b: {  	s20 =	sadd.s32 $0x27000, s3;
	s17 =	simm.s32 $0xD0;
	[dreg:$0x13] =	wrdreg s5  }
0x1c: {  	s12 =	sadd.s32 s6, s23;
	s10 =	sadd.s32 s6, s10;
	[dreg:$0x18] =	wrdreg s19  }
0x1d: {  	s24 =	sadd.s32 s21, s15;
	s7 =	sadd.s32 s7, s22;
	[dreg:$0x19] =	wrdreg s20  }
0x1e: {  	s25 =	sshrl.u32 s15, $0x3;
	s21 =	sadd.s32 $0x1A, s11;
	[dreg:$0x10] =	wrdreg s11  }
0x1f: {  	s22 =	sadd.s32 $0x4E0, s11;
	s19 =	simm.s32 $0x3740;
	[dreg:$0x11] =	wrdreg s12  }
0x20: {  	s20 =	simm.s32 $0x208;
	[dreg:$0x12] =	wrdreg s10;
	s5 =	sshrl.u32 s24, $0x3  }
0x21: {  	s26 =	sadd.s32 $0x2D8, s7;
	s8 =	sadd.s32 $0x270, s7;
	[dreg:$0x1a] =	wrdreg s21  }
0x22: {  	s13 =	sadd.s32 $0x208, s7;
	s18 =	sadd.s32 $0x1A0, s7;
	[dreg:$0x1b] =	wrdreg s22  }
0x23: {  	s7 =	simm.s32 $0x6;
	s21 =	simm.s32 $0x1A0;
	s22 =	simm.s32 $0x2  }
0x24: {  	s12 =	sadd.s32 s0, s5;
	s0 =	sadd.s32 s0, s25;
	s28 =	sshrl.u32 s26, $0x3  }
0x25: {  	s10 =	sshrl.u32 s8, $0x3;
	s15 =	sshrl.u32 s13, $0x3;
	[dreg:$0x17] =	wrdreg s18  }
0x26: {  	s18 =	simm.s32 $0x1;
	s0 =	sadd.s32 $0x4E00, s0;
	[dreg:$0x14] =	wrdreg s12  }
0x27: {  	s13 =	simm.s32 $0x2D8;
	s5 =	sadd.s32 s28, s6;
	[dreg:$0x15] =	wrdreg s0  }
0x28: {  	s23 =	sadd.s32 s10, s6;
	s25 =	sadd.s32 $0x138, s12;
	[dreg:$0x6] =	wrdreg s5  }
0x29: {  	s24 =	sadd.s32 s15, s6;
	s26 =	sadd.s32 $0x270, s12;
	[dreg:$0x1c] =	wrdreg s25  }
0x2a: {  	s28 =	sadd.s32 $0x3A8, s12;
	s10 =	simm.s32 $0x68;
	[dreg:$0x1d] =	wrdreg s26  }
0x2b: {  	s12 =	simm.s32 $0x4E200;
	s15 =	simm.s32 $0x340;
	[dreg:$0x1e] =	wrdreg s28  }
0x2c: {  	v0 =	vimm.f32 $1.000000000e+00;
	v1 =	vimm.f32 $0.0e+00;
	s0 =	simm.s32 $0x270;
	s5 =	simm.s32 $0x3;
	s25 =	simm.s32 $0x0  }
.LBB2_1:
0x2d: {  	s8 =	rddreg [dreg:$0x7]  }
0x2e: {  	s11 =	rddreg [dreg:$0x8]  }
0x2f: {  	s9 =	rddreg [dreg:$0x9];
	s26 =	sshrl.u32 s8, $0x3  }
0x30: {  	[spmem:s26], [sflag:s9] =	dma.local [hbm:s11], $0x2700  }
0x31: {  	_ =	swait.ge [sflag:s7], $0x2700  }
0x32: {  	[sflag:s7] =	ssyncset.done $0x0;
	s8 =	rddreg [dreg:$0xa]  }
0x33: {  	[sflag:s7] =	ssyncadd.s32 $0xFFFFD900;
	s28 =	sshrl.u32 @!p0 s8, $0x3;
	s8 =	rddreg [dreg:$0xc]  }
0x34: {  	[spmem:s28], [sflag:s9] =	dma.local @!p0 [hbm:s8], $0x100  }
0x35: {  	s9 =	simm.s32 @!p0 $0x6  }
0x36: {  	_ =	swait.ge @!p0 [sflag:s9], $0x100  }
0x37: {  	[sflag:s9] =	ssyncset.done @!p0 $0x0  }
0x38: {  	[sflag:s9] =	ssyncadd.s32 @!p0 $0xFFFFFF00;
	s9 =	simm.s32 $0x0  }
.LBB2_2:
0x39: {  	p1 =	sne.s32 s9, $0x19C0  }
.Ltmp0:
0x3a: {  	_ = 	snop;
	(pc) =	sbr.rel @p1 .LBB2_2-.Ltmp0, $3  }
0x3b: {  	_ =	sdelay $0x1  }
0x3c: {  	s11 =	sshra.s32 s9, $0x2  }
0x3d: {  	s9 =	sadd.s32 $0x40, s9;
	[tilespmem:s11+$0x1A3E0] =	vst v0  }
0x3e: {  	s9 =	simm.s32 $0x40;
	s11 =	simm.s32 $0x0  }
.LBB2_4:
0x3f: {  	p1 =	sne.s32 s9, $0x26C0;
	[tilespmem:s11+$0x1AA60] =	vst v1;
	s11 =	smov.u32 s9;
	s9 =	sadd.s32 $0x40, s9  }
.Ltmp1:
0x40: {  	(pc) =	sbr.rel @p1 .LBB2_4-.Ltmp1, $2  }
0x41: {  	_ =	sdelay $0x2  }
0x42: {  	s11 =	sshra.s32 s11, $0x2  }
0x43: {  	[tilespmem:s11+$0x1AA60] =	vst v1;
	s8 =	rddreg [dreg:$0xb]  }
0x44: {  	[spmem:s8] =	stream.linear.scatter [tilespmem:s14], [sflag:$0x6], $0x9C0, $0x38;
	[tilespmem:$0x1E4F0] =	vst v63  }
0x45: {  	_ =	swait.ge [sflag:s7], $0x9C0  }
0x46: {  	[sflag:s7] =	ssyncset.done $0x0  }
0x47: {  	s9 =	rddreg [dreg:$0xd];
	[sflag:s7] =	ssyncadd.s32 $0xFFFFF640  }
0x48: {  	[spmem:s9] =	stream.linear.scatter [tilespmem:s14], [sflag:$0x6], $0x9C0, $0x38;
	[tilespmem:$0x1E4F0] =	vst v63  }
0x49: {  	_ =	swait.ge [sflag:s7], $0x9C0  }
0x4a: {  	[sflag:s7] =	ssyncset.done $0x0  }
0x4b: {  	s11 =	rddreg [dreg:$0xe];
	[sflag:s7] =	ssyncadd.s32 $0xFFFFF640  }
0x4c: {  	[spmem:s11] =	stream.linear.scatter [tilespmem:s14], [sflag:$0x6], $0x9C0, $0x38;
	[tilespmem:$0x1E4F0] =	vst v63  }
0x4d: {  	_ =	swait.ge [sflag:s7], $0x9C0  }
0x4e: {  	[sflag:s7] =	ssyncset.done $0x0  }
0x4f: {  	s9 =	rddreg [dreg:$0x18];
	[sflag:s7] =	ssyncadd.s32 $0xFFFFF640  }
0x50: {  	[spmem:s9] =	stream.linear.scatter [tilespmem:s14], [sflag:$0x6], $0x9C0, $0x38;
	[tilespmem:$0x1E4F0] =	vst v63  }
0x51: {  	_ =	swait.ge [sflag:s7], $0x9C0  }
0x52: {  	[sflag:s7] =	ssyncset.done $0x0  }
0x53: {  	s9 =	simm.s32 @!p0 $0x1AA60;
	s8 =	rddreg [dreg:$0x19];
	[sflag:s7] =	ssyncadd.s32 $0xFFFFF640  }
0x54: {  	[spmem:s8] =	stream.linear.scatter @!p0 [tilespmem:s9], [sflag:$0x6], $0x100, $0x38;
	[tilespmem:$0x1E4F0] =	vst v63  }
0x55: {  	s9 =	simm.s32 @!p0 $0x6  }
0x56: {  	_ =	swait.ge @!p0 [sflag:s9], $0x100  }
0x57: {  	[sflag:s9] =	ssyncset.done @!p0 $0x0  }
0x58: {  	[sflag:s9] =	ssyncadd.s32 @!p0 $0xFFFFFF00  }
0x59: {  	[bflag:$0x0] =	sbarrier.arrive $0xFFFF  }
0x5a: {  	s11 =	simm.s32 $0x0;
	s14 =	rddreg [dreg:$0x10]  }
0x5b: {  	[tilespmem:s11], [sflag:$0x6] =	stream.strided.gather [hbm4b:s14+s10], $0xD0, s12, s10, $0x38;
	[tilespmem:$0x1E4F0] =	vst v63  }
0x5c: {  	_ =	swait.ge [sflag:s7], $0xD0  }
0x5d: {  	[sflag:s7] =	ssyncset.done $0x0  }
0x5e: {  	[sflag:s7] =	ssyncadd.s32 $0xFFFFFF30  }
0x5f: {  	[tilespmem:s15], [sflag:$0x2] =	stream.indirect.gather [hbm4b:s1+s10], $0x80, s11, s10, $0xb8;
	[tilespmem:$0x1E4F0] =	vst v63  }
0x60: {  	s11 =	rddreg [dreg:$0x11]  }
0x61: {  	[tilespmem:s17], [sflag:$0x1] =	stream.strided.gather [hbm4b:s11+s10], $0xD0, s12, s10, $0x38;
	[tilespmem:$0x1E4F0] =	vst v63  }
0x62: {  	_ =	swait.ge [sflag:s18], $0xD0  }
0x63: {  	[sflag:s18] =	ssyncset.done $0x0  }
0x64: {  	[sflag:s18] =	ssyncadd.s32 $0xFFFFFF30  }
0x65: {  	[tilespmem:s19], [sflag:$0x3] =	stream.indirect.gather [hbm4b:s1+s10], $0x80, s17, s10, $0xb8;
	[tilespmem:$0x1E4F0] =	vst v63  }
0x66: {  	s14 =	rddreg [dreg:$0x1a]  }
0x67: {  	[tilespmem:s21], [sflag:$0x1] =	stream.strided.gather [hbm4b:s14+s10], $0xD0, s12, s10, $0x38;
	[tilespmem:$0x1E4F0] =	vst v63  }
0x68: {  	_ =	swait.ge [sflag:s22], $0x3400  }
0x69: {  	[sflag:s22] =	ssyncset.done $0x0  }
0x6a: {  	[sflag:s22] =	ssyncadd.s32 $0xFFFFCC00  }
0x6b: {  	[spmem:s2] =	stream.indirect.scatter.add.f32 [tilespmem:s15], [sflag:$0x4], $0x80, s10, s10, $0xb8;
	[tilespmem:$0x1E4F0] =	vst v63  }
0x6c: {  	_ = 	snop  }
0x6d: {  	[spmem:s3] =	stream.indirect.scatter.add.f32 [tilespmem:s29], [sflag:$0x5], $0x10, s10, s10, $0xb8;
	[tilespmem:$0x1E4F0] =	vst v63  }
0x6e: {  	_ =	swait.ge [sflag:s18], $0xD0  }
0x6f: {  	[sflag:s18] =	ssyncset.done $0x0  }
0x70: {  	[sflag:s18] =	ssyncadd.s32 $0xFFFFFF30  }
0x71: {  	_ =	swait.ge [sflag:s30], $0x3400  }
0x72: {  	[sflag:s30] =	ssyncset.done $0x0  }
0x73: {  	[sflag:s30] =	ssyncadd.s32 $0xFFFFCC00  }
0x74: {  	_ =	swait.ge [sflag:s31], $0x680  }
0x75: {  	[sflag:s31] =	ssyncset.done $0x0  }
0x76: {  	[sflag:s31] =	ssyncadd.s32 $0xFFFFF980  }
0x77: {  	[tilespmem:s15], [sflag:$0x2] =	stream.indirect.gather [hbm4b:s1+s10], $0x80, s21, s10, $0xb8;
	[tilespmem:$0x1E4F0] =	vst v63  }
0x78: {  	s9 =	rddreg [dreg:$0x12]  }
0x79: {  	[tilespmem:s0], [sflag:$0x1] =	stream.strided.gather [hbm4b:s9+s10], $0xD0, s12, s10, $0x38;
	[tilespmem:$0x1E4F0] =	vst v63  }
0x7a: {  	_ =	swait.ge [sflag:s5], $0x3400  }
0x7b: {  	[sflag:s5] =	ssyncset.done $0x0  }
0x7c: {  	[sflag:s5] =	ssyncadd.s32 $0xFFFFCC00  }
0x7d: {  	[spmem:s2] =	stream.indirect.scatter.add.f32 [tilespmem:s19], [sflag:$0x4], $0x80, s16, s10, $0xb8;
	[tilespmem:$0x1E4F0] =	vst v63  }
0x7e: {  	_ = 	snop  }
0x7f: {  	[spmem:s3] =	stream.indirect.scatter.add.f32 [tilespmem:s29], [sflag:$0x5], $0x10, s16, s10, $0xb8;
	[tilespmem:$0x1E4F0] =	vst v63  }
0x80: {  	_ =	swait.ge [sflag:s18], $0xD0  }
0x81: {  	[sflag:s18] =	ssyncset.done $0x0  }
0x82: {  	[sflag:s18] =	ssyncadd.s32 $0xFFFFFF30  }
0x83: {  	_ =	swait.ge [sflag:s30], $0x3400  }
0x84: {  	[sflag:s30] =	ssyncset.done $0x0  }
0x85: {  	[sflag:s30] =	ssyncadd.s32 $0xFFFFCC00  }
0x86: {  	_ =	swait.ge [sflag:s31], $0x680  }
0x87: {  	[sflag:s31] =	ssyncset.done $0x0;
	s8 =	rddreg [dreg:$0x17]  }
0x88: {  	[sflag:s31] =	ssyncadd.s32 $0xFFFFF980;
	s11 =	sshrl.u32 s8, $0x3  }
0x89: {  	[tilespmem:s19], [sflag:$0x3] =	stream.indirect.gather [hbm4b:s1+s10], $0x80, s0, s10, $0xb8;
	[tilespmem:$0x1E4F0] =	vst v63  }
0x8a: {  	s9 =	sadd.s32 s6, s11  }
0x8b: {  	[tilespmem:s4], [sflag:$0x1] =	stream.strided.gather [hbm4b:s9+s10], $0xD0, s12, s10, $0x38;
	[tilespmem:$0x1E4F0] =	vst v63  }
0x8c: {  	_ =	swait.ge [sflag:s22], $0x3400  }
0x8d: {  	[sflag:s22] =	ssyncset.done $0x0  }
0x8e: {  	[sflag:s22] =	ssyncadd.s32 $0xFFFFCC00  }
0x8f: {  	[spmem:s2] =	stream.indirect.scatter.add.f32 [tilespmem:s15], [sflag:$0x4], $0x80, s20, s10, $0xb8;
	[tilespmem:$0x1E4F0] =	vst v63  }
0x90: {  	_ = 	snop  }
0x91: {  	[spmem:s3] =	stream.indirect.scatter.add.f32 [tilespmem:s29], [sflag:$0x5], $0x10, s20, s10, $0xb8;
	[tilespmem:$0x1E4F0] =	vst v63  }
0x92: {  	_ =	swait.ge [sflag:s18], $0xD0  }
0x93: {  	[sflag:s18] =	ssyncset.done $0x0  }
0x94: {  	[sflag:s18] =	ssyncadd.s32 $0xFFFFFF30  }
0x95: {  	_ =	swait.ge [sflag:s30], $0x3400  }
0x96: {  	[sflag:s30] =	ssyncset.done $0x0  }
0x97: {  	[sflag:s30] =	ssyncadd.s32 $0xFFFFCC00  }
0x98: {  	_ =	swait.ge [sflag:s31], $0x680  }
0x99: {  	[sflag:s31] =	ssyncset.done $0x0  }
0x9a: {  	[sflag:s31] =	ssyncadd.s32 $0xFFFFF980  }
0x9b: {  	[tilespmem:s15], [sflag:$0x2] =	stream.indirect.gather [hbm4b:s1+s10], $0x80, s4, s10, $0xb8;
	[tilespmem:$0x1E4F0] =	vst v63  }
0x9c: {  	s14 =	sadd.s32 $0x0, s24  }
0x9d: {  	[tilespmem:s17], [sflag:$0x1] =	stream.strided.gather [hbm4b:s14+s10], $0xD0, s12, s10, $0x38;
	[tilespmem:$0x1E4F0] =	vst v63  }
0x9e: {  	_ =	swait.ge [sflag:s5], $0x3400  }
0x9f: {  	[sflag:s5] =	ssyncset.done $0x0  }
0xa0: {  	[sflag:s5] =	ssyncadd.s32 $0xFFFFCC00  }
0xa1: {  	[spmem:s2] =	stream.indirect.scatter.add.f32 [tilespmem:s19], [sflag:$0x4], $0x80, s13, s10, $0xb8;
	[tilespmem:$0x1E4F0] =	vst v63  }
0xa2: {  	_ = 	snop  }
0xa3: {  	[spmem:s3] =	stream.indirect.scatter.add.f32 [tilespmem:s29], [sflag:$0x5], $0x10, s13, s10, $0xb8;
	[tilespmem:$0x1E4F0] =	vst v63  }
0xa4: {  	_ =	swait.ge [sflag:s18], $0xD0  }
0xa5: {  	[sflag:s18] =	ssyncset.done $0x0  }
0xa6: {  	[sflag:s18] =	ssyncadd.s32 $0xFFFFFF30  }
0xa7: {  	_ =	swait.ge [sflag:s30], $0x3400  }
0xa8: {  	[sflag:s30] =	ssyncset.done $0x0  }
0xa9: {  	[sflag:s30] =	ssyncadd.s32 $0xFFFFCC00  }
0xaa: {  	_ =	swait.ge [sflag:s31], $0x680  }
0xab: {  	[sflag:s31] =	ssyncset.done $0x0  }
0xac: {  	[sflag:s31] =	ssyncadd.s32 $0xFFFFF980  }
0xad: {  	[tilespmem:s19], [sflag:$0x3] =	stream.indirect.gather [hbm4b:s1+s10], $0x80, s17, s10, $0xb8;
	[tilespmem:$0x1E4F0] =	vst v63  }
0xae: {  	s11 =	sadd.s32 $0x0, s23  }
0xaf: {  	[tilespmem:s21], [sflag:$0x1] =	stream.strided.gather [hbm4b:s11+s10], $0xD0, s12, s10, $0x38;
	[tilespmem:$0x1E4F0] =	vst v63  }
0xb0: {  	_ =	swait.ge [sflag:s22], $0x3400  }
0xb1: {  	[sflag:s22] =	ssyncset.done $0x0  }
0xb2: {  	[sflag:s22] =	ssyncadd.s32 $0xFFFFCC00  }
0xb3: {  	[spmem:s2] =	stream.indirect.scatter.add.f32 [tilespmem:s15], [sflag:$0x4], $0x80, s10, s10, $0xb8;
	[tilespmem:$0x1E4F0] =	vst v63  }
0xb4: {  	_ = 	snop  }
0xb5: {  	[spmem:s3] =	stream.indirect.scatter.add.f32 [tilespmem:s29], [sflag:$0x5], $0x10, s10, s10, $0xb8;
	[tilespmem:$0x1E4F0] =	vst v63  }
0xb6: {  	_ =	swait.ge [sflag:s18], $0xD0  }
0xb7: {  	[sflag:s18] =	ssyncset.done $0x0  }
0xb8: {  	[sflag:s18] =	ssyncadd.s32 $0xFFFFFF30  }
0xb9: {  	_ =	swait.ge [sflag:s30], $0x3400  }
0xba: {  	[sflag:s30] =	ssyncset.done $0x0  }
0xbb: {  	[sflag:s30] =	ssyncadd.s32 $0xFFFFCC00  }
0xbc: {  	_ =	swait.ge [sflag:s31], $0x680  }
0xbd: {  	[sflag:s31] =	ssyncset.done $0x0  }
0xbe: {  	s14 =	rddreg [dreg:$0x6];
	[sflag:s31] =	ssyncadd.s32 $0xFFFFF980  }
0xbf: {  	[tilespmem:s15], [sflag:$0x2] =	stream.indirect.gather [hbm4b:s1+s10], $0x80, s21, s10, $0xb8;
	[tilespmem:$0x1E4F0] =	vst v63  }
0xc0: {  	s9 =	sadd.s32 $0x0, s14  }
0xc1: {  	[tilespmem:s0], [sflag:$0x1] =	stream.strided.gather [hbm4b:s9+s10], $0xD0, s12, s10, $0x38;
	[tilespmem:$0x1E4F0] =	vst v63  }
0xc2: {  	_ =	swait.ge [sflag:s5], $0x3400  }
0xc3: {  	[sflag:s5] =	ssyncset.done $0x0  }
0xc4: {  	s11 =	sadd.s32 $0x1A0, s8;
	s14 =	simm.s32 $0x34;
	[sflag:s5] =	ssyncadd.s32 $0xFFFFCC00  }
0xc5: {  	[spmem:s2] =	stream.indirect.scatter.add.f32 [tilespmem:s19], [sflag:$0x4], $0x80, s16, s10, $0xb8;
	[tilespmem:$0x1E4F0] =	vst v63  }
.LBB2_6:
0xc6: {  	[spmem:s3] =	stream.indirect.scatter.add.f32 [tilespmem:s29], [sflag:$0x5], $0x10, s16, s10, $0xb8;
	[tilespmem:$0x1E4F0] =	vst v63  }
0xc7: {  	_ =	swait.ge [sflag:s18], $0xD0  }
0xc8: {  	[sflag:s18] =	ssyncset.done $0x0  }
0xc9: {  	[sflag:s18] =	ssyncadd.s32 $0xFFFFFF30  }
0xca: {  	_ =	swait.ge [sflag:s30], $0x3400  }
0xcb: {  	[sflag:s30] =	ssyncset.done $0x0  }
0xcc: {  	[sflag:s30] =	ssyncadd.s32 $0xFFFFCC00  }
0xcd: {  	_ =	swait.ge [sflag:s31], $0x680  }
0xce: {  	[sflag:s31] =	ssyncset.done $0x0  }
0xcf: {  	s8 =	sshrl.u32 s11, $0x3;
	[sflag:s31] =	ssyncadd.s32 $0xFFFFF980  }
0xd0: {  	[tilespmem:s19], [sflag:$0x3] =	stream.indirect.gather [hbm4b:s1+s10], $0x80, s0, s10, $0xb8;
	[tilespmem:$0x1E4F0] =	vst v63  }
0xd1: {  	s8 =	sadd.s32 s6, s8  }
0xd2: {  	[tilespmem:s4], [sflag:$0x1] =	stream.strided.gather [hbm4b:s8+s10], $0xD0, s12, s10, $0x38;
	[tilespmem:$0x1E4F0] =	vst v63  }
0xd3: {  	_ =	swait.ge [sflag:s22], $0x3400  }
0xd4: {  	[sflag:s22] =	ssyncset.done $0x0  }
0xd5: {  	[sflag:s22] =	ssyncadd.s32 $0xFFFFCC00  }
0xd6: {  	[spmem:s2] =	stream.indirect.scatter.add.f32 [tilespmem:s15], [sflag:$0x4], $0x80, s20, s10, $0xb8;
	[tilespmem:$0x1E4F0] =	vst v63  }
0xd7: {  	_ = 	snop  }
0xd8: {  	[spmem:s3] =	stream.indirect.scatter.add.f32 [tilespmem:s29], [sflag:$0x5], $0x10, s20, s10, $0xb8;
	[tilespmem:$0x1E4F0] =	vst v63  }
0xd9: {  	_ =	swait.ge [sflag:s18], $0xD0  }
0xda: {  	[sflag:s18] =	ssyncset.done $0x0  }
0xdb: {  	[sflag:s18] =	ssyncadd.s32 $0xFFFFFF30  }
0xdc: {  	_ =	swait.ge [sflag:s30], $0x3400  }
0xdd: {  	[sflag:s30] =	ssyncset.done $0x0  }
0xde: {  	[sflag:s30] =	ssyncadd.s32 $0xFFFFCC00  }
0xdf: {  	_ =	swait.ge [sflag:s31], $0x680  }
0xe0: {  	[sflag:s31] =	ssyncset.done $0x0  }
0xe1: {  	s9 =	smov.u32 s14;
	[sflag:s31] =	ssyncadd.s32 $0xFFFFF980  }
0xe2: {  	[tilespmem:s15], [sflag:$0x2] =	stream.indirect.gather [hbm4b:s1+s10], $0x80, s4, s10, $0xb8;
	[tilespmem:$0x1E4F0] =	vst v63  }
0xe3: {  	s8 =	sadd.s32 s9, s24  }
0xe4: {  	[tilespmem:s17], [sflag:$0x1] =	stream.strided.gather [hbm4b:s8+s10], $0xD0, s12, s10, $0x38;
	[tilespmem:$0x1E4F0] =	vst v63  }
0xe5: {  	_ =	swait.ge [sflag:s5], $0x3400  }
0xe6: {  	[sflag:s5] =	ssyncset.done $0x0  }
0xe7: {  	[sflag:s5] =	ssyncadd.s32 $0xFFFFCC00  }
0xe8: {  	[spmem:s2] =	stream.indirect.scatter.add.f32 [tilespmem:s19], [sflag:$0x4], $0x80, s13, s10, $0xb8;
	[tilespmem:$0x1E4F0] =	vst v63  }
0xe9: {  	_ = 	snop  }
0xea: {  	[spmem:s3] =	stream.indirect.scatter.add.f32 [tilespmem:s29], [sflag:$0x5], $0x10, s13, s10, $0xb8;
	[tilespmem:$0x1E4F0] =	vst v63  }
0xeb: {  	_ =	swait.ge [sflag:s18], $0xD0  }
0xec: {  	[sflag:s18] =	ssyncset.done $0x0  }
0xed: {  	[sflag:s18] =	ssyncadd.s32 $0xFFFFFF30  }
0xee: {  	_ =	swait.ge [sflag:s30], $0x3400  }
0xef: {  	[sflag:s30] =	ssyncset.done $0x0  }
0xf0: {  	[sflag:s30] =	ssyncadd.s32 $0xFFFFCC00  }
0xf1: {  	_ =	swait.ge [sflag:s31], $0x680  }
0xf2: {  	[sflag:s31] =	ssyncset.done $0x0  }
0xf3: {  	[sflag:s31] =	ssyncadd.s32 $0xFFFFF980  }
0xf4: {  	[tilespmem:s19], [sflag:$0x3] =	stream.indirect.gather [hbm4b:s1+s10], $0x80, s17, s10, $0xb8;
	[tilespmem:$0x1E4F0] =	vst v63  }
0xf5: {  	s8 =	sadd.s32 s9, s23  }
0xf6: {  	[tilespmem:s21], [sflag:$0x1] =	stream.strided.gather [hbm4b:s8+s10], $0xD0, s12, s10, $0x38;
	[tilespmem:$0x1E4F0] =	vst v63  }
0xf7: {  	_ =	swait.ge [sflag:s22], $0x3400  }
0xf8: {  	[sflag:s22] =	ssyncset.done $0x0  }
0xf9: {  	[sflag:s22] =	ssyncadd.s32 $0xFFFFCC00  }
0xfa: {  	[spmem:s2] =	stream.indirect.scatter.add.f32 [tilespmem:s15], [sflag:$0x4], $0x80, s10, s10, $0xb8;
	[tilespmem:$0x1E4F0] =	vst v63  }
0xfb: {  	_ = 	snop  }
0xfc: {  	[spmem:s3] =	stream.indirect.scatter.add.f32 [tilespmem:s29], [sflag:$0x5], $0x10, s10, s10, $0xb8;
	[tilespmem:$0x1E4F0] =	vst v63  }
0xfd: {  	_ =	swait.ge [sflag:s18], $0xD0  }
0xfe: {  	[sflag:s18] =	ssyncset.done $0x0  }
0xff: {  	[sflag:s18] =	ssyncadd.s32 $0xFFFFFF30  }
0x100: {  	_ =	swait.ge [sflag:s30], $0x3400  }
0x101: {  	[sflag:s30] =	ssyncset.done $0x0  }
0x102: {  	[sflag:s30] =	ssyncadd.s32 $0xFFFFCC00  }
0x103: {  	_ =	swait.ge [sflag:s31], $0x680  }
0x104: {  	[sflag:s31] =	ssyncset.done $0x0  }
0x105: {  	s8 =	rddreg [dreg:$0x6];
	[sflag:s31] =	ssyncadd.s32 $0xFFFFF980  }
0x106: {  	[tilespmem:s15], [sflag:$0x2] =	stream.indirect.gather [hbm4b:s1+s10], $0x80, s21, s10, $0xb8;
	[tilespmem:$0x1E4F0] =	vst v63  }
0x107: {  	p1 =	sne.s32 s14, $0x478;
	s8 =	sadd.s32 s9, s8  }
0x108: {  	[tilespmem:s0], [sflag:$0x1] =	stream.strided.gather [hbm4b:s8+s10], $0xD0, s12, s10, $0x38;
	[tilespmem:$0x1E4F0] =	vst v63  }
.Ltmp2:
0x109: {  	_ = 	snop;
	(pc) =	sbr.rel @p1 .LBB2_6-.Ltmp2, $4  }
0x10a: {  	_ =	swait.ge [sflag:s5], $0x3400  }
0x10b: {  	[sflag:s5] =	ssyncset.done $0x0  }
0x10c: {  	s14 =	sadd.s32 $0x34, s14;
	s11 =	sadd.s32 $0x1A0, s11;
	[sflag:s5] =	ssyncadd.s32 $0xFFFFCC00  }
0x10d: {  	[spmem:s2] =	stream.indirect.scatter.add.f32 [tilespmem:s19], [sflag:$0x4], $0x80, s16, s10, $0xb8;
	[tilespmem:$0x1E4F0] =	vst v63  }
0x10e: {  	[spmem:s3] =	stream.indirect.scatter.add.f32 [tilespmem:s29], [sflag:$0x5], $0x10, s16, s10, $0xb8;
	[tilespmem:$0x1E4F0] =	vst v63  }
0x10f: {  	_ =	swait.ge [sflag:s18], $0xD0  }
0x110: {  	[sflag:s18] =	ssyncset.done $0x0  }
0x111: {  	[sflag:s18] =	ssyncadd.s32 $0xFFFFFF30  }
0x112: {  	_ =	swait.ge [sflag:s30], $0x3400  }
0x113: {  	[sflag:s30] =	ssyncset.done $0x0  }
0x114: {  	[sflag:s30] =	ssyncadd.s32 $0xFFFFCC00  }
0x115: {  	_ =	swait.ge [sflag:s31], $0x680  }
0x116: {  	[sflag:s31] =	ssyncset.done $0x0  }
0x117: {  	[sflag:s31] =	ssyncadd.s32 $0xFFFFF980  }
0x118: {  	[tilespmem:s19], [sflag:$0x3] =	stream.indirect.gather [hbm4b:s1+s10], $0x80, s0, s10, $0xb8;
	[tilespmem:$0x1E4F0] =	vst v63  }
0x119: {  	_ =	swait.ge [sflag:s22], $0x3400  }
0x11a: {  	[sflag:s22] =	ssyncset.done $0x0  }
0x11b: {  	[sflag:s22] =	ssyncadd.s32 $0xFFFFCC00  }
0x11c: {  	[spmem:s2] =	stream.indirect.scatter.add.f32 [tilespmem:s15], [sflag:$0x4], $0x80, s20, s10, $0xb8;
	[tilespmem:$0x1E4F0] =	vst v63  }
0x11d: {  	_ = 	snop  }
0x11e: {  	[spmem:s3] =	stream.indirect.scatter.add.f32 [tilespmem:s29], [sflag:$0x5], $0x10, s20, s10, $0xb8;
	[tilespmem:$0x1E4F0] =	vst v63  }
0x11f: {  	_ =	swait.ge [sflag:s30], $0x3400  }
0x120: {  	[sflag:s30] =	ssyncset.done $0x0  }
0x121: {  	[sflag:s30] =	ssyncadd.s32 $0xFFFFCC00  }
0x122: {  	_ =	swait.ge [sflag:s31], $0x680  }
0x123: {  	[sflag:s31] =	ssyncset.done $0x0  }
0x124: {  	[sflag:s31] =	ssyncadd.s32 $0xFFFFF980  }
0x125: {  	_ =	swait.ge [sflag:s5], $0x3400  }
0x126: {  	[sflag:s5] =	ssyncset.done $0x0  }
0x127: {  	[sflag:s5] =	ssyncadd.s32 $0xFFFFCC00  }
0x128: {  	[spmem:s2] =	stream.indirect.scatter.add.f32 [tilespmem:s19], [sflag:$0x4], $0x80, s13, s10, $0xb8;
	[tilespmem:$0x1E4F0] =	vst v63  }
0x129: {  	_ = 	snop  }
0x12a: {  	[spmem:s3] =	stream.indirect.scatter.add.f32 [tilespmem:s29], [sflag:$0x5], $0x10, s13, s10, $0xb8;
	[tilespmem:$0x1E4F0] =	vst v63  }
0x12b: {  	_ =	swait.ge [sflag:s30], $0x3400  }
0x12c: {  	[sflag:s30] =	ssyncset.done $0x0  }
0x12d: {  	[sflag:s30] =	ssyncadd.s32 $0xFFFFCC00  }
0x12e: {  	_ =	swait.ge [sflag:s31], $0x680  }
0x12f: {  	s9 =	simm.s32 $0x10;
	[sflag:s31] =	ssyncset.done $0x0  }
0x130: {  	s11 =	simm.s32 $0x6B40;
	s8 =	rddreg [dreg:$0x1b];
	[sflag:s31] =	ssyncadd.s32 $0xFFFFF980  }
0x131: {  	[tilespmem:s11], [sflag:$0x6] =	stream.strided.gather [hbm4b:s8+s9], $0x20, s12, s9, $0x38;
	[tilespmem:$0x1E4F0] =	vst v63  }
0x132: {  	_ =	swait.ge [sflag:s7], $0x20  }
0x133: {  	[sflag:s7] =	ssyncset.done $0x0  }
0x134: {  	[sflag:s7] =	ssyncadd.s32 $0xFFFFFFE0  }
0x135: {  	[tilespmem:s15], [sflag:$0x2] =	stream.indirect.gather [hbm4b:s1+s9], $0x80, s11, s9, $0xb8;
	[tilespmem:$0x1E4F0] =	vst v63  }
0x136: {  	_ =	swait.ge [sflag:s22], $0x800  }
0x137: {  	[sflag:s22] =	ssyncset.done $0x0  }
0x138: {  	s11 =	simm.s32 $0x6B50;
	[sflag:s22] =	ssyncadd.s32 $0xFFFFF800  }
0x139: {  	[spmem:s2] =	stream.indirect.scatter.add.f32 [tilespmem:s15], [sflag:$0x6], $0x80, s11, s9, $0xb8;
	[tilespmem:$0x1E4F0] =	vst v63  }
0x13a: {  	_ =	swait.ge [sflag:s7], $0x800  }
0x13b: {  	[sflag:s7] =	ssyncset.done $0x0  }
0x13c: {  	[sflag:s7] =	ssyncadd.s32 $0xFFFFF800  }
0x13d: {  	[spmem:s3] =	stream.indirect.scatter.add.f32 [tilespmem:s29], [sflag:$0x6], $0x10, s11, s9, $0xb8;
	[tilespmem:$0x1E4F0] =	vst v63  }
0x13e: {  	_ =	swait.ge [sflag:s7], $0x100  }
0x13f: {  	[sflag:s7] =	ssyncset.done $0x0  }
0x140: {  	[sflag:s7] =	ssyncadd.s32 $0xFFFFFF00  }
0x141: {  	[bflag:$0x0] =	sbarrier.arrive $0xFFFF  }
0x142: {  	s8 =	rddreg [dreg:$0x9]  }
0x143: {  	s14 =	rddreg [dreg:$0xf]  }
0x144: {  	[hbm:s14], [sflag:s8] =	dma.local [spmem:s26], $0x2700  }
0x145: {  	_ =	swait.ge [sflag:s7], $0x2700  }
0x146: {  	[sflag:s7] =	ssyncset.done $0x0  }
0x147: {  	s9 =	rddreg [dreg:$0x13];
	[sflag:s7] =	ssyncadd.s32 $0xFFFFD900  }
0x148: {  	[hbm:s9], [sflag:s8] =	dma.local @!p0 [spmem:s28], $0x100  }
0x149: {  	s8 =	simm.s32 @!p0 $0x6  }
0x14a: {  	_ =	swait.ge @!p0 [sflag:s8], $0x100  }
0x14b: {  	[sflag:s8] =	ssyncset.done @!p0 $0x0  }
0x14c: {  	s14 =	simm.s32 $0x1AA60;
	s28 =	rddreg [dreg:$0xb];
	[sflag:s8] =	ssyncadd.s32 @!p0 $0xFFFFFF00  }
0x14d: {  	[tilespmem:s14], [sflag:$0x6] =	stream.linear.gather [spmem:s28], $0x9C0, $0x38;
	[tilespmem:$0x1E4F0] =	vst v63  }
0x14e: {  	_ =	swait.ge [sflag:s7], $0x9C0  }
0x14f: {  	[sflag:s7] =	ssyncset.done $0x0  }
0x150: {  	s9 =	simm.s32 $0x0;
	[sflag:s7] =	ssyncadd.s32 $0xFFFFF640  }
0x151: {  	s11 =	simm.s32 $0x40;
	v2 =	vld [tilespmem:s9+$0x1AA60]  }
.LBB2_8:
0x152: {  	p1 =	sne.s32 s11, $0x26C0  }
.Ltmp3:
0x153: {  	_ = 	snop;
	(pc) =	sbr.rel @p1 .LBB2_8-.Ltmp3, $3  }
0x154: {  	_ =	sdelay $0x1  }
0x155: {  	[tilespmem:s9+$0x1B420] =	vst v2;
	s9 =	sshra.s32 s11, $0x2;
	s11 =	sadd.s32 $0x40, s11  }
0x156: {  	v2 =	vld [tilespmem:s9+$0x1AA60]  }
0x157: {  	_ =	sdelay $0x3  }
0x158: {  	s8 =	simm.s32 $0x0;
	s11 =	rddreg [dreg:$0x14];
	s26 =	simm.s32 $0x1B420;
	[tilespmem:s9+$0x1B420] =	vst v2  }
0x159: {  	[hbm4b:s11+s8] =	stream.linear.scatter [tilespmem:s26], [sflag:$0x6], $0x9C0, $0x38;
	[tilespmem:$0x1E4F0] =	vst v63  }
0x15a: {  	_ =	swait.ge [sflag:s7], $0x9C0  }
0x15b: {  	[sflag:s7] =	ssyncset.done $0x0  }
0x15c: {  	s28 =	rddreg [dreg:$0xd];
	[sflag:s7] =	ssyncadd.s32 $0xFFFFF640  }
0x15d: {  	[tilespmem:s14], [sflag:$0x6] =	stream.linear.gather [spmem:s28], $0x9C0, $0x38;
	[tilespmem:$0x1E4F0] =	vst v63  }
0x15e: {  	_ =	swait.ge [sflag:s7], $0x9C0  }
0x15f: {  	[sflag:s7] =	ssyncset.done $0x0  }
0x160: {  	s9 =	simm.s32 $0x0;
	[sflag:s7] =	ssyncadd.s32 $0xFFFFF640  }
0x161: {  	s11 =	simm.s32 $0x40;
	v2 =	vld [tilespmem:s9+$0x1AA60]  }
.LBB2_10:
0x162: {  	p1 =	sne.s32 s11, $0x26C0  }
.Ltmp4:
0x163: {  	_ = 	snop;
	(pc) =	sbr.rel @p1 .LBB2_10-.Ltmp4, $3  }
0x164: {  	_ =	sdelay $0x1  }
0x165: {  	[tilespmem:s9+$0x1B420] =	vst v2;
	s9 =	sshra.s32 s11, $0x2;
	s11 =	sadd.s32 $0x40, s11  }
0x166: {  	v2 =	vld [tilespmem:s9+$0x1AA60]  }
0x167: {  	_ =	sdelay $0x3  }
0x168: {  	s8 =	simm.s32 $0x0;
	s11 =	rddreg [dreg:$0x1c];
	[tilespmem:s9+$0x1B420] =	vst v2  }
0x169: {  	[hbm4b:s11+s8] =	stream.linear.scatter [tilespmem:s26], [sflag:$0x6], $0x9C0, $0x38;
	[tilespmem:$0x1E4F0] =	vst v63  }
0x16a: {  	_ =	swait.ge [sflag:s7], $0x9C0  }
0x16b: {  	[sflag:s7] =	ssyncset.done $0x0  }
0x16c: {  	s28 =	rddreg [dreg:$0xe];
	[sflag:s7] =	ssyncadd.s32 $0xFFFFF640  }
0x16d: {  	[tilespmem:s14], [sflag:$0x6] =	stream.linear.gather [spmem:s28], $0x9C0, $0x38;
	[tilespmem:$0x1E4F0] =	vst v63  }
0x16e: {  	_ =	swait.ge [sflag:s7], $0x9C0  }
0x16f: {  	[sflag:s7] =	ssyncset.done $0x0  }
0x170: {  	s9 =	simm.s32 $0x0;
	[sflag:s7] =	ssyncadd.s32 $0xFFFFF640  }
0x171: {  	s11 =	simm.s32 $0x40;
	v2 =	vld [tilespmem:s9+$0x1AA60]  }
.LBB2_12:
0x172: {  	p1 =	sne.s32 s11, $0x26C0  }
.Ltmp5:
0x173: {  	_ = 	snop;
	(pc) =	sbr.rel @p1 .LBB2_12-.Ltmp5, $3  }
0x174: {  	_ =	sdelay $0x1  }
0x175: {  	[tilespmem:s9+$0x1B420] =	vst v2;
	s9 =	sshra.s32 s11, $0x2;
	s11 =	sadd.s32 $0x40, s11  }
0x176: {  	v2 =	vld [tilespmem:s9+$0x1AA60]  }
0x177: {  	_ =	sdelay $0x3  }
0x178: {  	s8 =	simm.s32 $0x0;
	s11 =	rddreg [dreg:$0x1d];
	[tilespmem:s9+$0x1B420] =	vst v2  }
0x179: {  	[hbm4b:s11+s8] =	stream.linear.scatter [tilespmem:s26], [sflag:$0x6], $0x9C0, $0x38;
	[tilespmem:$0x1E4F0] =	vst v63  }
0x17a: {  	_ =	swait.ge [sflag:s7], $0x9C0  }
0x17b: {  	[sflag:s7] =	ssyncset.done $0x0  }
0x17c: {  	s28 =	rddreg [dreg:$0x18];
	[sflag:s7] =	ssyncadd.s32 $0xFFFFF640  }
0x17d: {  	[tilespmem:s14], [sflag:$0x6] =	stream.linear.gather [spmem:s28], $0x9C0, $0x38;
	[tilespmem:$0x1E4F0] =	vst v63  }
0x17e: {  	_ =	swait.ge [sflag:s7], $0x9C0  }
0x17f: {  	[sflag:s7] =	ssyncset.done $0x0  }
0x180: {  	s9 =	simm.s32 $0x0;
	[sflag:s7] =	ssyncadd.s32 $0xFFFFF640  }
0x181: {  	s11 =	simm.s32 $0x40;
	v2 =	vld [tilespmem:s9+$0x1AA60]  }
.LBB2_14:
0x182: {  	p1 =	sne.s32 s11, $0x26C0  }
.Ltmp6:
0x183: {  	_ = 	snop;
	(pc) =	sbr.rel @p1 .LBB2_14-.Ltmp6, $3  }
0x184: {  	_ =	sdelay $0x1  }
0x185: {  	[tilespmem:s9+$0x1B420] =	vst v2;
	s9 =	sshra.s32 s11, $0x2;
	s11 =	sadd.s32 $0x40, s11  }
0x186: {  	v2 =	vld [tilespmem:s9+$0x1AA60]  }
0x187: {  	_ =	sdelay $0x3  }
0x188: {  	s8 =	rddreg [dreg:$0x1e];
	[tilespmem:s9+$0x1B420] =	vst v2  }
0x189: {  	[hbm4b:s8+s4] =	stream.linear.scatter [tilespmem:s26], [sflag:$0x6], $0x9C0, $0x38;
	[tilespmem:$0x1E4F0] =	vst v63  }
0x18a: {  	_ =	swait.ge [sflag:s7], $0x9C0  }
0x18b: {  	[sflag:s7] =	ssyncset.done $0x0  }
0x18c: {  	s8 =	simm.s32 @!p0 $0x1AA60;
	s9 =	rddreg [dreg:$0x19];
	[sflag:s7] =	ssyncadd.s32 $0xFFFFF640  }
0x18d: {  	[tilespmem:s8], [sflag:$0x6] =	stream.linear.gather @!p0 [spmem:s9], $0x100, $0x38;
	[tilespmem:$0x1E4F0] =	vst v63  }
0x18e: {  	s8 =	simm.s32 @!p0 $0x6  }
0x18f: {  	_ =	swait.ge @!p0 [sflag:s8], $0x100  }
0x190: {  	[sflag:s8] =	ssyncset.done @!p0 $0x0  }
0x191: {  	[sflag:s8] =	ssyncadd.s32 @!p0 $0xFFFFFF00  }
0x192: {  	v2 =	vld @!p0 [tilespmem:$0x1AA60]  }
0x193: {  	v3 =	vld @!p0 [tilespmem:$0x1AA70]  }
0x194: {  	v4 =	vld @!p0 [tilespmem:$0x1AA80]  }
0x195: {  	v5 =	vld @!p0 [tilespmem:$0x1AA90]  }
0x196: {  	v6 =	vld @!p0 [tilespmem:$0x1AAA0]  }
0x197: {  	[tilespmem:$0x1B420] =	vst @!p0 v2;
	v2 =	vld @!p0 [tilespmem:$0x1AAB0]  }
0x198: {  	[tilespmem:$0x1B430] =	vst @!p0 v3;
	v3 =	vld @!p0 [tilespmem:$0x1AAC0]  }
0x199: {  	[tilespmem:$0x1B440] =	vst @!p0 v4;
	v4 =	vld @!p0 [tilespmem:$0x1AAD0]  }
0x19a: {  	[tilespmem:$0x1B450] =	vst @!p0 v5;
	v5 =	vld @!p0 [tilespmem:$0x1AAE0]  }
0x19b: {  	[tilespmem:$0x1B460] =	vst @!p0 v6;
	v6 =	vld @!p0 [tilespmem:$0x1AAF0]  }
0x19c: {  	[tilespmem:$0x1B470] =	vst @!p0 v2;
	v2 =	vld @!p0 [tilespmem:$0x1AB00]  }
0x19d: {  	[tilespmem:$0x1B480] =	vst @!p0 v3;
	v3 =	vld @!p0 [tilespmem:$0x1AB10]  }
0x19e: {  	[tilespmem:$0x1B490] =	vst @!p0 v4;
	v4 =	vld @!p0 [tilespmem:$0x1AB20]  }
0x19f: {  	[tilespmem:$0x1B4A0] =	vst @!p0 v5;
	v5 =	vld @!p0 [tilespmem:$0x1AB30]  }
0x1a0: {  	[tilespmem:$0x1B4B0] =	vst @!p0 v6;
	v6 =	vld @!p0 [tilespmem:$0x1AB40]  }
0x1a1: {  	[tilespmem:$0x1B4C0] =	vst @!p0 v2;
	v2 =	vld @!p0 [tilespmem:$0x1AB50]  }
0x1a2: {  	[tilespmem:$0x1B4D0] =	vst @!p0 v3  }
0x1a3: {  	[tilespmem:$0x1B4E0] =	vst @!p0 v4  }
0x1a4: {  	[tilespmem:$0x1B4F0] =	vst @!p0 v5  }
0x1a5: {  	[tilespmem:$0x1B500] =	vst @!p0 v6  }
0x1a6: {  	s11 =	simm.s32 @!p0 $0x1B420;
	s9 =	simm.s32 @!p0 $0x0;
	s14 =	rddreg [dreg:$0x15];
	[tilespmem:$0x1B510] =	vst @!p0 v2  }
0x1a7: {  	[hbm4b:s14+s9] =	stream.linear.scatter @!p0 [tilespmem:s11], [sflag:$0x6], $0x100, $0x38;
	[tilespmem:$0x1E4F0] =	vst v63  }
0x1a8: {  	_ =	swait.ge @!p0 [sflag:s8], $0x100  }
0x1a9: {  	s25 =	sadd.s32 $0x1, s25;
	s28 =	rddreg [dreg:$0x16]  }
0x1aa: {  	p1 =	sne.s32 s25, s28  }
.Ltmp7:
0x1ab: {  	_ = 	snop;
	(pc) =	sbr.rel @p1 .LBB2_1-.Ltmp7, $3  }
0x1ac: {  	_ =	sdelay $0x1  }
0x1ad: {  	[sflag:s8] =	ssyncset.done @!p0 $0x0  }
0x1ae: {  	s14 =	simm.s32 $0x1AA60;
	[sflag:s8] =	ssyncadd.s32 @!p0 $0xFFFFFF00  }
0x1af: {  	_ =	sfence.sel $0x180000  }
0x1b0: {  	[bflag:$0x0] =	sbarrier.arrive $0xFFFF  }
0x1b1: {  	_ =	strace $0x90000047  }
0x1b2: {  	s0 =	stileid.u32;
	[bflag:$0x2] =	sbarrier.arrive $0xFFFF  }
0x1b3: {  	p0 =	sne.s32 s0, $0x0;
	s0 =	rddreg [dreg:$0x5]  }
0x1b4: {  	s0 =	sadd.s32 @!p0 $0x100000, s0  }
0x1b5: {  	[sflag:s0] =	ssyncadd.tile.s32 @!p0 $0x1;
	_ =	shalt  }
.Lfunc_end2:
_tile_overlayer_lowered:
.L_overlay_start_2:
0x1b6: {  	(tag) =	ssettag $0x2  }
0x1b7: {  	s0 =	rddreg [dreg:$0x0];
	s2 =	stileid.u32  }
0x1b8: {  	s1 =	rddreg [dreg:$0x1];
	p0 =	sne.s32 s2, $0x0  }
0x1b9: {  	s3 =	rddreg [dreg:$0x2];
	[bflag:$0x3] =	sbarrier.arrive $0xFFFF;
	s2 =	simm.s32 @!p0 $0x1C06  }
0x1ba: {  	[timem:s3], [sflag:s2] =	dma.local @!p0 [hbm:s0], s1  }
0x1bb: {  	s0 =	simm.s32 @!p0 $0x6  }
0x1bc: {  	_ =	swait.ge @!p0 [sflag:s0], s1  }
0x1bd: {  	s1 =	ssub.s32 @!p0 $0x0, s1;
	[sflag:s0] =	ssyncset.done @!p0 $0x0  }
0x1be: {  	[sflag:s0] =	ssyncadd.s32 @!p0 s1  }
0x1bf: {  	[bflag:$0x3] =	sbarrier.arrive $0xFFFF  }
0x1c0: {  	_ =	shalt  }

// kernel: kernel.9.cloned.1.call-start
scs
__scs_entry_jumppad:
0x0: {  	(pc) =	sbr.rel $0x88, $3  }
0x1: {  	(tag) =	ssettag $0x0;
	lr =	simm.s32 $0x1  }
0x2: {  	[smem:$0x3F97] =	sst lr;
	_ =	strace $0xD0000000  }
0x3: {  	_ = 	snop  }
0x4: {  	_ = 	snop  }
0x5: {  	_ = 	snop  }
0x6: {  	_ = 	snop  }
0x7: {  	_ = 	snop  }
__scs_overlays_trampoline_lowered:
0x8: {  	[smem:$0x3FA6] =	sst s0  }
0x9: {  	[smem:$0x3FA7] =	sst s1  }
0xa: {  	[smem:$0x3FA8] =	sst s2  }
0xb: {  	[smem:$0x3FA9] =	sst s3  }
0xc: {  	[smem:$0x3FAA] =	sst s4  }
0xd: {  	[smem:$0x3FAB] =	sst s5  }
0xe: {  	[smem:$0x3FAC] =	sst s6  }
0xf: {  	[smem:$0x3FAD] =	sst s7  }
0x10: {  	[smem:$0x3FAE] =	sst s8  }
0x11: {  	[smem:$0x3FAF] =	sst s9;
	s0 =	simm.s32 @!p0 $0x0  }
0x12: {  	s1 =	sld [smem:$0x3F95];
	s0 =	simm.s32 @p0 $0x1  }
0x13: {  	[smem:$0x3FB0] =	sst s0;
	s0 =	simm.s32 @!p1 $0x0  }
0x14: {  	s2 =	sld [smem:$0x3F94];
	s0 =	simm.s32 @p1 $0x1  }
0x15: {  	[smem:$0x3FB1] =	sst s0;
	s0 =	simm.s32 @!p2 $0x0  }
0x16: {  	s3 =	sld [smem:$0x3FDB];
	s0 =	simm.s32 @p2 $0x1  }
0x17: {  	s4 =	simm.s32 $0x1BF5;
	[smem:$0x3FB3] =	sst s0  }
0x18: {  	s0 =	sld [smem:$0x3F96];
	_ =	swait.ge [sflag:s4], $0x0  }
0x19: {  	s7 =	sld [smem:$0x3F97]  }
0x1a: {  	s8 =	sadd.s32 $0xFFFFE003, lr  }
0x1b: {  	s9 =	sadd.s32 $0xFFFFFEF7, lr;
	s5 =	simm.s32 $0xFFFFFFFF;
	p2 =	slt.u32 s8, $0xFFFFF086  }
0x1c: {  	p1 =	slt.u32 s9, $0xF7A;
	s5 =	simm.s32 @!p2 $0x0  }
0x1d: {  	s5 =	simm.s32 @p1 $0x1;
	p0 =	seq.s32 s7, s2  }
0x1e: {  	s7 =	smul.u32 @!p0 $0xF7A, s2;
	p2 =	seq.s32 @!p0 s5, $0x0  }
0x1f: {  	s9 =	smul.u32 $0xF7A, s1;
	s8 =	simm.s32 @!p0 $0x1BF5;
	p2 =	por !p2, p0  }
0x20: {  	[sflag:s8] =	ssyncset.s32 @!p0 $0xFFFFF086;
	s6 =	sadd.s32 @!p0 s3, s7;
	s7 =	simm.s32 @!p0 $0x108  }
0x21: {  	s3 =	sadd.s32 s3, s9;
	s6 =	sadd.s32 @!p0 $0x88, s6;
	s7 =	simm.s32 @p2 $0x1082  }
0x22: {  	[simem:s7], [sflag:s8] =	dma.local @!p0 [hbm:s6], $0xF7A  }
0x23: {  	s9 =	sor.u32 $0xD0000000, s2;
	s6 =	simm.s32 $0x108;
	_ =	swait.ge @!p0 [sflag:s8], $0x0  }
0x24: {  	s3 =	sadd.s32 $0x88, s3;
	s6 =	simm.s32 @!p1 $0x1082;
	[sflag:s4] =	ssyncset.s32 $0xFFFFF086  }
0x25: {  	[simem:s6], [sflag:s4] =	dma.local [hbm:s3], $0xF7A  }
0x26: {  	[smem:$0x3F97] =	sst s1;
	(tag) =	ssettag s2;
	_ =	strace s9  }
0x27: {  	s1 =	sld [smem:$0x3FA7]  }
0x28: {  	s2 =	sld [smem:$0x3FA8]  }
0x29: {  	s4 =	sld [smem:$0x3FAA]  }
0x2a: {  	p0 =	seq.s32 s5, $0x0;
	s5 =	sld [smem:$0x3FAB]  }
0x2b: {  	s6 =	sld [smem:$0x3FAC]  }
0x2c: {  	s7 =	sld [smem:$0x3FAD]  }
0x2d: {  	s3 =	simm.s32 $0x108;
	s8 =	sld [smem:$0x3FAE]  }
0x2e: {  	s3 =	simm.s32 @!p0 $0x1082;
	s9 =	sld [smem:$0x3FAF]  }
0x2f: {  	lr =	sadd.s32 s0, s3;
	s0 =	sld [smem:$0x3FA6]  }
0x30: {  	s3 =	sld [smem:$0x3FA9]  }
0x31: {  	[smem:$0x3FB2] =	sst s10  }
0x32: {  	s10 =	sld [smem:$0x3FB0];
	_ =	sdelay $0x3  }
0x33: {  	p0 =	seq.s32 s10, $0x1;
	s10 =	sld [smem:$0x3FB2];
	_ =	sdelay $0x3  }
0x34: {  	[smem:$0x3FB2] =	sst s10  }
0x35: {  	s10 =	sld [smem:$0x3FB1];
	_ =	sdelay $0x3  }
0x36: {  	p1 =	seq.s32 s10, $0x1;
	s10 =	sld [smem:$0x3FB2];
	_ =	sdelay $0x3  }
0x37: {  	[smem:$0x3FB2] =	sst s10  }
0x38: {  	s10 =	sld [smem:$0x3FB3]  }
0x39: {  	_ = 	snop;
	(pc) =	sbr.ind lr, $3  }
0x3a: {  	_ = 	snop  }
0x3b: {  	_ = 	snop  }
0x3c: {  	p2 =	seq.s32 s10, $0x1;
	s10 =	sld [smem:$0x3FB2]  }
0x3d: {  	_ =	shalt  }
0x3e: {  	_ =	shalt  }
0x3f: {  	_ =	shalt  }
0x40: {  	_ =	shalt  }
0x41: {  	_ =	shalt  }
0x42: {  	_ =	shalt  }
0x43: {  	_ =	shalt  }
0x44: {  	_ =	shalt  }
0x45: {  	_ =	shalt  }
0x46: {  	_ =	shalt  }
0x47: {  	_ =	shalt  }
0x48: {  	_ =	shalt  }
0x49: {  	_ =	shalt  }
0x4a: {  	_ =	shalt  }
0x4b: {  	_ =	shalt  }
0x4c: {  	_ =	shalt  }
0x4d: {  	_ =	shalt  }
0x4e: {  	_ =	shalt  }
0x4f: {  	_ =	shalt  }
0x50: {  	_ =	shalt  }
0x51: {  	_ =	shalt  }
0x52: {  	_ =	shalt  }
0x53: {  	_ =	shalt  }
0x54: {  	_ =	shalt  }
0x55: {  	_ =	shalt  }
0x56: {  	_ =	shalt  }
0x57: {  	_ =	shalt  }
0x58: {  	_ =	shalt  }
0x59: {  	_ =	shalt  }
0x5a: {  	_ =	shalt  }
0x5b: {  	_ =	shalt  }
0x5c: {  	_ =	shalt  }
0x5d: {  	_ =	shalt  }
0x5e: {  	_ =	shalt  }
0x5f: {  	_ =	shalt  }
0x60: {  	_ =	shalt  }
0x61: {  	_ =	shalt  }
0x62: {  	_ =	shalt  }
0x63: {  	_ =	shalt  }
0x64: {  	_ =	shalt  }
0x65: {  	_ =	shalt  }
0x66: {  	_ =	shalt  }
0x67: {  	_ =	shalt  }
0x68: {  	_ =	shalt  }
0x69: {  	_ =	shalt  }
0x6a: {  	_ =	shalt  }
0x6b: {  	_ =	shalt  }
0x6c: {  	_ =	shalt  }
0x6d: {  	_ =	shalt  }
0x6e: {  	_ =	shalt  }
0x6f: {  	_ =	shalt  }
0x70: {  	_ =	shalt  }
0x71: {  	_ =	shalt  }
0x72: {  	_ =	shalt  }
0x73: {  	_ =	shalt  }
0x74: {  	_ =	shalt  }
0x75: {  	_ =	shalt  }
0x76: {  	_ =	shalt  }
0x77: {  	_ =	shalt  }
0x78: {  	_ =	shalt  }
0x79: {  	_ =	shalt  }
0x7a: {  	_ =	shalt  }
0x7b: {  	_ =	shalt  }
0x7c: {  	_ =	shalt  }
0x7d: {  	_ =	shalt  }
0x7e: {  	_ =	shalt  }
0x7f: {  	_ =	shalt  }
0x80: {  	_ =	shalt  }
0x81: {  	_ =	shalt  }
0x82: {  	_ =	shalt  }
0x83: {  	_ =	shalt  }
0x84: {  	_ =	shalt  }
0x85: {  	_ =	shalt  }
0x86: {  	_ =	shalt  }
0x87: {  	_ =	shalt  }
.Lfunc_end0:
.L_simem_size_0:
called_computation.1_lowered:
.L_overlay_start_0:
0x88: {  	s2 =	sld [smem:$0x3FD9]  }
0x89: {  	s3 =	sld [smem:$0x3FFE];
	_ =	sdelay $0x1  }
0x8a: {  	s1 =	srdreg.scid  }
0x8b: {  	s0 =	sand.u32 $0x1, s1  }
0x8c: {  	s17 =	sshll.u32 s0, $0xA;
	s2 =	sadd.s32 s3, s2  }
0x8d: {  	s2 =	sadd.s32 s2, s17  }
0x8e: {  	[smem:$0x3FBE] =	sst s2  }
0x8f: {  	_ = 	snop  }
0x90: {  	s2 =	sld [smem:$0x3FD0];
	(tm) =	ssettm $0x1  }
0x91: {  	s18 =	sld [smem:$0x3FFB];
	_ =	sdelay $0x3  }
0x92: {  	_ =	strace s18  }
0x93: {  	s3 =	sld [smem:$0x3FFC];
	_ =	sdelay $0x3  }
0x94: {  	_ =	strace s3  }
0x95: {  	s3 =	sld [smem:$0x3FFD];
	_ =	sdelay $0x3  }
0x96: {  	_ =	strace s3  }
0x97: {  	_ =	strace $0x8FFFFFFF  }
0x98: {  	s19 =	sld [smem:$0x3FDB];
	_ =	sdelay $0x1  }
0x99: {  	s4 =	simm.s32 $_scs_section_size  }
0x9a: {  	s5 =	simm.s32 $_size__tile_overlayer_lowered;
	s6 =	simm.s32 $_tile_overlayer_lowered  }
0x9b: {  	s22 =	simm.s32 $0x1BFF;
	s21 =	sshll.u32 s6, $0x1;
	s3 =	sadd.s32 s4, s19  }
0x9c: {  	s7 =	simm.s32 $0x0;
	s20 =	sshll.u32 s5, $0x1;
	s5 =	sadd.s32 s21, s3  }
0x9d: {  	[timem:s7], [sflag:s22] =	dma.local [hbm:s5], s20  }
0x9e: {  	_ =	swait.ge [sflag:s22], s20  }
0x9f: {  	s4 =	ssub.s32 $0x0, s20;
	[sflag:s22] =	ssyncset.done $0x0  }
0xa0: {  	[sflag:s22] =	ssyncadd.s32 s4;
	_ =	sdelay $0x1  }
0xa1: {  	s23 =	simm.s32 $0x1B8B  }
0xa2: {  	_ =	swait.ge [sflag:s23], $0x1  }
0xa3: {  	[sflag:s23] =	ssyncset.done $0x0  }
0xa4: {  	s25 =	simm.s32 $0x1B8E;
	s24 =	sld [smem:$0x3FFE];
	[sflag:s23] =	ssyncadd.s32 $0xFFFFFFFF  }
0xa5: {  	s26 =	simm.s32 $execute0_lowered;
	[smem:$0x3FD2] =	sst s25  }
0xa6: {  	s5 =	sshll.u32 s26, $0x1;
	_ =	strace $0x80000049;
	[dreg:$0x1] =	wrdreg $0xFFFFFFFF  }
0xa7: {  	s28 =	simm.s32 $_size_execute0_lowered;
	s3 =	sadd.s32 s3, s5;
	[dreg:$0x0] =	wrdreg $0x0  }
0xa8: {  	s5 =	sshll.u32 s28, $0x1;
	[dreg:$0x2] =	wrdreg s3  }
0xa9: {  	[dreg:$0x3] =	wrdreg s5  }
0xaa: {  	[dreg:$0x4] =	wrdreg $0xC0  }
0xab: {  	_ =	task [dreg:s7], $0x5FFFF  }
0xac: {  	[dreg:$0x1] =	wrdreg $0xFFFFFFFF  }
0xad: {  	[dreg:$0x0] =	wrdreg $0x60  }
0xae: {  	[dreg:$0x2] =	wrdreg s24  }
0xaf: {  	[dreg:$0x3] =	wrdreg s2  }
0xb0: {  	[dreg:$0x4] =	wrdreg $0x63200  }
0xb1: {  	[dreg:$0x5] =	wrdreg $0x9  }
0xb2: {  	_ =	task.clear_ibuf [dreg:s7], $0x6FFFF;
	_ =	strace $0x90000049  }
0xb3: {  	s29 =	simm.s32 $0x9;
	_ =	strace $0x8000004B  }
0xb4: {  	_ =	swait.ge [sflag:s29], $0x1  }
0xb5: {  	[sflag:s29] =	ssyncadd.s32 $0xFFFFFFFF  }
0xb6: {  	_ =	strace $0x9000004B  }
0xb7: {  	_ =	sfence  }
0xb8: {  	s30 =	sld [smem:$0x0];
	_ =	sdelay $0x2  }
0xb9: {  	s31 =	sshll.u32 s1, $0xD;
	s1 =	sshrl.u32 s1, $0x2  }
0xba: {  	s3 =	sand.u32 $0x4000, s31;
	s1 =	sadd.s32 s1, s30  }
0xbb: {  	s0 =	sor.u32 s3, s0;
	s1 =	sshll.u32 s1, $0x11  }
0xbc: {  	s0 =	sor.u32 s1, s0  }
0xbd: {  	s0 =	sadd.s32 $0x8F2B, s0  }
0xbe: {  	[sflag:s0] =	ssyncadd.remote.s32 $0x1  }
0xbf: {  	_ =	sfence.sel $0xFFFF  }
0xc0: {  	[dreg:$0x0] =	wrdreg $0xFFFFFFFF;
	(pc) =	sbr.abs _section_cstart, $3  }
0xc1: {  	[dreg:$0x1] =	wrdreg $0xFFFFFFFF  }
0xc2: {  	_ =	task.clear_ibuf [dreg:s7], $0x2FFFF;
	_ =	strace $0x9FFFFFFF  }
0xc3: {  	(tm) =	ssettm $0x7FFFFFFF  }
tec
execute0_lowered:
.L_overlay_start_1:
0x0: {  	(tag) =	ssettag $0x1  }
0x1: {  	s0 =	rddreg [dreg:$0x0]  }
0x2: {  	s3 =	rddreg [dreg:$0x1]  }
0x3: {  	s1 =	rddreg [dreg:$0x2];
	s2 =	simm.s32 $0x0  }
0x4: {  	s5 =	srdreg.scid;
	s12 =	stileid.u32;
	s28 =	simm.s32 $0xC0  }
0x5: {  	s29 =	simm.s32 $0x1;
	s30 =	simm.s32 $0x3300;
	s31 =	simm.s32 $0x180  }
0x6: {  	[smem:$0x7FF] =	sst s2;
	s4 =	sadd.s32 $0x16600, s0;
	s6 =	sand.u32 $0x1, s5  }
0x7: {  	s5 =	sadd.s32 $0x2C00, s0;
	s8 =	sshll.u32 s12, $0x1;
	s10 =	smul.u32 $0x13800, s12  }
0x8: {  	s0 =	sadd.s32 $0xBC800, s0;
	s11 =	sshll.u32 s12, $0x6;
	s15 =	sadd.s32 $0x138000, s1  }
0x9: {  	s22 =	smul.u32 $0x4E20, s12;
	p0 =	sne.s32 s12, $0xF;
	s12 =	simm.s32 $0x2A0  }
0xa: {  	_ =	strace $0x8000004A;
	s7 =	ssub.s32 $0x2, s6;
	s17 =	smul.u32 $0x138800, s6  }
0xb: {  	s8 =	sor.u32 s6, s8;
	[dreg:$0x6] =	wrdreg s15;
	s6 =	smul.u32 $0x2710, s6  }
0xc: {  	s15 =	simm.s32 $0x0;
	s9 =	sshrl.u32 s7, $0x1;
	s26 =	smul.u32 $0x2710, s8  }
0xd: {  	s13 =	sadd.s32 s10, s1;
	s14 =	sshrl.u32 s10, $0x3;
	s7 =	ssub.s32 s7, s9  }
0xe: {  	[dreg:$0x4] =	wrdreg s13;
	s8 =	sadd.s32 s3, s14;
	s3 =	sadd.s32 $0x27000, s3  }
0xf: {  	s21 =	sadd.s32 s10, s17;
	s24 =	sadd.s32 s6, s22;
	[dreg:$0x5] =	wrdreg s8  }
0x10: {  	s8 =	sor.u32 $0x1C05, s11;
	s9 =	sshrl.u32 s26, $0x3;
	[dreg:$0x8] =	wrdreg s3  }
0x11: {  	s3 =	sshrl.u32 s21, $0x3;
	s23 =	smax.u32 s7, $0x1;
	s25 =	sadd.s32 $0x2A0, s24  }
0x12: {  	s6 =	sadd.s32 $0x240, s24;
	s26 =	sadd.s32 $0x1E0, s24;
	s22 =	sadd.s32 $0x180, s24  }
0x13: {  	s24 =	simm.s32 $0x60;
	s16 =	sadd.s32 s5, s9;
	s9 =	sshrl.u32 s17, $0x3  }
0x14: {  	s3 =	sadd.s32 s0, s3;
	[dreg:$0xf] =	wrdreg s23;
	s6 =	sshrl.u32 s6, $0x3  }
0x15: {  	s7 =	sshrl.u32 s26, $0x3;
	s23 =	simm.s32 $0x5;
	s26 =	simm.s32 $0x300  }
0x16: {  	s18 =	sadd.s32 $0xC, s16;
	s19 =	sadd.s32 $0x18, s16;
	[dreg:$0x7] =	wrdreg s16  }
0x17: {  	s20 =	sadd.s32 $0x24, s16;
	s11 =	sadd.s32 $0x4E0, s16;
	[dreg:$0xd] =	wrdreg s3  }
0x18: {  	s0 =	sadd.s32 s0, s9;
	s3 =	sshrl.u32 s25, $0x3;
	[dreg:$0x9] =	wrdreg s18  }
0x19: {  	s21 =	sadd.s32 s7, s5;
	s25 =	simm.s32 $0x4E200;
	[dreg:$0xa] =	wrdreg s19  }
0x1a: {  	s7 =	simm.s32 $0x3;
	s9 =	simm.s32 $0x120;
	[dreg:$0xb] =	wrdreg s20  }
0x1b: {  	[dreg:$0xc] =	wrdreg s11;
	s0 =	sadd.s32 $0x27000, s0;
	s19 =	sadd.s32 s3, s5  }
0x1c: {  	s20 =	sadd.s32 s6, s5;
	s3 =	simm.s32 $0x4;
	s6 =	simm.s32 $0x240  }
0x1d: {  	s11 =	simm.s32 $0x1E0;
	[dreg:$0xe] =	wrdreg s0;
	s0 =	simm.s32 $0x2  }
.LBB2_1:
0x1e: {  	s10 =	rddreg [dreg:$0x4]  }
0x1f: {  	s13 =	rddreg [dreg:$0x5];
	s16 =	sshrl.u32 s10, $0x3  }
0x20: {  	[spmem:s16], [sflag:s8] =	dma.local [hbm:s13], $0x2700  }
0x21: {  	_ =	swait.ge [sflag:s23], $0x2700  }
0x22: {  	[sflag:s23] =	ssyncset.done $0x0;
	s10 =	rddreg [dreg:$0x6]  }
0x23: {  	[sflag:s23] =	ssyncadd.s32 $0xFFFFD900;
	s17 =	sshrl.u32 @!p0 s10, $0x3;
	s10 =	rddreg [dreg:$0x8]  }
0x24: {  	[spmem:s17], [sflag:s8] =	dma.local @!p0 [hbm:s10], $0x100  }
0x25: {  	s10 =	simm.s32 @!p0 $0x5  }
0x26: {  	_ =	swait.ge @!p0 [sflag:s10], $0x100  }
0x27: {  	[sflag:s10] =	ssyncset.done @!p0 $0x0  }
0x28: {  	[sflag:s10] =	ssyncadd.s32 @!p0 $0xFFFFFF00  }
0x29: {  	[bflag:$0x0] =	sbarrier.arrive $0xFFFF  }
0x2a: {  	s14 =	rddreg [dreg:$0x7]  }
0x2b: {  	[tilespmem:s2], [sflag:$0x5] =	stream.strided.gather [hbm4b:s14+s24], $0xC0, s25, s24, $0x38;
	[tilespmem:$0x19BA0] =	vst v63  }
0x2c: {  	_ =	swait.ge [sflag:s23], $0xC0  }
0x2d: {  	[sflag:s23] =	ssyncset.done $0x0  }
0x2e: {  	[sflag:s23] =	ssyncadd.s32 $0xFFFFFF40  }
0x2f: {  	[tilespmem:s26], [sflag:$0x2] =	stream.indirect.gather [hbm4b:s4+s24], $0x80, s2, s24, $0xb8;
	[tilespmem:$0x19BA0] =	vst v63  }
0x30: {  	s18 =	rddreg [dreg:$0x9]  }
0x31: {  	[tilespmem:s28], [sflag:$0x1] =	stream.strided.gather [hbm4b:s18+s24], $0xC0, s25, s24, $0x38;
	[tilespmem:$0x19BA0] =	vst v63  }
0x32: {  	_ =	swait.ge [sflag:s29], $0xC0  }
0x33: {  	[sflag:s29] =	ssyncset.done $0x0  }
0x34: {  	[sflag:s29] =	ssyncadd.s32 $0xFFFFFF40  }
0x35: {  	[tilespmem:s30], [sflag:$0x3] =	stream.indirect.gather [hbm4b:s4+s24], $0x80, s28, s24, $0xb8;
	[tilespmem:$0x19BA0] =	vst v63  }
0x36: {  	s13 =	rddreg [dreg:$0xa]  }
0x37: {  	[tilespmem:s31], [sflag:$0x1] =	stream.strided.gather [hbm4b:s13+s24], $0xC0, s25, s24, $0x38;
	[tilespmem:$0x19BA0] =	vst v63  }
0x38: {  	_ =	swait.ge [sflag:s0], $0x3000  }
0x39: {  	[sflag:s0] =	ssyncset.done $0x0  }
0x3a: {  	[sflag:s0] =	ssyncadd.s32 $0xFFFFD000  }
0x3b: {  	[spmem:s1] =	stream.indirect.scatter.add.f32 [tilespmem:s26], [sflag:$0x4], $0x80, s24, s24, $0xb8;
	[tilespmem:$0x19BA0] =	vst v63  }
0x3c: {  	_ =	swait.ge [sflag:s29], $0xC0  }
0x3d: {  	[sflag:s29] =	ssyncset.done $0x0  }
0x3e: {  	[sflag:s29] =	ssyncadd.s32 $0xFFFFFF40  }
0x3f: {  	_ =	swait.ge [sflag:s3], $0x3000  }
0x40: {  	[sflag:s3] =	ssyncset.done $0x0  }
0x41: {  	[sflag:s3] =	ssyncadd.s32 $0xFFFFD000  }
0x42: {  	[tilespmem:s26], [sflag:$0x2] =	stream.indirect.gather [hbm4b:s4+s24], $0x80, s31, s24, $0xb8;
	[tilespmem:$0x19BA0] =	vst v63  }
0x43: {  	s14 =	rddreg [dreg:$0xb]  }
0x44: {  	[tilespmem:s6], [sflag:$0x1] =	stream.strided.gather [hbm4b:s14+s24], $0xC0, s25, s24, $0x38;
	[tilespmem:$0x19BA0] =	vst v63  }
0x45: {  	_ =	swait.ge [sflag:s7], $0x3000  }
0x46: {  	[sflag:s7] =	ssyncset.done $0x0  }
0x47: {  	[sflag:s7] =	ssyncadd.s32 $0xFFFFD000  }
0x48: {  	[spmem:s1] =	stream.indirect.scatter.add.f32 [tilespmem:s30], [sflag:$0x4], $0x80, s9, s24, $0xb8;
	[tilespmem:$0x19BA0] =	vst v63  }
0x49: {  	_ =	swait.ge [sflag:s29], $0xC0  }
0x4a: {  	[sflag:s29] =	ssyncset.done $0x0  }
0x4b: {  	[sflag:s29] =	ssyncadd.s32 $0xFFFFFF40  }
0x4c: {  	_ =	swait.ge [sflag:s3], $0x3000  }
0x4d: {  	[sflag:s3] =	ssyncset.done $0x0  }
0x4e: {  	s18 =	sshrl.u32 s22, $0x3;
	[sflag:s3] =	ssyncadd.s32 $0xFFFFD000  }
0x4f: {  	[tilespmem:s30], [sflag:$0x3] =	stream.indirect.gather [hbm4b:s4+s24], $0x80, s6, s24, $0xb8;
	[tilespmem:$0x19BA0] =	vst v63  }
0x50: {  	s10 =	sadd.s32 s5, s18  }
0x51: {  	[tilespmem:s2], [sflag:$0x1] =	stream.strided.gather [hbm4b:s10+s24], $0xC0, s25, s24, $0x38;
	[tilespmem:$0x19BA0] =	vst v63  }
0x52: {  	_ =	swait.ge [sflag:s0], $0x3000  }
0x53: {  	[sflag:s0] =	ssyncset.done $0x0  }
0x54: {  	[sflag:s0] =	ssyncadd.s32 $0xFFFFD000  }
0x55: {  	[spmem:s1] =	stream.indirect.scatter.add.f32 [tilespmem:s26], [sflag:$0x4], $0x80, s11, s24, $0xb8;
	[tilespmem:$0x19BA0] =	vst v63  }
0x56: {  	_ =	swait.ge [sflag:s29], $0xC0  }
0x57: {  	[sflag:s29] =	ssyncset.done $0x0  }
0x58: {  	[sflag:s29] =	ssyncadd.s32 $0xFFFFFF40  }
0x59: {  	_ =	swait.ge [sflag:s3], $0x3000  }
0x5a: {  	[sflag:s3] =	ssyncset.done $0x0  }
0x5b: {  	[sflag:s3] =	ssyncadd.s32 $0xFFFFD000  }
0x5c: {  	[tilespmem:s26], [sflag:$0x2] =	stream.indirect.gather [hbm4b:s4+s24], $0x80, s2, s24, $0xb8;
	[tilespmem:$0x19BA0] =	vst v63  }
0x5d: {  	s13 =	sadd.s32 $0x0, s21  }
0x5e: {  	[tilespmem:s28], [sflag:$0x1] =	stream.strided.gather [hbm4b:s13+s24], $0xC0, s25, s24, $0x38;
	[tilespmem:$0x19BA0] =	vst v63  }
0x5f: {  	_ =	swait.ge [sflag:s7], $0x3000  }
0x60: {  	[sflag:s7] =	ssyncset.done $0x0  }
0x61: {  	[sflag:s7] =	ssyncadd.s32 $0xFFFFD000  }
0x62: {  	[spmem:s1] =	stream.indirect.scatter.add.f32 [tilespmem:s30], [sflag:$0x4], $0x80, s12, s24, $0xb8;
	[tilespmem:$0x19BA0] =	vst v63  }
0x63: {  	_ =	swait.ge [sflag:s29], $0xC0  }
0x64: {  	[sflag:s29] =	ssyncset.done $0x0  }
0x65: {  	[sflag:s29] =	ssyncadd.s32 $0xFFFFFF40  }
0x66: {  	_ =	swait.ge [sflag:s3], $0x3000  }
0x67: {  	[sflag:s3] =	ssyncset.done $0x0  }
0x68: {  	[sflag:s3] =	ssyncadd.s32 $0xFFFFD000  }
0x69: {  	[tilespmem:s30], [sflag:$0x3] =	stream.indirect.gather [hbm4b:s4+s24], $0x80, s28, s24, $0xb8;
	[tilespmem:$0x19BA0] =	vst v63  }
0x6a: {  	s14 =	sadd.s32 $0x0, s20  }
0x6b: {  	[tilespmem:s31], [sflag:$0x1] =	stream.strided.gather [hbm4b:s14+s24], $0xC0, s25, s24, $0x38;
	[tilespmem:$0x19BA0] =	vst v63  }
0x6c: {  	_ =	swait.ge [sflag:s0], $0x3000  }
0x6d: {  	[sflag:s0] =	ssyncset.done $0x0  }
0x6e: {  	[sflag:s0] =	ssyncadd.s32 $0xFFFFD000  }
0x6f: {  	[spmem:s1] =	stream.indirect.scatter.add.f32 [tilespmem:s26], [sflag:$0x4], $0x80, s24, s24, $0xb8;
	[tilespmem:$0x19BA0] =	vst v63  }
0x70: {  	_ =	swait.ge [sflag:s29], $0xC0  }
0x71: {  	[sflag:s29] =	ssyncset.done $0x0  }
0x72: {  	[sflag:s29] =	ssyncadd.s32 $0xFFFFFF40  }
0x73: {  	_ =	swait.ge [sflag:s3], $0x3000  }
0x74: {  	[sflag:s3] =	ssyncset.done $0x0  }
0x75: {  	[sflag:s3] =	ssyncadd.s32 $0xFFFFD000  }
0x76: {  	[tilespmem:s26], [sflag:$0x2] =	stream.indirect.gather [hbm4b:s4+s24], $0x80, s31, s24, $0xb8;
	[tilespmem:$0x19BA0] =	vst v63  }
0x77: {  	s18 =	sadd.s32 $0x0, s19  }
0x78: {  	[tilespmem:s6], [sflag:$0x1] =	stream.strided.gather [hbm4b:s18+s24], $0xC0, s25, s24, $0x38;
	[tilespmem:$0x19BA0] =	vst v63  }
0x79: {  	_ =	swait.ge [sflag:s7], $0x3000  }
0x7a: {  	[sflag:s7] =	ssyncset.done $0x0  }
0x7b: {  	s10 =	sadd.s32 $0x180, s22;
	s18 =	simm.s32 $0x30;
	[sflag:s7] =	ssyncadd.s32 $0xFFFFD000  }
.LBB2_2:
0x7c: {  	[spmem:s1] =	stream.indirect.scatter.add.f32 [tilespmem:s30], [sflag:$0x4], $0x80, s9, s24, $0xb8;
	[tilespmem:$0x19BA0] =	vst v63  }
0x7d: {  	s14 =	smov.u32 s18  }
0x7e: {  	p1 =	sne.s32 s18, $0x480;
	s18 =	sadd.s32 $0x30, s18;
	_ =	swait.ge [sflag:s29], $0xC0  }
0x7f: {  	[sflag:s29] =	ssyncset.done $0x0  }
0x80: {  	[sflag:s29] =	ssyncadd.s32 $0xFFFFFF40  }
0x81: {  	_ =	swait.ge [sflag:s3], $0x3000  }
0x82: {  	[sflag:s3] =	ssyncset.done $0x0  }
0x83: {  	s13 =	sshrl.u32 s10, $0x3;
	[sflag:s3] =	ssyncadd.s32 $0xFFFFD000  }
0x84: {  	[tilespmem:s30], [sflag:$0x3] =	stream.indirect.gather [hbm4b:s4+s24], $0x80, s6, s24, $0xb8;
	[tilespmem:$0x19BA0] =	vst v63  }
0x85: {  	s13 =	sadd.s32 s5, s13  }
0x86: {  	[tilespmem:s2], [sflag:$0x1] =	stream.strided.gather [hbm4b:s13+s24], $0xC0, s25, s24, $0x38;
	[tilespmem:$0x19BA0] =	vst v63  }
0x87: {  	_ =	swait.ge [sflag:s0], $0x3000  }
0x88: {  	[sflag:s0] =	ssyncset.done $0x0  }
0x89: {  	[sflag:s0] =	ssyncadd.s32 $0xFFFFD000  }
0x8a: {  	[spmem:s1] =	stream.indirect.scatter.add.f32 [tilespmem:s26], [sflag:$0x4], $0x80, s11, s24, $0xb8;
	[tilespmem:$0x19BA0] =	vst v63  }
0x8b: {  	_ =	swait.ge [sflag:s29], $0xC0  }
0x8c: {  	[sflag:s29] =	ssyncset.done $0x0  }
0x8d: {  	[sflag:s29] =	ssyncadd.s32 $0xFFFFFF40  }
0x8e: {  	_ =	swait.ge [sflag:s3], $0x3000  }
0x8f: {  	[sflag:s3] =	ssyncset.done $0x0  }
0x90: {  	[sflag:s3] =	ssyncadd.s32 $0xFFFFD000  }
0x91: {  	[tilespmem:s26], [sflag:$0x2] =	stream.indirect.gather [hbm4b:s4+s24], $0x80, s2, s24, $0xb8;
	[tilespmem:$0x19BA0] =	vst v63  }
0x92: {  	s13 =	sadd.s32 s14, s21  }
0x93: {  	[tilespmem:s28], [sflag:$0x1] =	stream.strided.gather [hbm4b:s13+s24], $0xC0, s25, s24, $0x38;
	[tilespmem:$0x19BA0] =	vst v63  }
0x94: {  	_ =	swait.ge [sflag:s7], $0x3000  }
0x95: {  	[sflag:s7] =	ssyncset.done $0x0  }
0x96: {  	[sflag:s7] =	ssyncadd.s32 $0xFFFFD000  }
0x97: {  	[spmem:s1] =	stream.indirect.scatter.add.f32 [tilespmem:s30], [sflag:$0x4], $0x80, s12, s24, $0xb8;
	[tilespmem:$0x19BA0] =	vst v63  }
0x98: {  	_ =	swait.ge [sflag:s29], $0xC0  }
0x99: {  	[sflag:s29] =	ssyncset.done $0x0  }
0x9a: {  	[sflag:s29] =	ssyncadd.s32 $0xFFFFFF40  }
0x9b: {  	_ =	swait.ge [sflag:s3], $0x3000  }
0x9c: {  	[sflag:s3] =	ssyncset.done $0x0  }
0x9d: {  	[sflag:s3] =	ssyncadd.s32 $0xFFFFD000  }
0x9e: {  	[tilespmem:s30], [sflag:$0x3] =	stream.indirect.gather [hbm4b:s4+s24], $0x80, s28, s24, $0xb8;
	[tilespmem:$0x19BA0] =	vst v63  }
0x9f: {  	s13 =	sadd.s32 s14, s20  }
0xa0: {  	[tilespmem:s31], [sflag:$0x1] =	stream.strided.gather [hbm4b:s13+s24], $0xC0, s25, s24, $0x38;
	[tilespmem:$0x19BA0] =	vst v63  }
0xa1: {  	_ =	swait.ge [sflag:s0], $0x3000  }
0xa2: {  	[sflag:s0] =	ssyncset.done $0x0  }
0xa3: {  	[sflag:s0] =	ssyncadd.s32 $0xFFFFD000  }
0xa4: {  	[spmem:s1] =	stream.indirect.scatter.add.f32 [tilespmem:s26], [sflag:$0x4], $0x80, s24, s24, $0xb8;
	[tilespmem:$0x19BA0] =	vst v63  }
0xa5: {  	_ =	swait.ge [sflag:s29], $0xC0  }
0xa6: {  	[sflag:s29] =	ssyncset.done $0x0  }
0xa7: {  	[sflag:s29] =	ssyncadd.s32 $0xFFFFFF40  }
0xa8: {  	_ =	swait.ge [sflag:s3], $0x3000  }
0xa9: {  	[sflag:s3] =	ssyncset.done $0x0  }
0xaa: {  	[sflag:s3] =	ssyncadd.s32 $0xFFFFD000  }
0xab: {  	[tilespmem:s26], [sflag:$0x2] =	stream.indirect.gather [hbm4b:s4+s24], $0x80, s31, s24, $0xb8;
	[tilespmem:$0x19BA0] =	vst v63  }
.Ltmp0:
0xac: {  	s13 =	sadd.s32 s14, s19;
	(pc) =	sbr.rel @p1 .LBB2_2-.Ltmp0, $4  }
0xad: {  	[tilespmem:s6], [sflag:$0x1] =	stream.strided.gather [hbm4b:s13+s24], $0xC0, s25, s24, $0x38;
	[tilespmem:$0x19BA0] =	vst v63  }
0xae: {  	_ =	swait.ge [sflag:s7], $0x3000  }
0xaf: {  	[sflag:s7] =	ssyncset.done $0x0  }
0xb0: {  	s10 =	sadd.s32 $0x180, s10;
	[sflag:s7] =	ssyncadd.s32 $0xFFFFD000  }
0xb1: {  	[spmem:s1] =	stream.indirect.scatter.add.f32 [tilespmem:s30], [sflag:$0x4], $0x80, s9, s24, $0xb8;
	[tilespmem:$0x19BA0] =	vst v63  }
0xb2: {  	_ =	swait.ge [sflag:s29], $0xC0  }
0xb3: {  	[sflag:s29] =	ssyncset.done $0x0  }
0xb4: {  	[sflag:s29] =	ssyncadd.s32 $0xFFFFFF40  }
0xb5: {  	_ =	swait.ge [sflag:s3], $0x3000  }
0xb6: {  	[sflag:s3] =	ssyncset.done $0x0  }
0xb7: {  	[sflag:s3] =	ssyncadd.s32 $0xFFFFD000  }
0xb8: {  	[tilespmem:s30], [sflag:$0x3] =	stream.indirect.gather [hbm4b:s4+s24], $0x80, s6, s24, $0xb8;
	[tilespmem:$0x19BA0] =	vst v63  }
0xb9: {  	_ =	swait.ge [sflag:s0], $0x3000  }
0xba: {  	[sflag:s0] =	ssyncset.done $0x0  }
0xbb: {  	[sflag:s0] =	ssyncadd.s32 $0xFFFFD000  }
0xbc: {  	[spmem:s1] =	stream.indirect.scatter.add.f32 [tilespmem:s26], [sflag:$0x4], $0x80, s11, s24, $0xb8;
	[tilespmem:$0x19BA0] =	vst v63  }
0xbd: {  	_ =	swait.ge [sflag:s3], $0x3000  }
0xbe: {  	[sflag:s3] =	ssyncset.done $0x0  }
0xbf: {  	[sflag:s3] =	ssyncadd.s32 $0xFFFFD000  }
0xc0: {  	_ =	swait.ge [sflag:s7], $0x3000  }
0xc1: {  	[sflag:s7] =	ssyncset.done $0x0  }
0xc2: {  	[sflag:s7] =	ssyncadd.s32 $0xFFFFD000  }
0xc3: {  	[spmem:s1] =	stream.indirect.scatter.add.f32 [tilespmem:s30], [sflag:$0x4], $0x80, s12, s24, $0xb8;
	[tilespmem:$0x19BA0] =	vst v63  }
0xc4: {  	_ =	swait.ge [sflag:s3], $0x3000  }
0xc5: {  	s13 =	simm.s32 $0x10;
	[sflag:s3] =	ssyncset.done $0x0  }
0xc6: {  	s14 =	simm.s32 $0x6300;
	s10 =	rddreg [dreg:$0xc];
	[sflag:s3] =	ssyncadd.s32 $0xFFFFD000  }
0xc7: {  	[tilespmem:s14], [sflag:$0x5] =	stream.strided.gather [hbm4b:s10+s13], $0x20, s25, s13, $0x38;
	[tilespmem:$0x19BA0] =	vst v63  }
0xc8: {  	_ =	swait.ge [sflag:s23], $0x20  }
0xc9: {  	[sflag:s23] =	ssyncset.done $0x0  }
0xca: {  	[sflag:s23] =	ssyncadd.s32 $0xFFFFFFE0  }
0xcb: {  	[tilespmem:s26], [sflag:$0x2] =	stream.indirect.gather [hbm4b:s4+s13], $0x80, s14, s13, $0xb8;
	[tilespmem:$0x19BA0] =	vst v63  }
0xcc: {  	_ =	swait.ge [sflag:s0], $0x800  }
0xcd: {  	[sflag:s0] =	ssyncset.done $0x0  }
0xce: {  	s18 =	simm.s32 $0x6310;
	[sflag:s0] =	ssyncadd.s32 $0xFFFFF800  }
0xcf: {  	[spmem:s1] =	stream.indirect.scatter.add.f32 [tilespmem:s26], [sflag:$0x5], $0x80, s18, s13, $0xb8;
	[tilespmem:$0x19BA0] =	vst v63  }
0xd0: {  	_ =	swait.ge [sflag:s23], $0x800  }
0xd1: {  	[sflag:s23] =	ssyncset.done $0x0  }
0xd2: {  	[sflag:s23] =	ssyncadd.s32 $0xFFFFF800  }
0xd3: {  	[bflag:$0x0] =	sbarrier.arrive $0xFFFF  }
0xd4: {  	s14 =	rddreg [dreg:$0xd]  }
0xd5: {  	[hbm:s14], [sflag:s8] =	dma.local [spmem:s16], $0x2700  }
0xd6: {  	_ =	swait.ge [sflag:s23], $0x2700  }
0xd7: {  	[sflag:s23] =	ssyncset.done $0x0  }
0xd8: {  	s10 =	rddreg [dreg:$0xe];
	[sflag:s23] =	ssyncadd.s32 $0xFFFFD900  }
0xd9: {  	[hbm:s10], [sflag:s8] =	dma.local @!p0 [spmem:s17], $0x100  }
0xda: {  	s10 =	simm.s32 @!p0 $0x5  }
0xdb: {  	_ =	swait.ge @!p0 [sflag:s10], $0x100  }
0xdc: {  	s15 =	sadd.s32 $0x1, s15;
	s18 =	rddreg [dreg:$0xf]  }
0xdd: {  	p1 =	sne.s32 s15, s18  }
.Ltmp1:
0xde: {  	_ = 	snop;
	(pc) =	sbr.rel @p1 .LBB2_1-.Ltmp1, $3  }
0xdf: {  	_ =	sdelay $0x1  }
0xe0: {  	[sflag:s10] =	ssyncset.done @!p0 $0x0  }
0xe1: {  	[sflag:s10] =	ssyncadd.s32 @!p0 $0xFFFFFF00  }
0xe2: {  	_ =	sfence.sel $0x180000  }
0xe3: {  	[bflag:$0x0] =	sbarrier.arrive $0xFFFF  }
0xe4: {  	_ =	strace $0x9000004A  }
0xe5: {  	s0 =	stileid.u32;
	[bflag:$0x2] =	sbarrier.arrive $0xFFFF  }
0xe6: {  	p0 =	sne.s32 s0, $0x0;
	s0 =	rddreg [dreg:$0x3]  }
0xe7: {  	s0 =	sadd.s32 @!p0 $0x100000, s0  }
0xe8: {  	[sflag:s0] =	ssyncadd.tile.s32 @!p0 $0x1;
	_ =	shalt  }
.Lfunc_end2:
_tile_overlayer_lowered:
.L_overlay_start_2:
0xe9: {  	(tag) =	ssettag $0x2  }
0xea: {  	s0 =	rddreg [dreg:$0x0];
	s2 =	stileid.u32  }
0xeb: {  	s1 =	rddreg [dreg:$0x1];
	p0 =	sne.s32 s2, $0x0  }
0xec: {  	s3 =	rddreg [dreg:$0x2];
	[bflag:$0x3] =	sbarrier.arrive $0xFFFF;
	s2 =	simm.s32 @!p0 $0x1C05  }
0xed: {  	[timem:s3], [sflag:s2] =	dma.local @!p0 [hbm:s0], s1  }
0xee: {  	s0 =	simm.s32 @!p0 $0x5  }
0xef: {  	_ =	swait.ge @!p0 [sflag:s0], s1  }
0xf0: {  	s1 =	ssub.s32 @!p0 $0x0, s1;
	[sflag:s0] =	ssyncset.done @!p0 $0x0  }
0xf1: {  	[sflag:s0] =	ssyncadd.s32 @!p0 s1  }
0xf2: {  	[bflag:$0x3] =	sbarrier.arrive $0xFFFF  }
0xf3: {  	_ =	shalt  }

</sc_bundles>
